<compile_context>
chip_gen: v7x
topology: tpu7x:2x2x1
jax: 0.10.2.dev20260603
libtpu: 0.0.44.dev20260713+nightly
codegen_flags: <defaults>
</compile_context>

<pallas_src>
import functools

import jax
import jax.numpy as jnp
from jax import lax
from jax.experimental import pallas as pl
from jax.experimental.pallas import tpu as pltpu
from jax.experimental.pallas import tpu_sc as plsc

N = 10000
E = 320000
F = 128
NC = 2
NS = 16
NW = NC * NS
CH = 128
KC = 80
KB = 8
NB = KC // KB
EW = KC * CH
EPAD = NW * EW
NP = 10240
ZR = NP // NS
NSTR = 2
CS = CH // NSTR


def _mm_body(x_ref, w_ref, o_ref):
    o_ref[...] = jnp.dot(x_ref[...], w_ref[...],
                         preferred_element_type=jnp.float32)


def _tc_mm(x, w):
    r = 1000
    return pl.pallas_call(
        _mm_body,
        grid=(N // r,),
        in_specs=[
            pl.BlockSpec((r, F), lambda i: (i, 0)),
            pl.BlockSpec((F, F), lambda i: (0, 0)),
        ],
        out_specs=pl.BlockSpec((r, F), lambda i: (i, 0)),
        out_shape=jax.ShapeDtypeStruct((N, F), jnp.float32),
    )(x, w)


_mesh = plsc.VectorSubcoreMesh(core_axis_name="c", subcore_axis_name="s",
                               num_cores=NC, num_subcores=NS)


@functools.partial(
    pl.kernel,
    out_type=jax.ShapeDtypeStruct((NC, NP, F), jnp.float32),
    mesh=_mesh,
    scratch_types=[
        pltpu.VMEM((2, KB, 2, CH), jnp.int32),
        pltpu.VMEM((2, KB, CH), jnp.float32),
        pltpu.VMEM((2, CH, F), jnp.float32),
        pltpu.VMEM_SHARED((NP, F), jnp.float32),
        pltpu.SemaphoreType.DMA,
        pltpu.SemaphoreType.DMA,
        pltpu.SemaphoreType.DMA,
    ],
)
def _sc_agg(h_hbm, idx_hbm, w_hbm, out_hbm, ibuf, wbuf, rows_v, acc,
            isem, gsem, ssem):
    c = lax.axis_index("c")
    s = lax.axis_index("s")
    wid = c * NS + s

    def _zero_row(r, carry):
        for k in range(F // 16):
            rows_v[0, r, pl.ds(k * 16, 16)] = jnp.zeros((16,), jnp.float32)
        return carry
    lax.fori_loop(0, CH, _zero_row, 0)

    base = s * ZR
    for i in range(ZR // CH):
        pltpu.sync_copy(rows_v.at[0], acc.at[pl.ds(base + i * CH, CH)])
    plsc.subcore_barrier()

    pltpu.async_copy(idx_hbm.at[wid, pl.ds(0, KB)], ibuf.at[0], isem)
    pltpu.async_copy(w_hbm.at[wid, pl.ds(0, KB)], wbuf.at[0], isem)
    pltpu.async_copy(idx_hbm.at[wid, pl.ds(KB, KB)], ibuf.at[1], isem)
    pltpu.async_copy(w_hbm.at[wid, pl.ds(KB, KB)], wbuf.at[1], isem)
    pltpu.make_async_copy(idx_hbm.at[wid, pl.ds(0, KB)], ibuf.at[0],
                          isem).wait()
    pltpu.make_async_copy(w_hbm.at[wid, pl.ds(0, KB)], wbuf.at[0],
                          isem).wait()
    for hh in range(NSTR):
        pltpu.async_copy(h_hbm.at[ibuf.at[0, 0, 0, pl.ds(hh * CS, CS)]],
                         rows_v.at[0, pl.ds(hh * CS, CS)], gsem)

    def _chunk(j, carry):
        b = j % 2
        blk = j // KB
        q = j % KB
        for hh in range(NSTR):
            pltpu.make_async_copy(h_hbm.at[ibuf.at[0, 0, 0, pl.ds(0, CS)]],
                                  rows_v.at[b, pl.ds(hh * CS, CS)],
                                  gsem).wait()

        @pl.when(j > 0)
        def _():
            pltpu.make_async_copy(rows_v.at[b], acc.at[ibuf.at[0, 0, 1]],
                                  ssem).wait()

        @pl.when((q == 0) & (j > 0) & (blk + 1 < NB))
        def _():
            pltpu.async_copy(idx_hbm.at[wid, pl.ds((blk + 1) * KB, KB)],
                             ibuf.at[(blk + 1) % 2], isem)
            pltpu.async_copy(w_hbm.at[wid, pl.ds((blk + 1) * KB, KB)],
                             wbuf.at[(blk + 1) % 2], isem)

        @pl.when(j + 1 < KC)
        def _():
            @pl.when((j + 1) % KB == 0)
            def _():
                pltpu.make_async_copy(idx_hbm.at[wid, pl.ds(0, KB)],
                                      ibuf.at[0], isem).wait()
                pltpu.make_async_copy(w_hbm.at[wid, pl.ds(0, KB)],
                                      wbuf.at[0], isem).wait()
            nblk = ((j + 1) // KB) % 2
            nq = (j + 1) % KB
            for hh in range(NSTR):
                pltpu.async_copy(
                    h_hbm.at[ibuf.at[nblk, nq, 0, pl.ds(hh * CS, CS)]],
                    rows_v.at[1 - b, pl.ds(hh * CS, CS)], gsem)

        @plsc.parallel_loop(0, CH // 16, unroll=2)
        def _group(g):
            wv = wbuf[blk % 2, q, pl.ds(g * 16, 16)]
            for l in range(16):
                wl = jnp.full((16,), wv[l], jnp.float32)
                e = g * 16 + l
                for k in range(F // 16):
                    sl = pl.ds(k * 16, 16)
                    rows_v[b, e, sl] = rows_v[b, e, sl] * wl

        pltpu.async_copy(rows_v.at[b], acc.at[ibuf.at[blk % 2, q, 1]], ssem,
                         add=True)
        return carry
    lax.fori_loop(0, KC, _chunk, 0)

    pltpu.make_async_copy(rows_v.at[0], acc.at[ibuf.at[0, 0, 1]],
                          ssem).wait()
    plsc.subcore_barrier()
    for i in range(ZR // CH):
        pltpu.sync_copy(acc.at[pl.ds(base + i * CH, CH)],
                        out_hbm.at[c, pl.ds(base + i * CH, CH)])


def _post_body(p_ref, bg_ref, wm_ref, bm_ref, h1_ref, pr_ref):
    agg = p_ref[0] + p_ref[1]
    h1 = jnp.maximum(agg + bg_ref[...], 0.0)
    h1_ref[...] = h1
    pr_ref[...] = jnp.dot(h1, wm_ref[...],
                          preferred_element_type=jnp.float32) + bm_ref[...]


def _tc_post(p, bg, wm, bm):
    r = 1000
    return pl.pallas_call(
        _post_body,
        grid=(N // r,),
        in_specs=[
            pl.BlockSpec((NC, r, F), lambda i: (0, i, 0)),
            pl.BlockSpec((1, F), lambda i: (0, 0)),
            pl.BlockSpec((F, F), lambda i: (0, 0)),
            pl.BlockSpec((1, F), lambda i: (0, 0)),
        ],
        out_specs=[
            pl.BlockSpec((r, F), lambda i: (i, 0)),
            pl.BlockSpec((r, F), lambda i: (i, 0)),
        ],
        out_shape=[
            jax.ShapeDtypeStruct((N, F), jnp.float32),
            jax.ShapeDtypeStruct((N, F), jnp.float32),
        ],
    )(p, bg, wm, bm)


def kernel(seq1, edge_index, edge_weight, sparse, W_gcn, b_gcn, W_mlp, b_mlp):
    x = seq1[0]
    h = _tc_mm(x, W_gcn)

    src = edge_index[0].astype(jnp.int32)
    dst = edge_index[1].astype(jnp.int32)
    pad = EPAD - E
    zpad_i = jnp.zeros((pad,), jnp.int32)
    src_p = jnp.concatenate([src, zpad_i]).reshape(NW, KC, 1, CH)
    dst_p = jnp.concatenate([dst, zpad_i]).reshape(NW, KC, 1, CH)
    idx_p = jnp.concatenate([src_p, dst_p], axis=2)
    w_p = jnp.concatenate([edge_weight.astype(jnp.float32),
                           jnp.zeros((pad,), jnp.float32)]).reshape(NW, KC, CH)

    partials = _sc_agg(h, idx_p, w_p)

    h1, preds = _tc_post(partials, b_gcn.reshape(1, F), W_mlp,
                         b_mlp.reshape(1, F))
    return (h1[None], preds[None])

# --- scband reference (transcript-rebuilt; emitter-appended) ---
"""Pipeline reference for scband-rect-90237262889013 (READ-ONLY COPY).

The authoritative reference and input builder live on the scoring server;
editing this copy changes nothing except your own understanding.
"""

import jax, jax.numpy as jnp
import numpy as np

N_NODES = 10000
N_EDGES = 320000
N_IN = 128
N_H = 128


def setup_inputs(seed: int = 0) -> dict:
    key = jax.random.key(seed)
    k1, k2, k3, k4, k5, k6, k7 = jax.random.split(key, 7)
    seq1 = jax.random.normal(k1, (1, N_NODES, N_IN), dtype=jnp.float32)
    edge_index = jax.random.randint(k2, (2, N_EDGES), 0, N_NODES, dtype=jnp.int64)
    edge_weight = jax.random.uniform(k3, (N_EDGES,), dtype=jnp.float32)
    # GCN linear (xavier-like) and bias
    W_gcn = jax.random.normal(k4, (N_IN, N_H), dtype=jnp.float32) * (1.0 / np.sqrt(N_IN))
    b_gcn = jnp.zeros((N_H,), dtype=jnp.float32)
    # MLP: Linear(n_h, n_in)
    W_mlp = jax.random.normal(k5, (N_H, N_IN), dtype=jnp.float32) * (1.0 / np.sqrt(N_H))
    b_mlp = jnp.zeros((N_IN,), dtype=jnp.float32)
    return {"seq1": seq1, "edge_index": edge_index, "edge_weight": edge_weight,
            "sparse": True, "W_gcn": W_gcn, "b_gcn": b_gcn, "W_mlp": W_mlp, "b_mlp": b_mlp}


def reference(seq1, edge_index, edge_weight, sparse, W_gcn, b_gcn, W_mlp, b_mlp):
    # GCN layer: seq_fts = fc(seq); out = spmm(adj, seq_fts); act
    x = seq1[0]                                   # [N, n_in]
    h = x @ W_gcn                                 # [N, n_h]
    src = edge_index[0]
    dst = edge_index[1]
    msgs = jnp.take(h, src, axis=0) * edge_weight[:, None]  # gather (SparseCore)
    agg = jax.ops.segment_sum(msgs, dst, num_segments=x.shape[0])  # scatter-add
    h1 = jax.nn.relu(agg + b_gcn)                 # [N, n_h]
    # dropout in eval mode -> identity
    preds = h1 @ W_mlp + b_mlp                    # [N, n_in]
    return (h1[None, :, :], preds[None, :, :])

if __name__ == "__main__":
    import jax
    _d = setup_inputs()
    print(jax.jit(kernel)(*tuple(_d.values())))

</pallas_src>

<mosaic_0001>
#map = affine_map<(d0, d1) -> (0, 0)>
#map1 = affine_map<(d0, d1) -> (0, 0, 0, 0)>
#map2 = affine_map<(d0, d1) -> (0, 0, 0)>
module attributes {stable_mosaic.version = 14 : i64} {
  func.func @_sc_agg(%arg0: i32, %arg1: i32, %arg2: memref<10000x128xf32, #tpu.memory_space<hbm>>, %arg3: memref<32x80x2x128xi32, #tpu.memory_space<hbm>>, %arg4: memref<32x80x128xf32, #tpu.memory_space<hbm>>, %arg5: memref<2x10240x128xf32, #tpu.memory_space<hbm>>, %arg6: memref<2x8x2x128xi32, #tpu.memory_space<vmem>>, %arg7: memref<2x8x128xf32, #tpu.memory_space<vmem>>, %arg8: memref<2x128x128xf32, #tpu.memory_space<vmem>>, %arg9: memref<10240x128xf32, #tpu.memory_space<vmem_shared>>, %arg10: memref<!tpu.dma_semaphore, #tpu.memory_space<semaphore_mem>>, %arg11: memref<!tpu.dma_semaphore, #tpu.memory_space<semaphore_mem>>, %arg12: memref<!tpu.dma_semaphore, #tpu.memory_space<semaphore_mem>>) attributes {dimension_semantics = [#tpu.dimension_semantics<core_parallel>, #tpu.dimension_semantics<subcore_parallel>], iteration_bounds = array<i64: 2, 16>, scalar_prefetch = 0 : i64, scratch_operands = 7 : i64, tpu.core_type = #tpu.core_type<sc_vector_subcore>, window_params = [{transform_indices = #map}, {transform_indices = #map1}, {transform_indices = #map2}, {transform_indices = #map2}]} {
    %mul3A = arith.constant 16 : i32
    %mul3A_0 = arith.muli %arg0, %mul3A : i32
    %add3A = arith.addi %mul3A_0, %arg1 : i32
    %scan3A = arith.constant 0 : i32
    %scan3A_1 = arith.constant 0 : i32
    %scan3A_2 = arith.constant 128 : i32
    %scan3A_3 = arith.addi %scan3A_1, %scan3A_2 : i32
    %scan3A_4 = arith.constant 1 : i32
    scf.for %scan3A_203 = %scan3A_1 to %scan3A_3 step %scan3A_4  : i32 {
      %broadcast_in_dim3A = arith.constant 0.000000e+00 : f32
      %broadcast_in_dim3A_204 = vector.broadcast %broadcast_in_dim3A : f32 to vector<16xf32>
      %swap3A = arith.constant 0 : i32
      %swap3A_205 = arith.index_cast %swap3A : i32 to index
      %swap3A_206 = arith.index_cast %scan3A_203 : i32 to index
      %swap3A_207 = arith.constant 0 : index
      %swap3A_208 = tpu.vector_load %arg8[%swap3A_205, %swap3A_206, %swap3A_207] {strides = array<i32>} : memref<2x128x128xf32, #tpu.memory_space<vmem>>, vector<1x1x16xf32>,
      %swap3A_209 = vector.shape_cast %swap3A_208 : vector<1x1x16xf32> to vector<16xf32>
      %swap3A_210 = vector.shape_cast %broadcast_in_dim3A_204 : vector<16xf32> to vector<1x1x16xf32>
      tpu.vector_store %arg8[%swap3A_205, %swap3A_206, %swap3A_207], %swap3A_210 {strides = array<i32>} : memref<2x128x128xf32, #tpu.memory_space<vmem>>, vector<1x1x16xf32>,
      %broadcast_in_dim3A_211 = arith.constant 0.000000e+00 : f32
      %broadcast_in_dim3A_212 = vector.broadcast %broadcast_in_dim3A_211 : f32 to vector<16xf32>
      %swap3A_213 = arith.constant 0 : i32
      %swap3A_214 = arith.index_cast %swap3A_213 : i32 to index
      %swap3A_215 = arith.index_cast %scan3A_203 : i32 to index
      %swap3A_216 = arith.constant 16 : index
      %swap3A_217 = tpu.vector_load %arg8[%swap3A_214, %swap3A_215, %swap3A_216] {strides = array<i32>} : memref<2x128x128xf32, #tpu.memory_space<vmem>>, vector<1x1x16xf32>,
      %swap3A_218 = vector.shape_cast %swap3A_217 : vector<1x1x16xf32> to vector<16xf32>
      %swap3A_219 = vector.shape_cast %broadcast_in_dim3A_212 : vector<16xf32> to vector<1x1x16xf32>
      tpu.vector_store %arg8[%swap3A_214, %swap3A_215, %swap3A_216], %swap3A_219 {strides = array<i32>} : memref<2x128x128xf32, #tpu.memory_space<vmem>>, vector<1x1x16xf32>,
      %broadcast_in_dim3A_220 = arith.constant 0.000000e+00 : f32
      %broadcast_in_dim3A_221 = vector.broadcast %broadcast_in_dim3A_220 : f32 to vector<16xf32>
      %swap3A_222 = arith.constant 0 : i32
      %swap3A_223 = arith.index_cast %swap3A_222 : i32 to index
      %swap3A_224 = arith.index_cast %scan3A_203 : i32 to index
      %swap3A_225 = arith.constant 32 : index
      %swap3A_226 = tpu.vector_load %arg8[%swap3A_223, %swap3A_224, %swap3A_225] {strides = array<i32>} : memref<2x128x128xf32, #tpu.memory_space<vmem>>, vector<1x1x16xf32>,
      %swap3A_227 = vector.shape_cast %swap3A_226 : vector<1x1x16xf32> to vector<16xf32>
      %swap3A_228 = vector.shape_cast %broadcast_in_dim3A_221 : vector<16xf32> to vector<1x1x16xf32>
      tpu.vector_store %arg8[%swap3A_223, %swap3A_224, %swap3A_225], %swap3A_228 {strides = array<i32>} : memref<2x128x128xf32, #tpu.memory_space<vmem>>, vector<1x1x16xf32>,
      %broadcast_in_dim3A_229 = arith.constant 0.000000e+00 : f32
      %broadcast_in_dim3A_230 = vector.broadcast %broadcast_in_dim3A_229 : f32 to vector<16xf32>
      %swap3A_231 = arith.constant 0 : i32
      %swap3A_232 = arith.index_cast %swap3A_231 : i32 to index
      %swap3A_233 = arith.index_cast %scan3A_203 : i32 to index
      %swap3A_234 = arith.constant 48 : index
      %swap3A_235 = tpu.vector_load %arg8[%swap3A_232, %swap3A_233, %swap3A_234] {strides = array<i32>} : memref<2x128x128xf32, #tpu.memory_space<vmem>>, vector<1x1x16xf32>,
      %swap3A_236 = vector.shape_cast %swap3A_235 : vector<1x1x16xf32> to vector<16xf32>
      %swap3A_237 = vector.shape_cast %broadcast_in_dim3A_230 : vector<16xf32> to vector<1x1x16xf32>
      tpu.vector_store %arg8[%swap3A_232, %swap3A_233, %swap3A_234], %swap3A_237 {strides = array<i32>} : memref<2x128x128xf32, #tpu.memory_space<vmem>>, vector<1x1x16xf32>,
      %broadcast_in_dim3A_238 = arith.constant 0.000000e+00 : f32
      %broadcast_in_dim3A_239 = vector.broadcast %broadcast_in_dim3A_238 : f32 to vector<16xf32>
      %swap3A_240 = arith.constant 0 : i32
      %swap3A_241 = arith.index_cast %swap3A_240 : i32 to index
      %swap3A_242 = arith.index_cast %scan3A_203 : i32 to index
      %swap3A_243 = arith.constant 64 : index
      %swap3A_244 = tpu.vector_load %arg8[%swap3A_241, %swap3A_242, %swap3A_243] {strides = array<i32>} : memref<2x128x128xf32, #tpu.memory_space<vmem>>, vector<1x1x16xf32>,
      %swap3A_245 = vector.shape_cast %swap3A_244 : vector<1x1x16xf32> to vector<16xf32>
      %swap3A_246 = vector.shape_cast %broadcast_in_dim3A_239 : vector<16xf32> to vector<1x1x16xf32>
      tpu.vector_store %arg8[%swap3A_241, %swap3A_242, %swap3A_243], %swap3A_246 {strides = array<i32>} : memref<2x128x128xf32, #tpu.memory_space<vmem>>, vector<1x1x16xf32>,
      %broadcast_in_dim3A_247 = arith.constant 0.000000e+00 : f32
      %broadcast_in_dim3A_248 = vector.broadcast %broadcast_in_dim3A_247 : f32 to vector<16xf32>
      %swap3A_249 = arith.constant 0 : i32
      %swap3A_250 = arith.index_cast %swap3A_249 : i32 to index
      %swap3A_251 = arith.index_cast %scan3A_203 : i32 to index
      %swap3A_252 = arith.constant 80 : index
      %swap3A_253 = tpu.vector_load %arg8[%swap3A_250, %swap3A_251, %swap3A_252] {strides = array<i32>} : memref<2x128x128xf32, #tpu.memory_space<vmem>>, vector<1x1x16xf32>,
      %swap3A_254 = vector.shape_cast %swap3A_253 : vector<1x1x16xf32> to vector<16xf32>
      %swap3A_255 = vector.shape_cast %broadcast_in_dim3A_248 : vector<16xf32> to vector<1x1x16xf32>
      tpu.vector_store %arg8[%swap3A_250, %swap3A_251, %swap3A_252], %swap3A_255 {strides = array<i32>} : memref<2x128x128xf32, #tpu.memory_space<vmem>>, vector<1x1x16xf32>,
      %broadcast_in_dim3A_256 = arith.constant 0.000000e+00 : f32
      %broadcast_in_dim3A_257 = vector.broadcast %broadcast_in_dim3A_256 : f32 to vector<16xf32>
      %swap3A_258 = arith.constant 0 : i32
      %swap3A_259 = arith.index_cast %swap3A_258 : i32 to index
      %swap3A_260 = arith.index_cast %scan3A_203 : i32 to index
      %swap3A_261 = arith.constant 96 : index
      %swap3A_262 = tpu.vector_load %arg8[%swap3A_259, %swap3A_260, %swap3A_261] {strides = array<i32>} : memref<2x128x128xf32, #tpu.memory_space<vmem>>, vector<1x1x16xf32>,
      %swap3A_263 = vector.shape_cast %swap3A_262 : vector<1x1x16xf32> to vector<16xf32>
      %swap3A_264 = vector.shape_cast %broadcast_in_dim3A_257 : vector<16xf32> to vector<1x1x16xf32>
      tpu.vector_store %arg8[%swap3A_259, %swap3A_260, %swap3A_261], %swap3A_264 {strides = array<i32>} : memref<2x128x128xf32, #tpu.memory_space<vmem>>, vector<1x1x16xf32>,
      %broadcast_in_dim3A_265 = arith.constant 0.000000e+00 : f32
      %broadcast_in_dim3A_266 = vector.broadcast %broadcast_in_dim3A_265 : f32 to vector<16xf32>
      %swap3A_267 = arith.constant 0 : i32
      %swap3A_268 = arith.index_cast %swap3A_267 : i32 to index
      %swap3A_269 = arith.index_cast %scan3A_203 : i32 to index
      %swap3A_270 = arith.constant 112 : index
      %swap3A_271 = tpu.vector_load %arg8[%swap3A_268, %swap3A_269, %swap3A_270] {strides = array<i32>} : memref<2x128x128xf32, #tpu.memory_space<vmem>>, vector<1x1x16xf32>,
      %swap3A_272 = vector.shape_cast %swap3A_271 : vector<1x1x16xf32> to vector<16xf32>
      %swap3A_273 = vector.shape_cast %broadcast_in_dim3A_266 : vector<16xf32> to vector<1x1x16xf32>
      tpu.vector_store %arg8[%swap3A_268, %swap3A_269, %swap3A_270], %swap3A_273 {strides = array<i32>} : memref<2x128x128xf32, #tpu.memory_space<vmem>>, vector<1x1x16xf32>,
    }
    %scan3A_5 = arith.constant 128 : i32
    %mul3A_6 = arith.constant 640 : i32
    %mul3A_7 = arith.muli %arg1, %mul3A_6 : i32
    %add3A_8 = arith.constant 0 : i32
    %add3A_9 = arith.addi %mul3A_7, %add3A_8 : i32
    %run_scoped3A = arith.constant 0 : i32
    "tpu.region"() ({
      %run_scoped3A_203 = tpu.sem_alloc : memref<!tpu.dma_semaphore, #tpu.memory_space<semaphore_mem>>
      %dma_start3A_204 = arith.constant 0 : i32
      %dma_start3A_205 = arith.constant 0 : i32
      %dma_start3A_206 = tpu.memref_slice %arg8[%run_scoped3A, %dma_start3A_204, %dma_start3A_205] : memref<2x128x128xf32, #tpu.memory_space<vmem>> -> memref<1x128x128xf32, #tpu.memory_space<vmem>>
      %dma_start3A_207 = tpu.memref_squeeze %dma_start3A_206 : memref<1x128x128xf32, #tpu.memory_space<vmem>> -> memref<128x128xf32, #tpu.memory_space<vmem>>
      %dma_start3A_208 = arith.constant 0 : i32
      %dma_start3A_209 = tpu.memref_slice %arg9[%add3A_9, %dma_start3A_208] : memref<10240x128xf32, #tpu.memory_space<vmem_shared>> -> memref<128x128xf32, #tpu.memory_space<vmem_shared>>
      %dma_start3A_210 = arith.constant 0 : i32
      %dma_start3A_211 = tpu.memref_slice %arg9[%add3A_9, %dma_start3A_210] : memref<10240x128xf32, #tpu.memory_space<vmem_shared>> -> memref<128x128xf32, #tpu.memory_space<vmem_shared>>
      %dma_start3A_212 = arith.constant 0 : i32
      %dma_start3A_213 = arith.constant 0 : i32
      %dma_start3A_214 = tpu.memref_slice %arg8[%run_scoped3A, %dma_start3A_212, %dma_start3A_213] : memref<2x128x128xf32, #tpu.memory_space<vmem>> -> memref<1x128x128xf32, #tpu.memory_space<vmem>>
      %dma_start3A_215 = tpu.memref_squeeze %dma_start3A_214 : memref<1x128x128xf32, #tpu.memory_space<vmem>> -> memref<128x128xf32, #tpu.memory_space<vmem>>
      tpu.enqueue_dma source(%dma_start3A_215 : memref<128x128xf32, #tpu.memory_space<vmem>>) target(%dma_start3A_211 : memref<128x128xf32, #tpu.memory_space<vmem_shared>>) target_semaphore(%run_scoped3A_203 : memref<!tpu.dma_semaphore, #tpu.memory_space<semaphore_mem>>)
      %dma_wait3A_216 = arith.constant 0 : i32
      %dma_wait3A_217 = arith.constant 0 : i32
      %dma_wait3A_218 = tpu.memref_slice %arg8[%run_scoped3A, %dma_wait3A_216, %dma_wait3A_217] : memref<2x128x128xf32, #tpu.memory_space<vmem>> -> memref<1x128x128xf32, #tpu.memory_space<vmem>>
      %dma_wait3A_219 = tpu.memref_squeeze %dma_wait3A_218 : memref<1x128x128xf32, #tpu.memory_space<vmem>> -> memref<128x128xf32, #tpu.memory_space<vmem>>
      %dma_wait3A_220 = arith.constant 0 : i32
      %dma_wait3A_221 = tpu.memref_slice %arg9[%add3A_9, %dma_wait3A_220] : memref<10240x128xf32, #tpu.memory_space<vmem_shared>> -> memref<128x128xf32, #tpu.memory_space<vmem_shared>>
      %dma_wait3A_222 = arith.constant 0 : i32
      %dma_wait3A_223 = tpu.memref_slice %arg9[%add3A_9, %dma_wait3A_222] : memref<10240x128xf32, #tpu.memory_space<vmem_shared>> -> memref<128x128xf32, #tpu.memory_space<vmem_shared>>
      %dma_wait3A_224 = arith.constant 0 : i32
      %dma_wait3A_225 = arith.constant 0 : i32
      %dma_wait3A_226 = tpu.memref_slice %arg8[%run_scoped3A, %dma_wait3A_224, %dma_wait3A_225] : memref<2x128x128xf32, #tpu.memory_space<vmem>> -> memref<1x128x128xf32, #tpu.memory_space<vmem>>
      %dma_wait3A_227 = tpu.memref_squeeze %dma_wait3A_226 : memref<1x128x128xf32, #tpu.memory_space<vmem>> -> memref<128x128xf32, #tpu.memory_space<vmem>>
      tpu.wait_dma2 semaphore(%run_scoped3A_203 : memref<!tpu.dma_semaphore, #tpu.memory_space<semaphore_mem>>) src(%dma_wait3A_227 : memref<128x128xf32, #tpu.memory_space<vmem>>) dst(%dma_wait3A_223 : memref<128x128xf32, #tpu.memory_space<vmem_shared>>)
      tpu.yield
    }) : () -> ()
    %add3A_10 = arith.constant 128 : i32
    %add3A_11 = arith.addi %mul3A_7, %add3A_10 : i32
    %run_scoped3A_12 = arith.constant 0 : i32
    "tpu.region"() ({
      %run_scoped3A_203 = tpu.sem_alloc : memref<!tpu.dma_semaphore, #tpu.memory_space<semaphore_mem>>
      %dma_start3A_204 = arith.constant 0 : i32
      %dma_start3A_205 = arith.constant 0 : i32
      %dma_start3A_206 = tpu.memref_slice %arg8[%run_scoped3A_12, %dma_start3A_204, %dma_start3A_205] : memref<2x128x128xf32, #tpu.memory_space<vmem>> -> memref<1x128x128xf32, #tpu.memory_space<vmem>>
      %dma_start3A_207 = tpu.memref_squeeze %dma_start3A_206 : memref<1x128x128xf32, #tpu.memory_space<vmem>> -> memref<128x128xf32, #tpu.memory_space<vmem>>
      %dma_start3A_208 = arith.constant 0 : i32
      %dma_start3A_209 = tpu.memref_slice %arg9[%add3A_11, %dma_start3A_208] : memref<10240x128xf32, #tpu.memory_space<vmem_shared>> -> memref<128x128xf32, #tpu.memory_space<vmem_shared>>
      %dma_start3A_210 = arith.constant 0 : i32
      %dma_start3A_211 = tpu.memref_slice %arg9[%add3A_11, %dma_start3A_210] : memref<10240x128xf32, #tpu.memory_space<vmem_shared>> -> memref<128x128xf32, #tpu.memory_space<vmem_shared>>
      %dma_start3A_212 = arith.constant 0 : i32
      %dma_start3A_213 = arith.constant 0 : i32
      %dma_start3A_214 = tpu.memref_slice %arg8[%run_scoped3A_12, %dma_start3A_212, %dma_start3A_213] : memref<2x128x128xf32, #tpu.memory_space<vmem>> -> memref<1x128x128xf32, #tpu.memory_space<vmem>>
      %dma_start3A_215 = tpu.memref_squeeze %dma_start3A_214 : memref<1x128x128xf32, #tpu.memory_space<vmem>> -> memref<128x128xf32, #tpu.memory_space<vmem>>
      tpu.enqueue_dma source(%dma_start3A_215 : memref<128x128xf32, #tpu.memory_space<vmem>>) target(%dma_start3A_211 : memref<128x128xf32, #tpu.memory_space<vmem_shared>>) target_semaphore(%run_scoped3A_203 : memref<!tpu.dma_semaphore, #tpu.memory_space<semaphore_mem>>)
      %dma_wait3A_216 = arith.constant 0 : i32
      %dma_wait3A_217 = arith.constant 0 : i32
      %dma_wait3A_218 = tpu.memref_slice %arg8[%run_scoped3A_12, %dma_wait3A_216, %dma_wait3A_217] : memref<2x128x128xf32, #tpu.memory_space<vmem>> -> memref<1x128x128xf32, #tpu.memory_space<vmem>>
      %dma_wait3A_219 = tpu.memref_squeeze %dma_wait3A_218 : memref<1x128x128xf32, #tpu.memory_space<vmem>> -> memref<128x128xf32, #tpu.memory_space<vmem>>
      %dma_wait3A_220 = arith.constant 0 : i32
      %dma_wait3A_221 = tpu.memref_slice %arg9[%add3A_11, %dma_wait3A_220] : memref<10240x128xf32, #tpu.memory_space<vmem_shared>> -> memref<128x128xf32, #tpu.memory_space<vmem_shared>>
      %dma_wait3A_222 = arith.constant 0 : i32
      %dma_wait3A_223 = tpu.memref_slice %arg9[%add3A_11, %dma_wait3A_222] : memref<10240x128xf32, #tpu.memory_space<vmem_shared>> -> memref<128x128xf32, #tpu.memory_space<vmem_shared>>
      %dma_wait3A_224 = arith.constant 0 : i32
      %dma_wait3A_225 = arith.constant 0 : i32
      %dma_wait3A_226 = tpu.memref_slice %arg8[%run_scoped3A_12, %dma_wait3A_224, %dma_wait3A_225] : memref<2x128x128xf32, #tpu.memory_space<vmem>> -> memref<1x128x128xf32, #tpu.memory_space<vmem>>
      %dma_wait3A_227 = tpu.memref_squeeze %dma_wait3A_226 : memref<1x128x128xf32, #tpu.memory_space<vmem>> -> memref<128x128xf32, #tpu.memory_space<vmem>>
      tpu.wait_dma2 semaphore(%run_scoped3A_203 : memref<!tpu.dma_semaphore, #tpu.memory_space<semaphore_mem>>) src(%dma_wait3A_227 : memref<128x128xf32, #tpu.memory_space<vmem>>) dst(%dma_wait3A_223 : memref<128x128xf32, #tpu.memory_space<vmem_shared>>)
      tpu.yield
    }) : () -> ()
    %add3A_13 = arith.constant 256 : i32
    %add3A_14 = arith.addi %mul3A_7, %add3A_13 : i32
    %run_scoped3A_15 = arith.constant 0 : i32
    "tpu.region"() ({
      %run_scoped3A_203 = tpu.sem_alloc : memref<!tpu.dma_semaphore, #tpu.memory_space<semaphore_mem>>
      %dma_start3A_204 = arith.constant 0 : i32
      %dma_start3A_205 = arith.constant 0 : i32
      %dma_start3A_206 = tpu.memref_slice %arg8[%run_scoped3A_15, %dma_start3A_204, %dma_start3A_205] : memref<2x128x128xf32, #tpu.memory_space<vmem>> -> memref<1x128x128xf32, #tpu.memory_space<vmem>>
      %dma_start3A_207 = tpu.memref_squeeze %dma_start3A_206 : memref<1x128x128xf32, #tpu.memory_space<vmem>> -> memref<128x128xf32, #tpu.memory_space<vmem>>
      %dma_start3A_208 = arith.constant 0 : i32
      %dma_start3A_209 = tpu.memref_slice %arg9[%add3A_14, %dma_start3A_208] : memref<10240x128xf32, #tpu.memory_space<vmem_shared>> -> memref<128x128xf32, #tpu.memory_space<vmem_shared>>
      %dma_start3A_210 = arith.constant 0 : i32
      %dma_start3A_211 = tpu.memref_slice %arg9[%add3A_14, %dma_start3A_210] : memref<10240x128xf32, #tpu.memory_space<vmem_shared>> -> memref<128x128xf32, #tpu.memory_space<vmem_shared>>
      %dma_start3A_212 = arith.constant 0 : i32
      %dma_start3A_213 = arith.constant 0 : i32
      %dma_start3A_214 = tpu.memref_slice %arg8[%run_scoped3A_15, %dma_start3A_212, %dma_start3A_213] : memref<2x128x128xf32, #tpu.memory_space<vmem>> -> memref<1x128x128xf32, #tpu.memory_space<vmem>>
      %dma_start3A_215 = tpu.memref_squeeze %dma_start3A_214 : memref<1x128x128xf32, #tpu.memory_space<vmem>> -> memref<128x128xf32, #tpu.memory_space<vmem>>
      tpu.enqueue_dma source(%dma_start3A_215 : memref<128x128xf32, #tpu.memory_space<vmem>>) target(%dma_start3A_211 : memref<128x128xf32, #tpu.memory_space<vmem_shared>>) target_semaphore(%run_scoped3A_203 : memref<!tpu.dma_semaphore, #tpu.memory_space<semaphore_mem>>)
      %dma_wait3A_216 = arith.constant 0 : i32
      %dma_wait3A_217 = arith.constant 0 : i32
      %dma_wait3A_218 = tpu.memref_slice %arg8[%run_scoped3A_15, %dma_wait3A_216, %dma_wait3A_217] : memref<2x128x128xf32, #tpu.memory_space<vmem>> -> memref<1x128x128xf32, #tpu.memory_space<vmem>>
      %dma_wait3A_219 = tpu.memref_squeeze %dma_wait3A_218 : memref<1x128x128xf32, #tpu.memory_space<vmem>> -> memref<128x128xf32, #tpu.memory_space<vmem>>
      %dma_wait3A_220 = arith.constant 0 : i32
      %dma_wait3A_221 = tpu.memref_slice %arg9[%add3A_14, %dma_wait3A_220] : memref<10240x128xf32, #tpu.memory_space<vmem_shared>> -> memref<128x128xf32, #tpu.memory_space<vmem_shared>>
      %dma_wait3A_222 = arith.constant 0 : i32
      %dma_wait3A_223 = tpu.memref_slice %arg9[%add3A_14, %dma_wait3A_222] : memref<10240x128xf32, #tpu.memory_space<vmem_shared>> -> memref<128x128xf32, #tpu.memory_space<vmem_shared>>
      %dma_wait3A_224 = arith.constant 0 : i32
      %dma_wait3A_225 = arith.constant 0 : i32
      %dma_wait3A_226 = tpu.memref_slice %arg8[%run_scoped3A_15, %dma_wait3A_224, %dma_wait3A_225] : memref<2x128x128xf32, #tpu.memory_space<vmem>> -> memref<1x128x128xf32, #tpu.memory_space<vmem>>
      %dma_wait3A_227 = tpu.memref_squeeze %dma_wait3A_226 : memref<1x128x128xf32, #tpu.memory_space<vmem>> -> memref<128x128xf32, #tpu.memory_space<vmem>>
      tpu.wait_dma2 semaphore(%run_scoped3A_203 : memref<!tpu.dma_semaphore, #tpu.memory_space<semaphore_mem>>) src(%dma_wait3A_227 : memref<128x128xf32, #tpu.memory_space<vmem>>) dst(%dma_wait3A_223 : memref<128x128xf32, #tpu.memory_space<vmem_shared>>)
      tpu.yield
    }) : () -> ()
    %add3A_16 = arith.constant 384 : i32
    %add3A_17 = arith.addi %mul3A_7, %add3A_16 : i32
    %run_scoped3A_18 = arith.constant 0 : i32
    "tpu.region"() ({
      %run_scoped3A_203 = tpu.sem_alloc : memref<!tpu.dma_semaphore, #tpu.memory_space<semaphore_mem>>
      %dma_start3A_204 = arith.constant 0 : i32
      %dma_start3A_205 = arith.constant 0 : i32
      %dma_start3A_206 = tpu.memref_slice %arg8[%run_scoped3A_18, %dma_start3A_204, %dma_start3A_205] : memref<2x128x128xf32, #tpu.memory_space<vmem>> -> memref<1x128x128xf32, #tpu.memory_space<vmem>>
      %dma_start3A_207 = tpu.memref_squeeze %dma_start3A_206 : memref<1x128x128xf32, #tpu.memory_space<vmem>> -> memref<128x128xf32, #tpu.memory_space<vmem>>
      %dma_start3A_208 = arith.constant 0 : i32
      %dma_start3A_209 = tpu.memref_slice %arg9[%add3A_17, %dma_start3A_208] : memref<10240x128xf32, #tpu.memory_space<vmem_shared>> -> memref<128x128xf32, #tpu.memory_space<vmem_shared>>
      %dma_start3A_210 = arith.constant 0 : i32
      %dma_start3A_211 = tpu.memref_slice %arg9[%add3A_17, %dma_start3A_210] : memref<10240x128xf32, #tpu.memory_space<vmem_shared>> -> memref<128x128xf32, #tpu.memory_space<vmem_shared>>
      %dma_start3A_212 = arith.constant 0 : i32
      %dma_start3A_213 = arith.constant 0 : i32
      %dma_start3A_214 = tpu.memref_slice %arg8[%run_scoped3A_18, %dma_start3A_212, %dma_start3A_213] : memref<2x128x128xf32, #tpu.memory_space<vmem>> -> memref<1x128x128xf32, #tpu.memory_space<vmem>>
      %dma_start3A_215 = tpu.memref_squeeze %dma_start3A_214 : memref<1x128x128xf32, #tpu.memory_space<vmem>> -> memref<128x128xf32, #tpu.memory_space<vmem>>
      tpu.enqueue_dma source(%dma_start3A_215 : memref<128x128xf32, #tpu.memory_space<vmem>>) target(%dma_start3A_211 : memref<128x128xf32, #tpu.memory_space<vmem_shared>>) target_semaphore(%run_scoped3A_203 : memref<!tpu.dma_semaphore, #tpu.memory_space<semaphore_mem>>)
      %dma_wait3A_216 = arith.constant 0 : i32
      %dma_wait3A_217 = arith.constant 0 : i32
      %dma_wait3A_218 = tpu.memref_slice %arg8[%run_scoped3A_18, %dma_wait3A_216, %dma_wait3A_217] : memref<2x128x128xf32, #tpu.memory_space<vmem>> -> memref<1x128x128xf32, #tpu.memory_space<vmem>>
      %dma_wait3A_219 = tpu.memref_squeeze %dma_wait3A_218 : memref<1x128x128xf32, #tpu.memory_space<vmem>> -> memref<128x128xf32, #tpu.memory_space<vmem>>
      %dma_wait3A_220 = arith.constant 0 : i32
      %dma_wait3A_221 = tpu.memref_slice %arg9[%add3A_17, %dma_wait3A_220] : memref<10240x128xf32, #tpu.memory_space<vmem_shared>> -> memref<128x128xf32, #tpu.memory_space<vmem_shared>>
      %dma_wait3A_222 = arith.constant 0 : i32
      %dma_wait3A_223 = tpu.memref_slice %arg9[%add3A_17, %dma_wait3A_222] : memref<10240x128xf32, #tpu.memory_space<vmem_shared>> -> memref<128x128xf32, #tpu.memory_space<vmem_shared>>
      %dma_wait3A_224 = arith.constant 0 : i32
      %dma_wait3A_225 = arith.constant 0 : i32
      %dma_wait3A_226 = tpu.memref_slice %arg8[%run_scoped3A_18, %dma_wait3A_224, %dma_wait3A_225] : memref<2x128x128xf32, #tpu.memory_space<vmem>> -> memref<1x128x128xf32, #tpu.memory_space<vmem>>
      %dma_wait3A_227 = tpu.memref_squeeze %dma_wait3A_226 : memref<1x128x128xf32, #tpu.memory_space<vmem>> -> memref<128x128xf32, #tpu.memory_space<vmem>>
      tpu.wait_dma2 semaphore(%run_scoped3A_203 : memref<!tpu.dma_semaphore, #tpu.memory_space<semaphore_mem>>) src(%dma_wait3A_227 : memref<128x128xf32, #tpu.memory_space<vmem>>) dst(%dma_wait3A_223 : memref<128x128xf32, #tpu.memory_space<vmem_shared>>)
      tpu.yield
    }) : () -> ()
    %add3A_19 = arith.constant 512 : i32
    %add3A_20 = arith.addi %mul3A_7, %add3A_19 : i32
    %run_scoped3A_21 = arith.constant 0 : i32
    "tpu.region"() ({
      %run_scoped3A_203 = tpu.sem_alloc : memref<!tpu.dma_semaphore, #tpu.memory_space<semaphore_mem>>
      %dma_start3A_204 = arith.constant 0 : i32
      %dma_start3A_205 = arith.constant 0 : i32
      %dma_start3A_206 = tpu.memref_slice %arg8[%run_scoped3A_21, %dma_start3A_204, %dma_start3A_205] : memref<2x128x128xf32, #tpu.memory_space<vmem>> -> memref<1x128x128xf32, #tpu.memory_space<vmem>>
      %dma_start3A_207 = tpu.memref_squeeze %dma_start3A_206 : memref<1x128x128xf32, #tpu.memory_space<vmem>> -> memref<128x128xf32, #tpu.memory_space<vmem>>
      %dma_start3A_208 = arith.constant 0 : i32
      %dma_start3A_209 = tpu.memref_slice %arg9[%add3A_20, %dma_start3A_208] : memref<10240x128xf32, #tpu.memory_space<vmem_shared>> -> memref<128x128xf32, #tpu.memory_space<vmem_shared>>
      %dma_start3A_210 = arith.constant 0 : i32
      %dma_start3A_211 = tpu.memref_slice %arg9[%add3A_20, %dma_start3A_210] : memref<10240x128xf32, #tpu.memory_space<vmem_shared>> -> memref<128x128xf32, #tpu.memory_space<vmem_shared>>
      %dma_start3A_212 = arith.constant 0 : i32
      %dma_start3A_213 = arith.constant 0 : i32
      %dma_start3A_214 = tpu.memref_slice %arg8[%run_scoped3A_21, %dma_start3A_212, %dma_start3A_213] : memref<2x128x128xf32, #tpu.memory_space<vmem>> -> memref<1x128x128xf32, #tpu.memory_space<vmem>>
      %dma_start3A_215 = tpu.memref_squeeze %dma_start3A_214 : memref<1x128x128xf32, #tpu.memory_space<vmem>> -> memref<128x128xf32, #tpu.memory_space<vmem>>
      tpu.enqueue_dma source(%dma_start3A_215 : memref<128x128xf32, #tpu.memory_space<vmem>>) target(%dma_start3A_211 : memref<128x128xf32, #tpu.memory_space<vmem_shared>>) target_semaphore(%run_scoped3A_203 : memref<!tpu.dma_semaphore, #tpu.memory_space<semaphore_mem>>)
      %dma_wait3A_216 = arith.constant 0 : i32
      %dma_wait3A_217 = arith.constant 0 : i32
      %dma_wait3A_218 = tpu.memref_slice %arg8[%run_scoped3A_21, %dma_wait3A_216, %dma_wait3A_217] : memref<2x128x128xf32, #tpu.memory_space<vmem>> -> memref<1x128x128xf32, #tpu.memory_space<vmem>>
      %dma_wait3A_219 = tpu.memref_squeeze %dma_wait3A_218 : memref<1x128x128xf32, #tpu.memory_space<vmem>> -> memref<128x128xf32, #tpu.memory_space<vmem>>
      %dma_wait3A_220 = arith.constant 0 : i32
      %dma_wait3A_221 = tpu.memref_slice %arg9[%add3A_20, %dma_wait3A_220] : memref<10240x128xf32, #tpu.memory_space<vmem_shared>> -> memref<128x128xf32, #tpu.memory_space<vmem_shared>>
      %dma_wait3A_222 = arith.constant 0 : i32
      %dma_wait3A_223 = tpu.memref_slice %arg9[%add3A_20, %dma_wait3A_222] : memref<10240x128xf32, #tpu.memory_space<vmem_shared>> -> memref<128x128xf32, #tpu.memory_space<vmem_shared>>
      %dma_wait3A_224 = arith.constant 0 : i32
      %dma_wait3A_225 = arith.constant 0 : i32
      %dma_wait3A_226 = tpu.memref_slice %arg8[%run_scoped3A_21, %dma_wait3A_224, %dma_wait3A_225] : memref<2x128x128xf32, #tpu.memory_space<vmem>> -> memref<1x128x128xf32, #tpu.memory_space<vmem>>
      %dma_wait3A_227 = tpu.memref_squeeze %dma_wait3A_226 : memref<1x128x128xf32, #tpu.memory_space<vmem>> -> memref<128x128xf32, #tpu.memory_space<vmem>>
      tpu.wait_dma2 semaphore(%run_scoped3A_203 : memref<!tpu.dma_semaphore, #tpu.memory_space<semaphore_mem>>) src(%dma_wait3A_227 : memref<128x128xf32, #tpu.memory_space<vmem>>) dst(%dma_wait3A_223 : memref<128x128xf32, #tpu.memory_space<vmem_shared>>)
      tpu.yield
    }) : () -> ()
    %barrier3A = arith.constant 0 : index
    tpu.barrier barrier_id(%barrier3A)
    %dma_start3A = arith.constant 0 : i32
    %dma_start3A_22 = arith.constant 0 : i32
    %dma_start3A_23 = arith.constant 0 : i32
    %dma_start3A_24 = arith.constant 0 : i32
    %dma_start3A_25 = tpu.memref_slice %arg6[%dma_start3A, %dma_start3A_22, %dma_start3A_23, %dma_start3A_24] : memref<2x8x2x128xi32, #tpu.memory_space<vmem>> -> memref<1x8x2x128xi32, #tpu.memory_space<vmem>>
    %dma_start3A_26 = tpu.memref_squeeze %dma_start3A_25 : memref<1x8x2x128xi32, #tpu.memory_space<vmem>> -> memref<8x2x128xi32, #tpu.memory_space<vmem>>
    %dma_start3A_27 = arith.constant 0 : i32
    %dma_start3A_28 = arith.constant 0 : i32
    %dma_start3A_29 = arith.constant 0 : i32
    %dma_start3A_30 = tpu.memref_slice %arg3[%add3A, %dma_start3A_27, %dma_start3A_28, %dma_start3A_29] : memref<32x80x2x128xi32, #tpu.memory_space<hbm>> -> memref<1x8x2x128xi32, #tpu.memory_space<hbm>>
    %dma_start3A_31 = tpu.memref_squeeze %dma_start3A_30 : memref<1x8x2x128xi32, #tpu.memory_space<hbm>> -> memref<8x2x128xi32, #tpu.memory_space<hbm>>
    %dma_start3A_32 = arith.constant 0 : i32
    %dma_start3A_33 = arith.constant 0 : i32
    %dma_start3A_34 = arith.constant 0 : i32
    %dma_start3A_35 = tpu.memref_slice %arg6[%dma_start3A, %dma_start3A_32, %dma_start3A_33, %dma_start3A_34] : memref<2x8x2x128xi32, #tpu.memory_space<vmem>> -> memref<1x8x2x128xi32, #tpu.memory_space<vmem>>
    %dma_start3A_36 = tpu.memref_squeeze %dma_start3A_35 : memref<1x8x2x128xi32, #tpu.memory_space<vmem>> -> memref<8x2x128xi32, #tpu.memory_space<vmem>>
    %dma_start3A_37 = arith.constant 0 : i32
    %dma_start3A_38 = arith.constant 0 : i32
    %dma_start3A_39 = arith.constant 0 : i32
    %dma_start3A_40 = tpu.memref_slice %arg3[%add3A, %dma_start3A_37, %dma_start3A_38, %dma_start3A_39] : memref<32x80x2x128xi32, #tpu.memory_space<hbm>> -> memref<1x8x2x128xi32, #tpu.memory_space<hbm>>
    %dma_start3A_41 = tpu.memref_squeeze %dma_start3A_40 : memref<1x8x2x128xi32, #tpu.memory_space<hbm>> -> memref<8x2x128xi32, #tpu.memory_space<hbm>>
    tpu.enqueue_dma source(%dma_start3A_41 : memref<8x2x128xi32, #tpu.memory_space<hbm>>) target(%dma_start3A_36 : memref<8x2x128xi32, #tpu.memory_space<vmem>>) target_semaphore(%arg10 : memref<!tpu.dma_semaphore, #tpu.memory_space<semaphore_mem>>)
    %dma_start3A_42 = arith.constant 0 : i32
    %dma_start3A_43 = arith.constant 0 : i32
    %dma_start3A_44 = arith.constant 0 : i32
    %dma_start3A_45 = tpu.memref_slice %arg7[%dma_start3A_42, %dma_start3A_43, %dma_start3A_44] : memref<2x8x128xf32, #tpu.memory_space<vmem>> -> memref<1x8x128xf32, #tpu.memory_space<vmem>>
    %dma_start3A_46 = tpu.memref_squeeze %dma_start3A_45 : memref<1x8x128xf32, #tpu.memory_space<vmem>> -> memref<8x128xf32, #tpu.memory_space<vmem>>
    %dma_start3A_47 = arith.constant 0 : i32
    %dma_start3A_48 = arith.constant 0 : i32
    %dma_start3A_49 = tpu.memref_slice %arg4[%add3A, %dma_start3A_47, %dma_start3A_48] : memref<32x80x128xf32, #tpu.memory_space<hbm>> -> memref<1x8x128xf32, #tpu.memory_space<hbm>>
    %dma_start3A_50 = tpu.memref_squeeze %dma_start3A_49 : memref<1x8x128xf32, #tpu.memory_space<hbm>> -> memref<8x128xf32, #tpu.memory_space<hbm>>
    %dma_start3A_51 = arith.constant 0 : i32
    %dma_start3A_52 = arith.constant 0 : i32
    %dma_start3A_53 = tpu.memref_slice %arg7[%dma_start3A_42, %dma_start3A_51, %dma_start3A_52] : memref<2x8x128xf32, #tpu.memory_space<vmem>> -> memref<1x8x128xf32, #tpu.memory_space<vmem>>
    %dma_start3A_54 = tpu.memref_squeeze %dma_start3A_53 : memref<1x8x128xf32, #tpu.memory_space<vmem>> -> memref<8x128xf32, #tpu.memory_space<vmem>>
    %dma_start3A_55 = arith.constant 0 : i32
    %dma_start3A_56 = arith.constant 0 : i32
    %dma_start3A_57 = tpu.memref_slice %arg4[%add3A, %dma_start3A_55, %dma_start3A_56] : memref<32x80x128xf32, #tpu.memory_space<hbm>> -> memref<1x8x128xf32, #tpu.memory_space<hbm>>
    %dma_start3A_58 = tpu.memref_squeeze %dma_start3A_57 : memref<1x8x128xf32, #tpu.memory_space<hbm>> -> memref<8x128xf32, #tpu.memory_space<hbm>>
    tpu.enqueue_dma source(%dma_start3A_58 : memref<8x128xf32, #tpu.memory_space<hbm>>) target(%dma_start3A_54 : memref<8x128xf32, #tpu.memory_space<vmem>>) target_semaphore(%arg10 : memref<!tpu.dma_semaphore, #tpu.memory_space<semaphore_mem>>)
    %dma_start3A_59 = arith.constant 1 : i32
    %dma_start3A_60 = arith.constant 0 : i32
    %dma_start3A_61 = arith.constant 0 : i32
    %dma_start3A_62 = arith.constant 0 : i32
    %dma_start3A_63 = tpu.memref_slice %arg6[%dma_start3A_59, %dma_start3A_60, %dma_start3A_61, %dma_start3A_62] : memref<2x8x2x128xi32, #tpu.memory_space<vmem>> -> memref<1x8x2x128xi32, #tpu.memory_space<vmem>>
    %dma_start3A_64 = tpu.memref_squeeze %dma_start3A_63 : memref<1x8x2x128xi32, #tpu.memory_space<vmem>> -> memref<8x2x128xi32, #tpu.memory_space<vmem>>
    %dma_start3A_65 = arith.constant 8 : i32
    %dma_start3A_66 = arith.constant 0 : i32
    %dma_start3A_67 = arith.constant 0 : i32
    %dma_start3A_68 = tpu.memref_slice %arg3[%add3A, %dma_start3A_65, %dma_start3A_66, %dma_start3A_67] : memref<32x80x2x128xi32, #tpu.memory_space<hbm>> -> memref<1x8x2x128xi32, #tpu.memory_space<hbm>>
    %dma_start3A_69 = tpu.memref_squeeze %dma_start3A_68 : memref<1x8x2x128xi32, #tpu.memory_space<hbm>> -> memref<8x2x128xi32, #tpu.memory_space<hbm>>
    %dma_start3A_70 = arith.constant 0 : i32
    %dma_start3A_71 = arith.constant 0 : i32
    %dma_start3A_72 = arith.constant 0 : i32
    %dma_start3A_73 = tpu.memref_slice %arg6[%dma_start3A_59, %dma_start3A_70, %dma_start3A_71, %dma_start3A_72] : memref<2x8x2x128xi32, #tpu.memory_space<vmem>> -> memref<1x8x2x128xi32, #tpu.memory_space<vmem>>
    %dma_start3A_74 = tpu.memref_squeeze %dma_start3A_73 : memref<1x8x2x128xi32, #tpu.memory_space<vmem>> -> memref<8x2x128xi32, #tpu.memory_space<vmem>>
    %dma_start3A_75 = arith.constant 8 : i32
    %dma_start3A_76 = arith.constant 0 : i32
    %dma_start3A_77 = arith.constant 0 : i32
    %dma_start3A_78 = tpu.memref_slice %arg3[%add3A, %dma_start3A_75, %dma_start3A_76, %dma_start3A_77] : memref<32x80x2x128xi32, #tpu.memory_space<hbm>> -> memref<1x8x2x128xi32, #tpu.memory_space<hbm>>
    %dma_start3A_79 = tpu.memref_squeeze %dma_start3A_78 : memref<1x8x2x128xi32, #tpu.memory_space<hbm>> -> memref<8x2x128xi32, #tpu.memory_space<hbm>>
    tpu.enqueue_dma source(%dma_start3A_79 : memref<8x2x128xi32, #tpu.memory_space<hbm>>) target(%dma_start3A_74 : memref<8x2x128xi32, #tpu.memory_space<vmem>>) target_semaphore(%arg10 : memref<!tpu.dma_semaphore, #tpu.memory_space<semaphore_mem>>)
    %dma_start3A_80 = arith.constant 1 : i32
    %dma_start3A_81 = arith.constant 0 : i32
    %dma_start3A_82 = arith.constant 0 : i32
    %dma_start3A_83 = tpu.memref_slice %arg7[%dma_start3A_80, %dma_start3A_81, %dma_start3A_82] : memref<2x8x128xf32, #tpu.memory_space<vmem>> -> memref<1x8x128xf32, #tpu.memory_space<vmem>>
    %dma_start3A_84 = tpu.memref_squeeze %dma_start3A_83 : memref<1x8x128xf32, #tpu.memory_space<vmem>> -> memref<8x128xf32, #tpu.memory_space<vmem>>
    %dma_start3A_85 = arith.constant 8 : i32
    %dma_start3A_86 = arith.constant 0 : i32
    %dma_start3A_87 = tpu.memref_slice %arg4[%add3A, %dma_start3A_85, %dma_start3A_86] : memref<32x80x128xf32, #tpu.memory_space<hbm>> -> memref<1x8x128xf32, #tpu.memory_space<hbm>>
    %dma_start3A_88 = tpu.memref_squeeze %dma_start3A_87 : memref<1x8x128xf32, #tpu.memory_space<hbm>> -> memref<8x128xf32, #tpu.memory_space<hbm>>
    %dma_start3A_89 = arith.constant 0 : i32
    %dma_start3A_90 = arith.constant 0 : i32
    %dma_start3A_91 = tpu.memref_slice %arg7[%dma_start3A_80, %dma_start3A_89, %dma_start3A_90] : memref<2x8x128xf32, #tpu.memory_space<vmem>> -> memref<1x8x128xf32, #tpu.memory_space<vmem>>
    %dma_start3A_92 = tpu.memref_squeeze %dma_start3A_91 : memref<1x8x128xf32, #tpu.memory_space<vmem>> -> memref<8x128xf32, #tpu.memory_space<vmem>>
    %dma_start3A_93 = arith.constant 8 : i32
    %dma_start3A_94 = arith.constant 0 : i32
    %dma_start3A_95 = tpu.memref_slice %arg4[%add3A, %dma_start3A_93, %dma_start3A_94] : memref<32x80x128xf32, #tpu.memory_space<hbm>> -> memref<1x8x128xf32, #tpu.memory_space<hbm>>
    %dma_start3A_96 = tpu.memref_squeeze %dma_start3A_95 : memref<1x8x128xf32, #tpu.memory_space<hbm>> -> memref<8x128xf32, #tpu.memory_space<hbm>>
    tpu.enqueue_dma source(%dma_start3A_96 : memref<8x128xf32, #tpu.memory_space<hbm>>) target(%dma_start3A_92 : memref<8x128xf32, #tpu.memory_space<vmem>>) target_semaphore(%arg10 : memref<!tpu.dma_semaphore, #tpu.memory_space<semaphore_mem>>)
    %dma_wait3A = arith.constant 0 : i32
    %dma_wait3A_97 = arith.constant 0 : i32
    %dma_wait3A_98 = arith.constant 0 : i32
    %dma_wait3A_99 = arith.constant 0 : i32
    %dma_wait3A_100 = tpu.memref_slice %arg6[%dma_wait3A, %dma_wait3A_97, %dma_wait3A_98, %dma_wait3A_99] : memref<2x8x2x128xi32, #tpu.memory_space<vmem>> -> memref<1x8x2x128xi32, #tpu.memory_space<vmem>>
    %dma_wait3A_101 = tpu.memref_squeeze %dma_wait3A_100 : memref<1x8x2x128xi32, #tpu.memory_space<vmem>> -> memref<8x2x128xi32, #tpu.memory_space<vmem>>
    %dma_wait3A_102 = arith.constant 0 : i32
    %dma_wait3A_103 = arith.constant 0 : i32
    %dma_wait3A_104 = arith.constant 0 : i32
    %dma_wait3A_105 = tpu.memref_slice %arg3[%add3A, %dma_wait3A_102, %dma_wait3A_103, %dma_wait3A_104] : memref<32x80x2x128xi32, #tpu.memory_space<hbm>> -> memref<1x8x2x128xi32, #tpu.memory_space<hbm>>
    %dma_wait3A_106 = tpu.memref_squeeze %dma_wait3A_105 : memref<1x8x2x128xi32, #tpu.memory_space<hbm>> -> memref<8x2x128xi32, #tpu.memory_space<hbm>>
    %dma_wait3A_107 = arith.constant 0 : i32
    %dma_wait3A_108 = arith.constant 0 : i32
    %dma_wait3A_109 = arith.constant 0 : i32
    %dma_wait3A_110 = tpu.memref_slice %arg6[%dma_wait3A, %dma_wait3A_107, %dma_wait3A_108, %dma_wait3A_109] : memref<2x8x2x128xi32, #tpu.memory_space<vmem>> -> memref<1x8x2x128xi32, #tpu.memory_space<vmem>>
    %dma_wait3A_111 = tpu.memref_squeeze %dma_wait3A_110 : memref<1x8x2x128xi32, #tpu.memory_space<vmem>> -> memref<8x2x128xi32, #tpu.memory_space<vmem>>
    %dma_wait3A_112 = arith.constant 0 : i32
    %dma_wait3A_113 = arith.constant 0 : i32
    %dma_wait3A_114 = arith.constant 0 : i32
    %dma_wait3A_115 = tpu.memref_slice %arg3[%add3A, %dma_wait3A_112, %dma_wait3A_113, %dma_wait3A_114] : memref<32x80x2x128xi32, #tpu.memory_space<hbm>> -> memref<1x8x2x128xi32, #tpu.memory_space<hbm>>
    %dma_wait3A_116 = tpu.memref_squeeze %dma_wait3A_115 : memref<1x8x2x128xi32, #tpu.memory_space<hbm>> -> memref<8x2x128xi32, #tpu.memory_space<hbm>>
    tpu.wait_dma2 semaphore(%arg10 : memref<!tpu.dma_semaphore, #tpu.memory_space<semaphore_mem>>) src(%dma_wait3A_116 : memref<8x2x128xi32, #tpu.memory_space<hbm>>) dst(%dma_wait3A_111 : memref<8x2x128xi32, #tpu.memory_space<vmem>>)
    %dma_wait3A_117 = arith.constant 0 : i32
    %dma_wait3A_118 = arith.constant 0 : i32
    %dma_wait3A_119 = arith.constant 0 : i32
    %dma_wait3A_120 = tpu.memref_slice %arg7[%dma_wait3A_117, %dma_wait3A_118, %dma_wait3A_119] : memref<2x8x128xf32, #tpu.memory_space<vmem>> -> memref<1x8x128xf32, #tpu.memory_space<vmem>>
    %dma_wait3A_121 = tpu.memref_squeeze %dma_wait3A_120 : memref<1x8x128xf32, #tpu.memory_space<vmem>> -> memref<8x128xf32, #tpu.memory_space<vmem>>
    %dma_wait3A_122 = arith.constant 0 : i32
    %dma_wait3A_123 = arith.constant 0 : i32
    %dma_wait3A_124 = tpu.memref_slice %arg4[%add3A, %dma_wait3A_122, %dma_wait3A_123] : memref<32x80x128xf32, #tpu.memory_space<hbm>> -> memref<1x8x128xf32, #tpu.memory_space<hbm>>
    %dma_wait3A_125 = tpu.memref_squeeze %dma_wait3A_124 : memref<1x8x128xf32, #tpu.memory_space<hbm>> -> memref<8x128xf32, #tpu.memory_space<hbm>>
    %dma_wait3A_126 = arith.constant 0 : i32
    %dma_wait3A_127 = arith.constant 0 : i32
    %dma_wait3A_128 = tpu.memref_slice %arg7[%dma_wait3A_117, %dma_wait3A_126, %dma_wait3A_127] : memref<2x8x128xf32, #tpu.memory_space<vmem>> -> memref<1x8x128xf32, #tpu.memory_space<vmem>>
    %dma_wait3A_129 = tpu.memref_squeeze %dma_wait3A_128 : memref<1x8x128xf32, #tpu.memory_space<vmem>> -> memref<8x128xf32, #tpu.memory_space<vmem>>
    %dma_wait3A_130 = arith.constant 0 : i32
    %dma_wait3A_131 = arith.constant 0 : i32
    %dma_wait3A_132 = tpu.memref_slice %arg4[%add3A, %dma_wait3A_130, %dma_wait3A_131] : memref<32x80x128xf32, #tpu.memory_space<hbm>> -> memref<1x8x128xf32, #tpu.memory_space<hbm>>
    %dma_wait3A_133 = tpu.memref_squeeze %dma_wait3A_132 : memref<1x8x128xf32, #tpu.memory_space<hbm>> -> memref<8x128xf32, #tpu.memory_space<hbm>>
    tpu.wait_dma2 semaphore(%arg10 : memref<!tpu.dma_semaphore, #tpu.memory_space<semaphore_mem>>) src(%dma_wait3A_133 : memref<8x128xf32, #tpu.memory_space<hbm>>) dst(%dma_wait3A_129 : memref<8x128xf32, #tpu.memory_space<vmem>>)
    %dma_start3A_134 = arith.constant 0 : i32
    %dma_start3A_135 = arith.constant 0 : i32
    %dma_start3A_136 = arith.constant 0 : i32
    %dma_start3A_137 = arith.constant 0 : i32
    %dma_start3A_138 = arith.constant 0 : i32
    %dma_start3A_139 = arith.constant 0 : i32
    %dma_start3A_140 = tpu.memref_slice %arg8[%dma_start3A_137, %dma_start3A_138, %dma_start3A_139] : memref<2x128x128xf32, #tpu.memory_space<vmem>> -> memref<1x64x128xf32, #tpu.memory_space<vmem>>
    %dma_start3A_141 = tpu.memref_squeeze %dma_start3A_140 : memref<1x64x128xf32, #tpu.memory_space<vmem>> -> memref<64x128xf32, #tpu.memory_space<vmem>>
    %dma_start3A_142 = arith.constant 0 : i32
    %dma_start3A_143 = tpu.memref_slice %arg6[%dma_start3A_134, %dma_start3A_135, %dma_start3A_136, %dma_start3A_142] : memref<2x8x2x128xi32, #tpu.memory_space<vmem>> -> memref<1x1x1x64xi32, #tpu.memory_space<vmem>>
    %dma_start3A_144 = tpu.memref_squeeze %dma_start3A_143 : memref<1x1x1x64xi32, #tpu.memory_space<vmem>> -> memref<64xi32, #tpu.memory_space<vmem>>
    %dma_start3A_145 = arith.constant 0 : i32
    %dma_start3A_146 = arith.constant 0 : i32
    %dma_start3A_147 = tpu.memref_slice %arg2[%dma_start3A_145, %dma_start3A_146] : memref<10000x128xf32, #tpu.memory_space<hbm>> -> memref<10000x128xf32, #tpu.memory_space<hbm>>
    tpu.enqueue_indirect_dma source(%dma_start3A_147 : memref<10000x128xf32, #tpu.memory_space<hbm>>) target(%dma_start3A_141 : memref<64x128xf32, #tpu.memory_space<vmem>>) offsets(%dma_start3A_144 : memref<64xi32, #tpu.memory_space<vmem>>) semaphore(%arg11 : memref<!tpu.dma_semaphore, #tpu.memory_space<semaphore_mem>>)
    %dma_start3A_148 = arith.constant 0 : i32
    %dma_start3A_149 = arith.constant 0 : i32
    %dma_start3A_150 = arith.constant 0 : i32
    %dma_start3A_151 = arith.constant 0 : i32
    %dma_start3A_152 = arith.constant 64 : i32
    %dma_start3A_153 = arith.constant 0 : i32
    %dma_start3A_154 = tpu.memref_slice %arg8[%dma_start3A_151, %dma_start3A_152, %dma_start3A_153] : memref<2x128x128xf32, #tpu.memory_space<vmem>> -> memref<1x64x128xf32, #tpu.memory_space<vmem>>
    %dma_start3A_155 = tpu.memref_squeeze %dma_start3A_154 : memref<1x64x128xf32, #tpu.memory_space<vmem>> -> memref<64x128xf32, #tpu.memory_space<vmem>>
    %dma_start3A_156 = arith.constant 64 : i32
    %dma_start3A_157 = tpu.memref_slice %arg6[%dma_start3A_148, %dma_start3A_149, %dma_start3A_150, %dma_start3A_156] : memref<2x8x2x128xi32, #tpu.memory_space<vmem>> -> memref<1x1x1x64xi32, #tpu.memory_space<vmem>>
    %dma_start3A_158 = tpu.memref_squeeze %dma_start3A_157 : memref<1x1x1x64xi32, #tpu.memory_space<vmem>> -> memref<64xi32, #tpu.memory_space<vmem>>
    %dma_start3A_159 = arith.constant 0 : i32
    %dma_start3A_160 = arith.constant 0 : i32
    %dma_start3A_161 = tpu.memref_slice %arg2[%dma_start3A_159, %dma_start3A_160] : memref<10000x128xf32, #tpu.memory_space<hbm>> -> memref<10000x128xf32, #tpu.memory_space<hbm>>
    tpu.enqueue_indirect_dma source(%dma_start3A_161 : memref<10000x128xf32, #tpu.memory_space<hbm>>) target(%dma_start3A_155 : memref<64x128xf32, #tpu.memory_space<vmem>>) offsets(%dma_start3A_158 : memref<64xi32, #tpu.memory_space<vmem>>) semaphore(%arg11 : memref<!tpu.dma_semaphore, #tpu.memory_space<semaphore_mem>>)
    %scan3A_162 = arith.constant 0 : i32
    %scan3A_163 = arith.constant 0 : i32
    %scan3A_164 = arith.constant 80 : i32
    %scan3A_165 = arith.addi %scan3A_163, %scan3A_164 : i32
    %scan3A_166 = arith.constant 1 : i32
    scf.for %scan3A_203 = %scan3A_163 to %scan3A_165 step %scan3A_166  : i32 {
      %jit3A = arith.constant 2 : i32
      %eq3A = arith.constant 0 : i32
      %eq3A_204 = arith.cmpi eq, %jit3A, %eq3A : i32
      %jit3A_205 = arith.constant 1 : i32
      %select_n3A = arith.select %eq3A_204, %jit3A_205, %jit3A : i32
      %rem3A = arith.remsi %scan3A_203, %select_n3A : i32
      %ne3A = arith.constant 0 : i32
      %ne3A_206 = arith.cmpi ne, %rem3A, %ne3A : i32
      %lt3A = arith.constant 0 : i32
      %lt3A_207 = arith.cmpi slt, %rem3A, %lt3A : i32
      %lt3A_208 = arith.constant 0 : i32
      %lt3A_209 = arith.cmpi slt, %select_n3A, %lt3A_208 : i32
      %ne3A_210 = arith.xori %lt3A_207, %lt3A_209 : i1
      %and3A = arith.andi %ne3A_210, %ne3A_206 : i1
      %add3A_211 = arith.addi %rem3A, %select_n3A : i32
      %select_n3A_212 = arith.select %and3A, %add3A_211, %rem3A : i32
      %jit3A_213 = arith.constant 8 : i32
      %div3A = arith.divsi %scan3A_203, %jit3A_213 : i32
      %sign3A = arith.constant 0 : i32
      %sign3A_214 = arith.cmpi sgt, %scan3A_203, %sign3A : i32
      %sign3A_215 = arith.extui %sign3A_214 : i1 to i32
      %sign3A_216 = arith.constant 0 : i32
      %sign3A_217 = arith.cmpi slt, %scan3A_203, %sign3A_216 : i32
      %sign3A_218 = arith.extui %sign3A_217 : i1 to i32
      %sign3A_219 = arith.subi %sign3A_215, %sign3A_218 : i32
      %sign3A_220 = arith.constant 0 : i32
      %sign3A_221 = arith.cmpi sgt, %jit3A_213, %sign3A_220 : i32
      %sign3A_222 = arith.extui %sign3A_221 : i1 to i32
      %sign3A_223 = arith.constant 0 : i32
      %sign3A_224 = arith.cmpi slt, %jit3A_213, %sign3A_223 : i32
      %sign3A_225 = arith.extui %sign3A_224 : i1 to i32
      %sign3A_226 = arith.subi %sign3A_222, %sign3A_225 : i32
      %ne3A_227 = arith.cmpi ne, %sign3A_219, %sign3A_226 : i32
      %rem3A_228 = arith.remsi %scan3A_203, %jit3A_213 : i32
      %ne3A_229 = arith.constant 0 : i32
      %ne3A_230 = arith.cmpi ne, %rem3A_228, %ne3A_229 : i32
      %and3A_231 = arith.andi %ne3A_227, %ne3A_230 : i1
      %sub3A = arith.constant 1 : i32
      %sub3A_232 = arith.subi %div3A, %sub3A : i32
      %select_n3A_233 = arith.select %and3A_231, %sub3A_232, %div3A : i32
      %jit3A_234 = arith.constant 8 : i32
      %eq3A_235 = arith.constant 0 : i32
      %eq3A_236 = arith.cmpi eq, %jit3A_234, %eq3A_235 : i32
      %jit3A_237 = arith.constant 1 : i32
      %select_n3A_238 = arith.select %eq3A_236, %jit3A_237, %jit3A_234 : i32
      %rem3A_239 = arith.remsi %scan3A_203, %select_n3A_238 : i32
      %ne3A_240 = arith.constant 0 : i32
      %ne3A_241 = arith.cmpi ne, %rem3A_239, %ne3A_240 : i32
      %lt3A_242 = arith.constant 0 : i32
      %lt3A_243 = arith.cmpi slt, %rem3A_239, %lt3A_242 : i32
      %lt3A_244 = arith.constant 0 : i32
      %lt3A_245 = arith.cmpi slt, %select_n3A_238, %lt3A_244 : i32
      %ne3A_246 = arith.xori %lt3A_243, %lt3A_245 : i1
      %and3A_247 = arith.andi %ne3A_246, %ne3A_241 : i1
      %add3A_248 = arith.addi %rem3A_239, %select_n3A_238 : i32
      %select_n3A_249 = arith.select %and3A_247, %add3A_248, %rem3A_239 : i32
      %dma_wait3A_250 = arith.constant 0 : i32
      %dma_wait3A_251 = arith.constant 0 : i32
      %dma_wait3A_252 = arith.constant 0 : i32
      %dma_wait3A_253 = arith.constant 0 : i32
      %dma_wait3A_254 = arith.constant 0 : i32
      %dma_wait3A_255 = tpu.memref_slice %arg8[%select_n3A_212, %dma_wait3A_253, %dma_wait3A_254] : memref<2x128x128xf32, #tpu.memory_space<vmem>> -> memref<1x64x128xf32, #tpu.memory_space<vmem>>
      %dma_wait3A_256 = tpu.memref_squeeze %dma_wait3A_255 : memref<1x64x128xf32, #tpu.memory_space<vmem>> -> memref<64x128xf32, #tpu.memory_space<vmem>>
      %dma_wait3A_257 = arith.constant 0 : i32
      %dma_wait3A_258 = tpu.memref_slice %arg6[%dma_wait3A_250, %dma_wait3A_251, %dma_wait3A_252, %dma_wait3A_257] : memref<2x8x2x128xi32, #tpu.memory_space<vmem>> -> memref<1x1x1x64xi32, #tpu.memory_space<vmem>>
      %dma_wait3A_259 = tpu.memref_squeeze %dma_wait3A_258 : memref<1x1x1x64xi32, #tpu.memory_space<vmem>> -> memref<64xi32, #tpu.memory_space<vmem>>
      %dma_wait3A_260 = arith.constant 0 : i32
      %dma_wait3A_261 = arith.constant 0 : i32
      %dma_wait3A_262 = tpu.memref_slice %arg2[%dma_wait3A_260, %dma_wait3A_261] : memref<10000x128xf32, #tpu.memory_space<hbm>> -> memref<10000x128xf32, #tpu.memory_space<hbm>>
      tpu.wait_indirect_dma semaphore(%arg11 : memref<!tpu.dma_semaphore, #tpu.memory_space<semaphore_mem>>) src(%dma_wait3A_262 : memref<10000x128xf32, #tpu.memory_space<hbm>>) dst(%dma_wait3A_256 : memref<64x128xf32, #tpu.memory_space<vmem>>)
      %dma_wait3A_263 = arith.constant 0 : i32
      %dma_wait3A_264 = arith.constant 0 : i32
      %dma_wait3A_265 = arith.constant 0 : i32
      %dma_wait3A_266 = arith.constant 64 : i32
      %dma_wait3A_267 = arith.constant 0 : i32
      %dma_wait3A_268 = tpu.memref_slice %arg8[%select_n3A_212, %dma_wait3A_266, %dma_wait3A_267] : memref<2x128x128xf32, #tpu.memory_space<vmem>> -> memref<1x64x128xf32, #tpu.memory_space<vmem>>
      %dma_wait3A_269 = tpu.memref_squeeze %dma_wait3A_268 : memref<1x64x128xf32, #tpu.memory_space<vmem>> -> memref<64x128xf32, #tpu.memory_space<vmem>>
      %dma_wait3A_270 = arith.constant 0 : i32
      %dma_wait3A_271 = tpu.memref_slice %arg6[%dma_wait3A_263, %dma_wait3A_264, %dma_wait3A_265, %dma_wait3A_270] : memref<2x8x2x128xi32, #tpu.memory_space<vmem>> -> memref<1x1x1x64xi32, #tpu.memory_space<vmem>>
      %dma_wait3A_272 = tpu.memref_squeeze %dma_wait3A_271 : memref<1x1x1x64xi32, #tpu.memory_space<vmem>> -> memref<64xi32, #tpu.memory_space<vmem>>
      %dma_wait3A_273 = arith.constant 0 : i32
      %dma_wait3A_274 = arith.constant 0 : i32
      %dma_wait3A_275 = tpu.memref_slice %arg2[%dma_wait3A_273, %dma_wait3A_274] : memref<10000x128xf32, #tpu.memory_space<hbm>> -> memref<10000x128xf32, #tpu.memory_space<hbm>>
      tpu.wait_indirect_dma semaphore(%arg11 : memref<!tpu.dma_semaphore, #tpu.memory_space<semaphore_mem>>) src(%dma_wait3A_275 : memref<10000x128xf32, #tpu.memory_space<hbm>>) dst(%dma_wait3A_269 : memref<64x128xf32, #tpu.memory_space<vmem>>)
      %gt3A = arith.constant 0 : i32
      %gt3A_276 = arith.cmpi sgt, %scan3A_203, %gt3A : i32
      %convert_element_type3A = arith.extui %gt3A_276 : i1 to i32
      %cond3A = arith.constant 0 : i32
      %cond3A_277 = arith.cmpi ne, %convert_element_type3A, %cond3A : i32
      scf.if %cond3A_277 {
        %dma_wait3A_327 = arith.constant 0 : i32
        %dma_wait3A_328 = arith.constant 0 : i32
        %dma_wait3A_329 = arith.constant 1 : i32
        %dma_wait3A_330 = arith.constant 0 : i32
        %dma_wait3A_331 = arith.constant 0 : i32
        %dma_wait3A_332 = tpu.memref_slice %arg8[%select_n3A_212, %dma_wait3A_330, %dma_wait3A_331] : memref<2x128x128xf32, #tpu.memory_space<vmem>> -> memref<1x128x128xf32, #tpu.memory_space<vmem>>
        %dma_wait3A_333 = tpu.memref_squeeze %dma_wait3A_332 : memref<1x128x128xf32, #tpu.memory_space<vmem>> -> memref<128x128xf32, #tpu.memory_space<vmem>>
        %dma_wait3A_334 = arith.constant 0 : i32
        %dma_wait3A_335 = tpu.memref_slice %arg6[%dma_wait3A_327, %dma_wait3A_328, %dma_wait3A_329, %dma_wait3A_334] : memref<2x8x2x128xi32, #tpu.memory_space<vmem>> -> memref<1x1x1x128xi32, #tpu.memory_space<vmem>>
        %dma_wait3A_336 = tpu.memref_squeeze %dma_wait3A_335 : memref<1x1x1x128xi32, #tpu.memory_space<vmem>> -> memref<128xi32, #tpu.memory_space<vmem>>
        %dma_wait3A_337 = arith.constant 0 : i32
        %dma_wait3A_338 = arith.constant 0 : i32
        %dma_wait3A_339 = tpu.memref_slice %arg9[%dma_wait3A_337, %dma_wait3A_338] : memref<10240x128xf32, #tpu.memory_space<vmem_shared>> -> memref<10240x128xf32, #tpu.memory_space<vmem_shared>>
        tpu.wait_indirect_dma semaphore(%arg12 : memref<!tpu.dma_semaphore, #tpu.memory_space<semaphore_mem>>) src(%dma_wait3A_333 : memref<128x128xf32, #tpu.memory_space<vmem>>) dst(%dma_wait3A_339 : memref<10240x128xf32, #tpu.memory_space<vmem_shared>>)
      } else {
      }
      %eq3A_278 = arith.constant 0 : i32
      %eq3A_279 = arith.cmpi eq, %select_n3A_249, %eq3A_278 : i32
      %gt3A_280 = arith.constant 0 : i32
      %gt3A_281 = arith.cmpi sgt, %scan3A_203, %gt3A_280 : i32
      %and3A_282 = arith.andi %eq3A_279, %gt3A_281 : i1
      %add3A_283 = arith.constant 1 : i32
      %add3A_284 = arith.addi %select_n3A_233, %add3A_283 : i32
      %lt3A_285 = arith.constant 10 : i32
      %lt3A_286 = arith.cmpi slt, %add3A_284, %lt3A_285 : i32
      %and3A_287 = arith.andi %and3A_282, %lt3A_286 : i1
      %convert_element_type3A_288 = arith.extui %and3A_287 : i1 to i32
      %cond3A_289 = arith.constant 0 : i32
      %cond3A_290 = arith.cmpi ne, %convert_element_type3A_288, %cond3A_289 : i32
      scf.if %cond3A_290 {
        %add3A_327 = arith.constant 1 : i32
        %add3A_328 = arith.addi %select_n3A_233, %add3A_327 : i32
        %mul3A_329 = arith.constant 8 : i32
        %mul3A_330 = arith.muli %add3A_328, %mul3A_329 : i32
        %add3A_331 = arith.constant 1 : i32
        %add3A_332 = arith.addi %select_n3A_233, %add3A_331 : i32
        %jit3A_333 = arith.constant 2 : i32
        %eq3A_334 = arith.constant 0 : i32
        %eq3A_335 = arith.cmpi eq, %jit3A_333, %eq3A_334 : i32
        %jit3A_336 = arith.constant 1 : i32
        %select_n3A_337 = arith.select %eq3A_335, %jit3A_336, %jit3A_333 : i32
        %rem3A_338 = arith.remsi %add3A_332, %select_n3A_337 : i32
        %ne3A_339 = arith.constant 0 : i32
        %ne3A_340 = arith.cmpi ne, %rem3A_338, %ne3A_339 : i32
        %lt3A_341 = arith.constant 0 : i32
        %lt3A_342 = arith.cmpi slt, %rem3A_338, %lt3A_341 : i32
        %lt3A_343 = arith.constant 0 : i32
        %lt3A_344 = arith.cmpi slt, %select_n3A_337, %lt3A_343 : i32
        %ne3A_345 = arith.xori %lt3A_342, %lt3A_344 : i1
        %and3A_346 = arith.andi %ne3A_345, %ne3A_340 : i1
        %add3A_347 = arith.addi %rem3A_338, %select_n3A_337 : i32
        %select_n3A_348 = arith.select %and3A_346, %add3A_347, %rem3A_338 : i32
        %dma_start3A_349 = arith.constant 0 : i32
        %dma_start3A_350 = arith.constant 0 : i32
        %dma_start3A_351 = arith.constant 0 : i32
        %dma_start3A_352 = tpu.memref_slice %arg6[%select_n3A_348, %dma_start3A_349, %dma_start3A_350, %dma_start3A_351] : memref<2x8x2x128xi32, #tpu.memory_space<vmem>> -> memref<1x8x2x128xi32, #tpu.memory_space<vmem>>
        %dma_start3A_353 = tpu.memref_squeeze %dma_start3A_352 : memref<1x8x2x128xi32, #tpu.memory_space<vmem>> -> memref<8x2x128xi32, #tpu.memory_space<vmem>>
        %dma_start3A_354 = arith.constant 0 : i32
        %dma_start3A_355 = arith.constant 0 : i32
        %dma_start3A_356 = tpu.memref_slice %arg3[%add3A, %mul3A_330, %dma_start3A_354, %dma_start3A_355] : memref<32x80x2x128xi32, #tpu.memory_space<hbm>> -> memref<1x8x2x128xi32, #tpu.memory_space<hbm>>
        %dma_start3A_357 = tpu.memref_squeeze %dma_start3A_356 : memref<1x8x2x128xi32, #tpu.memory_space<hbm>> -> memref<8x2x128xi32, #tpu.memory_space<hbm>>
        %dma_start3A_358 = arith.constant 0 : i32
        %dma_start3A_359 = arith.constant 0 : i32
        %dma_start3A_360 = arith.constant 0 : i32
        %dma_start3A_361 = tpu.memref_slice %arg6[%select_n3A_348, %dma_start3A_358, %dma_start3A_359, %dma_start3A_360] : memref<2x8x2x128xi32, #tpu.memory_space<vmem>> -> memref<1x8x2x128xi32, #tpu.memory_space<vmem>>
        %dma_start3A_362 = tpu.memref_squeeze %dma_start3A_361 : memref<1x8x2x128xi32, #tpu.memory_space<vmem>> -> memref<8x2x128xi32, #tpu.memory_space<vmem>>
        %dma_start3A_363 = arith.constant 0 : i32
        %dma_start3A_364 = arith.constant 0 : i32
        %dma_start3A_365 = tpu.memref_slice %arg3[%add3A, %mul3A_330, %dma_start3A_363, %dma_start3A_364] : memref<32x80x2x128xi32, #tpu.memory_space<hbm>> -> memref<1x8x2x128xi32, #tpu.memory_space<hbm>>
        %dma_start3A_366 = tpu.memref_squeeze %dma_start3A_365 : memref<1x8x2x128xi32, #tpu.memory_space<hbm>> -> memref<8x2x128xi32, #tpu.memory_space<hbm>>
        tpu.enqueue_dma source(%dma_start3A_366 : memref<8x2x128xi32, #tpu.memory_space<hbm>>) target(%dma_start3A_362 : memref<8x2x128xi32, #tpu.memory_space<vmem>>) target_semaphore(%arg10 : memref<!tpu.dma_semaphore, #tpu.memory_space<semaphore_mem>>)
        %add3A_367 = arith.constant 1 : i32
        %add3A_368 = arith.addi %select_n3A_233, %add3A_367 : i32
        %mul3A_369 = arith.constant 8 : i32
        %mul3A_370 = arith.muli %add3A_368, %mul3A_369 : i32
        %add3A_371 = arith.constant 1 : i32
        %add3A_372 = arith.addi %select_n3A_233, %add3A_371 : i32
        %jit3A_373 = arith.constant 2 : i32
        %eq3A_374 = arith.constant 0 : i32
        %eq3A_375 = arith.cmpi eq, %jit3A_373, %eq3A_374 : i32
        %jit3A_376 = arith.constant 1 : i32
        %select_n3A_377 = arith.select %eq3A_375, %jit3A_376, %jit3A_373 : i32
        %rem3A_378 = arith.remsi %add3A_372, %select_n3A_377 : i32
        %ne3A_379 = arith.constant 0 : i32
        %ne3A_380 = arith.cmpi ne, %rem3A_378, %ne3A_379 : i32
        %lt3A_381 = arith.constant 0 : i32
        %lt3A_382 = arith.cmpi slt, %rem3A_378, %lt3A_381 : i32
        %lt3A_383 = arith.constant 0 : i32
        %lt3A_384 = arith.cmpi slt, %select_n3A_377, %lt3A_383 : i32
        %ne3A_385 = arith.xori %lt3A_382, %lt3A_384 : i1
        %and3A_386 = arith.andi %ne3A_385, %ne3A_380 : i1
        %add3A_387 = arith.addi %rem3A_378, %select_n3A_377 : i32
        %select_n3A_388 = arith.select %and3A_386, %add3A_387, %rem3A_378 : i32
        %dma_start3A_389 = arith.constant 0 : i32
        %dma_start3A_390 = arith.constant 0 : i32
        %dma_start3A_391 = tpu.memref_slice %arg7[%select_n3A_388, %dma_start3A_389, %dma_start3A_390] : memref<2x8x128xf32, #tpu.memory_space<vmem>> -> memref<1x8x128xf32, #tpu.memory_space<vmem>>
        %dma_start3A_392 = tpu.memref_squeeze %dma_start3A_391 : memref<1x8x128xf32, #tpu.memory_space<vmem>> -> memref<8x128xf32, #tpu.memory_space<vmem>>
        %dma_start3A_393 = arith.constant 0 : i32
        %dma_start3A_394 = tpu.memref_slice %arg4[%add3A, %mul3A_370, %dma_start3A_393] : memref<32x80x128xf32, #tpu.memory_space<hbm>> -> memref<1x8x128xf32, #tpu.memory_space<hbm>>
        %dma_start3A_395 = tpu.memref_squeeze %dma_start3A_394 : memref<1x8x128xf32, #tpu.memory_space<hbm>> -> memref<8x128xf32, #tpu.memory_space<hbm>>
        %dma_start3A_396 = arith.constant 0 : i32
        %dma_start3A_397 = arith.constant 0 : i32
        %dma_start3A_398 = tpu.memref_slice %arg7[%select_n3A_388, %dma_start3A_396, %dma_start3A_397] : memref<2x8x128xf32, #tpu.memory_space<vmem>> -> memref<1x8x128xf32, #tpu.memory_space<vmem>>
        %dma_start3A_399 = tpu.memref_squeeze %dma_start3A_398 : memref<1x8x128xf32, #tpu.memory_space<vmem>> -> memref<8x128xf32, #tpu.memory_space<vmem>>
        %dma_start3A_400 = arith.constant 0 : i32
        %dma_start3A_401 = tpu.memref_slice %arg4[%add3A, %mul3A_370, %dma_start3A_400] : memref<32x80x128xf32, #tpu.memory_space<hbm>> -> memref<1x8x128xf32, #tpu.memory_space<hbm>>
        %dma_start3A_402 = tpu.memref_squeeze %dma_start3A_401 : memref<1x8x128xf32, #tpu.memory_space<hbm>> -> memref<8x128xf32, #tpu.memory_space<hbm>>
        tpu.enqueue_dma source(%dma_start3A_402 : memref<8x128xf32, #tpu.memory_space<hbm>>) target(%dma_start3A_399 : memref<8x128xf32, #tpu.memory_space<vmem>>) target_semaphore(%arg10 : memref<!tpu.dma_semaphore, #tpu.memory_space<semaphore_mem>>)
      } else {
      }
      %add3A_291 = arith.constant 1 : i32
      %add3A_292 = arith.addi %scan3A_203, %add3A_291 : i32
      %lt3A_293 = arith.constant 80 : i32
      %lt3A_294 = arith.cmpi slt, %add3A_292, %lt3A_293 : i32
      %convert_element_type3A_295 = arith.extui %lt3A_294 : i1 to i32
      %cond3A_296 = arith.constant 0 : i32
      %cond3A_297 = arith.cmpi ne, %convert_element_type3A_295, %cond3A_296 : i32
      scf.if %cond3A_297 {
        %add3A_327 = arith.constant 1 : i32
        %add3A_328 = arith.addi %scan3A_203, %add3A_327 : i32
        %jit3A_329 = arith.constant 8 : i32
        %eq3A_330 = arith.constant 0 : i32
        %eq3A_331 = arith.cmpi eq, %jit3A_329, %eq3A_330 : i32
        %jit3A_332 = arith.constant 1 : i32
        %select_n3A_333 = arith.select %eq3A_331, %jit3A_332, %jit3A_329 : i32
        %rem3A_334 = arith.remsi %add3A_328, %select_n3A_333 : i32
        %ne3A_335 = arith.constant 0 : i32
        %ne3A_336 = arith.cmpi ne, %rem3A_334, %ne3A_335 : i32
        %lt3A_337 = arith.constant 0 : i32
        %lt3A_338 = arith.cmpi slt, %rem3A_334, %lt3A_337 : i32
        %lt3A_339 = arith.constant 0 : i32
        %lt3A_340 = arith.cmpi slt, %select_n3A_333, %lt3A_339 : i32
        %ne3A_341 = arith.xori %lt3A_338, %lt3A_340 : i1
        %and3A_342 = arith.andi %ne3A_341, %ne3A_336 : i1
        %add3A_343 = arith.addi %rem3A_334, %select_n3A_333 : i32
        %select_n3A_344 = arith.select %and3A_342, %add3A_343, %rem3A_334 : i32
        %eq3A_345 = arith.constant 0 : i32
        %eq3A_346 = arith.cmpi eq, %select_n3A_344, %eq3A_345 : i32
        %convert_element_type3A_347 = arith.extui %eq3A_346 : i1 to i32
        %cond3A_348 = arith.constant 0 : i32
        %cond3A_349 = arith.cmpi ne, %convert_element_type3A_347, %cond3A_348 : i32
        scf.if %cond3A_349 {
          %dma_wait3A_436 = arith.constant 0 : i32
          %dma_wait3A_437 = arith.constant 0 : i32
          %dma_wait3A_438 = arith.constant 0 : i32
          %dma_wait3A_439 = arith.constant 0 : i32
          %dma_wait3A_440 = tpu.memref_slice %arg6[%dma_wait3A_436, %dma_wait3A_437, %dma_wait3A_438, %dma_wait3A_439] : memref<2x8x2x128xi32, #tpu.memory_space<vmem>> -> memref<1x8x2x128xi32, #tpu.memory_space<vmem>>
          %dma_wait3A_441 = tpu.memref_squeeze %dma_wait3A_440 : memref<1x8x2x128xi32, #tpu.memory_space<vmem>> -> memref<8x2x128xi32, #tpu.memory_space<vmem>>
          %dma_wait3A_442 = arith.constant 0 : i32
          %dma_wait3A_443 = arith.constant 0 : i32
          %dma_wait3A_444 = arith.constant 0 : i32
          %dma_wait3A_445 = tpu.memref_slice %arg3[%add3A, %dma_wait3A_442, %dma_wait3A_443, %dma_wait3A_444] : memref<32x80x2x128xi32, #tpu.memory_space<hbm>> -> memref<1x8x2x128xi32, #tpu.memory_space<hbm>>
          %dma_wait3A_446 = tpu.memref_squeeze %dma_wait3A_445 : memref<1x8x2x128xi32, #tpu.memory_space<hbm>> -> memref<8x2x128xi32, #tpu.memory_space<hbm>>
          %dma_wait3A_447 = arith.constant 0 : i32
          %dma_wait3A_448 = arith.constant 0 : i32
          %dma_wait3A_449 = arith.constant 0 : i32
          %dma_wait3A_450 = tpu.memref_slice %arg6[%dma_wait3A_436, %dma_wait3A_447, %dma_wait3A_448, %dma_wait3A_449] : memref<2x8x2x128xi32, #tpu.memory_space<vmem>> -> memref<1x8x2x128xi32, #tpu.memory_space<vmem>>
          %dma_wait3A_451 = tpu.memref_squeeze %dma_wait3A_450 : memref<1x8x2x128xi32, #tpu.memory_space<vmem>> -> memref<8x2x128xi32, #tpu.memory_space<vmem>>
          %dma_wait3A_452 = arith.constant 0 : i32
          %dma_wait3A_453 = arith.constant 0 : i32
          %dma_wait3A_454 = arith.constant 0 : i32
          %dma_wait3A_455 = tpu.memref_slice %arg3[%add3A, %dma_wait3A_452, %dma_wait3A_453, %dma_wait3A_454] : memref<32x80x2x128xi32, #tpu.memory_space<hbm>> -> memref<1x8x2x128xi32, #tpu.memory_space<hbm>>
          %dma_wait3A_456 = tpu.memref_squeeze %dma_wait3A_455 : memref<1x8x2x128xi32, #tpu.memory_space<hbm>> -> memref<8x2x128xi32, #tpu.memory_space<hbm>>
          tpu.wait_dma2 semaphore(%arg10 : memref<!tpu.dma_semaphore, #tpu.memory_space<semaphore_mem>>) src(%dma_wait3A_456 : memref<8x2x128xi32, #tpu.memory_space<hbm>>) dst(%dma_wait3A_451 : memref<8x2x128xi32, #tpu.memory_space<vmem>>)
          %dma_wait3A_457 = arith.constant 0 : i32
          %dma_wait3A_458 = arith.constant 0 : i32
          %dma_wait3A_459 = arith.constant 0 : i32
          %dma_wait3A_460 = tpu.memref_slice %arg7[%dma_wait3A_457, %dma_wait3A_458, %dma_wait3A_459] : memref<2x8x128xf32, #tpu.memory_space<vmem>> -> memref<1x8x128xf32, #tpu.memory_space<vmem>>
          %dma_wait3A_461 = tpu.memref_squeeze %dma_wait3A_460 : memref<1x8x128xf32, #tpu.memory_space<vmem>> -> memref<8x128xf32, #tpu.memory_space<vmem>>
          %dma_wait3A_462 = arith.constant 0 : i32
          %dma_wait3A_463 = arith.constant 0 : i32
          %dma_wait3A_464 = tpu.memref_slice %arg4[%add3A, %dma_wait3A_462, %dma_wait3A_463] : memref<32x80x128xf32, #tpu.memory_space<hbm>> -> memref<1x8x128xf32, #tpu.memory_space<hbm>>
          %dma_wait3A_465 = tpu.memref_squeeze %dma_wait3A_464 : memref<1x8x128xf32, #tpu.memory_space<hbm>> -> memref<8x128xf32, #tpu.memory_space<hbm>>
          %dma_wait3A_466 = arith.constant 0 : i32
          %dma_wait3A_467 = arith.constant 0 : i32
          %dma_wait3A_468 = tpu.memref_slice %arg7[%dma_wait3A_457, %dma_wait3A_466, %dma_wait3A_467] : memref<2x8x128xf32, #tpu.memory_space<vmem>> -> memref<1x8x128xf32, #tpu.memory_space<vmem>>
          %dma_wait3A_469 = tpu.memref_squeeze %dma_wait3A_468 : memref<1x8x128xf32, #tpu.memory_space<vmem>> -> memref<8x128xf32, #tpu.memory_space<vmem>>
          %dma_wait3A_470 = arith.constant 0 : i32
          %dma_wait3A_471 = arith.constant 0 : i32
          %dma_wait3A_472 = tpu.memref_slice %arg4[%add3A, %dma_wait3A_470, %dma_wait3A_471] : memref<32x80x128xf32, #tpu.memory_space<hbm>> -> memref<1x8x128xf32, #tpu.memory_space<hbm>>
          %dma_wait3A_473 = tpu.memref_squeeze %dma_wait3A_472 : memref<1x8x128xf32, #tpu.memory_space<hbm>> -> memref<8x128xf32, #tpu.memory_space<hbm>>
          tpu.wait_dma2 semaphore(%arg10 : memref<!tpu.dma_semaphore, #tpu.memory_space<semaphore_mem>>) src(%dma_wait3A_473 : memref<8x128xf32, #tpu.memory_space<hbm>>) dst(%dma_wait3A_469 : memref<8x128xf32, #tpu.memory_space<vmem>>)
        } else {
        }
        %add3A_350 = arith.constant 1 : i32
        %add3A_351 = arith.addi %scan3A_203, %add3A_350 : i32
        %jit3A_352 = arith.constant 8 : i32
        %div3A_353 = arith.divsi %add3A_351, %jit3A_352 : i32
        %sign3A_354 = arith.constant 0 : i32
        %sign3A_355 = arith.cmpi sgt, %add3A_351, %sign3A_354 : i32
        %sign3A_356 = arith.extui %sign3A_355 : i1 to i32
        %sign3A_357 = arith.constant 0 : i32
        %sign3A_358 = arith.cmpi slt, %add3A_351, %sign3A_357 : i32
        %sign3A_359 = arith.extui %sign3A_358 : i1 to i32
        %sign3A_360 = arith.subi %sign3A_356, %sign3A_359 : i32
        %sign3A_361 = arith.constant 0 : i32
        %sign3A_362 = arith.cmpi sgt, %jit3A_352, %sign3A_361 : i32
        %sign3A_363 = arith.extui %sign3A_362 : i1 to i32
        %sign3A_364 = arith.constant 0 : i32
        %sign3A_365 = arith.cmpi slt, %jit3A_352, %sign3A_364 : i32
        %sign3A_366 = arith.extui %sign3A_365 : i1 to i32
        %sign3A_367 = arith.subi %sign3A_363, %sign3A_366 : i32
        %ne3A_368 = arith.cmpi ne, %sign3A_360, %sign3A_367 : i32
        %rem3A_369 = arith.remsi %add3A_351, %jit3A_352 : i32
        %ne3A_370 = arith.constant 0 : i32
        %ne3A_371 = arith.cmpi ne, %rem3A_369, %ne3A_370 : i32
        %and3A_372 = arith.andi %ne3A_368, %ne3A_371 : i1
        %sub3A_373 = arith.constant 1 : i32
        %sub3A_374 = arith.subi %div3A_353, %sub3A_373 : i32
        %select_n3A_375 = arith.select %and3A_372, %sub3A_374, %div3A_353 : i32
        %jit3A_376 = arith.constant 2 : i32
        %eq3A_377 = arith.constant 0 : i32
        %eq3A_378 = arith.cmpi eq, %jit3A_376, %eq3A_377 : i32
        %jit3A_379 = arith.constant 1 : i32
        %select_n3A_380 = arith.select %eq3A_378, %jit3A_379, %jit3A_376 : i32
        %rem3A_381 = arith.remsi %select_n3A_375, %select_n3A_380 : i32
        %ne3A_382 = arith.constant 0 : i32
        %ne3A_383 = arith.cmpi ne, %rem3A_381, %ne3A_382 : i32
        %lt3A_384 = arith.constant 0 : i32
        %lt3A_385 = arith.cmpi slt, %rem3A_381, %lt3A_384 : i32
        %lt3A_386 = arith.constant 0 : i32
        %lt3A_387 = arith.cmpi slt, %select_n3A_380, %lt3A_386 : i32
        %ne3A_388 = arith.xori %lt3A_385, %lt3A_387 : i1
        %and3A_389 = arith.andi %ne3A_388, %ne3A_383 : i1
        %add3A_390 = arith.addi %rem3A_381, %select_n3A_380 : i32
        %select_n3A_391 = arith.select %and3A_389, %add3A_390, %rem3A_381 : i32
        %add3A_392 = arith.constant 1 : i32
        %add3A_393 = arith.addi %scan3A_203, %add3A_392 : i32
        %jit3A_394 = arith.constant 8 : i32
        %eq3A_395 = arith.constant 0 : i32
        %eq3A_396 = arith.cmpi eq, %jit3A_394, %eq3A_395 : i32
        %jit3A_397 = arith.constant 1 : i32
        %select_n3A_398 = arith.select %eq3A_396, %jit3A_397, %jit3A_394 : i32
        %rem3A_399 = arith.remsi %add3A_393, %select_n3A_398 : i32
        %ne3A_400 = arith.constant 0 : i32
        %ne3A_401 = arith.cmpi ne, %rem3A_399, %ne3A_400 : i32
        %lt3A_402 = arith.constant 0 : i32
        %lt3A_403 = arith.cmpi slt, %rem3A_399, %lt3A_402 : i32
        %lt3A_404 = arith.constant 0 : i32
        %lt3A_405 = arith.cmpi slt, %select_n3A_398, %lt3A_404 : i32
        %ne3A_406 = arith.xori %lt3A_403, %lt3A_405 : i1
        %and3A_407 = arith.andi %ne3A_406, %ne3A_401 : i1
        %add3A_408 = arith.addi %rem3A_399, %select_n3A_398 : i32
        %select_n3A_409 = arith.select %and3A_407, %add3A_408, %rem3A_399 : i32
        %sub3A_410 = arith.constant 1 : i32
        %sub3A_411 = arith.subi %sub3A_410, %select_n3A_212 : i32
        %dma_start3A_412 = arith.constant 0 : i32
        %dma_start3A_413 = arith.constant 0 : i32
        %dma_start3A_414 = arith.constant 0 : i32
        %dma_start3A_415 = tpu.memref_slice %arg8[%sub3A_411, %dma_start3A_413, %dma_start3A_414] : memref<2x128x128xf32, #tpu.memory_space<vmem>> -> memref<1x64x128xf32, #tpu.memory_space<vmem>>
        %dma_start3A_416 = tpu.memref_squeeze %dma_start3A_415 : memref<1x64x128xf32, #tpu.memory_space<vmem>> -> memref<64x128xf32, #tpu.memory_space<vmem>>
        %dma_start3A_417 = arith.constant 0 : i32
        %dma_start3A_418 = tpu.memref_slice %arg6[%select_n3A_391, %select_n3A_409, %dma_start3A_412, %dma_start3A_417] : memref<2x8x2x128xi32, #tpu.memory_space<vmem>> -> memref<1x1x1x64xi32, #tpu.memory_space<vmem>>
        %dma_start3A_419 = tpu.memref_squeeze %dma_start3A_418 : memref<1x1x1x64xi32, #tpu.memory_space<vmem>> -> memref<64xi32, #tpu.memory_space<vmem>>
        %dma_start3A_420 = arith.constant 0 : i32
        %dma_start3A_421 = arith.constant 0 : i32
        %dma_start3A_422 = tpu.memref_slice %arg2[%dma_start3A_420, %dma_start3A_421] : memref<10000x128xf32, #tpu.memory_space<hbm>> -> memref<10000x128xf32, #tpu.memory_space<hbm>>
        tpu.enqueue_indirect_dma source(%dma_start3A_422 : memref<10000x128xf32, #tpu.memory_space<hbm>>) target(%dma_start3A_416 : memref<64x128xf32, #tpu.memory_space<vmem>>) offsets(%dma_start3A_419 : memref<64xi32, #tpu.memory_space<vmem>>) semaphore(%arg11 : memref<!tpu.dma_semaphore, #tpu.memory_space<semaphore_mem>>)
        %sub3A_423 = arith.constant 1 : i32
        %sub3A_424 = arith.subi %sub3A_423, %select_n3A_212 : i32
        %dma_start3A_425 = arith.constant 0 : i32
        %dma_start3A_426 = arith.constant 64 : i32
        %dma_start3A_427 = arith.constant 0 : i32
        %dma_start3A_428 = tpu.memref_slice %arg8[%sub3A_424, %dma_start3A_426, %dma_start3A_427] : memref<2x128x128xf32, #tpu.memory_space<vmem>> -> memref<1x64x128xf32, #tpu.memory_space<vmem>>
        %dma_start3A_429 = tpu.memref_squeeze %dma_start3A_428 : memref<1x64x128xf32, #tpu.memory_space<vmem>> -> memref<64x128xf32, #tpu.memory_space<vmem>>
        %dma_start3A_430 = arith.constant 64 : i32
        %dma_start3A_431 = tpu.memref_slice %arg6[%select_n3A_391, %select_n3A_409, %dma_start3A_425, %dma_start3A_430] : memref<2x8x2x128xi32, #tpu.memory_space<vmem>> -> memref<1x1x1x64xi32, #tpu.memory_space<vmem>>
        %dma_start3A_432 = tpu.memref_squeeze %dma_start3A_431 : memref<1x1x1x64xi32, #tpu.memory_space<vmem>> -> memref<64xi32, #tpu.memory_space<vmem>>
        %dma_start3A_433 = arith.constant 0 : i32
        %dma_start3A_434 = arith.constant 0 : i32
        %dma_start3A_435 = tpu.memref_slice %arg2[%dma_start3A_433, %dma_start3A_434] : memref<10000x128xf32, #tpu.memory_space<hbm>> -> memref<10000x128xf32, #tpu.memory_space<hbm>>
        tpu.enqueue_indirect_dma source(%dma_start3A_435 : memref<10000x128xf32, #tpu.memory_space<hbm>>) target(%dma_start3A_429 : memref<64x128xf32, #tpu.memory_space<vmem>>) offsets(%dma_start3A_432 : memref<64xi32, #tpu.memory_space<vmem>>) semaphore(%arg11 : memref<!tpu.dma_semaphore, #tpu.memory_space<semaphore_mem>>)
      } else {
      }
      %parallel_loop3A = arith.constant 0 : i32
      %parallel_loop3A_298 = arith.constant 8 : i32
      %parallel_loop3A_299 = arith.constant 1 : i32
      scf.for %parallel_loop3A_327 = %parallel_loop3A to %parallel_loop3A_298 step %parallel_loop3A_299  : i32 {
        %parallel_loop3A_328 = arith.constant 2 : i32
        %parallel_loop3A_329 = arith.constant 0 : i32
        %parallel_loop3A_330 = arith.cmpi eq, %parallel_loop3A_328, %parallel_loop3A_329 : i32
        %parallel_loop3A_331 = arith.constant 1 : i32
        %parallel_loop3A_332 = arith.select %parallel_loop3A_330, %parallel_loop3A_331, %parallel_loop3A_328 : i32
        %parallel_loop3A_333 = arith.remsi %select_n3A_233, %parallel_loop3A_332 : i32
        %parallel_loop3A_334 = arith.constant 0 : i32
        %parallel_loop3A_335 = arith.cmpi ne, %parallel_loop3A_333, %parallel_loop3A_334 : i32
        %parallel_loop3A_336 = arith.constant 0 : i32
        %parallel_loop3A_337 = arith.cmpi slt, %parallel_loop3A_333, %parallel_loop3A_336 : i32
        %parallel_loop3A_338 = arith.constant 0 : i32
        %parallel_loop3A_339 = arith.cmpi slt, %parallel_loop3A_332, %parallel_loop3A_338 : i32
        %parallel_loop3A_340 = arith.xori %parallel_loop3A_337, %parallel_loop3A_339 : i1
        %parallel_loop3A_341 = arith.andi %parallel_loop3A_340, %parallel_loop3A_335 : i1
        %parallel_loop3A_342 = arith.addi %parallel_loop3A_333, %parallel_loop3A_332 : i32
        %parallel_loop3A_343 = arith.select %parallel_loop3A_341, %parallel_loop3A_342, %parallel_loop3A_333 : i32
        %parallel_loop3A_344 = arith.constant 16 : i32
        %parallel_loop3A_345 = arith.muli %parallel_loop3A_327, %parallel_loop3A_344 : i32
        %parallel_loop3A_346 = arith.index_cast %parallel_loop3A_343 : i32 to index
        %parallel_loop3A_347 = arith.index_cast %select_n3A_249 : i32 to index
        %parallel_loop3A_348 = arith.index_cast %parallel_loop3A_345 : i32 to index
        %parallel_loop3A_349 = tpu.vector_load %arg7[%parallel_loop3A_346, %parallel_loop3A_347, %parallel_loop3A_348] {strides = array<i32>} : memref<2x8x128xf32, #tpu.memory_space<vmem>>, vector<1x1x16xf32>,
        %parallel_loop3A_350 = vector.shape_cast %parallel_loop3A_349 : vector<1x1x16xf32> to vector<16xf32>
        %parallel_loop3A_351 = vector.extract_strided_slice %parallel_loop3A_350 {offsets = [0], sizes = [1], strides = [1]} : vector<16xf32> to vector<1xf32>
        %parallel_loop3A_352 = vector.extract %parallel_loop3A_351[0] : f32 from vector<1xf32>
        %parallel_loop3A_353 = vector.broadcast %parallel_loop3A_352 : f32 to vector<16xf32>
        %parallel_loop3A_354 = arith.constant 16 : i32
        %parallel_loop3A_355 = arith.muli %parallel_loop3A_327, %parallel_loop3A_354 : i32
        %parallel_loop3A_356 = arith.constant 0 : i32
        %parallel_loop3A_357 = arith.addi %parallel_loop3A_355, %parallel_loop3A_356 : i32
        %parallel_loop3A_358 = arith.index_cast %select_n3A_212 : i32 to index
        %parallel_loop3A_359 = arith.index_cast %parallel_loop3A_357 : i32 to index
        %parallel_loop3A_360 = arith.constant 0 : index
        %parallel_loop3A_361 = tpu.vector_load %arg8[%parallel_loop3A_358, %parallel_loop3A_359, %parallel_loop3A_360] {strides = array<i32>} : memref<2x128x128xf32, #tpu.memory_space<vmem>>, vector<1x1x16xf32>,
        %parallel_loop3A_362 = vector.shape_cast %parallel_loop3A_361 : vector<1x1x16xf32> to vector<16xf32>
        %parallel_loop3A_363 = arith.mulf %parallel_loop3A_362, %parallel_loop3A_353 : vector<16xf32>
        %parallel_loop3A_364 = arith.index_cast %select_n3A_212 : i32 to index
        %parallel_loop3A_365 = arith.index_cast %parallel_loop3A_357 : i32 to index
        %parallel_loop3A_366 = arith.constant 0 : index
        %parallel_loop3A_367 = tpu.vector_load %arg8[%parallel_loop3A_364, %parallel_loop3A_365, %parallel_loop3A_366] {strides = array<i32>} : memref<2x128x128xf32, #tpu.memory_space<vmem>>, vector<1x1x16xf32>,
        %parallel_loop3A_368 = vector.shape_cast %parallel_loop3A_367 : vector<1x1x16xf32> to vector<16xf32>
        %parallel_loop3A_369 = vector.shape_cast %parallel_loop3A_363 : vector<16xf32> to vector<1x1x16xf32>
        tpu.vector_store %arg8[%parallel_loop3A_364, %parallel_loop3A_365, %parallel_loop3A_366], %parallel_loop3A_369 {strides = array<i32>} : memref<2x128x128xf32, #tpu.memory_space<vmem>>, vector<1x1x16xf32>,
        %parallel_loop3A_370 = arith.index_cast %select_n3A_212 : i32 to index
        %parallel_loop3A_371 = arith.index_cast %parallel_loop3A_357 : i32 to index
        %parallel_loop3A_372 = arith.constant 16 : index
        %parallel_loop3A_373 = tpu.vector_load %arg8[%parallel_loop3A_370, %parallel_loop3A_371, %parallel_loop3A_372] {strides = array<i32>} : memref<2x128x128xf32, #tpu.memory_space<vmem>>, vector<1x1x16xf32>,
        %parallel_loop3A_374 = vector.shape_cast %parallel_loop3A_373 : vector<1x1x16xf32> to vector<16xf32>
        %parallel_loop3A_375 = arith.mulf %parallel_loop3A_374, %parallel_loop3A_353 : vector<16xf32>
        %parallel_loop3A_376 = arith.index_cast %select_n3A_212 : i32 to index
        %parallel_loop3A_377 = arith.index_cast %parallel_loop3A_357 : i32 to index
        %parallel_loop3A_378 = arith.constant 16 : index
        %parallel_loop3A_379 = tpu.vector_load %arg8[%parallel_loop3A_376, %parallel_loop3A_377, %parallel_loop3A_378] {strides = array<i32>} : memref<2x128x128xf32, #tpu.memory_space<vmem>>, vector<1x1x16xf32>,
        %parallel_loop3A_380 = vector.shape_cast %parallel_loop3A_379 : vector<1x1x16xf32> to vector<16xf32>
        %parallel_loop3A_381 = vector.shape_cast %parallel_loop3A_375 : vector<16xf32> to vector<1x1x16xf32>
        tpu.vector_store %arg8[%parallel_loop3A_376, %parallel_loop3A_377, %parallel_loop3A_378], %parallel_loop3A_381 {strides = array<i32>} : memref<2x128x128xf32, #tpu.memory_space<vmem>>, vector<1x1x16xf32>,
        %parallel_loop3A_382 = arith.index_cast %select_n3A_212 : i32 to index
        %parallel_loop3A_383 = arith.index_cast %parallel_loop3A_357 : i32 to index
        %parallel_loop3A_384 = arith.constant 32 : index
        %parallel_loop3A_385 = tpu.vector_load %arg8[%parallel_loop3A_382, %parallel_loop3A_383, %parallel_loop3A_384] {strides = array<i32>} : memref<2x128x128xf32, #tpu.memory_space<vmem>>, vector<1x1x16xf32>,
        %parallel_loop3A_386 = vector.shape_cast %parallel_loop3A_385 : vector<1x1x16xf32> to vector<16xf32>
        %parallel_loop3A_387 = arith.mulf %parallel_loop3A_386, %parallel_loop3A_353 : vector<16xf32>
        %parallel_loop3A_388 = arith.index_cast %select_n3A_212 : i32 to index
        %parallel_loop3A_389 = arith.index_cast %parallel_loop3A_357 : i32 to index
        %parallel_loop3A_390 = arith.constant 32 : index
        %parallel_loop3A_391 = tpu.vector_load %arg8[%parallel_loop3A_388, %parallel_loop3A_389, %parallel_loop3A_390] {strides = array<i32>} : memref<2x128x128xf32, #tpu.memory_space<vmem>>, vector<1x1x16xf32>,
        %parallel_loop3A_392 = vector.shape_cast %parallel_loop3A_391 : vector<1x1x16xf32> to vector<16xf32>
        %parallel_loop3A_393 = vector.shape_cast %parallel_loop3A_387 : vector<16xf32> to vector<1x1x16xf32>
        tpu.vector_store %arg8[%parallel_loop3A_388, %parallel_loop3A_389, %parallel_loop3A_390], %parallel_loop3A_393 {strides = array<i32>} : memref<2x128x128xf32, #tpu.memory_space<vmem>>, vector<1x1x16xf32>,
        %parallel_loop3A_394 = arith.index_cast %select_n3A_212 : i32 to index
        %parallel_loop3A_395 = arith.index_cast %parallel_loop3A_357 : i32 to index
        %parallel_loop3A_396 = arith.constant 48 : index
        %parallel_loop3A_397 = tpu.vector_load %arg8[%parallel_loop3A_394, %parallel_loop3A_395, %parallel_loop3A_396] {strides = array<i32>} : memref<2x128x128xf32, #tpu.memory_space<vmem>>, vector<1x1x16xf32>,
        %parallel_loop3A_398 = vector.shape_cast %parallel_loop3A_397 : vector<1x1x16xf32> to vector<16xf32>
        %parallel_loop3A_399 = arith.mulf %parallel_loop3A_398, %parallel_loop3A_353 : vector<16xf32>
        %parallel_loop3A_400 = arith.index_cast %select_n3A_212 : i32 to index
        %parallel_loop3A_401 = arith.index_cast %parallel_loop3A_357 : i32 to index
        %parallel_loop3A_402 = arith.constant 48 : index
        %parallel_loop3A_403 = tpu.vector_load %arg8[%parallel_loop3A_400, %parallel_loop3A_401, %parallel_loop3A_402] {strides = array<i32>} : memref<2x128x128xf32, #tpu.memory_space<vmem>>, vector<1x1x16xf32>,
        %parallel_loop3A_404 = vector.shape_cast %parallel_loop3A_403 : vector<1x1x16xf32> to vector<16xf32>
        %parallel_loop3A_405 = vector.shape_cast %parallel_loop3A_399 : vector<16xf32> to vector<1x1x16xf32>
        tpu.vector_store %arg8[%parallel_loop3A_400, %parallel_loop3A_401, %parallel_loop3A_402], %parallel_loop3A_405 {strides = array<i32>} : memref<2x128x128xf32, #tpu.memory_space<vmem>>, vector<1x1x16xf32>,
        %parallel_loop3A_406 = arith.index_cast %select_n3A_212 : i32 to index
        %parallel_loop3A_407 = arith.index_cast %parallel_loop3A_357 : i32 to index
        %parallel_loop3A_408 = arith.constant 64 : index
        %parallel_loop3A_409 = tpu.vector_load %arg8[%parallel_loop3A_406, %parallel_loop3A_407, %parallel_loop3A_408] {strides = array<i32>} : memref<2x128x128xf32, #tpu.memory_space<vmem>>, vector<1x1x16xf32>,
        %parallel_loop3A_410 = vector.shape_cast %parallel_loop3A_409 : vector<1x1x16xf32> to vector<16xf32>
        %parallel_loop3A_411 = arith.mulf %parallel_loop3A_410, %parallel_loop3A_353 : vector<16xf32>
        %parallel_loop3A_412 = arith.index_cast %select_n3A_212 : i32 to index
        %parallel_loop3A_413 = arith.index_cast %parallel_loop3A_357 : i32 to index
        %parallel_loop3A_414 = arith.constant 64 : index
        %parallel_loop3A_415 = tpu.vector_load %arg8[%parallel_loop3A_412, %parallel_loop3A_413, %parallel_loop3A_414] {strides = array<i32>} : memref<2x128x128xf32, #tpu.memory_space<vmem>>, vector<1x1x16xf32>,
        %parallel_loop3A_416 = vector.shape_cast %parallel_loop3A_415 : vector<1x1x16xf32> to vector<16xf32>
        %parallel_loop3A_417 = vector.shape_cast %parallel_loop3A_411 : vector<16xf32> to vector<1x1x16xf32>
        tpu.vector_store %arg8[%parallel_loop3A_412, %parallel_loop3A_413, %parallel_loop3A_414], %parallel_loop3A_417 {strides = array<i32>} : memref<2x128x128xf32, #tpu.memory_space<vmem>>, vector<1x1x16xf32>,
        %parallel_loop3A_418 = arith.index_cast %select_n3A_212 : i32 to index
        %parallel_loop3A_419 = arith.index_cast %parallel_loop3A_357 : i32 to index
        %parallel_loop3A_420 = arith.constant 80 : index
        %parallel_loop3A_421 = tpu.vector_load %arg8[%parallel_loop3A_418, %parallel_loop3A_419, %parallel_loop3A_420] {strides = array<i32>} : memref<2x128x128xf32, #tpu.memory_space<vmem>>, vector<1x1x16xf32>,
        %parallel_loop3A_422 = vector.shape_cast %parallel_loop3A_421 : vector<1x1x16xf32> to vector<16xf32>
        %parallel_loop3A_423 = arith.mulf %parallel_loop3A_422, %parallel_loop3A_353 : vector<16xf32>
        %parallel_loop3A_424 = arith.index_cast %select_n3A_212 : i32 to index
        %parallel_loop3A_425 = arith.index_cast %parallel_loop3A_357 : i32 to index
        %parallel_loop3A_426 = arith.constant 80 : index
        %parallel_loop3A_427 = tpu.vector_load %arg8[%parallel_loop3A_424, %parallel_loop3A_425, %parallel_loop3A_426] {strides = array<i32>} : memref<2x128x128xf32, #tpu.memory_space<vmem>>, vector<1x1x16xf32>,
        %parallel_loop3A_428 = vector.shape_cast %parallel_loop3A_427 : vector<1x1x16xf32> to vector<16xf32>
        %parallel_loop3A_429 = vector.shape_cast %parallel_loop3A_423 : vector<16xf32> to vector<1x1x16xf32>
        tpu.vector_store %arg8[%parallel_loop3A_424, %parallel_loop3A_425, %parallel_loop3A_426], %parallel_loop3A_429 {strides = array<i32>} : memref<2x128x128xf32, #tpu.memory_space<vmem>>, vector<1x1x16xf32>,
        %parallel_loop3A_430 = arith.index_cast %select_n3A_212 : i32 to index
        %parallel_loop3A_431 = arith.index_cast %parallel_loop3A_357 : i32 to index
        %parallel_loop3A_432 = arith.constant 96 : index
        %parallel_loop3A_433 = tpu.vector_load %arg8[%parallel_loop3A_430, %parallel_loop3A_431, %parallel_loop3A_432] {strides = array<i32>} : memref<2x128x128xf32, #tpu.memory_space<vmem>>, vector<1x1x16xf32>,
        %parallel_loop3A_434 = vector.shape_cast %parallel_loop3A_433 : vector<1x1x16xf32> to vector<16xf32>
        %parallel_loop3A_435 = arith.mulf %parallel_loop3A_434, %parallel_loop3A_353 : vector<16xf32>
        %parallel_loop3A_436 = arith.index_cast %select_n3A_212 : i32 to index
        %parallel_loop3A_437 = arith.index_cast %parallel_loop3A_357 : i32 to index
        %parallel_loop3A_438 = arith.constant 96 : index
        %parallel_loop3A_439 = tpu.vector_load %arg8[%parallel_loop3A_436, %parallel_loop3A_437, %parallel_loop3A_438] {strides = array<i32>} : memref<2x128x128xf32, #tpu.memory_space<vmem>>, vector<1x1x16xf32>,
        %parallel_loop3A_440 = vector.shape_cast %parallel_loop3A_439 : vector<1x1x16xf32> to vector<16xf32>
        %parallel_loop3A_441 = vector.shape_cast %parallel_loop3A_435 : vector<16xf32> to vector<1x1x16xf32>
        tpu.vector_store %arg8[%parallel_loop3A_436, %parallel_loop3A_437, %parallel_loop3A_438], %parallel_loop3A_441 {strides = array<i32>} : memref<2x128x128xf32, #tpu.memory_space<vmem>>, vector<1x1x16xf32>,
        %parallel_loop3A_442 = arith.index_cast %select_n3A_212 : i32 to index
        %parallel_loop3A_443 = arith.index_cast %parallel_loop3A_357 : i32 to index
        %parallel_loop3A_444 = arith.constant 112 : index
        %parallel_loop3A_445 = tpu.vector_load %arg8[%parallel_loop3A_442, %parallel_loop3A_443, %parallel_loop3A_444] {strides = array<i32>} : memref<2x128x128xf32, #tpu.memory_space<vmem>>, vector<1x1x16xf32>,
        %parallel_loop3A_446 = vector.shape_cast %parallel_loop3A_445 : vector<1x1x16xf32> to vector<16xf32>
        %parallel_loop3A_447 = arith.mulf %parallel_loop3A_446, %parallel_loop3A_353 : vector<16xf32>
        %parallel_loop3A_448 = arith.index_cast %select_n3A_212 : i32 to index
        %parallel_loop3A_449 = arith.index_cast %parallel_loop3A_357 : i32 to index
        %parallel_loop3A_450 = arith.constant 112 : index
        %parallel_loop3A_451 = tpu.vector_load %arg8[%parallel_loop3A_448, %parallel_loop3A_449, %parallel_loop3A_450] {strides = array<i32>} : memref<2x128x128xf32, #tpu.memory_space<vmem>>, vector<1x1x16xf32>,
        %parallel_loop3A_452 = vector.shape_cast %parallel_loop3A_451 : vector<1x1x16xf32> to vector<16xf32>
        %parallel_loop3A_453 = vector.shape_cast %parallel_loop3A_447 : vector<16xf32> to vector<1x1x16xf32>
        tpu.vector_store %arg8[%parallel_loop3A_448, %parallel_loop3A_449, %parallel_loop3A_450], %parallel_loop3A_453 {strides = array<i32>} : memref<2x128x128xf32, #tpu.memory_space<vmem>>, vector<1x1x16xf32>,
        %parallel_loop3A_454 = vector.extract_strided_slice %parallel_loop3A_350 {offsets = [1], sizes = [1], strides = [1]} : vector<16xf32> to vector<1xf32>
        %parallel_loop3A_455 = vector.extract %parallel_loop3A_454[0] : f32 from vector<1xf32>
        %parallel_loop3A_456 = vector.broadcast %parallel_loop3A_455 : f32 to vector<16xf32>
        %parallel_loop3A_457 = arith.constant 16 : i32
        %parallel_loop3A_458 = arith.muli %parallel_loop3A_327, %parallel_loop3A_457 : i32
        %parallel_loop3A_459 = arith.constant 1 : i32
        %parallel_loop3A_460 = arith.addi %parallel_loop3A_458, %parallel_loop3A_459 : i32
        %parallel_loop3A_461 = arith.index_cast %select_n3A_212 : i32 to index
        %parallel_loop3A_462 = arith.index_cast %parallel_loop3A_460 : i32 to index
        %parallel_loop3A_463 = arith.constant 0 : index
        %parallel_loop3A_464 = tpu.vector_load %arg8[%parallel_loop3A_461, %parallel_loop3A_462, %parallel_loop3A_463] {strides = array<i32>} : memref<2x128x128xf32, #tpu.memory_space<vmem>>, vector<1x1x16xf32>,
        %parallel_loop3A_465 = vector.shape_cast %parallel_loop3A_464 : vector<1x1x16xf32> to vector<16xf32>
        %parallel_loop3A_466 = arith.mulf %parallel_loop3A_465, %parallel_loop3A_456 : vector<16xf32>
        %parallel_loop3A_467 = arith.index_cast %select_n3A_212 : i32 to index
        %parallel_loop3A_468 = arith.index_cast %parallel_loop3A_460 : i32 to index
        %parallel_loop3A_469 = arith.constant 0 : index
        %parallel_loop3A_470 = tpu.vector_load %arg8[%parallel_loop3A_467, %parallel_loop3A_468, %parallel_loop3A_469] {strides = array<i32>} : memref<2x128x128xf32, #tpu.memory_space<vmem>>, vector<1x1x16xf32>,
        %parallel_loop3A_471 = vector.shape_cast %parallel_loop3A_470 : vector<1x1x16xf32> to vector<16xf32>
        %parallel_loop3A_472 = vector.shape_cast %parallel_loop3A_466 : vector<16xf32> to vector<1x1x16xf32>
        tpu.vector_store %arg8[%parallel_loop3A_467, %parallel_loop3A_468, %parallel_loop3A_469], %parallel_loop3A_472 {strides = array<i32>} : memref<2x128x128xf32, #tpu.memory_space<vmem>>, vector<1x1x16xf32>,
        %parallel_loop3A_473 = arith.index_cast %select_n3A_212 : i32 to index
        %parallel_loop3A_474 = arith.index_cast %parallel_loop3A_460 : i32 to index
        %parallel_loop3A_475 = arith.constant 16 : index
        %parallel_loop3A_476 = tpu.vector_load %arg8[%parallel_loop3A_473, %parallel_loop3A_474, %parallel_loop3A_475] {strides = array<i32>} : memref<2x128x128xf32, #tpu.memory_space<vmem>>, vector<1x1x16xf32>,
        %parallel_loop3A_477 = vector.shape_cast %parallel_loop3A_476 : vector<1x1x16xf32> to vector<16xf32>
        %parallel_loop3A_478 = arith.mulf %parallel_loop3A_477, %parallel_loop3A_456 : vector<16xf32>
        %parallel_loop3A_479 = arith.index_cast %select_n3A_212 : i32 to index
        %parallel_loop3A_480 = arith.index_cast %parallel_loop3A_460 : i32 to index
        %parallel_loop3A_481 = arith.constant 16 : index
        %parallel_loop3A_482 = tpu.vector_load %arg8[%parallel_loop3A_479, %parallel_loop3A_480, %parallel_loop3A_481] {strides = array<i32>} : memref<2x128x128xf32, #tpu.memory_space<vmem>>, vector<1x1x16xf32>,
        %parallel_loop3A_483 = vector.shape_cast %parallel_loop3A_482 : vector<1x1x16xf32> to vector<16xf32>
        %parallel_loop3A_484 = vector.shape_cast %parallel_loop3A_478 : vector<16xf32> to vector<1x1x16xf32>
        tpu.vector_store %arg8[%parallel_loop3A_479, %parallel_loop3A_480, %parallel_loop3A_481], %parallel_loop3A_484 {strides = array<i32>} : memref<2x128x128xf32, #tpu.memory_space<vmem>>, vector<1x1x16xf32>,
        %parallel_loop3A_485 = arith.index_cast %select_n3A_212 : i32 to index
        %parallel_loop3A_486 = arith.index_cast %parallel_loop3A_460 : i32 to index
        %parallel_loop3A_487 = arith.constant 32 : index
        %parallel_loop3A_488 = tpu.vector_load %arg8[%parallel_loop3A_485, %parallel_loop3A_486, %parallel_loop3A_487] {strides = array<i32>} : memref<2x128x128xf32, #tpu.memory_space<vmem>>, vector<1x1x16xf32>,
        %parallel_loop3A_489 = vector.shape_cast %parallel_loop3A_488 : vector<1x1x16xf32> to vector<16xf32>
        %parallel_loop3A_490 = arith.mulf %parallel_loop3A_489, %parallel_loop3A_456 : vector<16xf32>
        %parallel_loop3A_491 = arith.index_cast %select_n3A_212 : i32 to index
        %parallel_loop3A_492 = arith.index_cast %parallel_loop3A_460 : i32 to index
        %parallel_loop3A_493 = arith.constant 32 : index
        %parallel_loop3A_494 = tpu.vector_load %arg8[%parallel_loop3A_491, %parallel_loop3A_492, %parallel_loop3A_493] {strides = array<i32>} : memref<2x128x128xf32, #tpu.memory_space<vmem>>, vector<1x1x16xf32>,
        %parallel_loop3A_495 = vector.shape_cast %parallel_loop3A_494 : vector<1x1x16xf32> to vector<16xf32>
        %parallel_loop3A_496 = vector.shape_cast %parallel_loop3A_490 : vector<16xf32> to vector<1x1x16xf32>
        tpu.vector_store %arg8[%parallel_loop3A_491, %parallel_loop3A_492, %parallel_loop3A_493], %parallel_loop3A_496 {strides = array<i32>} : memref<2x128x128xf32, #tpu.memory_space<vmem>>, vector<1x1x16xf32>,
        %parallel_loop3A_497 = arith.index_cast %select_n3A_212 : i32 to index
        %parallel_loop3A_498 = arith.index_cast %parallel_loop3A_460 : i32 to index
        %parallel_loop3A_499 = arith.constant 48 : index
        %parallel_loop3A_500 = tpu.vector_load %arg8[%parallel_loop3A_497, %parallel_loop3A_498, %parallel_loop3A_499] {strides = array<i32>} : memref<2x128x128xf32, #tpu.memory_space<vmem>>, vector<1x1x16xf32>,
        %parallel_loop3A_501 = vector.shape_cast %parallel_loop3A_500 : vector<1x1x16xf32> to vector<16xf32>
        %parallel_loop3A_502 = arith.mulf %parallel_loop3A_501, %parallel_loop3A_456 : vector<16xf32>
        %parallel_loop3A_503 = arith.index_cast %select_n3A_212 : i32 to index
        %parallel_loop3A_504 = arith.index_cast %parallel_loop3A_460 : i32 to index
        %parallel_loop3A_505 = arith.constant 48 : index
        %parallel_loop3A_506 = tpu.vector_load %arg8[%parallel_loop3A_503, %parallel_loop3A_504, %parallel_loop3A_505] {strides = array<i32>} : memref<2x128x128xf32, #tpu.memory_space<vmem>>, vector<1x1x16xf32>,
        %parallel_loop3A_507 = vector.shape_cast %parallel_loop3A_506 : vector<1x1x16xf32> to vector<16xf32>
        %parallel_loop3A_508 = vector.shape_cast %parallel_loop3A_502 : vector<16xf32> to vector<1x1x16xf32>
        tpu.vector_store %arg8[%parallel_loop3A_503, %parallel_loop3A_504, %parallel_loop3A_505], %parallel_loop3A_508 {strides = array<i32>} : memref<2x128x128xf32, #tpu.memory_space<vmem>>, vector<1x1x16xf32>,
        %parallel_loop3A_509 = arith.index_cast %select_n3A_212 : i32 to index
        %parallel_loop3A_510 = arith.index_cast %parallel_loop3A_460 : i32 to index
        %parallel_loop3A_511 = arith.constant 64 : index
        %parallel_loop3A_512 = tpu.vector_load %arg8[%parallel_loop3A_509, %parallel_loop3A_510, %parallel_loop3A_511] {strides = array<i32>} : memref<2x128x128xf32, #tpu.memory_space<vmem>>, vector<1x1x16xf32>,
        %parallel_loop3A_513 = vector.shape_cast %parallel_loop3A_512 : vector<1x1x16xf32> to vector<16xf32>
        %parallel_loop3A_514 = arith.mulf %parallel_loop3A_513, %parallel_loop3A_456 : vector<16xf32>
        %parallel_loop3A_515 = arith.index_cast %select_n3A_212 : i32 to index
        %parallel_loop3A_516 = arith.index_cast %parallel_loop3A_460 : i32 to index
        %parallel_loop3A_517 = arith.constant 64 : index
        %parallel_loop3A_518 = tpu.vector_load %arg8[%parallel_loop3A_515, %parallel_loop3A_516, %parallel_loop3A_517] {strides = array<i32>} : memref<2x128x128xf32, #tpu.memory_space<vmem>>, vector<1x1x16xf32>,
        %parallel_loop3A_519 = vector.shape_cast %parallel_loop3A_518 : vector<1x1x16xf32> to vector<16xf32>
        %parallel_loop3A_520 = vector.shape_cast %parallel_loop3A_514 : vector<16xf32> to vector<1x1x16xf32>
        tpu.vector_store %arg8[%parallel_loop3A_515, %parallel_loop3A_516, %parallel_loop3A_517], %parallel_loop3A_520 {strides = array<i32>} : memref<2x128x128xf32, #tpu.memory_space<vmem>>, vector<1x1x16xf32>,
        %parallel_loop3A_521 = arith.index_cast %select_n3A_212 : i32 to index
        %parallel_loop3A_522 = arith.index_cast %parallel_loop3A_460 : i32 to index
        %parallel_loop3A_523 = arith.constant 80 : index
        %parallel_loop3A_524 = tpu.vector_load %arg8[%parallel_loop3A_521, %parallel_loop3A_522, %parallel_loop3A_523] {strides = array<i32>} : memref<2x128x128xf32, #tpu.memory_space<vmem>>, vector<1x1x16xf32>,
        %parallel_loop3A_525 = vector.shape_cast %parallel_loop3A_524 : vector<1x1x16xf32> to vector<16xf32>
        %parallel_loop3A_526 = arith.mulf %parallel_loop3A_525, %parallel_loop3A_456 : vector<16xf32>
        %parallel_loop3A_527 = arith.index_cast %select_n3A_212 : i32 to index
        %parallel_loop3A_528 = arith.index_cast %parallel_loop3A_460 : i32 to index
        %parallel_loop3A_529 = arith.constant 80 : index
        %parallel_loop3A_530 = tpu.vector_load %arg8[%parallel_loop3A_527, %parallel_loop3A_528, %parallel_loop3A_529] {strides = array<i32>} : memref<2x128x128xf32, #tpu.memory_space<vmem>>, vector<1x1x16xf32>,
        %parallel_loop3A_531 = vector.shape_cast %parallel_loop3A_530 : vector<1x1x16xf32> to vector<16xf32>
        %parallel_loop3A_532 = vector.shape_cast %parallel_loop3A_526 : vector<16xf32> to vector<1x1x16xf32>
        tpu.vector_store %arg8[%parallel_loop3A_527, %parallel_loop3A_528, %parallel_loop3A_529], %parallel_loop3A_532 {strides = array<i32>} : memref<2x128x128xf32, #tpu.memory_space<vmem>>, vector<1x1x16xf32>,
        %parallel_loop3A_533 = arith.index_cast %select_n3A_212 : i32 to index
        %parallel_loop3A_534 = arith.index_cast %parallel_loop3A_460 : i32 to index
        %parallel_loop3A_535 = arith.constant 96 : index
        %parallel_loop3A_536 = tpu.vector_load %arg8[%parallel_loop3A_533, %parallel_loop3A_534, %parallel_loop3A_535] {strides = array<i32>} : memref<2x128x128xf32, #tpu.memory_space<vmem>>, vector<1x1x16xf32>,
        %parallel_loop3A_537 = vector.shape_cast %parallel_loop3A_536 : vector<1x1x16xf32> to vector<16xf32>
        %parallel_loop3A_538 = arith.mulf %parallel_loop3A_537, %parallel_loop3A_456 : vector<16xf32>
        %parallel_loop3A_539 = arith.index_cast %select_n3A_212 : i32 to index
        %parallel_loop3A_540 = arith.index_cast %parallel_loop3A_460 : i32 to index
        %parallel_loop3A_541 = arith.constant 96 : index
        %parallel_loop3A_542 = tpu.vector_load %arg8[%parallel_loop3A_539, %parallel_loop3A_540, %parallel_loop3A_541] {strides = array<i32>} : memref<2x128x128xf32, #tpu.memory_space<vmem>>, vector<1x1x16xf32>,
        %parallel_loop3A_543 = vector.shape_cast %parallel_loop3A_542 : vector<1x1x16xf32> to vector<16xf32>
        %parallel_loop3A_544 = vector.shape_cast %parallel_loop3A_538 : vector<16xf32> to vector<1x1x16xf32>
        tpu.vector_store %arg8[%parallel_loop3A_539, %parallel_loop3A_540, %parallel_loop3A_541], %parallel_loop3A_544 {strides = array<i32>} : memref<2x128x128xf32, #tpu.memory_space<vmem>>, vector<1x1x16xf32>,
        %parallel_loop3A_545 = arith.index_cast %select_n3A_212 : i32 to index
        %parallel_loop3A_546 = arith.index_cast %parallel_loop3A_460 : i32 to index
        %parallel_loop3A_547 = arith.constant 112 : index
        %parallel_loop3A_548 = tpu.vector_load %arg8[%parallel_loop3A_545, %parallel_loop3A_546, %parallel_loop3A_547] {strides = array<i32>} : memref<2x128x128xf32, #tpu.memory_space<vmem>>, vector<1x1x16xf32>,
        %parallel_loop3A_549 = vector.shape_cast %parallel_loop3A_548 : vector<1x1x16xf32> to vector<16xf32>
        %parallel_loop3A_550 = arith.mulf %parallel_loop3A_549, %parallel_loop3A_456 : vector<16xf32>
        %parallel_loop3A_551 = arith.index_cast %select_n3A_212 : i32 to index
        %parallel_loop3A_552 = arith.index_cast %parallel_loop3A_460 : i32 to index
        %parallel_loop3A_553 = arith.constant 112 : index
        %parallel_loop3A_554 = tpu.vector_load %arg8[%parallel_loop3A_551, %parallel_loop3A_552, %parallel_loop3A_553] {strides = array<i32>} : memref<2x128x128xf32, #tpu.memory_space<vmem>>, vector<1x1x16xf32>,
        %parallel_loop3A_555 = vector.shape_cast %parallel_loop3A_554 : vector<1x1x16xf32> to vector<16xf32>
        %parallel_loop3A_556 = vector.shape_cast %parallel_loop3A_550 : vector<16xf32> to vector<1x1x16xf32>
        tpu.vector_store %arg8[%parallel_loop3A_551, %parallel_loop3A_552, %parallel_loop3A_553], %parallel_loop3A_556 {strides = array<i32>} : memref<2x128x128xf32, #tpu.memory_space<vmem>>, vector<1x1x16xf32>,
        %parallel_loop3A_557 = vector.extract_strided_slice %parallel_loop3A_350 {offsets = [2], sizes = [1], strides = [1]} : vector<16xf32> to vector<1xf32>
        %parallel_loop3A_558 = vector.extract %parallel_loop3A_557[0] : f32 from vector<1xf32>
        %parallel_loop3A_559 = vector.broadcast %parallel_loop3A_558 : f32 to vector<16xf32>
        %parallel_loop3A_560 = arith.constant 16 : i32
        %parallel_loop3A_561 = arith.muli %parallel_loop3A_327, %parallel_loop3A_560 : i32
        %parallel_loop3A_562 = arith.constant 2 : i32
        %parallel_loop3A_563 = arith.addi %parallel_loop3A_561, %parallel_loop3A_562 : i32
        %parallel_loop3A_564 = arith.index_cast %select_n3A_212 : i32 to index
        %parallel_loop3A_565 = arith.index_cast %parallel_loop3A_563 : i32 to index
        %parallel_loop3A_566 = arith.constant 0 : index
        %parallel_loop3A_567 = tpu.vector_load %arg8[%parallel_loop3A_564, %parallel_loop3A_565, %parallel_loop3A_566] {strides = array<i32>} : memref<2x128x128xf32, #tpu.memory_space<vmem>>, vector<1x1x16xf32>,
        %parallel_loop3A_568 = vector.shape_cast %parallel_loop3A_567 : vector<1x1x16xf32> to vector<16xf32>
        %parallel_loop3A_569 = arith.mulf %parallel_loop3A_568, %parallel_loop3A_559 : vector<16xf32>
        %parallel_loop3A_570 = arith.index_cast %select_n3A_212 : i32 to index
        %parallel_loop3A_571 = arith.index_cast %parallel_loop3A_563 : i32 to index
        %parallel_loop3A_572 = arith.constant 0 : index
        %parallel_loop3A_573 = tpu.vector_load %arg8[%parallel_loop3A_570, %parallel_loop3A_571, %parallel_loop3A_572] {strides = array<i32>} : memref<2x128x128xf32, #tpu.memory_space<vmem>>, vector<1x1x16xf32>,
        %parallel_loop3A_574 = vector.shape_cast %parallel_loop3A_573 : vector<1x1x16xf32> to vector<16xf32>
        %parallel_loop3A_575 = vector.shape_cast %parallel_loop3A_569 : vector<16xf32> to vector<1x1x16xf32>
        tpu.vector_store %arg8[%parallel_loop3A_570, %parallel_loop3A_571, %parallel_loop3A_572], %parallel_loop3A_575 {strides = array<i32>} : memref<2x128x128xf32, #tpu.memory_space<vmem>>, vector<1x1x16xf32>,
        %parallel_loop3A_576 = arith.index_cast %select_n3A_212 : i32 to index
        %parallel_loop3A_577 = arith.index_cast %parallel_loop3A_563 : i32 to index
        %parallel_loop3A_578 = arith.constant 16 : index
        %parallel_loop3A_579 = tpu.vector_load %arg8[%parallel_loop3A_576, %parallel_loop3A_577, %parallel_loop3A_578] {strides = array<i32>} : memref<2x128x128xf32, #tpu.memory_space<vmem>>, vector<1x1x16xf32>,
        %parallel_loop3A_580 = vector.shape_cast %parallel_loop3A_579 : vector<1x1x16xf32> to vector<16xf32>
        %parallel_loop3A_581 = arith.mulf %parallel_loop3A_580, %parallel_loop3A_559 : vector<16xf32>
        %parallel_loop3A_582 = arith.index_cast %select_n3A_212 : i32 to index
        %parallel_loop3A_583 = arith.index_cast %parallel_loop3A_563 : i32 to index
        %parallel_loop3A_584 = arith.constant 16 : index
        %parallel_loop3A_585 = tpu.vector_load %arg8[%parallel_loop3A_582, %parallel_loop3A_583, %parallel_loop3A_584] {strides = array<i32>} : memref<2x128x128xf32, #tpu.memory_space<vmem>>, vector<1x1x16xf32>,
        %parallel_loop3A_586 = vector.shape_cast %parallel_loop3A_585 : vector<1x1x16xf32> to vector<16xf32>
        %parallel_loop3A_587 = vector.shape_cast %parallel_loop3A_581 : vector<16xf32> to vector<1x1x16xf32>
        tpu.vector_store %arg8[%parallel_loop3A_582, %parallel_loop3A_583, %parallel_loop3A_584], %parallel_loop3A_587 {strides = array<i32>} : memref<2x128x128xf32, #tpu.memory_space<vmem>>, vector<1x1x16xf32>,
        %parallel_loop3A_588 = arith.index_cast %select_n3A_212 : i32 to index
        %parallel_loop3A_589 = arith.index_cast %parallel_loop3A_563 : i32 to index
        %parallel_loop3A_590 = arith.constant 32 : index
        %parallel_loop3A_591 = tpu.vector_load %arg8[%parallel_loop3A_588, %parallel_loop3A_589, %parallel_loop3A_590] {strides = array<i32>} : memref<2x128x128xf32, #tpu.memory_space<vmem>>, vector<1x1x16xf32>,
        %parallel_loop3A_592 = vector.shape_cast %parallel_loop3A_591 : vector<1x1x16xf32> to vector<16xf32>
        %parallel_loop3A_593 = arith.mulf %parallel_loop3A_592, %parallel_loop3A_559 : vector<16xf32>
        %parallel_loop3A_594 = arith.index_cast %select_n3A_212 : i32 to index
        %parallel_loop3A_595 = arith.index_cast %parallel_loop3A_563 : i32 to index
        %parallel_loop3A_596 = arith.constant 32 : index
        %parallel_loop3A_597 = tpu.vector_load %arg8[%parallel_loop3A_594, %parallel_loop3A_595, %parallel_loop3A_596] {strides = array<i32>} : memref<2x128x128xf32, #tpu.memory_space<vmem>>, vector<1x1x16xf32>,
        %parallel_loop3A_598 = vector.shape_cast %parallel_loop3A_597 : vector<1x1x16xf32> to vector<16xf32>
        %parallel_loop3A_599 = vector.shape_cast %parallel_loop3A_593 : vector<16xf32> to vector<1x1x16xf32>
        tpu.vector_store %arg8[%parallel_loop3A_594, %parallel_loop3A_595, %parallel_loop3A_596], %parallel_loop3A_599 {strides = array<i32>} : memref<2x128x128xf32, #tpu.memory_space<vmem>>, vector<1x1x16xf32>,
        %parallel_loop3A_600 = arith.index_cast %select_n3A_212 : i32 to index
        %parallel_loop3A_601 = arith.index_cast %parallel_loop3A_563 : i32 to index
        %parallel_loop3A_602 = arith.constant 48 : index
        %parallel_loop3A_603 = tpu.vector_load %arg8[%parallel_loop3A_600, %parallel_loop3A_601, %parallel_loop3A_602] {strides = array<i32>} : memref<2x128x128xf32, #tpu.memory_space<vmem>>, vector<1x1x16xf32>,
        %parallel_loop3A_604 = vector.shape_cast %parallel_loop3A_603 : vector<1x1x16xf32> to vector<16xf32>
        %parallel_loop3A_605 = arith.mulf %parallel_loop3A_604, %parallel_loop3A_559 : vector<16xf32>
        %parallel_loop3A_606 = arith.index_cast %select_n3A_212 : i32 to index
        %parallel_loop3A_607 = arith.index_cast %parallel_loop3A_563 : i32 to index
        %parallel_loop3A_608 = arith.constant 48 : index
        %parallel_loop3A_609 = tpu.vector_load %arg8[%parallel_loop3A_606, %parallel_loop3A_607, %parallel_loop3A_608] {strides = array<i32>} : memref<2x128x128xf32, #tpu.memory_space<vmem>>, vector<1x1x16xf32>,
        %parallel_loop3A_610 = vector.shape_cast %parallel_loop3A_609 : vector<1x1x16xf32> to vector<16xf32>
        %parallel_loop3A_611 = vector.shape_cast %parallel_loop3A_605 : vector<16xf32> to vector<1x1x16xf32>
        tpu.vector_store %arg8[%parallel_loop3A_606, %parallel_loop3A_607, %parallel_loop3A_608], %parallel_loop3A_611 {strides = array<i32>} : memref<2x128x128xf32, #tpu.memory_space<vmem>>, vector<1x1x16xf32>,
        %parallel_loop3A_612 = arith.index_cast %select_n3A_212 : i32 to index
        %parallel_loop3A_613 = arith.index_cast %parallel_loop3A_563 : i32 to index
        %parallel_loop3A_614 = arith.constant 64 : index
        %parallel_loop3A_615 = tpu.vector_load %arg8[%parallel_loop3A_612, %parallel_loop3A_613, %parallel_loop3A_614] {strides = array<i32>} : memref<2x128x128xf32, #tpu.memory_space<vmem>>, vector<1x1x16xf32>,
        %parallel_loop3A_616 = vector.shape_cast %parallel_loop3A_615 : vector<1x1x16xf32> to vector<16xf32>
        %parallel_loop3A_617 = arith.mulf %parallel_loop3A_616, %parallel_loop3A_559 : vector<16xf32>
        %parallel_loop3A_618 = arith.index_cast %select_n3A_212 : i32 to index
        %parallel_loop3A_619 = arith.index_cast %parallel_loop3A_563 : i32 to index
        %parallel_loop3A_620 = arith.constant 64 : index
        %parallel_loop3A_621 = tpu.vector_load %arg8[%parallel_loop3A_618, %parallel_loop3A_619, %parallel_loop3A_620] {strides = array<i32>} : memref<2x128x128xf32, #tpu.memory_space<vmem>>, vector<1x1x16xf32>,
        %parallel_loop3A_622 = vector.shape_cast %parallel_loop3A_621 : vector<1x1x16xf32> to vector<16xf32>
        %parallel_loop3A_623 = vector.shape_cast %parallel_loop3A_617 : vector<16xf32> to vector<1x1x16xf32>
        tpu.vector_store %arg8[%parallel_loop3A_618, %parallel_loop3A_619, %parallel_loop3A_620], %parallel_loop3A_623 {strides = array<i32>} : memref<2x128x128xf32, #tpu.memory_space<vmem>>, vector<1x1x16xf32>,
        %parallel_loop3A_624 = arith.index_cast %select_n3A_212 : i32 to index
        %parallel_loop3A_625 = arith.index_cast %parallel_loop3A_563 : i32 to index
        %parallel_loop3A_626 = arith.constant 80 : index
        %parallel_loop3A_627 = tpu.vector_load %arg8[%parallel_loop3A_624, %parallel_loop3A_625, %parallel_loop3A_626] {strides = array<i32>} : memref<2x128x128xf32, #tpu.memory_space<vmem>>, vector<1x1x16xf32>,
        %parallel_loop3A_628 = vector.shape_cast %parallel_loop3A_627 : vector<1x1x16xf32> to vector<16xf32>
        %parallel_loop3A_629 = arith.mulf %parallel_loop3A_628, %parallel_loop3A_559 : vector<16xf32>
        %parallel_loop3A_630 = arith.index_cast %select_n3A_212 : i32 to index
        %parallel_loop3A_631 = arith.index_cast %parallel_loop3A_563 : i32 to index
        %parallel_loop3A_632 = arith.constant 80 : index
        %parallel_loop3A_633 = tpu.vector_load %arg8[%parallel_loop3A_630, %parallel_loop3A_631, %parallel_loop3A_632] {strides = array<i32>} : memref<2x128x128xf32, #tpu.memory_space<vmem>>, vector<1x1x16xf32>,
        %parallel_loop3A_634 = vector.shape_cast %parallel_loop3A_633 : vector<1x1x16xf32> to vector<16xf32>
        %parallel_loop3A_635 = vector.shape_cast %parallel_loop3A_629 : vector<16xf32> to vector<1x1x16xf32>
        tpu.vector_store %arg8[%parallel_loop3A_630, %parallel_loop3A_631, %parallel_loop3A_632], %parallel_loop3A_635 {strides = array<i32>} : memref<2x128x128xf32, #tpu.memory_space<vmem>>, vector<1x1x16xf32>,
        %parallel_loop3A_636 = arith.index_cast %select_n3A_212 : i32 to index
        %parallel_loop3A_637 = arith.index_cast %parallel_loop3A_563 : i32 to index
        %parallel_loop3A_638 = arith.constant 96 : index
        %parallel_loop3A_639 = tpu.vector_load %arg8[%parallel_loop3A_636, %parallel_loop3A_637, %parallel_loop3A_638] {strides = array<i32>} : memref<2x128x128xf32, #tpu.memory_space<vmem>>, vector<1x1x16xf32>,
        %parallel_loop3A_640 = vector.shape_cast %parallel_loop3A_639 : vector<1x1x16xf32> to vector<16xf32>
        %parallel_loop3A_641 = arith.mulf %parallel_loop3A_640, %parallel_loop3A_559 : vector<16xf32>
        %parallel_loop3A_642 = arith.index_cast %select_n3A_212 : i32 to index
        %parallel_loop3A_643 = arith.index_cast %parallel_loop3A_563 : i32 to index
        %parallel_loop3A_644 = arith.constant 96 : index
        %parallel_loop3A_645 = tpu.vector_load %arg8[%parallel_loop3A_642, %parallel_loop3A_643, %parallel_loop3A_644] {strides = array<i32>} : memref<2x128x128xf32, #tpu.memory_space<vmem>>, vector<1x1x16xf32>,
        %parallel_loop3A_646 = vector.shape_cast %parallel_loop3A_645 : vector<1x1x16xf32> to vector<16xf32>
        %parallel_loop3A_647 = vector.shape_cast %parallel_loop3A_641 : vector<16xf32> to vector<1x1x16xf32>
        tpu.vector_store %arg8[%parallel_loop3A_642, %parallel_loop3A_643, %parallel_loop3A_644], %parallel_loop3A_647 {strides = array<i32>} : memref<2x128x128xf32, #tpu.memory_space<vmem>>, vector<1x1x16xf32>,
        %parallel_loop3A_648 = arith.index_cast %select_n3A_212 : i32 to index
        %parallel_loop3A_649 = arith.index_cast %parallel_loop3A_563 : i32 to index
        %parallel_loop3A_650 = arith.constant 112 : index
        %parallel_loop3A_651 = tpu.vector_load %arg8[%parallel_loop3A_648, %parallel_loop3A_649, %parallel_loop3A_650] {strides = array<i32>} : memref<2x128x128xf32, #tpu.memory_space<vmem>>, vector<1x1x16xf32>,
        %parallel_loop3A_652 = vector.shape_cast %parallel_loop3A_651 : vector<1x1x16xf32> to vector<16xf32>
        %parallel_loop3A_653 = arith.mulf %parallel_loop3A_652, %parallel_loop3A_559 : vector<16xf32>
        %parallel_loop3A_654 = arith.index_cast %select_n3A_212 : i32 to index
        %parallel_loop3A_655 = arith.index_cast %parallel_loop3A_563 : i32 to index
        %parallel_loop3A_656 = arith.constant 112 : index
        %parallel_loop3A_657 = tpu.vector_load %arg8[%parallel_loop3A_654, %parallel_loop3A_655, %parallel_loop3A_656] {strides = array<i32>} : memref<2x128x128xf32, #tpu.memory_space<vmem>>, vector<1x1x16xf32>,
        %parallel_loop3A_658 = vector.shape_cast %parallel_loop3A_657 : vector<1x1x16xf32> to vector<16xf32>
        %parallel_loop3A_659 = vector.shape_cast %parallel_loop3A_653 : vector<16xf32> to vector<1x1x16xf32>
        tpu.vector_store %arg8[%parallel_loop3A_654, %parallel_loop3A_655, %parallel_loop3A_656], %parallel_loop3A_659 {strides = array<i32>} : memref<2x128x128xf32, #tpu.memory_space<vmem>>, vector<1x1x16xf32>,
        %parallel_loop3A_660 = vector.extract_strided_slice %parallel_loop3A_350 {offsets = [3], sizes = [1], strides = [1]} : vector<16xf32> to vector<1xf32>
        %parallel_loop3A_661 = vector.extract %parallel_loop3A_660[0] : f32 from vector<1xf32>
        %parallel_loop3A_662 = vector.broadcast %parallel_loop3A_661 : f32 to vector<16xf32>
        %parallel_loop3A_663 = arith.constant 16 : i32
        %parallel_loop3A_664 = arith.muli %parallel_loop3A_327, %parallel_loop3A_663 : i32
        %parallel_loop3A_665 = arith.constant 3 : i32
        %parallel_loop3A_666 = arith.addi %parallel_loop3A_664, %parallel_loop3A_665 : i32
        %parallel_loop3A_667 = arith.index_cast %select_n3A_212 : i32 to index
        %parallel_loop3A_668 = arith.index_cast %parallel_loop3A_666 : i32 to index
        %parallel_loop3A_669 = arith.constant 0 : index
        %parallel_loop3A_670 = tpu.vector_load %arg8[%parallel_loop3A_667, %parallel_loop3A_668, %parallel_loop3A_669] {strides = array<i32>} : memref<2x128x128xf32, #tpu.memory_space<vmem>>, vector<1x1x16xf32>,
        %parallel_loop3A_671 = vector.shape_cast %parallel_loop3A_670 : vector<1x1x16xf32> to vector<16xf32>
        %parallel_loop3A_672 = arith.mulf %parallel_loop3A_671, %parallel_loop3A_662 : vector<16xf32>
        %parallel_loop3A_673 = arith.index_cast %select_n3A_212 : i32 to index
        %parallel_loop3A_674 = arith.index_cast %parallel_loop3A_666 : i32 to index
        %parallel_loop3A_675 = arith.constant 0 : index
        %parallel_loop3A_676 = tpu.vector_load %arg8[%parallel_loop3A_673, %parallel_loop3A_674, %parallel_loop3A_675] {strides = array<i32>} : memref<2x128x128xf32, #tpu.memory_space<vmem>>, vector<1x1x16xf32>,
        %parallel_loop3A_677 = vector.shape_cast %parallel_loop3A_676 : vector<1x1x16xf32> to vector<16xf32>
        %parallel_loop3A_678 = vector.shape_cast %parallel_loop3A_672 : vector<16xf32> to vector<1x1x16xf32>
        tpu.vector_store %arg8[%parallel_loop3A_673, %parallel_loop3A_674, %parallel_loop3A_675], %parallel_loop3A_678 {strides = array<i32>} : memref<2x128x128xf32, #tpu.memory_space<vmem>>, vector<1x1x16xf32>,
        %parallel_loop3A_679 = arith.index_cast %select_n3A_212 : i32 to index
        %parallel_loop3A_680 = arith.index_cast %parallel_loop3A_666 : i32 to index
        %parallel_loop3A_681 = arith.constant 16 : index
        %parallel_loop3A_682 = tpu.vector_load %arg8[%parallel_loop3A_679, %parallel_loop3A_680, %parallel_loop3A_681] {strides = array<i32>} : memref<2x128x128xf32, #tpu.memory_space<vmem>>, vector<1x1x16xf32>,
        %parallel_loop3A_683 = vector.shape_cast %parallel_loop3A_682 : vector<1x1x16xf32> to vector<16xf32>
        %parallel_loop3A_684 = arith.mulf %parallel_loop3A_683, %parallel_loop3A_662 : vector<16xf32>
        %parallel_loop3A_685 = arith.index_cast %select_n3A_212 : i32 to index
        %parallel_loop3A_686 = arith.index_cast %parallel_loop3A_666 : i32 to index
        %parallel_loop3A_687 = arith.constant 16 : index
        %parallel_loop3A_688 = tpu.vector_load %arg8[%parallel_loop3A_685, %parallel_loop3A_686, %parallel_loop3A_687] {strides = array<i32>} : memref<2x128x128xf32, #tpu.memory_space<vmem>>, vector<1x1x16xf32>,
        %parallel_loop3A_689 = vector.shape_cast %parallel_loop3A_688 : vector<1x1x16xf32> to vector<16xf32>
        %parallel_loop3A_690 = vector.shape_cast %parallel_loop3A_684 : vector<16xf32> to vector<1x1x16xf32>
        tpu.vector_store %arg8[%parallel_loop3A_685, %parallel_loop3A_686, %parallel_loop3A_687], %parallel_loop3A_690 {strides = array<i32>} : memref<2x128x128xf32, #tpu.memory_space<vmem>>, vector<1x1x16xf32>,
        %parallel_loop3A_691 = arith.index_cast %select_n3A_212 : i32 to index
        %parallel_loop3A_692 = arith.index_cast %parallel_loop3A_666 : i32 to index
        %parallel_loop3A_693 = arith.constant 32 : index
        %parallel_loop3A_694 = tpu.vector_load %arg8[%parallel_loop3A_691, %parallel_loop3A_692, %parallel_loop3A_693] {strides = array<i32>} : memref<2x128x128xf32, #tpu.memory_space<vmem>>, vector<1x1x16xf32>,
        %parallel_loop3A_695 = vector.shape_cast %parallel_loop3A_694 : vector<1x1x16xf32> to vector<16xf32>
        %parallel_loop3A_696 = arith.mulf %parallel_loop3A_695, %parallel_loop3A_662 : vector<16xf32>
        %parallel_loop3A_697 = arith.index_cast %select_n3A_212 : i32 to index
        %parallel_loop3A_698 = arith.index_cast %parallel_loop3A_666 : i32 to index
        %parallel_loop3A_699 = arith.constant 32 : index
        %parallel_loop3A_700 = tpu.vector_load %arg8[%parallel_loop3A_697, %parallel_loop3A_698, %parallel_loop3A_699] {strides = array<i32>} : memref<2x128x128xf32, #tpu.memory_space<vmem>>, vector<1x1x16xf32>,
        %parallel_loop3A_701 = vector.shape_cast %parallel_loop3A_700 : vector<1x1x16xf32> to vector<16xf32>
        %parallel_loop3A_702 = vector.shape_cast %parallel_loop3A_696 : vector<16xf32> to vector<1x1x16xf32>
        tpu.vector_store %arg8[%parallel_loop3A_697, %parallel_loop3A_698, %parallel_loop3A_699], %parallel_loop3A_702 {strides = array<i32>} : memref<2x128x128xf32, #tpu.memory_space<vmem>>, vector<1x1x16xf32>,
        %parallel_loop3A_703 = arith.index_cast %select_n3A_212 : i32 to index
        %parallel_loop3A_704 = arith.index_cast %parallel_loop3A_666 : i32 to index
        %parallel_loop3A_705 = arith.constant 48 : index
        %parallel_loop3A_706 = tpu.vector_load %arg8[%parallel_loop3A_703, %parallel_loop3A_704, %parallel_loop3A_705] {strides = array<i32>} : memref<2x128x128xf32, #tpu.memory_space<vmem>>, vector<1x1x16xf32>,
        %parallel_loop3A_707 = vector.shape_cast %parallel_loop3A_706 : vector<1x1x16xf32> to vector<16xf32>
        %parallel_loop3A_708 = arith.mulf %parallel_loop3A_707, %parallel_loop3A_662 : vector<16xf32>
        %parallel_loop3A_709 = arith.index_cast %select_n3A_212 : i32 to index
        %parallel_loop3A_710 = arith.index_cast %parallel_loop3A_666 : i32 to index
        %parallel_loop3A_711 = arith.constant 48 : index
        %parallel_loop3A_712 = tpu.vector_load %arg8[%parallel_loop3A_709, %parallel_loop3A_710, %parallel_loop3A_711] {strides = array<i32>} : memref<2x128x128xf32, #tpu.memory_space<vmem>>, vector<1x1x16xf32>,
        %parallel_loop3A_713 = vector.shape_cast %parallel_loop3A_712 : vector<1x1x16xf32> to vector<16xf32>
        %parallel_loop3A_714 = vector.shape_cast %parallel_loop3A_708 : vector<16xf32> to vector<1x1x16xf32>
        tpu.vector_store %arg8[%parallel_loop3A_709, %parallel_loop3A_710, %parallel_loop3A_711], %parallel_loop3A_714 {strides = array<i32>} : memref<2x128x128xf32, #tpu.memory_space<vmem>>, vector<1x1x16xf32>,
        %parallel_loop3A_715 = arith.index_cast %select_n3A_212 : i32 to index
        %parallel_loop3A_716 = arith.index_cast %parallel_loop3A_666 : i32 to index
        %parallel_loop3A_717 = arith.constant 64 : index
        %parallel_loop3A_718 = tpu.vector_load %arg8[%parallel_loop3A_715, %parallel_loop3A_716, %parallel_loop3A_717] {strides = array<i32>} : memref<2x128x128xf32, #tpu.memory_space<vmem>>, vector<1x1x16xf32>,
        %parallel_loop3A_719 = vector.shape_cast %parallel_loop3A_718 : vector<1x1x16xf32> to vector<16xf32>
        %parallel_loop3A_720 = arith.mulf %parallel_loop3A_719, %parallel_loop3A_662 : vector<16xf32>
        %parallel_loop3A_721 = arith.index_cast %select_n3A_212 : i32 to index
        %parallel_loop3A_722 = arith.index_cast %parallel_loop3A_666 : i32 to index
        %parallel_loop3A_723 = arith.constant 64 : index
        %parallel_loop3A_724 = tpu.vector_load %arg8[%parallel_loop3A_721, %parallel_loop3A_722, %parallel_loop3A_723] {strides = array<i32>} : memref<2x128x128xf32, #tpu.memory_space<vmem>>, vector<1x1x16xf32>,
        %parallel_loop3A_725 = vector.shape_cast %parallel_loop3A_724 : vector<1x1x16xf32> to vector<16xf32>
        %parallel_loop3A_726 = vector.shape_cast %parallel_loop3A_720 : vector<16xf32> to vector<1x1x16xf32>
        tpu.vector_store %arg8[%parallel_loop3A_721, %parallel_loop3A_722, %parallel_loop3A_723], %parallel_loop3A_726 {strides = array<i32>} : memref<2x128x128xf32, #tpu.memory_space<vmem>>, vector<1x1x16xf32>,
        %parallel_loop3A_727 = arith.index_cast %select_n3A_212 : i32 to index
        %parallel_loop3A_728 = arith.index_cast %parallel_loop3A_666 : i32 to index
        %parallel_loop3A_729 = arith.constant 80 : index
        %parallel_loop3A_730 = tpu.vector_load %arg8[%parallel_loop3A_727, %parallel_loop3A_728, %parallel_loop3A_729] {strides = array<i32>} : memref<2x128x128xf32, #tpu.memory_space<vmem>>, vector<1x1x16xf32>,
        %parallel_loop3A_731 = vector.shape_cast %parallel_loop3A_730 : vector<1x1x16xf32> to vector<16xf32>
        %parallel_loop3A_732 = arith.mulf %parallel_loop3A_731, %parallel_loop3A_662 : vector<16xf32>
        %parallel_loop3A_733 = arith.index_cast %select_n3A_212 : i32 to index
        %parallel_loop3A_734 = arith.index_cast %parallel_loop3A_666 : i32 to index
        %parallel_loop3A_735 = arith.constant 80 : index
        %parallel_loop3A_736 = tpu.vector_load %arg8[%parallel_loop3A_733, %parallel_loop3A_734, %parallel_loop3A_735] {strides = array<i32>} : memref<2x128x128xf32, #tpu.memory_space<vmem>>, vector<1x1x16xf32>,
        %parallel_loop3A_737 = vector.shape_cast %parallel_loop3A_736 : vector<1x1x16xf32> to vector<16xf32>
        %parallel_loop3A_738 = vector.shape_cast %parallel_loop3A_732 : vector<16xf32> to vector<1x1x16xf32>
        tpu.vector_store %arg8[%parallel_loop3A_733, %parallel_loop3A_734, %parallel_loop3A_735], %parallel_loop3A_738 {strides = array<i32>} : memref<2x128x128xf32, #tpu.memory_space<vmem>>, vector<1x1x16xf32>,
        %parallel_loop3A_739 = arith.index_cast %select_n3A_212 : i32 to index
        %parallel_loop3A_740 = arith.index_cast %parallel_loop3A_666 : i32 to index
        %parallel_loop3A_741 = arith.constant 96 : index
        %parallel_loop3A_742 = tpu.vector_load %arg8[%parallel_loop3A_739, %parallel_loop3A_740, %parallel_loop3A_741] {strides = array<i32>} : memref<2x128x128xf32, #tpu.memory_space<vmem>>, vector<1x1x16xf32>,
        %parallel_loop3A_743 = vector.shape_cast %parallel_loop3A_742 : vector<1x1x16xf32> to vector<16xf32>
        %parallel_loop3A_744 = arith.mulf %parallel_loop3A_743, %parallel_loop3A_662 : vector<16xf32>
        %parallel_loop3A_745 = arith.index_cast %select_n3A_212 : i32 to index
        %parallel_loop3A_746 = arith.index_cast %parallel_loop3A_666 : i32 to index
        %parallel_loop3A_747 = arith.constant 96 : index
        %parallel_loop3A_748 = tpu.vector_load %arg8[%parallel_loop3A_745, %parallel_loop3A_746, %parallel_loop3A_747] {strides = array<i32>} : memref<2x128x128xf32, #tpu.memory_space<vmem>>, vector<1x1x16xf32>,
        %parallel_loop3A_749 = vector.shape_cast %parallel_loop3A_748 : vector<1x1x16xf32> to vector<16xf32>
        %parallel_loop3A_750 = vector.shape_cast %parallel_loop3A_744 : vector<16xf32> to vector<1x1x16xf32>
        tpu.vector_store %arg8[%parallel_loop3A_745, %parallel_loop3A_746, %parallel_loop3A_747], %parallel_loop3A_750 {strides = array<i32>} : memref<2x128x128xf32, #tpu.memory_space<vmem>>, vector<1x1x16xf32>,
        %parallel_loop3A_751 = arith.index_cast %select_n3A_212 : i32 to index
        %parallel_loop3A_752 = arith.index_cast %parallel_loop3A_666 : i32 to index
        %parallel_loop3A_753 = arith.constant 112 : index
        %parallel_loop3A_754 = tpu.vector_load %arg8[%parallel_loop3A_751, %parallel_loop3A_752, %parallel_loop3A_753] {strides = array<i32>} : memref<2x128x128xf32, #tpu.memory_space<vmem>>, vector<1x1x16xf32>,
        %parallel_loop3A_755 = vector.shape_cast %parallel_loop3A_754 : vector<1x1x16xf32> to vector<16xf32>
        %parallel_loop3A_756 = arith.mulf %parallel_loop3A_755, %parallel_loop3A_662 : vector<16xf32>
        %parallel_loop3A_757 = arith.index_cast %select_n3A_212 : i32 to index
        %parallel_loop3A_758 = arith.index_cast %parallel_loop3A_666 : i32 to index
        %parallel_loop3A_759 = arith.constant 112 : index
        %parallel_loop3A_760 = tpu.vector_load %arg8[%parallel_loop3A_757, %parallel_loop3A_758, %parallel_loop3A_759] {strides = array<i32>} : memref<2x128x128xf32, #tpu.memory_space<vmem>>, vector<1x1x16xf32>,
        %parallel_loop3A_761 = vector.shape_cast %parallel_loop3A_760 : vector<1x1x16xf32> to vector<16xf32>
        %parallel_loop3A_762 = vector.shape_cast %parallel_loop3A_756 : vector<16xf32> to vector<1x1x16xf32>
        tpu.vector_store %arg8[%parallel_loop3A_757, %parallel_loop3A_758, %parallel_loop3A_759], %parallel_loop3A_762 {strides = array<i32>} : memref<2x128x128xf32, #tpu.memory_space<vmem>>, vector<1x1x16xf32>,
        %parallel_loop3A_763 = vector.extract_strided_slice %parallel_loop3A_350 {offsets = [4], sizes = [1], strides = [1]} : vector<16xf32> to vector<1xf32>
        %parallel_loop3A_764 = vector.extract %parallel_loop3A_763[0] : f32 from vector<1xf32>
        %parallel_loop3A_765 = vector.broadcast %parallel_loop3A_764 : f32 to vector<16xf32>
        %parallel_loop3A_766 = arith.constant 16 : i32
        %parallel_loop3A_767 = arith.muli %parallel_loop3A_327, %parallel_loop3A_766 : i32
        %parallel_loop3A_768 = arith.constant 4 : i32
        %parallel_loop3A_769 = arith.addi %parallel_loop3A_767, %parallel_loop3A_768 : i32
        %parallel_loop3A_770 = arith.index_cast %select_n3A_212 : i32 to index
        %parallel_loop3A_771 = arith.index_cast %parallel_loop3A_769 : i32 to index
        %parallel_loop3A_772 = arith.constant 0 : index
        %parallel_loop3A_773 = tpu.vector_load %arg8[%parallel_loop3A_770, %parallel_loop3A_771, %parallel_loop3A_772] {strides = array<i32>} : memref<2x128x128xf32, #tpu.memory_space<vmem>>, vector<1x1x16xf32>,
        %parallel_loop3A_774 = vector.shape_cast %parallel_loop3A_773 : vector<1x1x16xf32> to vector<16xf32>
        %parallel_loop3A_775 = arith.mulf %parallel_loop3A_774, %parallel_loop3A_765 : vector<16xf32>
        %parallel_loop3A_776 = arith.index_cast %select_n3A_212 : i32 to index
        %parallel_loop3A_777 = arith.index_cast %parallel_loop3A_769 : i32 to index
        %parallel_loop3A_778 = arith.constant 0 : index
        %parallel_loop3A_779 = tpu.vector_load %arg8[%parallel_loop3A_776, %parallel_loop3A_777, %parallel_loop3A_778] {strides = array<i32>} : memref<2x128x128xf32, #tpu.memory_space<vmem>>, vector<1x1x16xf32>,
        %parallel_loop3A_780 = vector.shape_cast %parallel_loop3A_779 : vector<1x1x16xf32> to vector<16xf32>
        %parallel_loop3A_781 = vector.shape_cast %parallel_loop3A_775 : vector<16xf32> to vector<1x1x16xf32>
        tpu.vector_store %arg8[%parallel_loop3A_776, %parallel_loop3A_777, %parallel_loop3A_778], %parallel_loop3A_781 {strides = array<i32>} : memref<2x128x128xf32, #tpu.memory_space<vmem>>, vector<1x1x16xf32>,
        %parallel_loop3A_782 = arith.index_cast %select_n3A_212 : i32 to index
        %parallel_loop3A_783 = arith.index_cast %parallel_loop3A_769 : i32 to index
        %parallel_loop3A_784 = arith.constant 16 : index
        %parallel_loop3A_785 = tpu.vector_load %arg8[%parallel_loop3A_782, %parallel_loop3A_783, %parallel_loop3A_784] {strides = array<i32>} : memref<2x128x128xf32, #tpu.memory_space<vmem>>, vector<1x1x16xf32>,
        %parallel_loop3A_786 = vector.shape_cast %parallel_loop3A_785 : vector<1x1x16xf32> to vector<16xf32>
        %parallel_loop3A_787 = arith.mulf %parallel_loop3A_786, %parallel_loop3A_765 : vector<16xf32>
        %parallel_loop3A_788 = arith.index_cast %select_n3A_212 : i32 to index
        %parallel_loop3A_789 = arith.index_cast %parallel_loop3A_769 : i32 to index
        %parallel_loop3A_790 = arith.constant 16 : index
        %parallel_loop3A_791 = tpu.vector_load %arg8[%parallel_loop3A_788, %parallel_loop3A_789, %parallel_loop3A_790] {strides = array<i32>} : memref<2x128x128xf32, #tpu.memory_space<vmem>>, vector<1x1x16xf32>,
        %parallel_loop3A_792 = vector.shape_cast %parallel_loop3A_791 : vector<1x1x16xf32> to vector<16xf32>
        %parallel_loop3A_793 = vector.shape_cast %parallel_loop3A_787 : vector<16xf32> to vector<1x1x16xf32>
        tpu.vector_store %arg8[%parallel_loop3A_788, %parallel_loop3A_789, %parallel_loop3A_790], %parallel_loop3A_793 {strides = array<i32>} : memref<2x128x128xf32, #tpu.memory_space<vmem>>, vector<1x1x16xf32>,
        %parallel_loop3A_794 = arith.index_cast %select_n3A_212 : i32 to index
        %parallel_loop3A_795 = arith.index_cast %parallel_loop3A_769 : i32 to index
        %parallel_loop3A_796 = arith.constant 32 : index
        %parallel_loop3A_797 = tpu.vector_load %arg8[%parallel_loop3A_794, %parallel_loop3A_795, %parallel_loop3A_796] {strides = array<i32>} : memref<2x128x128xf32, #tpu.memory_space<vmem>>, vector<1x1x16xf32>,
        %parallel_loop3A_798 = vector.shape_cast %parallel_loop3A_797 : vector<1x1x16xf32> to vector<16xf32>
        %parallel_loop3A_799 = arith.mulf %parallel_loop3A_798, %parallel_loop3A_765 : vector<16xf32>
        %parallel_loop3A_800 = arith.index_cast %select_n3A_212 : i32 to index
        %parallel_loop3A_801 = arith.index_cast %parallel_loop3A_769 : i32 to index
        %parallel_loop3A_802 = arith.constant 32 : index
        %parallel_loop3A_803 = tpu.vector_load %arg8[%parallel_loop3A_800, %parallel_loop3A_801, %parallel_loop3A_802] {strides = array<i32>} : memref<2x128x128xf32, #tpu.memory_space<vmem>>, vector<1x1x16xf32>,
        %parallel_loop3A_804 = vector.shape_cast %parallel_loop3A_803 : vector<1x1x16xf32> to vector<16xf32>
        %parallel_loop3A_805 = vector.shape_cast %parallel_loop3A_799 : vector<16xf32> to vector<1x1x16xf32>
        tpu.vector_store %arg8[%parallel_loop3A_800, %parallel_loop3A_801, %parallel_loop3A_802], %parallel_loop3A_805 {strides = array<i32>} : memref<2x128x128xf32, #tpu.memory_space<vmem>>, vector<1x1x16xf32>,
        %parallel_loop3A_806 = arith.index_cast %select_n3A_212 : i32 to index
        %parallel_loop3A_807 = arith.index_cast %parallel_loop3A_769 : i32 to index
        %parallel_loop3A_808 = arith.constant 48 : index
        %parallel_loop3A_809 = tpu.vector_load %arg8[%parallel_loop3A_806, %parallel_loop3A_807, %parallel_loop3A_808] {strides = array<i32>} : memref<2x128x128xf32, #tpu.memory_space<vmem>>, vector<1x1x16xf32>,
        %parallel_loop3A_810 = vector.shape_cast %parallel_loop3A_809 : vector<1x1x16xf32> to vector<16xf32>
        %parallel_loop3A_811 = arith.mulf %parallel_loop3A_810, %parallel_loop3A_765 : vector<16xf32>
        %parallel_loop3A_812 = arith.index_cast %select_n3A_212 : i32 to index
        %parallel_loop3A_813 = arith.index_cast %parallel_loop3A_769 : i32 to index
        %parallel_loop3A_814 = arith.constant 48 : index
        %parallel_loop3A_815 = tpu.vector_load %arg8[%parallel_loop3A_812, %parallel_loop3A_813, %parallel_loop3A_814] {strides = array<i32>} : memref<2x128x128xf32, #tpu.memory_space<vmem>>, vector<1x1x16xf32>,
        %parallel_loop3A_816 = vector.shape_cast %parallel_loop3A_815 : vector<1x1x16xf32> to vector<16xf32>
        %parallel_loop3A_817 = vector.shape_cast %parallel_loop3A_811 : vector<16xf32> to vector<1x1x16xf32>
        tpu.vector_store %arg8[%parallel_loop3A_812, %parallel_loop3A_813, %parallel_loop3A_814], %parallel_loop3A_817 {strides = array<i32>} : memref<2x128x128xf32, #tpu.memory_space<vmem>>, vector<1x1x16xf32>,
        %parallel_loop3A_818 = arith.index_cast %select_n3A_212 : i32 to index
        %parallel_loop3A_819 = arith.index_cast %parallel_loop3A_769 : i32 to index
        %parallel_loop3A_820 = arith.constant 64 : index
        %parallel_loop3A_821 = tpu.vector_load %arg8[%parallel_loop3A_818, %parallel_loop3A_819, %parallel_loop3A_820] {strides = array<i32>} : memref<2x128x128xf32, #tpu.memory_space<vmem>>, vector<1x1x16xf32>,
        %parallel_loop3A_822 = vector.shape_cast %parallel_loop3A_821 : vector<1x1x16xf32> to vector<16xf32>
        %parallel_loop3A_823 = arith.mulf %parallel_loop3A_822, %parallel_loop3A_765 : vector<16xf32>
        %parallel_loop3A_824 = arith.index_cast %select_n3A_212 : i32 to index
        %parallel_loop3A_825 = arith.index_cast %parallel_loop3A_769 : i32 to index
        %parallel_loop3A_826 = arith.constant 64 : index
        %parallel_loop3A_827 = tpu.vector_load %arg8[%parallel_loop3A_824, %parallel_loop3A_825, %parallel_loop3A_826] {strides = array<i32>} : memref<2x128x128xf32, #tpu.memory_space<vmem>>, vector<1x1x16xf32>,
        %parallel_loop3A_828 = vector.shape_cast %parallel_loop3A_827 : vector<1x1x16xf32> to vector<16xf32>
        %parallel_loop3A_829 = vector.shape_cast %parallel_loop3A_823 : vector<16xf32> to vector<1x1x16xf32>
        tpu.vector_store %arg8[%parallel_loop3A_824, %parallel_loop3A_825, %parallel_loop3A_826], %parallel_loop3A_829 {strides = array<i32>} : memref<2x128x128xf32, #tpu.memory_space<vmem>>, vector<1x1x16xf32>,
        %parallel_loop3A_830 = arith.index_cast %select_n3A_212 : i32 to index
        %parallel_loop3A_831 = arith.index_cast %parallel_loop3A_769 : i32 to index
        %parallel_loop3A_832 = arith.constant 80 : index
        %parallel_loop3A_833 = tpu.vector_load %arg8[%parallel_loop3A_830, %parallel_loop3A_831, %parallel_loop3A_832] {strides = array<i32>} : memref<2x128x128xf32, #tpu.memory_space<vmem>>, vector<1x1x16xf32>,
        %parallel_loop3A_834 = vector.shape_cast %parallel_loop3A_833 : vector<1x1x16xf32> to vector<16xf32>
        %parallel_loop3A_835 = arith.mulf %parallel_loop3A_834, %parallel_loop3A_765 : vector<16xf32>
        %parallel_loop3A_836 = arith.index_cast %select_n3A_212 : i32 to index
        %parallel_loop3A_837 = arith.index_cast %parallel_loop3A_769 : i32 to index
        %parallel_loop3A_838 = arith.constant 80 : index
        %parallel_loop3A_839 = tpu.vector_load %arg8[%parallel_loop3A_836, %parallel_loop3A_837, %parallel_loop3A_838] {strides = array<i32>} : memref<2x128x128xf32, #tpu.memory_space<vmem>>, vector<1x1x16xf32>,
        %parallel_loop3A_840 = vector.shape_cast %parallel_loop3A_839 : vector<1x1x16xf32> to vector<16xf32>
        %parallel_loop3A_841 = vector.shape_cast %parallel_loop3A_835 : vector<16xf32> to vector<1x1x16xf32>
        tpu.vector_store %arg8[%parallel_loop3A_836, %parallel_loop3A_837, %parallel_loop3A_838], %parallel_loop3A_841 {strides = array<i32>} : memref<2x128x128xf32, #tpu.memory_space<vmem>>, vector<1x1x16xf32>,
        %parallel_loop3A_842 = arith.index_cast %select_n3A_212 : i32 to index
        %parallel_loop3A_843 = arith.index_cast %parallel_loop3A_769 : i32 to index
        %parallel_loop3A_844 = arith.constant 96 : index
        %parallel_loop3A_845 = tpu.vector_load %arg8[%parallel_loop3A_842, %parallel_loop3A_843, %parallel_loop3A_844] {strides = array<i32>} : memref<2x128x128xf32, #tpu.memory_space<vmem>>, vector<1x1x16xf32>,
        %parallel_loop3A_846 = vector.shape_cast %parallel_loop3A_845 : vector<1x1x16xf32> to vector<16xf32>
        %parallel_loop3A_847 = arith.mulf %parallel_loop3A_846, %parallel_loop3A_765 : vector<16xf32>
        %parallel_loop3A_848 = arith.index_cast %select_n3A_212 : i32 to index
        %parallel_loop3A_849 = arith.index_cast %parallel_loop3A_769 : i32 to index
        %parallel_loop3A_850 = arith.constant 96 : index
        %parallel_loop3A_851 = tpu.vector_load %arg8[%parallel_loop3A_848, %parallel_loop3A_849, %parallel_loop3A_850] {strides = array<i32>} : memref<2x128x128xf32, #tpu.memory_space<vmem>>, vector<1x1x16xf32>,
        %parallel_loop3A_852 = vector.shape_cast %parallel_loop3A_851 : vector<1x1x16xf32> to vector<16xf32>
        %parallel_loop3A_853 = vector.shape_cast %parallel_loop3A_847 : vector<16xf32> to vector<1x1x16xf32>
        tpu.vector_store %arg8[%parallel_loop3A_848, %parallel_loop3A_849, %parallel_loop3A_850], %parallel_loop3A_853 {strides = array<i32>} : memref<2x128x128xf32, #tpu.memory_space<vmem>>, vector<1x1x16xf32>,
        %parallel_loop3A_854 = arith.index_cast %select_n3A_212 : i32 to index
        %parallel_loop3A_855 = arith.index_cast %parallel_loop3A_769 : i32 to index
        %parallel_loop3A_856 = arith.constant 112 : index
        %parallel_loop3A_857 = tpu.vector_load %arg8[%parallel_loop3A_854, %parallel_loop3A_855, %parallel_loop3A_856] {strides = array<i32>} : memref<2x128x128xf32, #tpu.memory_space<vmem>>, vector<1x1x16xf32>,
        %parallel_loop3A_858 = vector.shape_cast %parallel_loop3A_857 : vector<1x1x16xf32> to vector<16xf32>
        %parallel_loop3A_859 = arith.mulf %parallel_loop3A_858, %parallel_loop3A_765 : vector<16xf32>
        %parallel_loop3A_860 = arith.index_cast %select_n3A_212 : i32 to index
        %parallel_loop3A_861 = arith.index_cast %parallel_loop3A_769 : i32 to index
        %parallel_loop3A_862 = arith.constant 112 : index
        %parallel_loop3A_863 = tpu.vector_load %arg8[%parallel_loop3A_860, %parallel_loop3A_861, %parallel_loop3A_862] {strides = array<i32>} : memref<2x128x128xf32, #tpu.memory_space<vmem>>, vector<1x1x16xf32>,
        %parallel_loop3A_864 = vector.shape_cast %parallel_loop3A_863 : vector<1x1x16xf32> to vector<16xf32>
        %parallel_loop3A_865 = vector.shape_cast %parallel_loop3A_859 : vector<16xf32> to vector<1x1x16xf32>
        tpu.vector_store %arg8[%parallel_loop3A_860, %parallel_loop3A_861, %parallel_loop3A_862], %parallel_loop3A_865 {strides = array<i32>} : memref<2x128x128xf32, #tpu.memory_space<vmem>>, vector<1x1x16xf32>,
        %parallel_loop3A_866 = vector.extract_strided_slice %parallel_loop3A_350 {offsets = [5], sizes = [1], strides = [1]} : vector<16xf32> to vector<1xf32>
        %parallel_loop3A_867 = vector.extract %parallel_loop3A_866[0] : f32 from vector<1xf32>
        %parallel_loop3A_868 = vector.broadcast %parallel_loop3A_867 : f32 to vector<16xf32>
        %parallel_loop3A_869 = arith.constant 16 : i32
        %parallel_loop3A_870 = arith.muli %parallel_loop3A_327, %parallel_loop3A_869 : i32
        %parallel_loop3A_871 = arith.constant 5 : i32
        %parallel_loop3A_872 = arith.addi %parallel_loop3A_870, %parallel_loop3A_871 : i32
        %parallel_loop3A_873 = arith.index_cast %select_n3A_212 : i32 to index
        %parallel_loop3A_874 = arith.index_cast %parallel_loop3A_872 : i32 to index
        %parallel_loop3A_875 = arith.constant 0 : index
        %parallel_loop3A_876 = tpu.vector_load %arg8[%parallel_loop3A_873, %parallel_loop3A_874, %parallel_loop3A_875] {strides = array<i32>} : memref<2x128x128xf32, #tpu.memory_space<vmem>>, vector<1x1x16xf32>,
        %parallel_loop3A_877 = vector.shape_cast %parallel_loop3A_876 : vector<1x1x16xf32> to vector<16xf32>
        %parallel_loop3A_878 = arith.mulf %parallel_loop3A_877, %parallel_loop3A_868 : vector<16xf32>
        %parallel_loop3A_879 = arith.index_cast %select_n3A_212 : i32 to index
        %parallel_loop3A_880 = arith.index_cast %parallel_loop3A_872 : i32 to index
        %parallel_loop3A_881 = arith.constant 0 : index
        %parallel_loop3A_882 = tpu.vector_load %arg8[%parallel_loop3A_879, %parallel_loop3A_880, %parallel_loop3A_881] {strides = array<i32>} : memref<2x128x128xf32, #tpu.memory_space<vmem>>, vector<1x1x16xf32>,
        %parallel_loop3A_883 = vector.shape_cast %parallel_loop3A_882 : vector<1x1x16xf32> to vector<16xf32>
        %parallel_loop3A_884 = vector.shape_cast %parallel_loop3A_878 : vector<16xf32> to vector<1x1x16xf32>
        tpu.vector_store %arg8[%parallel_loop3A_879, %parallel_loop3A_880, %parallel_loop3A_881], %parallel_loop3A_884 {strides = array<i32>} : memref<2x128x128xf32, #tpu.memory_space<vmem>>, vector<1x1x16xf32>,
        %parallel_loop3A_885 = arith.index_cast %select_n3A_212 : i32 to index
        %parallel_loop3A_886 = arith.index_cast %parallel_loop3A_872 : i32 to index
        %parallel_loop3A_887 = arith.constant 16 : index
        %parallel_loop3A_888 = tpu.vector_load %arg8[%parallel_loop3A_885, %parallel_loop3A_886, %parallel_loop3A_887] {strides = array<i32>} : memref<2x128x128xf32, #tpu.memory_space<vmem>>, vector<1x1x16xf32>,
        %parallel_loop3A_889 = vector.shape_cast %parallel_loop3A_888 : vector<1x1x16xf32> to vector<16xf32>
        %parallel_loop3A_890 = arith.mulf %parallel_loop3A_889, %parallel_loop3A_868 : vector<16xf32>
        %parallel_loop3A_891 = arith.index_cast %select_n3A_212 : i32 to index
        %parallel_loop3A_892 = arith.index_cast %parallel_loop3A_872 : i32 to index
        %parallel_loop3A_893 = arith.constant 16 : index
        %parallel_loop3A_894 = tpu.vector_load %arg8[%parallel_loop3A_891, %parallel_loop3A_892, %parallel_loop3A_893] {strides = array<i32>} : memref<2x128x128xf32, #tpu.memory_space<vmem>>, vector<1x1x16xf32>,
        %parallel_loop3A_895 = vector.shape_cast %parallel_loop3A_894 : vector<1x1x16xf32> to vector<16xf32>
        %parallel_loop3A_896 = vector.shape_cast %parallel_loop3A_890 : vector<16xf32> to vector<1x1x16xf32>
        tpu.vector_store %arg8[%parallel_loop3A_891, %parallel_loop3A_892, %parallel_loop3A_893], %parallel_loop3A_896 {strides = array<i32>} : memref<2x128x128xf32, #tpu.memory_space<vmem>>, vector<1x1x16xf32>,
        %parallel_loop3A_897 = arith.index_cast %select_n3A_212 : i32 to index
        %parallel_loop3A_898 = arith.index_cast %parallel_loop3A_872 : i32 to index
        %parallel_loop3A_899 = arith.constant 32 : index
        %parallel_loop3A_900 = tpu.vector_load %arg8[%parallel_loop3A_897, %parallel_loop3A_898, %parallel_loop3A_899] {strides = array<i32>} : memref<2x128x128xf32, #tpu.memory_space<vmem>>, vector<1x1x16xf32>,
        %parallel_loop3A_901 = vector.shape_cast %parallel_loop3A_900 : vector<1x1x16xf32> to vector<16xf32>
        %parallel_loop3A_902 = arith.mulf %parallel_loop3A_901, %parallel_loop3A_868 : vector<16xf32>
        %parallel_loop3A_903 = arith.index_cast %select_n3A_212 : i32 to index
        %parallel_loop3A_904 = arith.index_cast %parallel_loop3A_872 : i32 to index
        %parallel_loop3A_905 = arith.constant 32 : index
        %parallel_loop3A_906 = tpu.vector_load %arg8[%parallel_loop3A_903, %parallel_loop3A_904, %parallel_loop3A_905] {strides = array<i32>} : memref<2x128x128xf32, #tpu.memory_space<vmem>>, vector<1x1x16xf32>,
        %parallel_loop3A_907 = vector.shape_cast %parallel_loop3A_906 : vector<1x1x16xf32> to vector<16xf32>
        %parallel_loop3A_908 = vector.shape_cast %parallel_loop3A_902 : vector<16xf32> to vector<1x1x16xf32>
        tpu.vector_store %arg8[%parallel_loop3A_903, %parallel_loop3A_904, %parallel_loop3A_905], %parallel_loop3A_908 {strides = array<i32>} : memref<2x128x128xf32, #tpu.memory_space<vmem>>, vector<1x1x16xf32>,
        %parallel_loop3A_909 = arith.index_cast %select_n3A_212 : i32 to index
        %parallel_loop3A_910 = arith.index_cast %parallel_loop3A_872 : i32 to index
        %parallel_loop3A_911 = arith.constant 48 : index
        %parallel_loop3A_912 = tpu.vector_load %arg8[%parallel_loop3A_909, %parallel_loop3A_910, %parallel_loop3A_911] {strides = array<i32>} : memref<2x128x128xf32, #tpu.memory_space<vmem>>, vector<1x1x16xf32>,
        %parallel_loop3A_913 = vector.shape_cast %parallel_loop3A_912 : vector<1x1x16xf32> to vector<16xf32>
        %parallel_loop3A_914 = arith.mulf %parallel_loop3A_913, %parallel_loop3A_868 : vector<16xf32>
        %parallel_loop3A_915 = arith.index_cast %select_n3A_212 : i32 to index
        %parallel_loop3A_916 = arith.index_cast %parallel_loop3A_872 : i32 to index
        %parallel_loop3A_917 = arith.constant 48 : index
        %parallel_loop3A_918 = tpu.vector_load %arg8[%parallel_loop3A_915, %parallel_loop3A_916, %parallel_loop3A_917] {strides = array<i32>} : memref<2x128x128xf32, #tpu.memory_space<vmem>>, vector<1x1x16xf32>,
        %parallel_loop3A_919 = vector.shape_cast %parallel_loop3A_918 : vector<1x1x16xf32> to vector<16xf32>
        %parallel_loop3A_920 = vector.shape_cast %parallel_loop3A_914 : vector<16xf32> to vector<1x1x16xf32>
        tpu.vector_store %arg8[%parallel_loop3A_915, %parallel_loop3A_916, %parallel_loop3A_917], %parallel_loop3A_920 {strides = array<i32>} : memref<2x128x128xf32, #tpu.memory_space<vmem>>, vector<1x1x16xf32>,
        %parallel_loop3A_921 = arith.index_cast %select_n3A_212 : i32 to index
        %parallel_loop3A_922 = arith.index_cast %parallel_loop3A_872 : i32 to index
        %parallel_loop3A_923 = arith.constant 64 : index
        %parallel_loop3A_924 = tpu.vector_load %arg8[%parallel_loop3A_921, %parallel_loop3A_922, %parallel_loop3A_923] {strides = array<i32>} : memref<2x128x128xf32, #tpu.memory_space<vmem>>, vector<1x1x16xf32>,
        %parallel_loop3A_925 = vector.shape_cast %parallel_loop3A_924 : vector<1x1x16xf32> to vector<16xf32>
        %parallel_loop3A_926 = arith.mulf %parallel_loop3A_925, %parallel_loop3A_868 : vector<16xf32>
        %parallel_loop3A_927 = arith.index_cast %select_n3A_212 : i32 to index
        %parallel_loop3A_928 = arith.index_cast %parallel_loop3A_872 : i32 to index
        %parallel_loop3A_929 = arith.constant 64 : index
        %parallel_loop3A_930 = tpu.vector_load %arg8[%parallel_loop3A_927, %parallel_loop3A_928, %parallel_loop3A_929] {strides = array<i32>} : memref<2x128x128xf32, #tpu.memory_space<vmem>>, vector<1x1x16xf32>,
        %parallel_loop3A_931 = vector.shape_cast %parallel_loop3A_930 : vector<1x1x16xf32> to vector<16xf32>
        %parallel_loop3A_932 = vector.shape_cast %parallel_loop3A_926 : vector<16xf32> to vector<1x1x16xf32>
        tpu.vector_store %arg8[%parallel_loop3A_927, %parallel_loop3A_928, %parallel_loop3A_929], %parallel_loop3A_932 {strides = array<i32>} : memref<2x128x128xf32, #tpu.memory_space<vmem>>, vector<1x1x16xf32>,
        %parallel_loop3A_933 = arith.index_cast %select_n3A_212 : i32 to index
        %parallel_loop3A_934 = arith.index_cast %parallel_loop3A_872 : i32 to index
        %parallel_loop3A_935 = arith.constant 80 : index
        %parallel_loop3A_936 = tpu.vector_load %arg8[%parallel_loop3A_933, %parallel_loop3A_934, %parallel_loop3A_935] {strides = array<i32>} : memref<2x128x128xf32, #tpu.memory_space<vmem>>, vector<1x1x16xf32>,
        %parallel_loop3A_937 = vector.shape_cast %parallel_loop3A_936 : vector<1x1x16xf32> to vector<16xf32>
        %parallel_loop3A_938 = arith.mulf %parallel_loop3A_937, %parallel_loop3A_868 : vector<16xf32>
        %parallel_loop3A_939 = arith.index_cast %select_n3A_212 : i32 to index
        %parallel_loop3A_940 = arith.index_cast %parallel_loop3A_872 : i32 to index
        %parallel_loop3A_941 = arith.constant 80 : index
        %parallel_loop3A_942 = tpu.vector_load %arg8[%parallel_loop3A_939, %parallel_loop3A_940, %parallel_loop3A_941] {strides = array<i32>} : memref<2x128x128xf32, #tpu.memory_space<vmem>>, vector<1x1x16xf32>,
        %parallel_loop3A_943 = vector.shape_cast %parallel_loop3A_942 : vector<1x1x16xf32> to vector<16xf32>
        %parallel_loop3A_944 = vector.shape_cast %parallel_loop3A_938 : vector<16xf32> to vector<1x1x16xf32>
        tpu.vector_store %arg8[%parallel_loop3A_939, %parallel_loop3A_940, %parallel_loop3A_941], %parallel_loop3A_944 {strides = array<i32>} : memref<2x128x128xf32, #tpu.memory_space<vmem>>, vector<1x1x16xf32>,
        %parallel_loop3A_945 = arith.index_cast %select_n3A_212 : i32 to index
        %parallel_loop3A_946 = arith.index_cast %parallel_loop3A_872 : i32 to index
        %parallel_loop3A_947 = arith.constant 96 : index
        %parallel_loop3A_948 = tpu.vector_load %arg8[%parallel_loop3A_945, %parallel_loop3A_946, %parallel_loop3A_947] {strides = array<i32>} : memref<2x128x128xf32, #tpu.memory_space<vmem>>, vector<1x1x16xf32>,
        %parallel_loop3A_949 = vector.shape_cast %parallel_loop3A_948 : vector<1x1x16xf32> to vector<16xf32>
        %parallel_loop3A_950 = arith.mulf %parallel_loop3A_949, %parallel_loop3A_868 : vector<16xf32>
        %parallel_loop3A_951 = arith.index_cast %select_n3A_212 : i32 to index
        %parallel_loop3A_952 = arith.index_cast %parallel_loop3A_872 : i32 to index
        %parallel_loop3A_953 = arith.constant 96 : index
        %parallel_loop3A_954 = tpu.vector_load %arg8[%parallel_loop3A_951, %parallel_loop3A_952, %parallel_loop3A_953] {strides = array<i32>} : memref<2x128x128xf32, #tpu.memory_space<vmem>>, vector<1x1x16xf32>,
        %parallel_loop3A_955 = vector.shape_cast %parallel_loop3A_954 : vector<1x1x16xf32> to vector<16xf32>
        %parallel_loop3A_956 = vector.shape_cast %parallel_loop3A_950 : vector<16xf32> to vector<1x1x16xf32>
        tpu.vector_store %arg8[%parallel_loop3A_951, %parallel_loop3A_952, %parallel_loop3A_953], %parallel_loop3A_956 {strides = array<i32>} : memref<2x128x128xf32, #tpu.memory_space<vmem>>, vector<1x1x16xf32>,
        %parallel_loop3A_957 = arith.index_cast %select_n3A_212 : i32 to index
        %parallel_loop3A_958 = arith.index_cast %parallel_loop3A_872 : i32 to index
        %parallel_loop3A_959 = arith.constant 112 : index
        %parallel_loop3A_960 = tpu.vector_load %arg8[%parallel_loop3A_957, %parallel_loop3A_958, %parallel_loop3A_959] {strides = array<i32>} : memref<2x128x128xf32, #tpu.memory_space<vmem>>, vector<1x1x16xf32>,
        %parallel_loop3A_961 = vector.shape_cast %parallel_loop3A_960 : vector<1x1x16xf32> to vector<16xf32>
        %parallel_loop3A_962 = arith.mulf %parallel_loop3A_961, %parallel_loop3A_868 : vector<16xf32>
        %parallel_loop3A_963 = arith.index_cast %select_n3A_212 : i32 to index
        %parallel_loop3A_964 = arith.index_cast %parallel_loop3A_872 : i32 to index
        %parallel_loop3A_965 = arith.constant 112 : index
        %parallel_loop3A_966 = tpu.vector_load %arg8[%parallel_loop3A_963, %parallel_loop3A_964, %parallel_loop3A_965] {strides = array<i32>} : memref<2x128x128xf32, #tpu.memory_space<vmem>>, vector<1x1x16xf32>,
        %parallel_loop3A_967 = vector.shape_cast %parallel_loop3A_966 : vector<1x1x16xf32> to vector<16xf32>
        %parallel_loop3A_968 = vector.shape_cast %parallel_loop3A_962 : vector<16xf32> to vector<1x1x16xf32>
        tpu.vector_store %arg8[%parallel_loop3A_963, %parallel_loop3A_964, %parallel_loop3A_965], %parallel_loop3A_968 {strides = array<i32>} : memref<2x128x128xf32, #tpu.memory_space<vmem>>, vector<1x1x16xf32>,
        %parallel_loop3A_969 = vector.extract_strided_slice %parallel_loop3A_350 {offsets = [6], sizes = [1], strides = [1]} : vector<16xf32> to vector<1xf32>
        %parallel_loop3A_970 = vector.extract %parallel_loop3A_969[0] : f32 from vector<1xf32>
        %parallel_loop3A_971 = vector.broadcast %parallel_loop3A_970 : f32 to vector<16xf32>
        %parallel_loop3A_972 = arith.constant 16 : i32
        %parallel_loop3A_973 = arith.muli %parallel_loop3A_327, %parallel_loop3A_972 : i32
        %parallel_loop3A_974 = arith.constant 6 : i32
        %parallel_loop3A_975 = arith.addi %parallel_loop3A_973, %parallel_loop3A_974 : i32
        %parallel_loop3A_976 = arith.index_cast %select_n3A_212 : i32 to index
        %parallel_loop3A_977 = arith.index_cast %parallel_loop3A_975 : i32 to index
        %parallel_loop3A_978 = arith.constant 0 : index
        %parallel_loop3A_979 = tpu.vector_load %arg8[%parallel_loop3A_976, %parallel_loop3A_977, %parallel_loop3A_978] {strides = array<i32>} : memref<2x128x128xf32, #tpu.memory_space<vmem>>, vector<1x1x16xf32>,
        %parallel_loop3A_980 = vector.shape_cast %parallel_loop3A_979 : vector<1x1x16xf32> to vector<16xf32>
        %parallel_loop3A_981 = arith.mulf %parallel_loop3A_980, %parallel_loop3A_971 : vector<16xf32>
        %parallel_loop3A_982 = arith.index_cast %select_n3A_212 : i32 to index
        %parallel_loop3A_983 = arith.index_cast %parallel_loop3A_975 : i32 to index
        %parallel_loop3A_984 = arith.constant 0 : index
        %parallel_loop3A_985 = tpu.vector_load %arg8[%parallel_loop3A_982, %parallel_loop3A_983, %parallel_loop3A_984] {strides = array<i32>} : memref<2x128x128xf32, #tpu.memory_space<vmem>>, vector<1x1x16xf32>,
        %parallel_loop3A_986 = vector.shape_cast %parallel_loop3A_985 : vector<1x1x16xf32> to vector<16xf32>
        %parallel_loop3A_987 = vector.shape_cast %parallel_loop3A_981 : vector<16xf32> to vector<1x1x16xf32>
        tpu.vector_store %arg8[%parallel_loop3A_982, %parallel_loop3A_983, %parallel_loop3A_984], %parallel_loop3A_987 {strides = array<i32>} : memref<2x128x128xf32, #tpu.memory_space<vmem>>, vector<1x1x16xf32>,
        %parallel_loop3A_988 = arith.index_cast %select_n3A_212 : i32 to index
        %parallel_loop3A_989 = arith.index_cast %parallel_loop3A_975 : i32 to index
        %parallel_loop3A_990 = arith.constant 16 : index
        %parallel_loop3A_991 = tpu.vector_load %arg8[%parallel_loop3A_988, %parallel_loop3A_989, %parallel_loop3A_990] {strides = array<i32>} : memref<2x128x128xf32, #tpu.memory_space<vmem>>, vector<1x1x16xf32>,
        %parallel_loop3A_992 = vector.shape_cast %parallel_loop3A_991 : vector<1x1x16xf32> to vector<16xf32>
        %parallel_loop3A_993 = arith.mulf %parallel_loop3A_992, %parallel_loop3A_971 : vector<16xf32>
        %parallel_loop3A_994 = arith.index_cast %select_n3A_212 : i32 to index
        %parallel_loop3A_995 = arith.index_cast %parallel_loop3A_975 : i32 to index
        %parallel_loop3A_996 = arith.constant 16 : index
        %parallel_loop3A_997 = tpu.vector_load %arg8[%parallel_loop3A_994, %parallel_loop3A_995, %parallel_loop3A_996] {strides = array<i32>} : memref<2x128x128xf32, #tpu.memory_space<vmem>>, vector<1x1x16xf32>,
        %parallel_loop3A_998 = vector.shape_cast %parallel_loop3A_997 : vector<1x1x16xf32> to vector<16xf32>
        %parallel_loop3A_999 = vector.shape_cast %parallel_loop3A_993 : vector<16xf32> to vector<1x1x16xf32>
        tpu.vector_store %arg8[%parallel_loop3A_994, %parallel_loop3A_995, %parallel_loop3A_996], %parallel_loop3A_999 {strides = array<i32>} : memref<2x128x128xf32, #tpu.memory_space<vmem>>, vector<1x1x16xf32>,
        %parallel_loop3A_1000 = arith.index_cast %select_n3A_212 : i32 to index
        %parallel_loop3A_1001 = arith.index_cast %parallel_loop3A_975 : i32 to index
        %parallel_loop3A_1002 = arith.constant 32 : index
        %parallel_loop3A_1003 = tpu.vector_load %arg8[%parallel_loop3A_1000, %parallel_loop3A_1001, %parallel_loop3A_1002] {strides = array<i32>} : memref<2x128x128xf32, #tpu.memory_space<vmem>>, vector<1x1x16xf32>,
        %parallel_loop3A_1004 = vector.shape_cast %parallel_loop3A_1003 : vector<1x1x16xf32> to vector<16xf32>
        %parallel_loop3A_1005 = arith.mulf %parallel_loop3A_1004, %parallel_loop3A_971 : vector<16xf32>
        %parallel_loop3A_1006 = arith.index_cast %select_n3A_212 : i32 to index
        %parallel_loop3A_1007 = arith.index_cast %parallel_loop3A_975 : i32 to index
        %parallel_loop3A_1008 = arith.constant 32 : index
        %parallel_loop3A_1009 = tpu.vector_load %arg8[%parallel_loop3A_1006, %parallel_loop3A_1007, %parallel_loop3A_1008] {strides = array<i32>} : memref<2x128x128xf32, #tpu.memory_space<vmem>>, vector<1x1x16xf32>,
        %parallel_loop3A_1010 = vector.shape_cast %parallel_loop3A_1009 : vector<1x1x16xf32> to vector<16xf32>
        %parallel_loop3A_1011 = vector.shape_cast %parallel_loop3A_1005 : vector<16xf32> to vector<1x1x16xf32>
        tpu.vector_store %arg8[%parallel_loop3A_1006, %parallel_loop3A_1007, %parallel_loop3A_1008], %parallel_loop3A_1011 {strides = array<i32>} : memref<2x128x128xf32, #tpu.memory_space<vmem>>, vector<1x1x16xf32>,
        %parallel_loop3A_1012 = arith.index_cast %select_n3A_212 : i32 to index
        %parallel_loop3A_1013 = arith.index_cast %parallel_loop3A_975 : i32 to index
        %parallel_loop3A_1014 = arith.constant 48 : index
        %parallel_loop3A_1015 = tpu.vector_load %arg8[%parallel_loop3A_1012, %parallel_loop3A_1013, %parallel_loop3A_1014] {strides = array<i32>} : memref<2x128x128xf32, #tpu.memory_space<vmem>>, vector<1x1x16xf32>,
        %parallel_loop3A_1016 = vector.shape_cast %parallel_loop3A_1015 : vector<1x1x16xf32> to vector<16xf32>
        %parallel_loop3A_1017 = arith.mulf %parallel_loop3A_1016, %parallel_loop3A_971 : vector<16xf32>
        %parallel_loop3A_1018 = arith.index_cast %select_n3A_212 : i32 to index
        %parallel_loop3A_1019 = arith.index_cast %parallel_loop3A_975 : i32 to index
        %parallel_loop3A_1020 = arith.constant 48 : index
        %parallel_loop3A_1021 = tpu.vector_load %arg8[%parallel_loop3A_1018, %parallel_loop3A_1019, %parallel_loop3A_1020] {strides = array<i32>} : memref<2x128x128xf32, #tpu.memory_space<vmem>>, vector<1x1x16xf32>,
        %parallel_loop3A_1022 = vector.shape_cast %parallel_loop3A_1021 : vector<1x1x16xf32> to vector<16xf32>
        %parallel_loop3A_1023 = vector.shape_cast %parallel_loop3A_1017 : vector<16xf32> to vector<1x1x16xf32>
        tpu.vector_store %arg8[%parallel_loop3A_1018, %parallel_loop3A_1019, %parallel_loop3A_1020], %parallel_loop3A_1023 {strides = array<i32>} : memref<2x128x128xf32, #tpu.memory_space<vmem>>, vector<1x1x16xf32>,
        %parallel_loop3A_1024 = arith.index_cast %select_n3A_212 : i32 to index
        %parallel_loop3A_1025 = arith.index_cast %parallel_loop3A_975 : i32 to index
        %parallel_loop3A_1026 = arith.constant 64 : index
        %parallel_loop3A_1027 = tpu.vector_load %arg8[%parallel_loop3A_1024, %parallel_loop3A_1025, %parallel_loop3A_1026] {strides = array<i32>} : memref<2x128x128xf32, #tpu.memory_space<vmem>>, vector<1x1x16xf32>,
        %parallel_loop3A_1028 = vector.shape_cast %parallel_loop3A_1027 : vector<1x1x16xf32> to vector<16xf32>
        %parallel_loop3A_1029 = arith.mulf %parallel_loop3A_1028, %parallel_loop3A_971 : vector<16xf32>
        %parallel_loop3A_1030 = arith.index_cast %select_n3A_212 : i32 to index
        %parallel_loop3A_1031 = arith.index_cast %parallel_loop3A_975 : i32 to index
        %parallel_loop3A_1032 = arith.constant 64 : index
        %parallel_loop3A_1033 = tpu.vector_load %arg8[%parallel_loop3A_1030, %parallel_loop3A_1031, %parallel_loop3A_1032] {strides = array<i32>} : memref<2x128x128xf32, #tpu.memory_space<vmem>>, vector<1x1x16xf32>,
        %parallel_loop3A_1034 = vector.shape_cast %parallel_loop3A_1033 : vector<1x1x16xf32> to vector<16xf32>
        %parallel_loop3A_1035 = vector.shape_cast %parallel_loop3A_1029 : vector<16xf32> to vector<1x1x16xf32>
        tpu.vector_store %arg8[%parallel_loop3A_1030, %parallel_loop3A_1031, %parallel_loop3A_1032], %parallel_loop3A_1035 {strides = array<i32>} : memref<2x128x128xf32, #tpu.memory_space<vmem>>, vector<1x1x16xf32>,
        %parallel_loop3A_1036 = arith.index_cast %select_n3A_212 : i32 to index
        %parallel_loop3A_1037 = arith.index_cast %parallel_loop3A_975 : i32 to index
        %parallel_loop3A_1038 = arith.constant 80 : index
        %parallel_loop3A_1039 = tpu.vector_load %arg8[%parallel_loop3A_1036, %parallel_loop3A_1037, %parallel_loop3A_1038] {strides = array<i32>} : memref<2x128x128xf32, #tpu.memory_space<vmem>>, vector<1x1x16xf32>,
        %parallel_loop3A_1040 = vector.shape_cast %parallel_loop3A_1039 : vector<1x1x16xf32> to vector<16xf32>
        %parallel_loop3A_1041 = arith.mulf %parallel_loop3A_1040, %parallel_loop3A_971 : vector<16xf32>
        %parallel_loop3A_1042 = arith.index_cast %select_n3A_212 : i32 to index
        %parallel_loop3A_1043 = arith.index_cast %parallel_loop3A_975 : i32 to index
        %parallel_loop3A_1044 = arith.constant 80 : index
        %parallel_loop3A_1045 = tpu.vector_load %arg8[%parallel_loop3A_1042, %parallel_loop3A_1043, %parallel_loop3A_1044] {strides = array<i32>} : memref<2x128x128xf32, #tpu.memory_space<vmem>>, vector<1x1x16xf32>,
        %parallel_loop3A_1046 = vector.shape_cast %parallel_loop3A_1045 : vector<1x1x16xf32> to vector<16xf32>
        %parallel_loop3A_1047 = vector.shape_cast %parallel_loop3A_1041 : vector<16xf32> to vector<1x1x16xf32>
        tpu.vector_store %arg8[%parallel_loop3A_1042, %parallel_loop3A_1043, %parallel_loop3A_1044], %parallel_loop3A_1047 {strides = array<i32>} : memref<2x128x128xf32, #tpu.memory_space<vmem>>, vector<1x1x16xf32>,
        %parallel_loop3A_1048 = arith.index_cast %select_n3A_212 : i32 to index
        %parallel_loop3A_1049 = arith.index_cast %parallel_loop3A_975 : i32 to index
        %parallel_loop3A_1050 = arith.constant 96 : index
        %parallel_loop3A_1051 = tpu.vector_load %arg8[%parallel_loop3A_1048, %parallel_loop3A_1049, %parallel_loop3A_1050] {strides = array<i32>} : memref<2x128x128xf32, #tpu.memory_space<vmem>>, vector<1x1x16xf32>,
        %parallel_loop3A_1052 = vector.shape_cast %parallel_loop3A_1051 : vector<1x1x16xf32> to vector<16xf32>
        %parallel_loop3A_1053 = arith.mulf %parallel_loop3A_1052, %parallel_loop3A_971 : vector<16xf32>
        %parallel_loop3A_1054 = arith.index_cast %select_n3A_212 : i32 to index
        %parallel_loop3A_1055 = arith.index_cast %parallel_loop3A_975 : i32 to index
        %parallel_loop3A_1056 = arith.constant 96 : index
        %parallel_loop3A_1057 = tpu.vector_load %arg8[%parallel_loop3A_1054, %parallel_loop3A_1055, %parallel_loop3A_1056] {strides = array<i32>} : memref<2x128x128xf32, #tpu.memory_space<vmem>>, vector<1x1x16xf32>,
        %parallel_loop3A_1058 = vector.shape_cast %parallel_loop3A_1057 : vector<1x1x16xf32> to vector<16xf32>
        %parallel_loop3A_1059 = vector.shape_cast %parallel_loop3A_1053 : vector<16xf32> to vector<1x1x16xf32>
        tpu.vector_store %arg8[%parallel_loop3A_1054, %parallel_loop3A_1055, %parallel_loop3A_1056], %parallel_loop3A_1059 {strides = array<i32>} : memref<2x128x128xf32, #tpu.memory_space<vmem>>, vector<1x1x16xf32>,
        %parallel_loop3A_1060 = arith.index_cast %select_n3A_212 : i32 to index
        %parallel_loop3A_1061 = arith.index_cast %parallel_loop3A_975 : i32 to index
        %parallel_loop3A_1062 = arith.constant 112 : index
        %parallel_loop3A_1063 = tpu.vector_load %arg8[%parallel_loop3A_1060, %parallel_loop3A_1061, %parallel_loop3A_1062] {strides = array<i32>} : memref<2x128x128xf32, #tpu.memory_space<vmem>>, vector<1x1x16xf32>,
        %parallel_loop3A_1064 = vector.shape_cast %parallel_loop3A_1063 : vector<1x1x16xf32> to vector<16xf32>
        %parallel_loop3A_1065 = arith.mulf %parallel_loop3A_1064, %parallel_loop3A_971 : vector<16xf32>
        %parallel_loop3A_1066 = arith.index_cast %select_n3A_212 : i32 to index
        %parallel_loop3A_1067 = arith.index_cast %parallel_loop3A_975 : i32 to index
        %parallel_loop3A_1068 = arith.constant 112 : index
        %parallel_loop3A_1069 = tpu.vector_load %arg8[%parallel_loop3A_1066, %parallel_loop3A_1067, %parallel_loop3A_1068] {strides = array<i32>} : memref<2x128x128xf32, #tpu.memory_space<vmem>>, vector<1x1x16xf32>,
        %parallel_loop3A_1070 = vector.shape_cast %parallel_loop3A_1069 : vector<1x1x16xf32> to vector<16xf32>
        %parallel_loop3A_1071 = vector.shape_cast %parallel_loop3A_1065 : vector<16xf32> to vector<1x1x16xf32>
        tpu.vector_store %arg8[%parallel_loop3A_1066, %parallel_loop3A_1067, %parallel_loop3A_1068], %parallel_loop3A_1071 {strides = array<i32>} : memref<2x128x128xf32, #tpu.memory_space<vmem>>, vector<1x1x16xf32>,
        %parallel_loop3A_1072 = vector.extract_strided_slice %parallel_loop3A_350 {offsets = [7], sizes = [1], strides = [1]} : vector<16xf32> to vector<1xf32>
        %parallel_loop3A_1073 = vector.extract %parallel_loop3A_1072[0] : f32 from vector<1xf32>
        %parallel_loop3A_1074 = vector.broadcast %parallel_loop3A_1073 : f32 to vector<16xf32>
        %parallel_loop3A_1075 = arith.constant 16 : i32
        %parallel_loop3A_1076 = arith.muli %parallel_loop3A_327, %parallel_loop3A_1075 : i32
        %parallel_loop3A_1077 = arith.constant 7 : i32
        %parallel_loop3A_1078 = arith.addi %parallel_loop3A_1076, %parallel_loop3A_1077 : i32
        %parallel_loop3A_1079 = arith.index_cast %select_n3A_212 : i32 to index
        %parallel_loop3A_1080 = arith.index_cast %parallel_loop3A_1078 : i32 to index
        %parallel_loop3A_1081 = arith.constant 0 : index
        %parallel_loop3A_1082 = tpu.vector_load %arg8[%parallel_loop3A_1079, %parallel_loop3A_1080, %parallel_loop3A_1081] {strides = array<i32>} : memref<2x128x128xf32, #tpu.memory_space<vmem>>, vector<1x1x16xf32>,
        %parallel_loop3A_1083 = vector.shape_cast %parallel_loop3A_1082 : vector<1x1x16xf32> to vector<16xf32>
        %parallel_loop3A_1084 = arith.mulf %parallel_loop3A_1083, %parallel_loop3A_1074 : vector<16xf32>
        %parallel_loop3A_1085 = arith.index_cast %select_n3A_212 : i32 to index
        %parallel_loop3A_1086 = arith.index_cast %parallel_loop3A_1078 : i32 to index
        %parallel_loop3A_1087 = arith.constant 0 : index
        %parallel_loop3A_1088 = tpu.vector_load %arg8[%parallel_loop3A_1085, %parallel_loop3A_1086, %parallel_loop3A_1087] {strides = array<i32>} : memref<2x128x128xf32, #tpu.memory_space<vmem>>, vector<1x1x16xf32>,
        %parallel_loop3A_1089 = vector.shape_cast %parallel_loop3A_1088 : vector<1x1x16xf32> to vector<16xf32>
        %parallel_loop3A_1090 = vector.shape_cast %parallel_loop3A_1084 : vector<16xf32> to vector<1x1x16xf32>
        tpu.vector_store %arg8[%parallel_loop3A_1085, %parallel_loop3A_1086, %parallel_loop3A_1087], %parallel_loop3A_1090 {strides = array<i32>} : memref<2x128x128xf32, #tpu.memory_space<vmem>>, vector<1x1x16xf32>,
        %parallel_loop3A_1091 = arith.index_cast %select_n3A_212 : i32 to index
        %parallel_loop3A_1092 = arith.index_cast %parallel_loop3A_1078 : i32 to index
        %parallel_loop3A_1093 = arith.constant 16 : index
        %parallel_loop3A_1094 = tpu.vector_load %arg8[%parallel_loop3A_1091, %parallel_loop3A_1092, %parallel_loop3A_1093] {strides = array<i32>} : memref<2x128x128xf32, #tpu.memory_space<vmem>>, vector<1x1x16xf32>,
        %parallel_loop3A_1095 = vector.shape_cast %parallel_loop3A_1094 : vector<1x1x16xf32> to vector<16xf32>
        %parallel_loop3A_1096 = arith.mulf %parallel_loop3A_1095, %parallel_loop3A_1074 : vector<16xf32>
        %parallel_loop3A_1097 = arith.index_cast %select_n3A_212 : i32 to index
        %parallel_loop3A_1098 = arith.index_cast %parallel_loop3A_1078 : i32 to index
        %parallel_loop3A_1099 = arith.constant 16 : index
        %parallel_loop3A_1100 = tpu.vector_load %arg8[%parallel_loop3A_1097, %parallel_loop3A_1098, %parallel_loop3A_1099] {strides = array<i32>} : memref<2x128x128xf32, #tpu.memory_space<vmem>>, vector<1x1x16xf32>,
        %parallel_loop3A_1101 = vector.shape_cast %parallel_loop3A_1100 : vector<1x1x16xf32> to vector<16xf32>
        %parallel_loop3A_1102 = vector.shape_cast %parallel_loop3A_1096 : vector<16xf32> to vector<1x1x16xf32>
        tpu.vector_store %arg8[%parallel_loop3A_1097, %parallel_loop3A_1098, %parallel_loop3A_1099], %parallel_loop3A_1102 {strides = array<i32>} : memref<2x128x128xf32, #tpu.memory_space<vmem>>, vector<1x1x16xf32>,
        %parallel_loop3A_1103 = arith.index_cast %select_n3A_212 : i32 to index
        %parallel_loop3A_1104 = arith.index_cast %parallel_loop3A_1078 : i32 to index
        %parallel_loop3A_1105 = arith.constant 32 : index
        %parallel_loop3A_1106 = tpu.vector_load %arg8[%parallel_loop3A_1103, %parallel_loop3A_1104, %parallel_loop3A_1105] {strides = array<i32>} : memref<2x128x128xf32, #tpu.memory_space<vmem>>, vector<1x1x16xf32>,
        %parallel_loop3A_1107 = vector.shape_cast %parallel_loop3A_1106 : vector<1x1x16xf32> to vector<16xf32>
        %parallel_loop3A_1108 = arith.mulf %parallel_loop3A_1107, %parallel_loop3A_1074 : vector<16xf32>
        %parallel_loop3A_1109 = arith.index_cast %select_n3A_212 : i32 to index
        %parallel_loop3A_1110 = arith.index_cast %parallel_loop3A_1078 : i32 to index
        %parallel_loop3A_1111 = arith.constant 32 : index
        %parallel_loop3A_1112 = tpu.vector_load %arg8[%parallel_loop3A_1109, %parallel_loop3A_1110, %parallel_loop3A_1111] {strides = array<i32>} : memref<2x128x128xf32, #tpu.memory_space<vmem>>, vector<1x1x16xf32>,
        %parallel_loop3A_1113 = vector.shape_cast %parallel_loop3A_1112 : vector<1x1x16xf32> to vector<16xf32>
        %parallel_loop3A_1114 = vector.shape_cast %parallel_loop3A_1108 : vector<16xf32> to vector<1x1x16xf32>
        tpu.vector_store %arg8[%parallel_loop3A_1109, %parallel_loop3A_1110, %parallel_loop3A_1111], %parallel_loop3A_1114 {strides = array<i32>} : memref<2x128x128xf32, #tpu.memory_space<vmem>>, vector<1x1x16xf32>,
        %parallel_loop3A_1115 = arith.index_cast %select_n3A_212 : i32 to index
        %parallel_loop3A_1116 = arith.index_cast %parallel_loop3A_1078 : i32 to index
        %parallel_loop3A_1117 = arith.constant 48 : index
        %parallel_loop3A_1118 = tpu.vector_load %arg8[%parallel_loop3A_1115, %parallel_loop3A_1116, %parallel_loop3A_1117] {strides = array<i32>} : memref<2x128x128xf32, #tpu.memory_space<vmem>>, vector<1x1x16xf32>,
        %parallel_loop3A_1119 = vector.shape_cast %parallel_loop3A_1118 : vector<1x1x16xf32> to vector<16xf32>
        %parallel_loop3A_1120 = arith.mulf %parallel_loop3A_1119, %parallel_loop3A_1074 : vector<16xf32>
        %parallel_loop3A_1121 = arith.index_cast %select_n3A_212 : i32 to index
        %parallel_loop3A_1122 = arith.index_cast %parallel_loop3A_1078 : i32 to index
        %parallel_loop3A_1123 = arith.constant 48 : index
        %parallel_loop3A_1124 = tpu.vector_load %arg8[%parallel_loop3A_1121, %parallel_loop3A_1122, %parallel_loop3A_1123] {strides = array<i32>} : memref<2x128x128xf32, #tpu.memory_space<vmem>>, vector<1x1x16xf32>,
        %parallel_loop3A_1125 = vector.shape_cast %parallel_loop3A_1124 : vector<1x1x16xf32> to vector<16xf32>
        %parallel_loop3A_1126 = vector.shape_cast %parallel_loop3A_1120 : vector<16xf32> to vector<1x1x16xf32>
        tpu.vector_store %arg8[%parallel_loop3A_1121, %parallel_loop3A_1122, %parallel_loop3A_1123], %parallel_loop3A_1126 {strides = array<i32>} : memref<2x128x128xf32, #tpu.memory_space<vmem>>, vector<1x1x16xf32>,
        %parallel_loop3A_1127 = arith.index_cast %select_n3A_212 : i32 to index
        %parallel_loop3A_1128 = arith.index_cast %parallel_loop3A_1078 : i32 to index
        %parallel_loop3A_1129 = arith.constant 64 : index
        %parallel_loop3A_1130 = tpu.vector_load %arg8[%parallel_loop3A_1127, %parallel_loop3A_1128, %parallel_loop3A_1129] {strides = array<i32>} : memref<2x128x128xf32, #tpu.memory_space<vmem>>, vector<1x1x16xf32>,
        %parallel_loop3A_1131 = vector.shape_cast %parallel_loop3A_1130 : vector<1x1x16xf32> to vector<16xf32>
        %parallel_loop3A_1132 = arith.mulf %parallel_loop3A_1131, %parallel_loop3A_1074 : vector<16xf32>
        %parallel_loop3A_1133 = arith.index_cast %select_n3A_212 : i32 to index
        %parallel_loop3A_1134 = arith.index_cast %parallel_loop3A_1078 : i32 to index
        %parallel_loop3A_1135 = arith.constant 64 : index
        %parallel_loop3A_1136 = tpu.vector_load %arg8[%parallel_loop3A_1133, %parallel_loop3A_1134, %parallel_loop3A_1135] {strides = array<i32>} : memref<2x128x128xf32, #tpu.memory_space<vmem>>, vector<1x1x16xf32>,
        %parallel_loop3A_1137 = vector.shape_cast %parallel_loop3A_1136 : vector<1x1x16xf32> to vector<16xf32>
        %parallel_loop3A_1138 = vector.shape_cast %parallel_loop3A_1132 : vector<16xf32> to vector<1x1x16xf32>
        tpu.vector_store %arg8[%parallel_loop3A_1133, %parallel_loop3A_1134, %parallel_loop3A_1135], %parallel_loop3A_1138 {strides = array<i32>} : memref<2x128x128xf32, #tpu.memory_space<vmem>>, vector<1x1x16xf32>,
        %parallel_loop3A_1139 = arith.index_cast %select_n3A_212 : i32 to index
        %parallel_loop3A_1140 = arith.index_cast %parallel_loop3A_1078 : i32 to index
        %parallel_loop3A_1141 = arith.constant 80 : index
        %parallel_loop3A_1142 = tpu.vector_load %arg8[%parallel_loop3A_1139, %parallel_loop3A_1140, %parallel_loop3A_1141] {strides = array<i32>} : memref<2x128x128xf32, #tpu.memory_space<vmem>>, vector<1x1x16xf32>,
        %parallel_loop3A_1143 = vector.shape_cast %parallel_loop3A_1142 : vector<1x1x16xf32> to vector<16xf32>
        %parallel_loop3A_1144 = arith.mulf %parallel_loop3A_1143, %parallel_loop3A_1074 : vector<16xf32>
        %parallel_loop3A_1145 = arith.index_cast %select_n3A_212 : i32 to index
        %parallel_loop3A_1146 = arith.index_cast %parallel_loop3A_1078 : i32 to index
        %parallel_loop3A_1147 = arith.constant 80 : index
        %parallel_loop3A_1148 = tpu.vector_load %arg8[%parallel_loop3A_1145, %parallel_loop3A_1146, %parallel_loop3A_1147] {strides = array<i32>} : memref<2x128x128xf32, #tpu.memory_space<vmem>>, vector<1x1x16xf32>,
        %parallel_loop3A_1149 = vector.shape_cast %parallel_loop3A_1148 : vector<1x1x16xf32> to vector<16xf32>
        %parallel_loop3A_1150 = vector.shape_cast %parallel_loop3A_1144 : vector<16xf32> to vector<1x1x16xf32>
        tpu.vector_store %arg8[%parallel_loop3A_1145, %parallel_loop3A_1146, %parallel_loop3A_1147], %parallel_loop3A_1150 {strides = array<i32>} : memref<2x128x128xf32, #tpu.memory_space<vmem>>, vector<1x1x16xf32>,
        %parallel_loop3A_1151 = arith.index_cast %select_n3A_212 : i32 to index
        %parallel_loop3A_1152 = arith.index_cast %parallel_loop3A_1078 : i32 to index
        %parallel_loop3A_1153 = arith.constant 96 : index
        %parallel_loop3A_1154 = tpu.vector_load %arg8[%parallel_loop3A_1151, %parallel_loop3A_1152, %parallel_loop3A_1153] {strides = array<i32>} : memref<2x128x128xf32, #tpu.memory_space<vmem>>, vector<1x1x16xf32>,
        %parallel_loop3A_1155 = vector.shape_cast %parallel_loop3A_1154 : vector<1x1x16xf32> to vector<16xf32>
        %parallel_loop3A_1156 = arith.mulf %parallel_loop3A_1155, %parallel_loop3A_1074 : vector<16xf32>
        %parallel_loop3A_1157 = arith.index_cast %select_n3A_212 : i32 to index
        %parallel_loop3A_1158 = arith.index_cast %parallel_loop3A_1078 : i32 to index
        %parallel_loop3A_1159 = arith.constant 96 : index
        %parallel_loop3A_1160 = tpu.vector_load %arg8[%parallel_loop3A_1157, %parallel_loop3A_1158, %parallel_loop3A_1159] {strides = array<i32>} : memref<2x128x128xf32, #tpu.memory_space<vmem>>, vector<1x1x16xf32>,
        %parallel_loop3A_1161 = vector.shape_cast %parallel_loop3A_1160 : vector<1x1x16xf32> to vector<16xf32>
        %parallel_loop3A_1162 = vector.shape_cast %parallel_loop3A_1156 : vector<16xf32> to vector<1x1x16xf32>
        tpu.vector_store %arg8[%parallel_loop3A_1157, %parallel_loop3A_1158, %parallel_loop3A_1159], %parallel_loop3A_1162 {strides = array<i32>} : memref<2x128x128xf32, #tpu.memory_space<vmem>>, vector<1x1x16xf32>,
        %parallel_loop3A_1163 = arith.index_cast %select_n3A_212 : i32 to index
        %parallel_loop3A_1164 = arith.index_cast %parallel_loop3A_1078 : i32 to index
        %parallel_loop3A_1165 = arith.constant 112 : index
        %parallel_loop3A_1166 = tpu.vector_load %arg8[%parallel_loop3A_1163, %parallel_loop3A_1164, %parallel_loop3A_1165] {strides = array<i32>} : memref<2x128x128xf32, #tpu.memory_space<vmem>>, vector<1x1x16xf32>,
        %parallel_loop3A_1167 = vector.shape_cast %parallel_loop3A_1166 : vector<1x1x16xf32> to vector<16xf32>
        %parallel_loop3A_1168 = arith.mulf %parallel_loop3A_1167, %parallel_loop3A_1074 : vector<16xf32>
        %parallel_loop3A_1169 = arith.index_cast %select_n3A_212 : i32 to index
        %parallel_loop3A_1170 = arith.index_cast %parallel_loop3A_1078 : i32 to index
        %parallel_loop3A_1171 = arith.constant 112 : index
        %parallel_loop3A_1172 = tpu.vector_load %arg8[%parallel_loop3A_1169, %parallel_loop3A_1170, %parallel_loop3A_1171] {strides = array<i32>} : memref<2x128x128xf32, #tpu.memory_space<vmem>>, vector<1x1x16xf32>,
        %parallel_loop3A_1173 = vector.shape_cast %parallel_loop3A_1172 : vector<1x1x16xf32> to vector<16xf32>
        %parallel_loop3A_1174 = vector.shape_cast %parallel_loop3A_1168 : vector<16xf32> to vector<1x1x16xf32>
        tpu.vector_store %arg8[%parallel_loop3A_1169, %parallel_loop3A_1170, %parallel_loop3A_1171], %parallel_loop3A_1174 {strides = array<i32>} : memref<2x128x128xf32, #tpu.memory_space<vmem>>, vector<1x1x16xf32>,
        %parallel_loop3A_1175 = vector.extract_strided_slice %parallel_loop3A_350 {offsets = [8], sizes = [1], strides = [1]} : vector<16xf32> to vector<1xf32>
        %parallel_loop3A_1176 = vector.extract %parallel_loop3A_1175[0] : f32 from vector<1xf32>
        %parallel_loop3A_1177 = vector.broadcast %parallel_loop3A_1176 : f32 to vector<16xf32>
        %parallel_loop3A_1178 = arith.constant 16 : i32
        %parallel_loop3A_1179 = arith.muli %parallel_loop3A_327, %parallel_loop3A_1178 : i32
        %parallel_loop3A_1180 = arith.constant 8 : i32
        %parallel_loop3A_1181 = arith.addi %parallel_loop3A_1179, %parallel_loop3A_1180 : i32
        %parallel_loop3A_1182 = arith.index_cast %select_n3A_212 : i32 to index
        %parallel_loop3A_1183 = arith.index_cast %parallel_loop3A_1181 : i32 to index
        %parallel_loop3A_1184 = arith.constant 0 : index
        %parallel_loop3A_1185 = tpu.vector_load %arg8[%parallel_loop3A_1182, %parallel_loop3A_1183, %parallel_loop3A_1184] {strides = array<i32>} : memref<2x128x128xf32, #tpu.memory_space<vmem>>, vector<1x1x16xf32>,
        %parallel_loop3A_1186 = vector.shape_cast %parallel_loop3A_1185 : vector<1x1x16xf32> to vector<16xf32>
        %parallel_loop3A_1187 = arith.mulf %parallel_loop3A_1186, %parallel_loop3A_1177 : vector<16xf32>
        %parallel_loop3A_1188 = arith.index_cast %select_n3A_212 : i32 to index
        %parallel_loop3A_1189 = arith.index_cast %parallel_loop3A_1181 : i32 to index
        %parallel_loop3A_1190 = arith.constant 0 : index
        %parallel_loop3A_1191 = tpu.vector_load %arg8[%parallel_loop3A_1188, %parallel_loop3A_1189, %parallel_loop3A_1190] {strides = array<i32>} : memref<2x128x128xf32, #tpu.memory_space<vmem>>, vector<1x1x16xf32>,
        %parallel_loop3A_1192 = vector.shape_cast %parallel_loop3A_1191 : vector<1x1x16xf32> to vector<16xf32>
        %parallel_loop3A_1193 = vector.shape_cast %parallel_loop3A_1187 : vector<16xf32> to vector<1x1x16xf32>
        tpu.vector_store %arg8[%parallel_loop3A_1188, %parallel_loop3A_1189, %parallel_loop3A_1190], %parallel_loop3A_1193 {strides = array<i32>} : memref<2x128x128xf32, #tpu.memory_space<vmem>>, vector<1x1x16xf32>,
        %parallel_loop3A_1194 = arith.index_cast %select_n3A_212 : i32 to index
        %parallel_loop3A_1195 = arith.index_cast %parallel_loop3A_1181 : i32 to index
        %parallel_loop3A_1196 = arith.constant 16 : index
        %parallel_loop3A_1197 = tpu.vector_load %arg8[%parallel_loop3A_1194, %parallel_loop3A_1195, %parallel_loop3A_1196] {strides = array<i32>} : memref<2x128x128xf32, #tpu.memory_space<vmem>>, vector<1x1x16xf32>,
        %parallel_loop3A_1198 = vector.shape_cast %parallel_loop3A_1197 : vector<1x1x16xf32> to vector<16xf32>
        %parallel_loop3A_1199 = arith.mulf %parallel_loop3A_1198, %parallel_loop3A_1177 : vector<16xf32>
        %parallel_loop3A_1200 = arith.index_cast %select_n3A_212 : i32 to index
        %parallel_loop3A_1201 = arith.index_cast %parallel_loop3A_1181 : i32 to index
        %parallel_loop3A_1202 = arith.constant 16 : index
        %parallel_loop3A_1203 = tpu.vector_load %arg8[%parallel_loop3A_1200, %parallel_loop3A_1201, %parallel_loop3A_1202] {strides = array<i32>} : memref<2x128x128xf32, #tpu.memory_space<vmem>>, vector<1x1x16xf32>,
        %parallel_loop3A_1204 = vector.shape_cast %parallel_loop3A_1203 : vector<1x1x16xf32> to vector<16xf32>
        %parallel_loop3A_1205 = vector.shape_cast %parallel_loop3A_1199 : vector<16xf32> to vector<1x1x16xf32>
        tpu.vector_store %arg8[%parallel_loop3A_1200, %parallel_loop3A_1201, %parallel_loop3A_1202], %parallel_loop3A_1205 {strides = array<i32>} : memref<2x128x128xf32, #tpu.memory_space<vmem>>, vector<1x1x16xf32>,
        %parallel_loop3A_1206 = arith.index_cast %select_n3A_212 : i32 to index
        %parallel_loop3A_1207 = arith.index_cast %parallel_loop3A_1181 : i32 to index
        %parallel_loop3A_1208 = arith.constant 32 : index
        %parallel_loop3A_1209 = tpu.vector_load %arg8[%parallel_loop3A_1206, %parallel_loop3A_1207, %parallel_loop3A_1208] {strides = array<i32>} : memref<2x128x128xf32, #tpu.memory_space<vmem>>, vector<1x1x16xf32>,
        %parallel_loop3A_1210 = vector.shape_cast %parallel_loop3A_1209 : vector<1x1x16xf32> to vector<16xf32>
        %parallel_loop3A_1211 = arith.mulf %parallel_loop3A_1210, %parallel_loop3A_1177 : vector<16xf32>
        %parallel_loop3A_1212 = arith.index_cast %select_n3A_212 : i32 to index
        %parallel_loop3A_1213 = arith.index_cast %parallel_loop3A_1181 : i32 to index
        %parallel_loop3A_1214 = arith.constant 32 : index
        %parallel_loop3A_1215 = tpu.vector_load %arg8[%parallel_loop3A_1212, %parallel_loop3A_1213, %parallel_loop3A_1214] {strides = array<i32>} : memref<2x128x128xf32, #tpu.memory_space<vmem>>, vector<1x1x16xf32>,
        %parallel_loop3A_1216 = vector.shape_cast %parallel_loop3A_1215 : vector<1x1x16xf32> to vector<16xf32>
        %parallel_loop3A_1217 = vector.shape_cast %parallel_loop3A_1211 : vector<16xf32> to vector<1x1x16xf32>
        tpu.vector_store %arg8[%parallel_loop3A_1212, %parallel_loop3A_1213, %parallel_loop3A_1214], %parallel_loop3A_1217 {strides = array<i32>} : memref<2x128x128xf32, #tpu.memory_space<vmem>>, vector<1x1x16xf32>,
        %parallel_loop3A_1218 = arith.index_cast %select_n3A_212 : i32 to index
        %parallel_loop3A_1219 = arith.index_cast %parallel_loop3A_1181 : i32 to index
        %parallel_loop3A_1220 = arith.constant 48 : index
        %parallel_loop3A_1221 = tpu.vector_load %arg8[%parallel_loop3A_1218, %parallel_loop3A_1219, %parallel_loop3A_1220] {strides = array<i32>} : memref<2x128x128xf32, #tpu.memory_space<vmem>>, vector<1x1x16xf32>,
        %parallel_loop3A_1222 = vector.shape_cast %parallel_loop3A_1221 : vector<1x1x16xf32> to vector<16xf32>
        %parallel_loop3A_1223 = arith.mulf %parallel_loop3A_1222, %parallel_loop3A_1177 : vector<16xf32>
        %parallel_loop3A_1224 = arith.index_cast %select_n3A_212 : i32 to index
        %parallel_loop3A_1225 = arith.index_cast %parallel_loop3A_1181 : i32 to index
        %parallel_loop3A_1226 = arith.constant 48 : index
        %parallel_loop3A_1227 = tpu.vector_load %arg8[%parallel_loop3A_1224, %parallel_loop3A_1225, %parallel_loop3A_1226] {strides = array<i32>} : memref<2x128x128xf32, #tpu.memory_space<vmem>>, vector<1x1x16xf32>,
        %parallel_loop3A_1228 = vector.shape_cast %parallel_loop3A_1227 : vector<1x1x16xf32> to vector<16xf32>
        %parallel_loop3A_1229 = vector.shape_cast %parallel_loop3A_1223 : vector<16xf32> to vector<1x1x16xf32>
        tpu.vector_store %arg8[%parallel_loop3A_1224, %parallel_loop3A_1225, %parallel_loop3A_1226], %parallel_loop3A_1229 {strides = array<i32>} : memref<2x128x128xf32, #tpu.memory_space<vmem>>, vector<1x1x16xf32>,
        %parallel_loop3A_1230 = arith.index_cast %select_n3A_212 : i32 to index
        %parallel_loop3A_1231 = arith.index_cast %parallel_loop3A_1181 : i32 to index
        %parallel_loop3A_1232 = arith.constant 64 : index
        %parallel_loop3A_1233 = tpu.vector_load %arg8[%parallel_loop3A_1230, %parallel_loop3A_1231, %parallel_loop3A_1232] {strides = array<i32>} : memref<2x128x128xf32, #tpu.memory_space<vmem>>, vector<1x1x16xf32>,
        %parallel_loop3A_1234 = vector.shape_cast %parallel_loop3A_1233 : vector<1x1x16xf32> to vector<16xf32>
        %parallel_loop3A_1235 = arith.mulf %parallel_loop3A_1234, %parallel_loop3A_1177 : vector<16xf32>
        %parallel_loop3A_1236 = arith.index_cast %select_n3A_212 : i32 to index
        %parallel_loop3A_1237 = arith.index_cast %parallel_loop3A_1181 : i32 to index
        %parallel_loop3A_1238 = arith.constant 64 : index
        %parallel_loop3A_1239 = tpu.vector_load %arg8[%parallel_loop3A_1236, %parallel_loop3A_1237, %parallel_loop3A_1238] {strides = array<i32>} : memref<2x128x128xf32, #tpu.memory_space<vmem>>, vector<1x1x16xf32>,
        %parallel_loop3A_1240 = vector.shape_cast %parallel_loop3A_1239 : vector<1x1x16xf32> to vector<16xf32>
        %parallel_loop3A_1241 = vector.shape_cast %parallel_loop3A_1235 : vector<16xf32> to vector<1x1x16xf32>
        tpu.vector_store %arg8[%parallel_loop3A_1236, %parallel_loop3A_1237, %parallel_loop3A_1238], %parallel_loop3A_1241 {strides = array<i32>} : memref<2x128x128xf32, #tpu.memory_space<vmem>>, vector<1x1x16xf32>,
        %parallel_loop3A_1242 = arith.index_cast %select_n3A_212 : i32 to index
        %parallel_loop3A_1243 = arith.index_cast %parallel_loop3A_1181 : i32 to index
        %parallel_loop3A_1244 = arith.constant 80 : index
        %parallel_loop3A_1245 = tpu.vector_load %arg8[%parallel_loop3A_1242, %parallel_loop3A_1243, %parallel_loop3A_1244] {strides = array<i32>} : memref<2x128x128xf32, #tpu.memory_space<vmem>>, vector<1x1x16xf32>,
        %parallel_loop3A_1246 = vector.shape_cast %parallel_loop3A_1245 : vector<1x1x16xf32> to vector<16xf32>
        %parallel_loop3A_1247 = arith.mulf %parallel_loop3A_1246, %parallel_loop3A_1177 : vector<16xf32>
        %parallel_loop3A_1248 = arith.index_cast %select_n3A_212 : i32 to index
        %parallel_loop3A_1249 = arith.index_cast %parallel_loop3A_1181 : i32 to index
        %parallel_loop3A_1250 = arith.constant 80 : index
        %parallel_loop3A_1251 = tpu.vector_load %arg8[%parallel_loop3A_1248, %parallel_loop3A_1249, %parallel_loop3A_1250] {strides = array<i32>} : memref<2x128x128xf32, #tpu.memory_space<vmem>>, vector<1x1x16xf32>,
        %parallel_loop3A_1252 = vector.shape_cast %parallel_loop3A_1251 : vector<1x1x16xf32> to vector<16xf32>
        %parallel_loop3A_1253 = vector.shape_cast %parallel_loop3A_1247 : vector<16xf32> to vector<1x1x16xf32>
        tpu.vector_store %arg8[%parallel_loop3A_1248, %parallel_loop3A_1249, %parallel_loop3A_1250], %parallel_loop3A_1253 {strides = array<i32>} : memref<2x128x128xf32, #tpu.memory_space<vmem>>, vector<1x1x16xf32>,
        %parallel_loop3A_1254 = arith.index_cast %select_n3A_212 : i32 to index
        %parallel_loop3A_1255 = arith.index_cast %parallel_loop3A_1181 : i32 to index
        %parallel_loop3A_1256 = arith.constant 96 : index
        %parallel_loop3A_1257 = tpu.vector_load %arg8[%parallel_loop3A_1254, %parallel_loop3A_1255, %parallel_loop3A_1256] {strides = array<i32>} : memref<2x128x128xf32, #tpu.memory_space<vmem>>, vector<1x1x16xf32>,
        %parallel_loop3A_1258 = vector.shape_cast %parallel_loop3A_1257 : vector<1x1x16xf32> to vector<16xf32>
        %parallel_loop3A_1259 = arith.mulf %parallel_loop3A_1258, %parallel_loop3A_1177 : vector<16xf32>
        %parallel_loop3A_1260 = arith.index_cast %select_n3A_212 : i32 to index
        %parallel_loop3A_1261 = arith.index_cast %parallel_loop3A_1181 : i32 to index
        %parallel_loop3A_1262 = arith.constant 96 : index
        %parallel_loop3A_1263 = tpu.vector_load %arg8[%parallel_loop3A_1260, %parallel_loop3A_1261, %parallel_loop3A_1262] {strides = array<i32>} : memref<2x128x128xf32, #tpu.memory_space<vmem>>, vector<1x1x16xf32>,
        %parallel_loop3A_1264 = vector.shape_cast %parallel_loop3A_1263 : vector<1x1x16xf32> to vector<16xf32>
        %parallel_loop3A_1265 = vector.shape_cast %parallel_loop3A_1259 : vector<16xf32> to vector<1x1x16xf32>
        tpu.vector_store %arg8[%parallel_loop3A_1260, %parallel_loop3A_1261, %parallel_loop3A_1262], %parallel_loop3A_1265 {strides = array<i32>} : memref<2x128x128xf32, #tpu.memory_space<vmem>>, vector<1x1x16xf32>,
        %parallel_loop3A_1266 = arith.index_cast %select_n3A_212 : i32 to index
        %parallel_loop3A_1267 = arith.index_cast %parallel_loop3A_1181 : i32 to index
        %parallel_loop3A_1268 = arith.constant 112 : index
        %parallel_loop3A_1269 = tpu.vector_load %arg8[%parallel_loop3A_1266, %parallel_loop3A_1267, %parallel_loop3A_1268] {strides = array<i32>} : memref<2x128x128xf32, #tpu.memory_space<vmem>>, vector<1x1x16xf32>,
        %parallel_loop3A_1270 = vector.shape_cast %parallel_loop3A_1269 : vector<1x1x16xf32> to vector<16xf32>
        %parallel_loop3A_1271 = arith.mulf %parallel_loop3A_1270, %parallel_loop3A_1177 : vector<16xf32>
        %parallel_loop3A_1272 = arith.index_cast %select_n3A_212 : i32 to index
        %parallel_loop3A_1273 = arith.index_cast %parallel_loop3A_1181 : i32 to index
        %parallel_loop3A_1274 = arith.constant 112 : index
        %parallel_loop3A_1275 = tpu.vector_load %arg8[%parallel_loop3A_1272, %parallel_loop3A_1273, %parallel_loop3A_1274] {strides = array<i32>} : memref<2x128x128xf32, #tpu.memory_space<vmem>>, vector<1x1x16xf32>,
        %parallel_loop3A_1276 = vector.shape_cast %parallel_loop3A_1275 : vector<1x1x16xf32> to vector<16xf32>
        %parallel_loop3A_1277 = vector.shape_cast %parallel_loop3A_1271 : vector<16xf32> to vector<1x1x16xf32>
        tpu.vector_store %arg8[%parallel_loop3A_1272, %parallel_loop3A_1273, %parallel_loop3A_1274], %parallel_loop3A_1277 {strides = array<i32>} : memref<2x128x128xf32, #tpu.memory_space<vmem>>, vector<1x1x16xf32>,
        %parallel_loop3A_1278 = vector.extract_strided_slice %parallel_loop3A_350 {offsets = [9], sizes = [1], strides = [1]} : vector<16xf32> to vector<1xf32>
        %parallel_loop3A_1279 = vector.extract %parallel_loop3A_1278[0] : f32 from vector<1xf32>
        %parallel_loop3A_1280 = vector.broadcast %parallel_loop3A_1279 : f32 to vector<16xf32>
        %parallel_loop3A_1281 = arith.constant 16 : i32
        %parallel_loop3A_1282 = arith.muli %parallel_loop3A_327, %parallel_loop3A_1281 : i32
        %parallel_loop3A_1283 = arith.constant 9 : i32
        %parallel_loop3A_1284 = arith.addi %parallel_loop3A_1282, %parallel_loop3A_1283 : i32
        %parallel_loop3A_1285 = arith.index_cast %select_n3A_212 : i32 to index
        %parallel_loop3A_1286 = arith.index_cast %parallel_loop3A_1284 : i32 to index
        %parallel_loop3A_1287 = arith.constant 0 : index
        %parallel_loop3A_1288 = tpu.vector_load %arg8[%parallel_loop3A_1285, %parallel_loop3A_1286, %parallel_loop3A_1287] {strides = array<i32>} : memref<2x128x128xf32, #tpu.memory_space<vmem>>, vector<1x1x16xf32>,
        %parallel_loop3A_1289 = vector.shape_cast %parallel_loop3A_1288 : vector<1x1x16xf32> to vector<16xf32>
        %parallel_loop3A_1290 = arith.mulf %parallel_loop3A_1289, %parallel_loop3A_1280 : vector<16xf32>
        %parallel_loop3A_1291 = arith.index_cast %select_n3A_212 : i32 to index
        %parallel_loop3A_1292 = arith.index_cast %parallel_loop3A_1284 : i32 to index
        %parallel_loop3A_1293 = arith.constant 0 : index
        %parallel_loop3A_1294 = tpu.vector_load %arg8[%parallel_loop3A_1291, %parallel_loop3A_1292, %parallel_loop3A_1293] {strides = array<i32>} : memref<2x128x128xf32, #tpu.memory_space<vmem>>, vector<1x1x16xf32>,
        %parallel_loop3A_1295 = vector.shape_cast %parallel_loop3A_1294 : vector<1x1x16xf32> to vector<16xf32>
        %parallel_loop3A_1296 = vector.shape_cast %parallel_loop3A_1290 : vector<16xf32> to vector<1x1x16xf32>
        tpu.vector_store %arg8[%parallel_loop3A_1291, %parallel_loop3A_1292, %parallel_loop3A_1293], %parallel_loop3A_1296 {strides = array<i32>} : memref<2x128x128xf32, #tpu.memory_space<vmem>>, vector<1x1x16xf32>,
        %parallel_loop3A_1297 = arith.index_cast %select_n3A_212 : i32 to index
        %parallel_loop3A_1298 = arith.index_cast %parallel_loop3A_1284 : i32 to index
        %parallel_loop3A_1299 = arith.constant 16 : index
        %parallel_loop3A_1300 = tpu.vector_load %arg8[%parallel_loop3A_1297, %parallel_loop3A_1298, %parallel_loop3A_1299] {strides = array<i32>} : memref<2x128x128xf32, #tpu.memory_space<vmem>>, vector<1x1x16xf32>,
        %parallel_loop3A_1301 = vector.shape_cast %parallel_loop3A_1300 : vector<1x1x16xf32> to vector<16xf32>
        %parallel_loop3A_1302 = arith.mulf %parallel_loop3A_1301, %parallel_loop3A_1280 : vector<16xf32>
        %parallel_loop3A_1303 = arith.index_cast %select_n3A_212 : i32 to index
        %parallel_loop3A_1304 = arith.index_cast %parallel_loop3A_1284 : i32 to index
        %parallel_loop3A_1305 = arith.constant 16 : index
        %parallel_loop3A_1306 = tpu.vector_load %arg8[%parallel_loop3A_1303, %parallel_loop3A_1304, %parallel_loop3A_1305] {strides = array<i32>} : memref<2x128x128xf32, #tpu.memory_space<vmem>>, vector<1x1x16xf32>,
        %parallel_loop3A_1307 = vector.shape_cast %parallel_loop3A_1306 : vector<1x1x16xf32> to vector<16xf32>
        %parallel_loop3A_1308 = vector.shape_cast %parallel_loop3A_1302 : vector<16xf32> to vector<1x1x16xf32>
        tpu.vector_store %arg8[%parallel_loop3A_1303, %parallel_loop3A_1304, %parallel_loop3A_1305], %parallel_loop3A_1308 {strides = array<i32>} : memref<2x128x128xf32, #tpu.memory_space<vmem>>, vector<1x1x16xf32>,
        %parallel_loop3A_1309 = arith.index_cast %select_n3A_212 : i32 to index
        %parallel_loop3A_1310 = arith.index_cast %parallel_loop3A_1284 : i32 to index
        %parallel_loop3A_1311 = arith.constant 32 : index
        %parallel_loop3A_1312 = tpu.vector_load %arg8[%parallel_loop3A_1309, %parallel_loop3A_1310, %parallel_loop3A_1311] {strides = array<i32>} : memref<2x128x128xf32, #tpu.memory_space<vmem>>, vector<1x1x16xf32>,
        %parallel_loop3A_1313 = vector.shape_cast %parallel_loop3A_1312 : vector<1x1x16xf32> to vector<16xf32>
        %parallel_loop3A_1314 = arith.mulf %parallel_loop3A_1313, %parallel_loop3A_1280 : vector<16xf32>
        %parallel_loop3A_1315 = arith.index_cast %select_n3A_212 : i32 to index
        %parallel_loop3A_1316 = arith.index_cast %parallel_loop3A_1284 : i32 to index
        %parallel_loop3A_1317 = arith.constant 32 : index
        %parallel_loop3A_1318 = tpu.vector_load %arg8[%parallel_loop3A_1315, %parallel_loop3A_1316, %parallel_loop3A_1317] {strides = array<i32>} : memref<2x128x128xf32, #tpu.memory_space<vmem>>, vector<1x1x16xf32>,
        %parallel_loop3A_1319 = vector.shape_cast %parallel_loop3A_1318 : vector<1x1x16xf32> to vector<16xf32>
        %parallel_loop3A_1320 = vector.shape_cast %parallel_loop3A_1314 : vector<16xf32> to vector<1x1x16xf32>
        tpu.vector_store %arg8[%parallel_loop3A_1315, %parallel_loop3A_1316, %parallel_loop3A_1317], %parallel_loop3A_1320 {strides = array<i32>} : memref<2x128x128xf32, #tpu.memory_space<vmem>>, vector<1x1x16xf32>,
        %parallel_loop3A_1321 = arith.index_cast %select_n3A_212 : i32 to index
        %parallel_loop3A_1322 = arith.index_cast %parallel_loop3A_1284 : i32 to index
        %parallel_loop3A_1323 = arith.constant 48 : index
        %parallel_loop3A_1324 = tpu.vector_load %arg8[%parallel_loop3A_1321, %parallel_loop3A_1322, %parallel_loop3A_1323] {strides = array<i32>} : memref<2x128x128xf32, #tpu.memory_space<vmem>>, vector<1x1x16xf32>,
        %parallel_loop3A_1325 = vector.shape_cast %parallel_loop3A_1324 : vector<1x1x16xf32> to vector<16xf32>
        %parallel_loop3A_1326 = arith.mulf %parallel_loop3A_1325, %parallel_loop3A_1280 : vector<16xf32>
        %parallel_loop3A_1327 = arith.index_cast %select_n3A_212 : i32 to index
        %parallel_loop3A_1328 = arith.index_cast %parallel_loop3A_1284 : i32 to index
        %parallel_loop3A_1329 = arith.constant 48 : index
        %parallel_loop3A_1330 = tpu.vector_load %arg8[%parallel_loop3A_1327, %parallel_loop3A_1328, %parallel_loop3A_1329] {strides = array<i32>} : memref<2x128x128xf32, #tpu.memory_space<vmem>>, vector<1x1x16xf32>,
        %parallel_loop3A_1331 = vector.shape_cast %parallel_loop3A_1330 : vector<1x1x16xf32> to vector<16xf32>
        %parallel_loop3A_1332 = vector.shape_cast %parallel_loop3A_1326 : vector<16xf32> to vector<1x1x16xf32>
        tpu.vector_store %arg8[%parallel_loop3A_1327, %parallel_loop3A_1328, %parallel_loop3A_1329], %parallel_loop3A_1332 {strides = array<i32>} : memref<2x128x128xf32, #tpu.memory_space<vmem>>, vector<1x1x16xf32>,
        %parallel_loop3A_1333 = arith.index_cast %select_n3A_212 : i32 to index
        %parallel_loop3A_1334 = arith.index_cast %parallel_loop3A_1284 : i32 to index
        %parallel_loop3A_1335 = arith.constant 64 : index
        %parallel_loop3A_1336 = tpu.vector_load %arg8[%parallel_loop3A_1333, %parallel_loop3A_1334, %parallel_loop3A_1335] {strides = array<i32>} : memref<2x128x128xf32, #tpu.memory_space<vmem>>, vector<1x1x16xf32>,
        %parallel_loop3A_1337 = vector.shape_cast %parallel_loop3A_1336 : vector<1x1x16xf32> to vector<16xf32>
        %parallel_loop3A_1338 = arith.mulf %parallel_loop3A_1337, %parallel_loop3A_1280 : vector<16xf32>
        %parallel_loop3A_1339 = arith.index_cast %select_n3A_212 : i32 to index
        %parallel_loop3A_1340 = arith.index_cast %parallel_loop3A_1284 : i32 to index
        %parallel_loop3A_1341 = arith.constant 64 : index
        %parallel_loop3A_1342 = tpu.vector_load %arg8[%parallel_loop3A_1339, %parallel_loop3A_1340, %parallel_loop3A_1341] {strides = array<i32>} : memref<2x128x128xf32, #tpu.memory_space<vmem>>, vector<1x1x16xf32>,
        %parallel_loop3A_1343 = vector.shape_cast %parallel_loop3A_1342 : vector<1x1x16xf32> to vector<16xf32>
        %parallel_loop3A_1344 = vector.shape_cast %parallel_loop3A_1338 : vector<16xf32> to vector<1x1x16xf32>
        tpu.vector_store %arg8[%parallel_loop3A_1339, %parallel_loop3A_1340, %parallel_loop3A_1341], %parallel_loop3A_1344 {strides = array<i32>} : memref<2x128x128xf32, #tpu.memory_space<vmem>>, vector<1x1x16xf32>,
        %parallel_loop3A_1345 = arith.index_cast %select_n3A_212 : i32 to index
        %parallel_loop3A_1346 = arith.index_cast %parallel_loop3A_1284 : i32 to index
        %parallel_loop3A_1347 = arith.constant 80 : index
        %parallel_loop3A_1348 = tpu.vector_load %arg8[%parallel_loop3A_1345, %parallel_loop3A_1346, %parallel_loop3A_1347] {strides = array<i32>} : memref<2x128x128xf32, #tpu.memory_space<vmem>>, vector<1x1x16xf32>,
        %parallel_loop3A_1349 = vector.shape_cast %parallel_loop3A_1348 : vector<1x1x16xf32> to vector<16xf32>
        %parallel_loop3A_1350 = arith.mulf %parallel_loop3A_1349, %parallel_loop3A_1280 : vector<16xf32>
        %parallel_loop3A_1351 = arith.index_cast %select_n3A_212 : i32 to index
        %parallel_loop3A_1352 = arith.index_cast %parallel_loop3A_1284 : i32 to index
        %parallel_loop3A_1353 = arith.constant 80 : index
        %parallel_loop3A_1354 = tpu.vector_load %arg8[%parallel_loop3A_1351, %parallel_loop3A_1352, %parallel_loop3A_1353] {strides = array<i32>} : memref<2x128x128xf32, #tpu.memory_space<vmem>>, vector<1x1x16xf32>,
        %parallel_loop3A_1355 = vector.shape_cast %parallel_loop3A_1354 : vector<1x1x16xf32> to vector<16xf32>
        %parallel_loop3A_1356 = vector.shape_cast %parallel_loop3A_1350 : vector<16xf32> to vector<1x1x16xf32>
        tpu.vector_store %arg8[%parallel_loop3A_1351, %parallel_loop3A_1352, %parallel_loop3A_1353], %parallel_loop3A_1356 {strides = array<i32>} : memref<2x128x128xf32, #tpu.memory_space<vmem>>, vector<1x1x16xf32>,
        %parallel_loop3A_1357 = arith.index_cast %select_n3A_212 : i32 to index
        %parallel_loop3A_1358 = arith.index_cast %parallel_loop3A_1284 : i32 to index
        %parallel_loop3A_1359 = arith.constant 96 : index
        %parallel_loop3A_1360 = tpu.vector_load %arg8[%parallel_loop3A_1357, %parallel_loop3A_1358, %parallel_loop3A_1359] {strides = array<i32>} : memref<2x128x128xf32, #tpu.memory_space<vmem>>, vector<1x1x16xf32>,
        %parallel_loop3A_1361 = vector.shape_cast %parallel_loop3A_1360 : vector<1x1x16xf32> to vector<16xf32>
        %parallel_loop3A_1362 = arith.mulf %parallel_loop3A_1361, %parallel_loop3A_1280 : vector<16xf32>
        %parallel_loop3A_1363 = arith.index_cast %select_n3A_212 : i32 to index
        %parallel_loop3A_1364 = arith.index_cast %parallel_loop3A_1284 : i32 to index
        %parallel_loop3A_1365 = arith.constant 96 : index
        %parallel_loop3A_1366 = tpu.vector_load %arg8[%parallel_loop3A_1363, %parallel_loop3A_1364, %parallel_loop3A_1365] {strides = array<i32>} : memref<2x128x128xf32, #tpu.memory_space<vmem>>, vector<1x1x16xf32>,
        %parallel_loop3A_1367 = vector.shape_cast %parallel_loop3A_1366 : vector<1x1x16xf32> to vector<16xf32>
        %parallel_loop3A_1368 = vector.shape_cast %parallel_loop3A_1362 : vector<16xf32> to vector<1x1x16xf32>
        tpu.vector_store %arg8[%parallel_loop3A_1363, %parallel_loop3A_1364, %parallel_loop3A_1365], %parallel_loop3A_1368 {strides = array<i32>} : memref<2x128x128xf32, #tpu.memory_space<vmem>>, vector<1x1x16xf32>,
        %parallel_loop3A_1369 = arith.index_cast %select_n3A_212 : i32 to index
        %parallel_loop3A_1370 = arith.index_cast %parallel_loop3A_1284 : i32 to index
        %parallel_loop3A_1371 = arith.constant 112 : index
        %parallel_loop3A_1372 = tpu.vector_load %arg8[%parallel_loop3A_1369, %parallel_loop3A_1370, %parallel_loop3A_1371] {strides = array<i32>} : memref<2x128x128xf32, #tpu.memory_space<vmem>>, vector<1x1x16xf32>,
        %parallel_loop3A_1373 = vector.shape_cast %parallel_loop3A_1372 : vector<1x1x16xf32> to vector<16xf32>
        %parallel_loop3A_1374 = arith.mulf %parallel_loop3A_1373, %parallel_loop3A_1280 : vector<16xf32>
        %parallel_loop3A_1375 = arith.index_cast %select_n3A_212 : i32 to index
        %parallel_loop3A_1376 = arith.index_cast %parallel_loop3A_1284 : i32 to index
        %parallel_loop3A_1377 = arith.constant 112 : index
        %parallel_loop3A_1378 = tpu.vector_load %arg8[%parallel_loop3A_1375, %parallel_loop3A_1376, %parallel_loop3A_1377] {strides = array<i32>} : memref<2x128x128xf32, #tpu.memory_space<vmem>>, vector<1x1x16xf32>,
        %parallel_loop3A_1379 = vector.shape_cast %parallel_loop3A_1378 : vector<1x1x16xf32> to vector<16xf32>
        %parallel_loop3A_1380 = vector.shape_cast %parallel_loop3A_1374 : vector<16xf32> to vector<1x1x16xf32>
        tpu.vector_store %arg8[%parallel_loop3A_1375, %parallel_loop3A_1376, %parallel_loop3A_1377], %parallel_loop3A_1380 {strides = array<i32>} : memref<2x128x128xf32, #tpu.memory_space<vmem>>, vector<1x1x16xf32>,
        %parallel_loop3A_1381 = vector.extract_strided_slice %parallel_loop3A_350 {offsets = [10], sizes = [1], strides = [1]} : vector<16xf32> to vector<1xf32>
        %parallel_loop3A_1382 = vector.extract %parallel_loop3A_1381[0] : f32 from vector<1xf32>
        %parallel_loop3A_1383 = vector.broadcast %parallel_loop3A_1382 : f32 to vector<16xf32>
        %parallel_loop3A_1384 = arith.constant 16 : i32
        %parallel_loop3A_1385 = arith.muli %parallel_loop3A_327, %parallel_loop3A_1384 : i32
        %parallel_loop3A_1386 = arith.constant 10 : i32
        %parallel_loop3A_1387 = arith.addi %parallel_loop3A_1385, %parallel_loop3A_1386 : i32
        %parallel_loop3A_1388 = arith.index_cast %select_n3A_212 : i32 to index
        %parallel_loop3A_1389 = arith.index_cast %parallel_loop3A_1387 : i32 to index
        %parallel_loop3A_1390 = arith.constant 0 : index
        %parallel_loop3A_1391 = tpu.vector_load %arg8[%parallel_loop3A_1388, %parallel_loop3A_1389, %parallel_loop3A_1390] {strides = array<i32>} : memref<2x128x128xf32, #tpu.memory_space<vmem>>, vector<1x1x16xf32>,
        %parallel_loop3A_1392 = vector.shape_cast %parallel_loop3A_1391 : vector<1x1x16xf32> to vector<16xf32>
        %parallel_loop3A_1393 = arith.mulf %parallel_loop3A_1392, %parallel_loop3A_1383 : vector<16xf32>
        %parallel_loop3A_1394 = arith.index_cast %select_n3A_212 : i32 to index
        %parallel_loop3A_1395 = arith.index_cast %parallel_loop3A_1387 : i32 to index
        %parallel_loop3A_1396 = arith.constant 0 : index
        %parallel_loop3A_1397 = tpu.vector_load %arg8[%parallel_loop3A_1394, %parallel_loop3A_1395, %parallel_loop3A_1396] {strides = array<i32>} : memref<2x128x128xf32, #tpu.memory_space<vmem>>, vector<1x1x16xf32>,
        %parallel_loop3A_1398 = vector.shape_cast %parallel_loop3A_1397 : vector<1x1x16xf32> to vector<16xf32>
        %parallel_loop3A_1399 = vector.shape_cast %parallel_loop3A_1393 : vector<16xf32> to vector<1x1x16xf32>
        tpu.vector_store %arg8[%parallel_loop3A_1394, %parallel_loop3A_1395, %parallel_loop3A_1396], %parallel_loop3A_1399 {strides = array<i32>} : memref<2x128x128xf32, #tpu.memory_space<vmem>>, vector<1x1x16xf32>,
        %parallel_loop3A_1400 = arith.index_cast %select_n3A_212 : i32 to index
        %parallel_loop3A_1401 = arith.index_cast %parallel_loop3A_1387 : i32 to index
        %parallel_loop3A_1402 = arith.constant 16 : index
        %parallel_loop3A_1403 = tpu.vector_load %arg8[%parallel_loop3A_1400, %parallel_loop3A_1401, %parallel_loop3A_1402] {strides = array<i32>} : memref<2x128x128xf32, #tpu.memory_space<vmem>>, vector<1x1x16xf32>,
        %parallel_loop3A_1404 = vector.shape_cast %parallel_loop3A_1403 : vector<1x1x16xf32> to vector<16xf32>
        %parallel_loop3A_1405 = arith.mulf %parallel_loop3A_1404, %parallel_loop3A_1383 : vector<16xf32>
        %parallel_loop3A_1406 = arith.index_cast %select_n3A_212 : i32 to index
        %parallel_loop3A_1407 = arith.index_cast %parallel_loop3A_1387 : i32 to index
        %parallel_loop3A_1408 = arith.constant 16 : index
        %parallel_loop3A_1409 = tpu.vector_load %arg8[%parallel_loop3A_1406, %parallel_loop3A_1407, %parallel_loop3A_1408] {strides = array<i32>} : memref<2x128x128xf32, #tpu.memory_space<vmem>>, vector<1x1x16xf32>,
        %parallel_loop3A_1410 = vector.shape_cast %parallel_loop3A_1409 : vector<1x1x16xf32> to vector<16xf32>
        %parallel_loop3A_1411 = vector.shape_cast %parallel_loop3A_1405 : vector<16xf32> to vector<1x1x16xf32>
        tpu.vector_store %arg8[%parallel_loop3A_1406, %parallel_loop3A_1407, %parallel_loop3A_1408], %parallel_loop3A_1411 {strides = array<i32>} : memref<2x128x128xf32, #tpu.memory_space<vmem>>, vector<1x1x16xf32>,
        %parallel_loop3A_1412 = arith.index_cast %select_n3A_212 : i32 to index
        %parallel_loop3A_1413 = arith.index_cast %parallel_loop3A_1387 : i32 to index
        %parallel_loop3A_1414 = arith.constant 32 : index
        %parallel_loop3A_1415 = tpu.vector_load %arg8[%parallel_loop3A_1412, %parallel_loop3A_1413, %parallel_loop3A_1414] {strides = array<i32>} : memref<2x128x128xf32, #tpu.memory_space<vmem>>, vector<1x1x16xf32>,
        %parallel_loop3A_1416 = vector.shape_cast %parallel_loop3A_1415 : vector<1x1x16xf32> to vector<16xf32>
        %parallel_loop3A_1417 = arith.mulf %parallel_loop3A_1416, %parallel_loop3A_1383 : vector<16xf32>
        %parallel_loop3A_1418 = arith.index_cast %select_n3A_212 : i32 to index
        %parallel_loop3A_1419 = arith.index_cast %parallel_loop3A_1387 : i32 to index
        %parallel_loop3A_1420 = arith.constant 32 : index
        %parallel_loop3A_1421 = tpu.vector_load %arg8[%parallel_loop3A_1418, %parallel_loop3A_1419, %parallel_loop3A_1420] {strides = array<i32>} : memref<2x128x128xf32, #tpu.memory_space<vmem>>, vector<1x1x16xf32>,
        %parallel_loop3A_1422 = vector.shape_cast %parallel_loop3A_1421 : vector<1x1x16xf32> to vector<16xf32>
        %parallel_loop3A_1423 = vector.shape_cast %parallel_loop3A_1417 : vector<16xf32> to vector<1x1x16xf32>
        tpu.vector_store %arg8[%parallel_loop3A_1418, %parallel_loop3A_1419, %parallel_loop3A_1420], %parallel_loop3A_1423 {strides = array<i32>} : memref<2x128x128xf32, #tpu.memory_space<vmem>>, vector<1x1x16xf32>,
        %parallel_loop3A_1424 = arith.index_cast %select_n3A_212 : i32 to index
        %parallel_loop3A_1425 = arith.index_cast %parallel_loop3A_1387 : i32 to index
        %parallel_loop3A_1426 = arith.constant 48 : index
        %parallel_loop3A_1427 = tpu.vector_load %arg8[%parallel_loop3A_1424, %parallel_loop3A_1425, %parallel_loop3A_1426] {strides = array<i32>} : memref<2x128x128xf32, #tpu.memory_space<vmem>>, vector<1x1x16xf32>,
        %parallel_loop3A_1428 = vector.shape_cast %parallel_loop3A_1427 : vector<1x1x16xf32> to vector<16xf32>
        %parallel_loop3A_1429 = arith.mulf %parallel_loop3A_1428, %parallel_loop3A_1383 : vector<16xf32>
        %parallel_loop3A_1430 = arith.index_cast %select_n3A_212 : i32 to index
        %parallel_loop3A_1431 = arith.index_cast %parallel_loop3A_1387 : i32 to index
        %parallel_loop3A_1432 = arith.constant 48 : index
        %parallel_loop3A_1433 = tpu.vector_load %arg8[%parallel_loop3A_1430, %parallel_loop3A_1431, %parallel_loop3A_1432] {strides = array<i32>} : memref<2x128x128xf32, #tpu.memory_space<vmem>>, vector<1x1x16xf32>,
        %parallel_loop3A_1434 = vector.shape_cast %parallel_loop3A_1433 : vector<1x1x16xf32> to vector<16xf32>
        %parallel_loop3A_1435 = vector.shape_cast %parallel_loop3A_1429 : vector<16xf32> to vector<1x1x16xf32>
        tpu.vector_store %arg8[%parallel_loop3A_1430, %parallel_loop3A_1431, %parallel_loop3A_1432], %parallel_loop3A_1435 {strides = array<i32>} : memref<2x128x128xf32, #tpu.memory_space<vmem>>, vector<1x1x16xf32>,
        %parallel_loop3A_1436 = arith.index_cast %select_n3A_212 : i32 to index
        %parallel_loop3A_1437 = arith.index_cast %parallel_loop3A_1387 : i32 to index
        %parallel_loop3A_1438 = arith.constant 64 : index
        %parallel_loop3A_1439 = tpu.vector_load %arg8[%parallel_loop3A_1436, %parallel_loop3A_1437, %parallel_loop3A_1438] {strides = array<i32>} : memref<2x128x128xf32, #tpu.memory_space<vmem>>, vector<1x1x16xf32>,
        %parallel_loop3A_1440 = vector.shape_cast %parallel_loop3A_1439 : vector<1x1x16xf32> to vector<16xf32>
        %parallel_loop3A_1441 = arith.mulf %parallel_loop3A_1440, %parallel_loop3A_1383 : vector<16xf32>
        %parallel_loop3A_1442 = arith.index_cast %select_n3A_212 : i32 to index
        %parallel_loop3A_1443 = arith.index_cast %parallel_loop3A_1387 : i32 to index
        %parallel_loop3A_1444 = arith.constant 64 : index
        %parallel_loop3A_1445 = tpu.vector_load %arg8[%parallel_loop3A_1442, %parallel_loop3A_1443, %parallel_loop3A_1444] {strides = array<i32>} : memref<2x128x128xf32, #tpu.memory_space<vmem>>, vector<1x1x16xf32>,
        %parallel_loop3A_1446 = vector.shape_cast %parallel_loop3A_1445 : vector<1x1x16xf32> to vector<16xf32>
        %parallel_loop3A_1447 = vector.shape_cast %parallel_loop3A_1441 : vector<16xf32> to vector<1x1x16xf32>
        tpu.vector_store %arg8[%parallel_loop3A_1442, %parallel_loop3A_1443, %parallel_loop3A_1444], %parallel_loop3A_1447 {strides = array<i32>} : memref<2x128x128xf32, #tpu.memory_space<vmem>>, vector<1x1x16xf32>,
        %parallel_loop3A_1448 = arith.index_cast %select_n3A_212 : i32 to index
        %parallel_loop3A_1449 = arith.index_cast %parallel_loop3A_1387 : i32 to index
        %parallel_loop3A_1450 = arith.constant 80 : index
        %parallel_loop3A_1451 = tpu.vector_load %arg8[%parallel_loop3A_1448, %parallel_loop3A_1449, %parallel_loop3A_1450] {strides = array<i32>} : memref<2x128x128xf32, #tpu.memory_space<vmem>>, vector<1x1x16xf32>,
        %parallel_loop3A_1452 = vector.shape_cast %parallel_loop3A_1451 : vector<1x1x16xf32> to vector<16xf32>
        %parallel_loop3A_1453 = arith.mulf %parallel_loop3A_1452, %parallel_loop3A_1383 : vector<16xf32>
        %parallel_loop3A_1454 = arith.index_cast %select_n3A_212 : i32 to index
        %parallel_loop3A_1455 = arith.index_cast %parallel_loop3A_1387 : i32 to index
        %parallel_loop3A_1456 = arith.constant 80 : index
        %parallel_loop3A_1457 = tpu.vector_load %arg8[%parallel_loop3A_1454, %parallel_loop3A_1455, %parallel_loop3A_1456] {strides = array<i32>} : memref<2x128x128xf32, #tpu.memory_space<vmem>>, vector<1x1x16xf32>,
        %parallel_loop3A_1458 = vector.shape_cast %parallel_loop3A_1457 : vector<1x1x16xf32> to vector<16xf32>
        %parallel_loop3A_1459 = vector.shape_cast %parallel_loop3A_1453 : vector<16xf32> to vector<1x1x16xf32>
        tpu.vector_store %arg8[%parallel_loop3A_1454, %parallel_loop3A_1455, %parallel_loop3A_1456], %parallel_loop3A_1459 {strides = array<i32>} : memref<2x128x128xf32, #tpu.memory_space<vmem>>, vector<1x1x16xf32>,
        %parallel_loop3A_1460 = arith.index_cast %select_n3A_212 : i32 to index
        %parallel_loop3A_1461 = arith.index_cast %parallel_loop3A_1387 : i32 to index
        %parallel_loop3A_1462 = arith.constant 96 : index
        %parallel_loop3A_1463 = tpu.vector_load %arg8[%parallel_loop3A_1460, %parallel_loop3A_1461, %parallel_loop3A_1462] {strides = array<i32>} : memref<2x128x128xf32, #tpu.memory_space<vmem>>, vector<1x1x16xf32>,
        %parallel_loop3A_1464 = vector.shape_cast %parallel_loop3A_1463 : vector<1x1x16xf32> to vector<16xf32>
        %parallel_loop3A_1465 = arith.mulf %parallel_loop3A_1464, %parallel_loop3A_1383 : vector<16xf32>
        %parallel_loop3A_1466 = arith.index_cast %select_n3A_212 : i32 to index
        %parallel_loop3A_1467 = arith.index_cast %parallel_loop3A_1387 : i32 to index
        %parallel_loop3A_1468 = arith.constant 96 : index
        %parallel_loop3A_1469 = tpu.vector_load %arg8[%parallel_loop3A_1466, %parallel_loop3A_1467, %parallel_loop3A_1468] {strides = array<i32>} : memref<2x128x128xf32, #tpu.memory_space<vmem>>, vector<1x1x16xf32>,
        %parallel_loop3A_1470 = vector.shape_cast %parallel_loop3A_1469 : vector<1x1x16xf32> to vector<16xf32>
        %parallel_loop3A_1471 = vector.shape_cast %parallel_loop3A_1465 : vector<16xf32> to vector<1x1x16xf32>
        tpu.vector_store %arg8[%parallel_loop3A_1466, %parallel_loop3A_1467, %parallel_loop3A_1468], %parallel_loop3A_1471 {strides = array<i32>} : memref<2x128x128xf32, #tpu.memory_space<vmem>>, vector<1x1x16xf32>,
        %parallel_loop3A_1472 = arith.index_cast %select_n3A_212 : i32 to index
        %parallel_loop3A_1473 = arith.index_cast %parallel_loop3A_1387 : i32 to index
        %parallel_loop3A_1474 = arith.constant 112 : index
        %parallel_loop3A_1475 = tpu.vector_load %arg8[%parallel_loop3A_1472, %parallel_loop3A_1473, %parallel_loop3A_1474] {strides = array<i32>} : memref<2x128x128xf32, #tpu.memory_space<vmem>>, vector<1x1x16xf32>,
        %parallel_loop3A_1476 = vector.shape_cast %parallel_loop3A_1475 : vector<1x1x16xf32> to vector<16xf32>
        %parallel_loop3A_1477 = arith.mulf %parallel_loop3A_1476, %parallel_loop3A_1383 : vector<16xf32>
        %parallel_loop3A_1478 = arith.index_cast %select_n3A_212 : i32 to index
        %parallel_loop3A_1479 = arith.index_cast %parallel_loop3A_1387 : i32 to index
        %parallel_loop3A_1480 = arith.constant 112 : index
        %parallel_loop3A_1481 = tpu.vector_load %arg8[%parallel_loop3A_1478, %parallel_loop3A_1479, %parallel_loop3A_1480] {strides = array<i32>} : memref<2x128x128xf32, #tpu.memory_space<vmem>>, vector<1x1x16xf32>,
        %parallel_loop3A_1482 = vector.shape_cast %parallel_loop3A_1481 : vector<1x1x16xf32> to vector<16xf32>
        %parallel_loop3A_1483 = vector.shape_cast %parallel_loop3A_1477 : vector<16xf32> to vector<1x1x16xf32>
        tpu.vector_store %arg8[%parallel_loop3A_1478, %parallel_loop3A_1479, %parallel_loop3A_1480], %parallel_loop3A_1483 {strides = array<i32>} : memref<2x128x128xf32, #tpu.memory_space<vmem>>, vector<1x1x16xf32>,
        %parallel_loop3A_1484 = vector.extract_strided_slice %parallel_loop3A_350 {offsets = [11], sizes = [1], strides = [1]} : vector<16xf32> to vector<1xf32>
        %parallel_loop3A_1485 = vector.extract %parallel_loop3A_1484[0] : f32 from vector<1xf32>
        %parallel_loop3A_1486 = vector.broadcast %parallel_loop3A_1485 : f32 to vector<16xf32>
        %parallel_loop3A_1487 = arith.constant 16 : i32
        %parallel_loop3A_1488 = arith.muli %parallel_loop3A_327, %parallel_loop3A_1487 : i32
        %parallel_loop3A_1489 = arith.constant 11 : i32
        %parallel_loop3A_1490 = arith.addi %parallel_loop3A_1488, %parallel_loop3A_1489 : i32
        %parallel_loop3A_1491 = arith.index_cast %select_n3A_212 : i32 to index
        %parallel_loop3A_1492 = arith.index_cast %parallel_loop3A_1490 : i32 to index
        %parallel_loop3A_1493 = arith.constant 0 : index
        %parallel_loop3A_1494 = tpu.vector_load %arg8[%parallel_loop3A_1491, %parallel_loop3A_1492, %parallel_loop3A_1493] {strides = array<i32>} : memref<2x128x128xf32, #tpu.memory_space<vmem>>, vector<1x1x16xf32>,
        %parallel_loop3A_1495 = vector.shape_cast %parallel_loop3A_1494 : vector<1x1x16xf32> to vector<16xf32>
        %parallel_loop3A_1496 = arith.mulf %parallel_loop3A_1495, %parallel_loop3A_1486 : vector<16xf32>
        %parallel_loop3A_1497 = arith.index_cast %select_n3A_212 : i32 to index
        %parallel_loop3A_1498 = arith.index_cast %parallel_loop3A_1490 : i32 to index
        %parallel_loop3A_1499 = arith.constant 0 : index
        %parallel_loop3A_1500 = tpu.vector_load %arg8[%parallel_loop3A_1497, %parallel_loop3A_1498, %parallel_loop3A_1499] {strides = array<i32>} : memref<2x128x128xf32, #tpu.memory_space<vmem>>, vector<1x1x16xf32>,
        %parallel_loop3A_1501 = vector.shape_cast %parallel_loop3A_1500 : vector<1x1x16xf32> to vector<16xf32>
        %parallel_loop3A_1502 = vector.shape_cast %parallel_loop3A_1496 : vector<16xf32> to vector<1x1x16xf32>
        tpu.vector_store %arg8[%parallel_loop3A_1497, %parallel_loop3A_1498, %parallel_loop3A_1499], %parallel_loop3A_1502 {strides = array<i32>} : memref<2x128x128xf32, #tpu.memory_space<vmem>>, vector<1x1x16xf32>,
        %parallel_loop3A_1503 = arith.index_cast %select_n3A_212 : i32 to index
        %parallel_loop3A_1504 = arith.index_cast %parallel_loop3A_1490 : i32 to index
        %parallel_loop3A_1505 = arith.constant 16 : index
        %parallel_loop3A_1506 = tpu.vector_load %arg8[%parallel_loop3A_1503, %parallel_loop3A_1504, %parallel_loop3A_1505] {strides = array<i32>} : memref<2x128x128xf32, #tpu.memory_space<vmem>>, vector<1x1x16xf32>,
        %parallel_loop3A_1507 = vector.shape_cast %parallel_loop3A_1506 : vector<1x1x16xf32> to vector<16xf32>
        %parallel_loop3A_1508 = arith.mulf %parallel_loop3A_1507, %parallel_loop3A_1486 : vector<16xf32>
        %parallel_loop3A_1509 = arith.index_cast %select_n3A_212 : i32 to index
        %parallel_loop3A_1510 = arith.index_cast %parallel_loop3A_1490 : i32 to index
        %parallel_loop3A_1511 = arith.constant 16 : index
        %parallel_loop3A_1512 = tpu.vector_load %arg8[%parallel_loop3A_1509, %parallel_loop3A_1510, %parallel_loop3A_1511] {strides = array<i32>} : memref<2x128x128xf32, #tpu.memory_space<vmem>>, vector<1x1x16xf32>,
        %parallel_loop3A_1513 = vector.shape_cast %parallel_loop3A_1512 : vector<1x1x16xf32> to vector<16xf32>
        %parallel_loop3A_1514 = vector.shape_cast %parallel_loop3A_1508 : vector<16xf32> to vector<1x1x16xf32>
        tpu.vector_store %arg8[%parallel_loop3A_1509, %parallel_loop3A_1510, %parallel_loop3A_1511], %parallel_loop3A_1514 {strides = array<i32>} : memref<2x128x128xf32, #tpu.memory_space<vmem>>, vector<1x1x16xf32>,
        %parallel_loop3A_1515 = arith.index_cast %select_n3A_212 : i32 to index
        %parallel_loop3A_1516 = arith.index_cast %parallel_loop3A_1490 : i32 to index
        %parallel_loop3A_1517 = arith.constant 32 : index
        %parallel_loop3A_1518 = tpu.vector_load %arg8[%parallel_loop3A_1515, %parallel_loop3A_1516, %parallel_loop3A_1517] {strides = array<i32>} : memref<2x128x128xf32, #tpu.memory_space<vmem>>, vector<1x1x16xf32>,
        %parallel_loop3A_1519 = vector.shape_cast %parallel_loop3A_1518 : vector<1x1x16xf32> to vector<16xf32>
        %parallel_loop3A_1520 = arith.mulf %parallel_loop3A_1519, %parallel_loop3A_1486 : vector<16xf32>
        %parallel_loop3A_1521 = arith.index_cast %select_n3A_212 : i32 to index
        %parallel_loop3A_1522 = arith.index_cast %parallel_loop3A_1490 : i32 to index
        %parallel_loop3A_1523 = arith.constant 32 : index
        %parallel_loop3A_1524 = tpu.vector_load %arg8[%parallel_loop3A_1521, %parallel_loop3A_1522, %parallel_loop3A_1523] {strides = array<i32>} : memref<2x128x128xf32, #tpu.memory_space<vmem>>, vector<1x1x16xf32>,
        %parallel_loop3A_1525 = vector.shape_cast %parallel_loop3A_1524 : vector<1x1x16xf32> to vector<16xf32>
        %parallel_loop3A_1526 = vector.shape_cast %parallel_loop3A_1520 : vector<16xf32> to vector<1x1x16xf32>
        tpu.vector_store %arg8[%parallel_loop3A_1521, %parallel_loop3A_1522, %parallel_loop3A_1523], %parallel_loop3A_1526 {strides = array<i32>} : memref<2x128x128xf32, #tpu.memory_space<vmem>>, vector<1x1x16xf32>,
        %parallel_loop3A_1527 = arith.index_cast %select_n3A_212 : i32 to index
        %parallel_loop3A_1528 = arith.index_cast %parallel_loop3A_1490 : i32 to index
        %parallel_loop3A_1529 = arith.constant 48 : index
        %parallel_loop3A_1530 = tpu.vector_load %arg8[%parallel_loop3A_1527, %parallel_loop3A_1528, %parallel_loop3A_1529] {strides = array<i32>} : memref<2x128x128xf32, #tpu.memory_space<vmem>>, vector<1x1x16xf32>,
        %parallel_loop3A_1531 = vector.shape_cast %parallel_loop3A_1530 : vector<1x1x16xf32> to vector<16xf32>
        %parallel_loop3A_1532 = arith.mulf %parallel_loop3A_1531, %parallel_loop3A_1486 : vector<16xf32>
        %parallel_loop3A_1533 = arith.index_cast %select_n3A_212 : i32 to index
        %parallel_loop3A_1534 = arith.index_cast %parallel_loop3A_1490 : i32 to index
        %parallel_loop3A_1535 = arith.constant 48 : index
        %parallel_loop3A_1536 = tpu.vector_load %arg8[%parallel_loop3A_1533, %parallel_loop3A_1534, %parallel_loop3A_1535] {strides = array<i32>} : memref<2x128x128xf32, #tpu.memory_space<vmem>>, vector<1x1x16xf32>,
        %parallel_loop3A_1537 = vector.shape_cast %parallel_loop3A_1536 : vector<1x1x16xf32> to vector<16xf32>
        %parallel_loop3A_1538 = vector.shape_cast %parallel_loop3A_1532 : vector<16xf32> to vector<1x1x16xf32>
        tpu.vector_store %arg8[%parallel_loop3A_1533, %parallel_loop3A_1534, %parallel_loop3A_1535], %parallel_loop3A_1538 {strides = array<i32>} : memref<2x128x128xf32, #tpu.memory_space<vmem>>, vector<1x1x16xf32>,
        %parallel_loop3A_1539 = arith.index_cast %select_n3A_212 : i32 to index
        %parallel_loop3A_1540 = arith.index_cast %parallel_loop3A_1490 : i32 to index
        %parallel_loop3A_1541 = arith.constant 64 : index
        %parallel_loop3A_1542 = tpu.vector_load %arg8[%parallel_loop3A_1539, %parallel_loop3A_1540, %parallel_loop3A_1541] {strides = array<i32>} : memref<2x128x128xf32, #tpu.memory_space<vmem>>, vector<1x1x16xf32>,
        %parallel_loop3A_1543 = vector.shape_cast %parallel_loop3A_1542 : vector<1x1x16xf32> to vector<16xf32>
        %parallel_loop3A_1544 = arith.mulf %parallel_loop3A_1543, %parallel_loop3A_1486 : vector<16xf32>
        %parallel_loop3A_1545 = arith.index_cast %select_n3A_212 : i32 to index
        %parallel_loop3A_1546 = arith.index_cast %parallel_loop3A_1490 : i32 to index
        %parallel_loop3A_1547 = arith.constant 64 : index
        %parallel_loop3A_1548 = tpu.vector_load %arg8[%parallel_loop3A_1545, %parallel_loop3A_1546, %parallel_loop3A_1547] {strides = array<i32>} : memref<2x128x128xf32, #tpu.memory_space<vmem>>, vector<1x1x16xf32>,
        %parallel_loop3A_1549 = vector.shape_cast %parallel_loop3A_1548 : vector<1x1x16xf32> to vector<16xf32>
        %parallel_loop3A_1550 = vector.shape_cast %parallel_loop3A_1544 : vector<16xf32> to vector<1x1x16xf32>
        tpu.vector_store %arg8[%parallel_loop3A_1545, %parallel_loop3A_1546, %parallel_loop3A_1547], %parallel_loop3A_1550 {strides = array<i32>} : memref<2x128x128xf32, #tpu.memory_space<vmem>>, vector<1x1x16xf32>,
        %parallel_loop3A_1551 = arith.index_cast %select_n3A_212 : i32 to index
        %parallel_loop3A_1552 = arith.index_cast %parallel_loop3A_1490 : i32 to index
        %parallel_loop3A_1553 = arith.constant 80 : index
        %parallel_loop3A_1554 = tpu.vector_load %arg8[%parallel_loop3A_1551, %parallel_loop3A_1552, %parallel_loop3A_1553] {strides = array<i32>} : memref<2x128x128xf32, #tpu.memory_space<vmem>>, vector<1x1x16xf32>,
        %parallel_loop3A_1555 = vector.shape_cast %parallel_loop3A_1554 : vector<1x1x16xf32> to vector<16xf32>
        %parallel_loop3A_1556 = arith.mulf %parallel_loop3A_1555, %parallel_loop3A_1486 : vector<16xf32>
        %parallel_loop3A_1557 = arith.index_cast %select_n3A_212 : i32 to index
        %parallel_loop3A_1558 = arith.index_cast %parallel_loop3A_1490 : i32 to index
        %parallel_loop3A_1559 = arith.constant 80 : index
        %parallel_loop3A_1560 = tpu.vector_load %arg8[%parallel_loop3A_1557, %parallel_loop3A_1558, %parallel_loop3A_1559] {strides = array<i32>} : memref<2x128x128xf32, #tpu.memory_space<vmem>>, vector<1x1x16xf32>,
        %parallel_loop3A_1561 = vector.shape_cast %parallel_loop3A_1560 : vector<1x1x16xf32> to vector<16xf32>
        %parallel_loop3A_1562 = vector.shape_cast %parallel_loop3A_1556 : vector<16xf32> to vector<1x1x16xf32>
        tpu.vector_store %arg8[%parallel_loop3A_1557, %parallel_loop3A_1558, %parallel_loop3A_1559], %parallel_loop3A_1562 {strides = array<i32>} : memref<2x128x128xf32, #tpu.memory_space<vmem>>, vector<1x1x16xf32>,
        %parallel_loop3A_1563 = arith.index_cast %select_n3A_212 : i32 to index
        %parallel_loop3A_1564 = arith.index_cast %parallel_loop3A_1490 : i32 to index
        %parallel_loop3A_1565 = arith.constant 96 : index
        %parallel_loop3A_1566 = tpu.vector_load %arg8[%parallel_loop3A_1563, %parallel_loop3A_1564, %parallel_loop3A_1565] {strides = array<i32>} : memref<2x128x128xf32, #tpu.memory_space<vmem>>, vector<1x1x16xf32>,
        %parallel_loop3A_1567 = vector.shape_cast %parallel_loop3A_1566 : vector<1x1x16xf32> to vector<16xf32>
        %parallel_loop3A_1568 = arith.mulf %parallel_loop3A_1567, %parallel_loop3A_1486 : vector<16xf32>
        %parallel_loop3A_1569 = arith.index_cast %select_n3A_212 : i32 to index
        %parallel_loop3A_1570 = arith.index_cast %parallel_loop3A_1490 : i32 to index
        %parallel_loop3A_1571 = arith.constant 96 : index
        %parallel_loop3A_1572 = tpu.vector_load %arg8[%parallel_loop3A_1569, %parallel_loop3A_1570, %parallel_loop3A_1571] {strides = array<i32>} : memref<2x128x128xf32, #tpu.memory_space<vmem>>, vector<1x1x16xf32>,
        %parallel_loop3A_1573 = vector.shape_cast %parallel_loop3A_1572 : vector<1x1x16xf32> to vector<16xf32>
        %parallel_loop3A_1574 = vector.shape_cast %parallel_loop3A_1568 : vector<16xf32> to vector<1x1x16xf32>
        tpu.vector_store %arg8[%parallel_loop3A_1569, %parallel_loop3A_1570, %parallel_loop3A_1571], %parallel_loop3A_1574 {strides = array<i32>} : memref<2x128x128xf32, #tpu.memory_space<vmem>>, vector<1x1x16xf32>,
        %parallel_loop3A_1575 = arith.index_cast %select_n3A_212 : i32 to index
        %parallel_loop3A_1576 = arith.index_cast %parallel_loop3A_1490 : i32 to index
        %parallel_loop3A_1577 = arith.constant 112 : index
        %parallel_loop3A_1578 = tpu.vector_load %arg8[%parallel_loop3A_1575, %parallel_loop3A_1576, %parallel_loop3A_1577] {strides = array<i32>} : memref<2x128x128xf32, #tpu.memory_space<vmem>>, vector<1x1x16xf32>,
        %parallel_loop3A_1579 = vector.shape_cast %parallel_loop3A_1578 : vector<1x1x16xf32> to vector<16xf32>
        %parallel_loop3A_1580 = arith.mulf %parallel_loop3A_1579, %parallel_loop3A_1486 : vector<16xf32>
        %parallel_loop3A_1581 = arith.index_cast %select_n3A_212 : i32 to index
        %parallel_loop3A_1582 = arith.index_cast %parallel_loop3A_1490 : i32 to index
        %parallel_loop3A_1583 = arith.constant 112 : index
        %parallel_loop3A_1584 = tpu.vector_load %arg8[%parallel_loop3A_1581, %parallel_loop3A_1582, %parallel_loop3A_1583] {strides = array<i32>} : memref<2x128x128xf32, #tpu.memory_space<vmem>>, vector<1x1x16xf32>,
        %parallel_loop3A_1585 = vector.shape_cast %parallel_loop3A_1584 : vector<1x1x16xf32> to vector<16xf32>
        %parallel_loop3A_1586 = vector.shape_cast %parallel_loop3A_1580 : vector<16xf32> to vector<1x1x16xf32>
        tpu.vector_store %arg8[%parallel_loop3A_1581, %parallel_loop3A_1582, %parallel_loop3A_1583], %parallel_loop3A_1586 {strides = array<i32>} : memref<2x128x128xf32, #tpu.memory_space<vmem>>, vector<1x1x16xf32>,
        %parallel_loop3A_1587 = vector.extract_strided_slice %parallel_loop3A_350 {offsets = [12], sizes = [1], strides = [1]} : vector<16xf32> to vector<1xf32>
        %parallel_loop3A_1588 = vector.extract %parallel_loop3A_1587[0] : f32 from vector<1xf32>
        %parallel_loop3A_1589 = vector.broadcast %parallel_loop3A_1588 : f32 to vector<16xf32>
        %parallel_loop3A_1590 = arith.constant 16 : i32
        %parallel_loop3A_1591 = arith.muli %parallel_loop3A_327, %parallel_loop3A_1590 : i32
        %parallel_loop3A_1592 = arith.constant 12 : i32
        %parallel_loop3A_1593 = arith.addi %parallel_loop3A_1591, %parallel_loop3A_1592 : i32
        %parallel_loop3A_1594 = arith.index_cast %select_n3A_212 : i32 to index
        %parallel_loop3A_1595 = arith.index_cast %parallel_loop3A_1593 : i32 to index
        %parallel_loop3A_1596 = arith.constant 0 : index
        %parallel_loop3A_1597 = tpu.vector_load %arg8[%parallel_loop3A_1594, %parallel_loop3A_1595, %parallel_loop3A_1596] {strides = array<i32>} : memref<2x128x128xf32, #tpu.memory_space<vmem>>, vector<1x1x16xf32>,
        %parallel_loop3A_1598 = vector.shape_cast %parallel_loop3A_1597 : vector<1x1x16xf32> to vector<16xf32>
        %parallel_loop3A_1599 = arith.mulf %parallel_loop3A_1598, %parallel_loop3A_1589 : vector<16xf32>
        %parallel_loop3A_1600 = arith.index_cast %select_n3A_212 : i32 to index
        %parallel_loop3A_1601 = arith.index_cast %parallel_loop3A_1593 : i32 to index
        %parallel_loop3A_1602 = arith.constant 0 : index
        %parallel_loop3A_1603 = tpu.vector_load %arg8[%parallel_loop3A_1600, %parallel_loop3A_1601, %parallel_loop3A_1602] {strides = array<i32>} : memref<2x128x128xf32, #tpu.memory_space<vmem>>, vector<1x1x16xf32>,
        %parallel_loop3A_1604 = vector.shape_cast %parallel_loop3A_1603 : vector<1x1x16xf32> to vector<16xf32>
        %parallel_loop3A_1605 = vector.shape_cast %parallel_loop3A_1599 : vector<16xf32> to vector<1x1x16xf32>
        tpu.vector_store %arg8[%parallel_loop3A_1600, %parallel_loop3A_1601, %parallel_loop3A_1602], %parallel_loop3A_1605 {strides = array<i32>} : memref<2x128x128xf32, #tpu.memory_space<vmem>>, vector<1x1x16xf32>,
        %parallel_loop3A_1606 = arith.index_cast %select_n3A_212 : i32 to index
        %parallel_loop3A_1607 = arith.index_cast %parallel_loop3A_1593 : i32 to index
        %parallel_loop3A_1608 = arith.constant 16 : index
        %parallel_loop3A_1609 = tpu.vector_load %arg8[%parallel_loop3A_1606, %parallel_loop3A_1607, %parallel_loop3A_1608] {strides = array<i32>} : memref<2x128x128xf32, #tpu.memory_space<vmem>>, vector<1x1x16xf32>,
        %parallel_loop3A_1610 = vector.shape_cast %parallel_loop3A_1609 : vector<1x1x16xf32> to vector<16xf32>
        %parallel_loop3A_1611 = arith.mulf %parallel_loop3A_1610, %parallel_loop3A_1589 : vector<16xf32>
        %parallel_loop3A_1612 = arith.index_cast %select_n3A_212 : i32 to index
        %parallel_loop3A_1613 = arith.index_cast %parallel_loop3A_1593 : i32 to index
        %parallel_loop3A_1614 = arith.constant 16 : index
        %parallel_loop3A_1615 = tpu.vector_load %arg8[%parallel_loop3A_1612, %parallel_loop3A_1613, %parallel_loop3A_1614] {strides = array<i32>} : memref<2x128x128xf32, #tpu.memory_space<vmem>>, vector<1x1x16xf32>,
        %parallel_loop3A_1616 = vector.shape_cast %parallel_loop3A_1615 : vector<1x1x16xf32> to vector<16xf32>
        %parallel_loop3A_1617 = vector.shape_cast %parallel_loop3A_1611 : vector<16xf32> to vector<1x1x16xf32>
        tpu.vector_store %arg8[%parallel_loop3A_1612, %parallel_loop3A_1613, %parallel_loop3A_1614], %parallel_loop3A_1617 {strides = array<i32>} : memref<2x128x128xf32, #tpu.memory_space<vmem>>, vector<1x1x16xf32>,
        %parallel_loop3A_1618 = arith.index_cast %select_n3A_212 : i32 to index
        %parallel_loop3A_1619 = arith.index_cast %parallel_loop3A_1593 : i32 to index
        %parallel_loop3A_1620 = arith.constant 32 : index
        %parallel_loop3A_1621 = tpu.vector_load %arg8[%parallel_loop3A_1618, %parallel_loop3A_1619, %parallel_loop3A_1620] {strides = array<i32>} : memref<2x128x128xf32, #tpu.memory_space<vmem>>, vector<1x1x16xf32>,
        %parallel_loop3A_1622 = vector.shape_cast %parallel_loop3A_1621 : vector<1x1x16xf32> to vector<16xf32>
        %parallel_loop3A_1623 = arith.mulf %parallel_loop3A_1622, %parallel_loop3A_1589 : vector<16xf32>
        %parallel_loop3A_1624 = arith.index_cast %select_n3A_212 : i32 to index
        %parallel_loop3A_1625 = arith.index_cast %parallel_loop3A_1593 : i32 to index
        %parallel_loop3A_1626 = arith.constant 32 : index
        %parallel_loop3A_1627 = tpu.vector_load %arg8[%parallel_loop3A_1624, %parallel_loop3A_1625, %parallel_loop3A_1626] {strides = array<i32>} : memref<2x128x128xf32, #tpu.memory_space<vmem>>, vector<1x1x16xf32>,
        %parallel_loop3A_1628 = vector.shape_cast %parallel_loop3A_1627 : vector<1x1x16xf32> to vector<16xf32>
        %parallel_loop3A_1629 = vector.shape_cast %parallel_loop3A_1623 : vector<16xf32> to vector<1x1x16xf32>
        tpu.vector_store %arg8[%parallel_loop3A_1624, %parallel_loop3A_1625, %parallel_loop3A_1626], %parallel_loop3A_1629 {strides = array<i32>} : memref<2x128x128xf32, #tpu.memory_space<vmem>>, vector<1x1x16xf32>,
        %parallel_loop3A_1630 = arith.index_cast %select_n3A_212 : i32 to index
        %parallel_loop3A_1631 = arith.index_cast %parallel_loop3A_1593 : i32 to index
        %parallel_loop3A_1632 = arith.constant 48 : index
        %parallel_loop3A_1633 = tpu.vector_load %arg8[%parallel_loop3A_1630, %parallel_loop3A_1631, %parallel_loop3A_1632] {strides = array<i32>} : memref<2x128x128xf32, #tpu.memory_space<vmem>>, vector<1x1x16xf32>,
        %parallel_loop3A_1634 = vector.shape_cast %parallel_loop3A_1633 : vector<1x1x16xf32> to vector<16xf32>
        %parallel_loop3A_1635 = arith.mulf %parallel_loop3A_1634, %parallel_loop3A_1589 : vector<16xf32>
        %parallel_loop3A_1636 = arith.index_cast %select_n3A_212 : i32 to index
        %parallel_loop3A_1637 = arith.index_cast %parallel_loop3A_1593 : i32 to index
        %parallel_loop3A_1638 = arith.constant 48 : index
        %parallel_loop3A_1639 = tpu.vector_load %arg8[%parallel_loop3A_1636, %parallel_loop3A_1637, %parallel_loop3A_1638] {strides = array<i32>} : memref<2x128x128xf32, #tpu.memory_space<vmem>>, vector<1x1x16xf32>,
        %parallel_loop3A_1640 = vector.shape_cast %parallel_loop3A_1639 : vector<1x1x16xf32> to vector<16xf32>
        %parallel_loop3A_1641 = vector.shape_cast %parallel_loop3A_1635 : vector<16xf32> to vector<1x1x16xf32>
        tpu.vector_store %arg8[%parallel_loop3A_1636, %parallel_loop3A_1637, %parallel_loop3A_1638], %parallel_loop3A_1641 {strides = array<i32>} : memref<2x128x128xf32, #tpu.memory_space<vmem>>, vector<1x1x16xf32>,
        %parallel_loop3A_1642 = arith.index_cast %select_n3A_212 : i32 to index
        %parallel_loop3A_1643 = arith.index_cast %parallel_loop3A_1593 : i32 to index
        %parallel_loop3A_1644 = arith.constant 64 : index
        %parallel_loop3A_1645 = tpu.vector_load %arg8[%parallel_loop3A_1642, %parallel_loop3A_1643, %parallel_loop3A_1644] {strides = array<i32>} : memref<2x128x128xf32, #tpu.memory_space<vmem>>, vector<1x1x16xf32>,
        %parallel_loop3A_1646 = vector.shape_cast %parallel_loop3A_1645 : vector<1x1x16xf32> to vector<16xf32>
        %parallel_loop3A_1647 = arith.mulf %parallel_loop3A_1646, %parallel_loop3A_1589 : vector<16xf32>
        %parallel_loop3A_1648 = arith.index_cast %select_n3A_212 : i32 to index
        %parallel_loop3A_1649 = arith.index_cast %parallel_loop3A_1593 : i32 to index
        %parallel_loop3A_1650 = arith.constant 64 : index
        %parallel_loop3A_1651 = tpu.vector_load %arg8[%parallel_loop3A_1648, %parallel_loop3A_1649, %parallel_loop3A_1650] {strides = array<i32>} : memref<2x128x128xf32, #tpu.memory_space<vmem>>, vector<1x1x16xf32>,
        %parallel_loop3A_1652 = vector.shape_cast %parallel_loop3A_1651 : vector<1x1x16xf32> to vector<16xf32>
        %parallel_loop3A_1653 = vector.shape_cast %parallel_loop3A_1647 : vector<16xf32> to vector<1x1x16xf32>
        tpu.vector_store %arg8[%parallel_loop3A_1648, %parallel_loop3A_1649, %parallel_loop3A_1650], %parallel_loop3A_1653 {strides = array<i32>} : memref<2x128x128xf32, #tpu.memory_space<vmem>>, vector<1x1x16xf32>,
        %parallel_loop3A_1654 = arith.index_cast %select_n3A_212 : i32 to index
        %parallel_loop3A_1655 = arith.index_cast %parallel_loop3A_1593 : i32 to index
        %parallel_loop3A_1656 = arith.constant 80 : index
        %parallel_loop3A_1657 = tpu.vector_load %arg8[%parallel_loop3A_1654, %parallel_loop3A_1655, %parallel_loop3A_1656] {strides = array<i32>} : memref<2x128x128xf32, #tpu.memory_space<vmem>>, vector<1x1x16xf32>,
        %parallel_loop3A_1658 = vector.shape_cast %parallel_loop3A_1657 : vector<1x1x16xf32> to vector<16xf32>
        %parallel_loop3A_1659 = arith.mulf %parallel_loop3A_1658, %parallel_loop3A_1589 : vector<16xf32>
        %parallel_loop3A_1660 = arith.index_cast %select_n3A_212 : i32 to index
        %parallel_loop3A_1661 = arith.index_cast %parallel_loop3A_1593 : i32 to index
        %parallel_loop3A_1662 = arith.constant 80 : index
        %parallel_loop3A_1663 = tpu.vector_load %arg8[%parallel_loop3A_1660, %parallel_loop3A_1661, %parallel_loop3A_1662] {strides = array<i32>} : memref<2x128x128xf32, #tpu.memory_space<vmem>>, vector<1x1x16xf32>,
        %parallel_loop3A_1664 = vector.shape_cast %parallel_loop3A_1663 : vector<1x1x16xf32> to vector<16xf32>
        %parallel_loop3A_1665 = vector.shape_cast %parallel_loop3A_1659 : vector<16xf32> to vector<1x1x16xf32>
        tpu.vector_store %arg8[%parallel_loop3A_1660, %parallel_loop3A_1661, %parallel_loop3A_1662], %parallel_loop3A_1665 {strides = array<i32>} : memref<2x128x128xf32, #tpu.memory_space<vmem>>, vector<1x1x16xf32>,
        %parallel_loop3A_1666 = arith.index_cast %select_n3A_212 : i32 to index
        %parallel_loop3A_1667 = arith.index_cast %parallel_loop3A_1593 : i32 to index
        %parallel_loop3A_1668 = arith.constant 96 : index
        %parallel_loop3A_1669 = tpu.vector_load %arg8[%parallel_loop3A_1666, %parallel_loop3A_1667, %parallel_loop3A_1668] {strides = array<i32>} : memref<2x128x128xf32, #tpu.memory_space<vmem>>, vector<1x1x16xf32>,
        %parallel_loop3A_1670 = vector.shape_cast %parallel_loop3A_1669 : vector<1x1x16xf32> to vector<16xf32>
        %parallel_loop3A_1671 = arith.mulf %parallel_loop3A_1670, %parallel_loop3A_1589 : vector<16xf32>
        %parallel_loop3A_1672 = arith.index_cast %select_n3A_212 : i32 to index
        %parallel_loop3A_1673 = arith.index_cast %parallel_loop3A_1593 : i32 to index
        %parallel_loop3A_1674 = arith.constant 96 : index
        %parallel_loop3A_1675 = tpu.vector_load %arg8[%parallel_loop3A_1672, %parallel_loop3A_1673, %parallel_loop3A_1674] {strides = array<i32>} : memref<2x128x128xf32, #tpu.memory_space<vmem>>, vector<1x1x16xf32>,
        %parallel_loop3A_1676 = vector.shape_cast %parallel_loop3A_1675 : vector<1x1x16xf32> to vector<16xf32>
        %parallel_loop3A_1677 = vector.shape_cast %parallel_loop3A_1671 : vector<16xf32> to vector<1x1x16xf32>
        tpu.vector_store %arg8[%parallel_loop3A_1672, %parallel_loop3A_1673, %parallel_loop3A_1674], %parallel_loop3A_1677 {strides = array<i32>} : memref<2x128x128xf32, #tpu.memory_space<vmem>>, vector<1x1x16xf32>,
        %parallel_loop3A_1678 = arith.index_cast %select_n3A_212 : i32 to index
        %parallel_loop3A_1679 = arith.index_cast %parallel_loop3A_1593 : i32 to index
        %parallel_loop3A_1680 = arith.constant 112 : index
        %parallel_loop3A_1681 = tpu.vector_load %arg8[%parallel_loop3A_1678, %parallel_loop3A_1679, %parallel_loop3A_1680] {strides = array<i32>} : memref<2x128x128xf32, #tpu.memory_space<vmem>>, vector<1x1x16xf32>,
        %parallel_loop3A_1682 = vector.shape_cast %parallel_loop3A_1681 : vector<1x1x16xf32> to vector<16xf32>
        %parallel_loop3A_1683 = arith.mulf %parallel_loop3A_1682, %parallel_loop3A_1589 : vector<16xf32>
        %parallel_loop3A_1684 = arith.index_cast %select_n3A_212 : i32 to index
        %parallel_loop3A_1685 = arith.index_cast %parallel_loop3A_1593 : i32 to index
        %parallel_loop3A_1686 = arith.constant 112 : index
        %parallel_loop3A_1687 = tpu.vector_load %arg8[%parallel_loop3A_1684, %parallel_loop3A_1685, %parallel_loop3A_1686] {strides = array<i32>} : memref<2x128x128xf32, #tpu.memory_space<vmem>>, vector<1x1x16xf32>,
        %parallel_loop3A_1688 = vector.shape_cast %parallel_loop3A_1687 : vector<1x1x16xf32> to vector<16xf32>
        %parallel_loop3A_1689 = vector.shape_cast %parallel_loop3A_1683 : vector<16xf32> to vector<1x1x16xf32>
        tpu.vector_store %arg8[%parallel_loop3A_1684, %parallel_loop3A_1685, %parallel_loop3A_1686], %parallel_loop3A_1689 {strides = array<i32>} : memref<2x128x128xf32, #tpu.memory_space<vmem>>, vector<1x1x16xf32>,
        %parallel_loop3A_1690 = vector.extract_strided_slice %parallel_loop3A_350 {offsets = [13], sizes = [1], strides = [1]} : vector<16xf32> to vector<1xf32>
        %parallel_loop3A_1691 = vector.extract %parallel_loop3A_1690[0] : f32 from vector<1xf32>
        %parallel_loop3A_1692 = vector.broadcast %parallel_loop3A_1691 : f32 to vector<16xf32>
        %parallel_loop3A_1693 = arith.constant 16 : i32
        %parallel_loop3A_1694 = arith.muli %parallel_loop3A_327, %parallel_loop3A_1693 : i32
        %parallel_loop3A_1695 = arith.constant 13 : i32
        %parallel_loop3A_1696 = arith.addi %parallel_loop3A_1694, %parallel_loop3A_1695 : i32
        %parallel_loop3A_1697 = arith.index_cast %select_n3A_212 : i32 to index
        %parallel_loop3A_1698 = arith.index_cast %parallel_loop3A_1696 : i32 to index
        %parallel_loop3A_1699 = arith.constant 0 : index
        %parallel_loop3A_1700 = tpu.vector_load %arg8[%parallel_loop3A_1697, %parallel_loop3A_1698, %parallel_loop3A_1699] {strides = array<i32>} : memref<2x128x128xf32, #tpu.memory_space<vmem>>, vector<1x1x16xf32>,
        %parallel_loop3A_1701 = vector.shape_cast %parallel_loop3A_1700 : vector<1x1x16xf32> to vector<16xf32>
        %parallel_loop3A_1702 = arith.mulf %parallel_loop3A_1701, %parallel_loop3A_1692 : vector<16xf32>
        %parallel_loop3A_1703 = arith.index_cast %select_n3A_212 : i32 to index
        %parallel_loop3A_1704 = arith.index_cast %parallel_loop3A_1696 : i32 to index
        %parallel_loop3A_1705 = arith.constant 0 : index
        %parallel_loop3A_1706 = tpu.vector_load %arg8[%parallel_loop3A_1703, %parallel_loop3A_1704, %parallel_loop3A_1705] {strides = array<i32>} : memref<2x128x128xf32, #tpu.memory_space<vmem>>, vector<1x1x16xf32>,
        %parallel_loop3A_1707 = vector.shape_cast %parallel_loop3A_1706 : vector<1x1x16xf32> to vector<16xf32>
        %parallel_loop3A_1708 = vector.shape_cast %parallel_loop3A_1702 : vector<16xf32> to vector<1x1x16xf32>
        tpu.vector_store %arg8[%parallel_loop3A_1703, %parallel_loop3A_1704, %parallel_loop3A_1705], %parallel_loop3A_1708 {strides = array<i32>} : memref<2x128x128xf32, #tpu.memory_space<vmem>>, vector<1x1x16xf32>,
        %parallel_loop3A_1709 = arith.index_cast %select_n3A_212 : i32 to index
        %parallel_loop3A_1710 = arith.index_cast %parallel_loop3A_1696 : i32 to index
        %parallel_loop3A_1711 = arith.constant 16 : index
        %parallel_loop3A_1712 = tpu.vector_load %arg8[%parallel_loop3A_1709, %parallel_loop3A_1710, %parallel_loop3A_1711] {strides = array<i32>} : memref<2x128x128xf32, #tpu.memory_space<vmem>>, vector<1x1x16xf32>,
        %parallel_loop3A_1713 = vector.shape_cast %parallel_loop3A_1712 : vector<1x1x16xf32> to vector<16xf32>
        %parallel_loop3A_1714 = arith.mulf %parallel_loop3A_1713, %parallel_loop3A_1692 : vector<16xf32>
        %parallel_loop3A_1715 = arith.index_cast %select_n3A_212 : i32 to index
        %parallel_loop3A_1716 = arith.index_cast %parallel_loop3A_1696 : i32 to index
        %parallel_loop3A_1717 = arith.constant 16 : index
        %parallel_loop3A_1718 = tpu.vector_load %arg8[%parallel_loop3A_1715, %parallel_loop3A_1716, %parallel_loop3A_1717] {strides = array<i32>} : memref<2x128x128xf32, #tpu.memory_space<vmem>>, vector<1x1x16xf32>,
        %parallel_loop3A_1719 = vector.shape_cast %parallel_loop3A_1718 : vector<1x1x16xf32> to vector<16xf32>
        %parallel_loop3A_1720 = vector.shape_cast %parallel_loop3A_1714 : vector<16xf32> to vector<1x1x16xf32>
        tpu.vector_store %arg8[%parallel_loop3A_1715, %parallel_loop3A_1716, %parallel_loop3A_1717], %parallel_loop3A_1720 {strides = array<i32>} : memref<2x128x128xf32, #tpu.memory_space<vmem>>, vector<1x1x16xf32>,
        %parallel_loop3A_1721 = arith.index_cast %select_n3A_212 : i32 to index
        %parallel_loop3A_1722 = arith.index_cast %parallel_loop3A_1696 : i32 to index
        %parallel_loop3A_1723 = arith.constant 32 : index
        %parallel_loop3A_1724 = tpu.vector_load %arg8[%parallel_loop3A_1721, %parallel_loop3A_1722, %parallel_loop3A_1723] {strides = array<i32>} : memref<2x128x128xf32, #tpu.memory_space<vmem>>, vector<1x1x16xf32>,
        %parallel_loop3A_1725 = vector.shape_cast %parallel_loop3A_1724 : vector<1x1x16xf32> to vector<16xf32>
        %parallel_loop3A_1726 = arith.mulf %parallel_loop3A_1725, %parallel_loop3A_1692 : vector<16xf32>
        %parallel_loop3A_1727 = arith.index_cast %select_n3A_212 : i32 to index
        %parallel_loop3A_1728 = arith.index_cast %parallel_loop3A_1696 : i32 to index
        %parallel_loop3A_1729 = arith.constant 32 : index
        %parallel_loop3A_1730 = tpu.vector_load %arg8[%parallel_loop3A_1727, %parallel_loop3A_1728, %parallel_loop3A_1729] {strides = array<i32>} : memref<2x128x128xf32, #tpu.memory_space<vmem>>, vector<1x1x16xf32>,
        %parallel_loop3A_1731 = vector.shape_cast %parallel_loop3A_1730 : vector<1x1x16xf32> to vector<16xf32>
        %parallel_loop3A_1732 = vector.shape_cast %parallel_loop3A_1726 : vector<16xf32> to vector<1x1x16xf32>
        tpu.vector_store %arg8[%parallel_loop3A_1727, %parallel_loop3A_1728, %parallel_loop3A_1729], %parallel_loop3A_1732 {strides = array<i32>} : memref<2x128x128xf32, #tpu.memory_space<vmem>>, vector<1x1x16xf32>,
        %parallel_loop3A_1733 = arith.index_cast %select_n3A_212 : i32 to index
        %parallel_loop3A_1734 = arith.index_cast %parallel_loop3A_1696 : i32 to index
        %parallel_loop3A_1735 = arith.constant 48 : index
        %parallel_loop3A_1736 = tpu.vector_load %arg8[%parallel_loop3A_1733, %parallel_loop3A_1734, %parallel_loop3A_1735] {strides = array<i32>} : memref<2x128x128xf32, #tpu.memory_space<vmem>>, vector<1x1x16xf32>,
        %parallel_loop3A_1737 = vector.shape_cast %parallel_loop3A_1736 : vector<1x1x16xf32> to vector<16xf32>
        %parallel_loop3A_1738 = arith.mulf %parallel_loop3A_1737, %parallel_loop3A_1692 : vector<16xf32>
        %parallel_loop3A_1739 = arith.index_cast %select_n3A_212 : i32 to index
        %parallel_loop3A_1740 = arith.index_cast %parallel_loop3A_1696 : i32 to index
        %parallel_loop3A_1741 = arith.constant 48 : index
        %parallel_loop3A_1742 = tpu.vector_load %arg8[%parallel_loop3A_1739, %parallel_loop3A_1740, %parallel_loop3A_1741] {strides = array<i32>} : memref<2x128x128xf32, #tpu.memory_space<vmem>>, vector<1x1x16xf32>,
        %parallel_loop3A_1743 = vector.shape_cast %parallel_loop3A_1742 : vector<1x1x16xf32> to vector<16xf32>
        %parallel_loop3A_1744 = vector.shape_cast %parallel_loop3A_1738 : vector<16xf32> to vector<1x1x16xf32>
        tpu.vector_store %arg8[%parallel_loop3A_1739, %parallel_loop3A_1740, %parallel_loop3A_1741], %parallel_loop3A_1744 {strides = array<i32>} : memref<2x128x128xf32, #tpu.memory_space<vmem>>, vector<1x1x16xf32>,
        %parallel_loop3A_1745 = arith.index_cast %select_n3A_212 : i32 to index
        %parallel_loop3A_1746 = arith.index_cast %parallel_loop3A_1696 : i32 to index
        %parallel_loop3A_1747 = arith.constant 64 : index
        %parallel_loop3A_1748 = tpu.vector_load %arg8[%parallel_loop3A_1745, %parallel_loop3A_1746, %parallel_loop3A_1747] {strides = array<i32>} : memref<2x128x128xf32, #tpu.memory_space<vmem>>, vector<1x1x16xf32>,
        %parallel_loop3A_1749 = vector.shape_cast %parallel_loop3A_1748 : vector<1x1x16xf32> to vector<16xf32>
        %parallel_loop3A_1750 = arith.mulf %parallel_loop3A_1749, %parallel_loop3A_1692 : vector<16xf32>
        %parallel_loop3A_1751 = arith.index_cast %select_n3A_212 : i32 to index
        %parallel_loop3A_1752 = arith.index_cast %parallel_loop3A_1696 : i32 to index
        %parallel_loop3A_1753 = arith.constant 64 : index
        %parallel_loop3A_1754 = tpu.vector_load %arg8[%parallel_loop3A_1751, %parallel_loop3A_1752, %parallel_loop3A_1753] {strides = array<i32>} : memref<2x128x128xf32, #tpu.memory_space<vmem>>, vector<1x1x16xf32>,
        %parallel_loop3A_1755 = vector.shape_cast %parallel_loop3A_1754 : vector<1x1x16xf32> to vector<16xf32>
        %parallel_loop3A_1756 = vector.shape_cast %parallel_loop3A_1750 : vector<16xf32> to vector<1x1x16xf32>
        tpu.vector_store %arg8[%parallel_loop3A_1751, %parallel_loop3A_1752, %parallel_loop3A_1753], %parallel_loop3A_1756 {strides = array<i32>} : memref<2x128x128xf32, #tpu.memory_space<vmem>>, vector<1x1x16xf32>,
        %parallel_loop3A_1757 = arith.index_cast %select_n3A_212 : i32 to index
        %parallel_loop3A_1758 = arith.index_cast %parallel_loop3A_1696 : i32 to index
        %parallel_loop3A_1759 = arith.constant 80 : index
        %parallel_loop3A_1760 = tpu.vector_load %arg8[%parallel_loop3A_1757, %parallel_loop3A_1758, %parallel_loop3A_1759] {strides = array<i32>} : memref<2x128x128xf32, #tpu.memory_space<vmem>>, vector<1x1x16xf32>,
        %parallel_loop3A_1761 = vector.shape_cast %parallel_loop3A_1760 : vector<1x1x16xf32> to vector<16xf32>
        %parallel_loop3A_1762 = arith.mulf %parallel_loop3A_1761, %parallel_loop3A_1692 : vector<16xf32>
        %parallel_loop3A_1763 = arith.index_cast %select_n3A_212 : i32 to index
        %parallel_loop3A_1764 = arith.index_cast %parallel_loop3A_1696 : i32 to index
        %parallel_loop3A_1765 = arith.constant 80 : index
        %parallel_loop3A_1766 = tpu.vector_load %arg8[%parallel_loop3A_1763, %parallel_loop3A_1764, %parallel_loop3A_1765] {strides = array<i32>} : memref<2x128x128xf32, #tpu.memory_space<vmem>>, vector<1x1x16xf32>,
        %parallel_loop3A_1767 = vector.shape_cast %parallel_loop3A_1766 : vector<1x1x16xf32> to vector<16xf32>
        %parallel_loop3A_1768 = vector.shape_cast %parallel_loop3A_1762 : vector<16xf32> to vector<1x1x16xf32>
        tpu.vector_store %arg8[%parallel_loop3A_1763, %parallel_loop3A_1764, %parallel_loop3A_1765], %parallel_loop3A_1768 {strides = array<i32>} : memref<2x128x128xf32, #tpu.memory_space<vmem>>, vector<1x1x16xf32>,
        %parallel_loop3A_1769 = arith.index_cast %select_n3A_212 : i32 to index
        %parallel_loop3A_1770 = arith.index_cast %parallel_loop3A_1696 : i32 to index
        %parallel_loop3A_1771 = arith.constant 96 : index
        %parallel_loop3A_1772 = tpu.vector_load %arg8[%parallel_loop3A_1769, %parallel_loop3A_1770, %parallel_loop3A_1771] {strides = array<i32>} : memref<2x128x128xf32, #tpu.memory_space<vmem>>, vector<1x1x16xf32>,
        %parallel_loop3A_1773 = vector.shape_cast %parallel_loop3A_1772 : vector<1x1x16xf32> to vector<16xf32>
        %parallel_loop3A_1774 = arith.mulf %parallel_loop3A_1773, %parallel_loop3A_1692 : vector<16xf32>
        %parallel_loop3A_1775 = arith.index_cast %select_n3A_212 : i32 to index
        %parallel_loop3A_1776 = arith.index_cast %parallel_loop3A_1696 : i32 to index
        %parallel_loop3A_1777 = arith.constant 96 : index
        %parallel_loop3A_1778 = tpu.vector_load %arg8[%parallel_loop3A_1775, %parallel_loop3A_1776, %parallel_loop3A_1777] {strides = array<i32>} : memref<2x128x128xf32, #tpu.memory_space<vmem>>, vector<1x1x16xf32>,
        %parallel_loop3A_1779 = vector.shape_cast %parallel_loop3A_1778 : vector<1x1x16xf32> to vector<16xf32>
        %parallel_loop3A_1780 = vector.shape_cast %parallel_loop3A_1774 : vector<16xf32> to vector<1x1x16xf32>
        tpu.vector_store %arg8[%parallel_loop3A_1775, %parallel_loop3A_1776, %parallel_loop3A_1777], %parallel_loop3A_1780 {strides = array<i32>} : memref<2x128x128xf32, #tpu.memory_space<vmem>>, vector<1x1x16xf32>,
        %parallel_loop3A_1781 = arith.index_cast %select_n3A_212 : i32 to index
        %parallel_loop3A_1782 = arith.index_cast %parallel_loop3A_1696 : i32 to index
        %parallel_loop3A_1783 = arith.constant 112 : index
        %parallel_loop3A_1784 = tpu.vector_load %arg8[%parallel_loop3A_1781, %parallel_loop3A_1782, %parallel_loop3A_1783] {strides = array<i32>} : memref<2x128x128xf32, #tpu.memory_space<vmem>>, vector<1x1x16xf32>,
        %parallel_loop3A_1785 = vector.shape_cast %parallel_loop3A_1784 : vector<1x1x16xf32> to vector<16xf32>
        %parallel_loop3A_1786 = arith.mulf %parallel_loop3A_1785, %parallel_loop3A_1692 : vector<16xf32>
        %parallel_loop3A_1787 = arith.index_cast %select_n3A_212 : i32 to index
        %parallel_loop3A_1788 = arith.index_cast %parallel_loop3A_1696 : i32 to index
        %parallel_loop3A_1789 = arith.constant 112 : index
        %parallel_loop3A_1790 = tpu.vector_load %arg8[%parallel_loop3A_1787, %parallel_loop3A_1788, %parallel_loop3A_1789] {strides = array<i32>} : memref<2x128x128xf32, #tpu.memory_space<vmem>>, vector<1x1x16xf32>,
        %parallel_loop3A_1791 = vector.shape_cast %parallel_loop3A_1790 : vector<1x1x16xf32> to vector<16xf32>
        %parallel_loop3A_1792 = vector.shape_cast %parallel_loop3A_1786 : vector<16xf32> to vector<1x1x16xf32>
        tpu.vector_store %arg8[%parallel_loop3A_1787, %parallel_loop3A_1788, %parallel_loop3A_1789], %parallel_loop3A_1792 {strides = array<i32>} : memref<2x128x128xf32, #tpu.memory_space<vmem>>, vector<1x1x16xf32>,
        %parallel_loop3A_1793 = vector.extract_strided_slice %parallel_loop3A_350 {offsets = [14], sizes = [1], strides = [1]} : vector<16xf32> to vector<1xf32>
        %parallel_loop3A_1794 = vector.extract %parallel_loop3A_1793[0] : f32 from vector<1xf32>
        %parallel_loop3A_1795 = vector.broadcast %parallel_loop3A_1794 : f32 to vector<16xf32>
        %parallel_loop3A_1796 = arith.constant 16 : i32
        %parallel_loop3A_1797 = arith.muli %parallel_loop3A_327, %parallel_loop3A_1796 : i32
        %parallel_loop3A_1798 = arith.constant 14 : i32
        %parallel_loop3A_1799 = arith.addi %parallel_loop3A_1797, %parallel_loop3A_1798 : i32
        %parallel_loop3A_1800 = arith.index_cast %select_n3A_212 : i32 to index
        %parallel_loop3A_1801 = arith.index_cast %parallel_loop3A_1799 : i32 to index
        %parallel_loop3A_1802 = arith.constant 0 : index
        %parallel_loop3A_1803 = tpu.vector_load %arg8[%parallel_loop3A_1800, %parallel_loop3A_1801, %parallel_loop3A_1802] {strides = array<i32>} : memref<2x128x128xf32, #tpu.memory_space<vmem>>, vector<1x1x16xf32>,
        %parallel_loop3A_1804 = vector.shape_cast %parallel_loop3A_1803 : vector<1x1x16xf32> to vector<16xf32>
        %parallel_loop3A_1805 = arith.mulf %parallel_loop3A_1804, %parallel_loop3A_1795 : vector<16xf32>
        %parallel_loop3A_1806 = arith.index_cast %select_n3A_212 : i32 to index
        %parallel_loop3A_1807 = arith.index_cast %parallel_loop3A_1799 : i32 to index
        %parallel_loop3A_1808 = arith.constant 0 : index
        %parallel_loop3A_1809 = tpu.vector_load %arg8[%parallel_loop3A_1806, %parallel_loop3A_1807, %parallel_loop3A_1808] {strides = array<i32>} : memref<2x128x128xf32, #tpu.memory_space<vmem>>, vector<1x1x16xf32>,
        %parallel_loop3A_1810 = vector.shape_cast %parallel_loop3A_1809 : vector<1x1x16xf32> to vector<16xf32>
        %parallel_loop3A_1811 = vector.shape_cast %parallel_loop3A_1805 : vector<16xf32> to vector<1x1x16xf32>
        tpu.vector_store %arg8[%parallel_loop3A_1806, %parallel_loop3A_1807, %parallel_loop3A_1808], %parallel_loop3A_1811 {strides = array<i32>} : memref<2x128x128xf32, #tpu.memory_space<vmem>>, vector<1x1x16xf32>,
        %parallel_loop3A_1812 = arith.index_cast %select_n3A_212 : i32 to index
        %parallel_loop3A_1813 = arith.index_cast %parallel_loop3A_1799 : i32 to index
        %parallel_loop3A_1814 = arith.constant 16 : index
        %parallel_loop3A_1815 = tpu.vector_load %arg8[%parallel_loop3A_1812, %parallel_loop3A_1813, %parallel_loop3A_1814] {strides = array<i32>} : memref<2x128x128xf32, #tpu.memory_space<vmem>>, vector<1x1x16xf32>,
        %parallel_loop3A_1816 = vector.shape_cast %parallel_loop3A_1815 : vector<1x1x16xf32> to vector<16xf32>
        %parallel_loop3A_1817 = arith.mulf %parallel_loop3A_1816, %parallel_loop3A_1795 : vector<16xf32>
        %parallel_loop3A_1818 = arith.index_cast %select_n3A_212 : i32 to index
        %parallel_loop3A_1819 = arith.index_cast %parallel_loop3A_1799 : i32 to index
        %parallel_loop3A_1820 = arith.constant 16 : index
        %parallel_loop3A_1821 = tpu.vector_load %arg8[%parallel_loop3A_1818, %parallel_loop3A_1819, %parallel_loop3A_1820] {strides = array<i32>} : memref<2x128x128xf32, #tpu.memory_space<vmem>>, vector<1x1x16xf32>,
        %parallel_loop3A_1822 = vector.shape_cast %parallel_loop3A_1821 : vector<1x1x16xf32> to vector<16xf32>
        %parallel_loop3A_1823 = vector.shape_cast %parallel_loop3A_1817 : vector<16xf32> to vector<1x1x16xf32>
        tpu.vector_store %arg8[%parallel_loop3A_1818, %parallel_loop3A_1819, %parallel_loop3A_1820], %parallel_loop3A_1823 {strides = array<i32>} : memref<2x128x128xf32, #tpu.memory_space<vmem>>, vector<1x1x16xf32>,
        %parallel_loop3A_1824 = arith.index_cast %select_n3A_212 : i32 to index
        %parallel_loop3A_1825 = arith.index_cast %parallel_loop3A_1799 : i32 to index
        %parallel_loop3A_1826 = arith.constant 32 : index
        %parallel_loop3A_1827 = tpu.vector_load %arg8[%parallel_loop3A_1824, %parallel_loop3A_1825, %parallel_loop3A_1826] {strides = array<i32>} : memref<2x128x128xf32, #tpu.memory_space<vmem>>, vector<1x1x16xf32>,
        %parallel_loop3A_1828 = vector.shape_cast %parallel_loop3A_1827 : vector<1x1x16xf32> to vector<16xf32>
        %parallel_loop3A_1829 = arith.mulf %parallel_loop3A_1828, %parallel_loop3A_1795 : vector<16xf32>
        %parallel_loop3A_1830 = arith.index_cast %select_n3A_212 : i32 to index
        %parallel_loop3A_1831 = arith.index_cast %parallel_loop3A_1799 : i32 to index
        %parallel_loop3A_1832 = arith.constant 32 : index
        %parallel_loop3A_1833 = tpu.vector_load %arg8[%parallel_loop3A_1830, %parallel_loop3A_1831, %parallel_loop3A_1832] {strides = array<i32>} : memref<2x128x128xf32, #tpu.memory_space<vmem>>, vector<1x1x16xf32>,
        %parallel_loop3A_1834 = vector.shape_cast %parallel_loop3A_1833 : vector<1x1x16xf32> to vector<16xf32>
        %parallel_loop3A_1835 = vector.shape_cast %parallel_loop3A_1829 : vector<16xf32> to vector<1x1x16xf32>
        tpu.vector_store %arg8[%parallel_loop3A_1830, %parallel_loop3A_1831, %parallel_loop3A_1832], %parallel_loop3A_1835 {strides = array<i32>} : memref<2x128x128xf32, #tpu.memory_space<vmem>>, vector<1x1x16xf32>,
        %parallel_loop3A_1836 = arith.index_cast %select_n3A_212 : i32 to index
        %parallel_loop3A_1837 = arith.index_cast %parallel_loop3A_1799 : i32 to index
        %parallel_loop3A_1838 = arith.constant 48 : index
        %parallel_loop3A_1839 = tpu.vector_load %arg8[%parallel_loop3A_1836, %parallel_loop3A_1837, %parallel_loop3A_1838] {strides = array<i32>} : memref<2x128x128xf32, #tpu.memory_space<vmem>>, vector<1x1x16xf32>,
        %parallel_loop3A_1840 = vector.shape_cast %parallel_loop3A_1839 : vector<1x1x16xf32> to vector<16xf32>
        %parallel_loop3A_1841 = arith.mulf %parallel_loop3A_1840, %parallel_loop3A_1795 : vector<16xf32>
        %parallel_loop3A_1842 = arith.index_cast %select_n3A_212 : i32 to index
        %parallel_loop3A_1843 = arith.index_cast %parallel_loop3A_1799 : i32 to index
        %parallel_loop3A_1844 = arith.constant 48 : index
        %parallel_loop3A_1845 = tpu.vector_load %arg8[%parallel_loop3A_1842, %parallel_loop3A_1843, %parallel_loop3A_1844] {strides = array<i32>} : memref<2x128x128xf32, #tpu.memory_space<vmem>>, vector<1x1x16xf32>,
        %parallel_loop3A_1846 = vector.shape_cast %parallel_loop3A_1845 : vector<1x1x16xf32> to vector<16xf32>
        %parallel_loop3A_1847 = vector.shape_cast %parallel_loop3A_1841 : vector<16xf32> to vector<1x1x16xf32>
        tpu.vector_store %arg8[%parallel_loop3A_1842, %parallel_loop3A_1843, %parallel_loop3A_1844], %parallel_loop3A_1847 {strides = array<i32>} : memref<2x128x128xf32, #tpu.memory_space<vmem>>, vector<1x1x16xf32>,
        %parallel_loop3A_1848 = arith.index_cast %select_n3A_212 : i32 to index
        %parallel_loop3A_1849 = arith.index_cast %parallel_loop3A_1799 : i32 to index
        %parallel_loop3A_1850 = arith.constant 64 : index
        %parallel_loop3A_1851 = tpu.vector_load %arg8[%parallel_loop3A_1848, %parallel_loop3A_1849, %parallel_loop3A_1850] {strides = array<i32>} : memref<2x128x128xf32, #tpu.memory_space<vmem>>, vector<1x1x16xf32>,
        %parallel_loop3A_1852 = vector.shape_cast %parallel_loop3A_1851 : vector<1x1x16xf32> to vector<16xf32>
        %parallel_loop3A_1853 = arith.mulf %parallel_loop3A_1852, %parallel_loop3A_1795 : vector<16xf32>
        %parallel_loop3A_1854 = arith.index_cast %select_n3A_212 : i32 to index
        %parallel_loop3A_1855 = arith.index_cast %parallel_loop3A_1799 : i32 to index
        %parallel_loop3A_1856 = arith.constant 64 : index
        %parallel_loop3A_1857 = tpu.vector_load %arg8[%parallel_loop3A_1854, %parallel_loop3A_1855, %parallel_loop3A_1856] {strides = array<i32>} : memref<2x128x128xf32, #tpu.memory_space<vmem>>, vector<1x1x16xf32>,
        %parallel_loop3A_1858 = vector.shape_cast %parallel_loop3A_1857 : vector<1x1x16xf32> to vector<16xf32>
        %parallel_loop3A_1859 = vector.shape_cast %parallel_loop3A_1853 : vector<16xf32> to vector<1x1x16xf32>
        tpu.vector_store %arg8[%parallel_loop3A_1854, %parallel_loop3A_1855, %parallel_loop3A_1856], %parallel_loop3A_1859 {strides = array<i32>} : memref<2x128x128xf32, #tpu.memory_space<vmem>>, vector<1x1x16xf32>,
        %parallel_loop3A_1860 = arith.index_cast %select_n3A_212 : i32 to index
        %parallel_loop3A_1861 = arith.index_cast %parallel_loop3A_1799 : i32 to index
        %parallel_loop3A_1862 = arith.constant 80 : index
        %parallel_loop3A_1863 = tpu.vector_load %arg8[%parallel_loop3A_1860, %parallel_loop3A_1861, %parallel_loop3A_1862] {strides = array<i32>} : memref<2x128x128xf32, #tpu.memory_space<vmem>>, vector<1x1x16xf32>,
        %parallel_loop3A_1864 = vector.shape_cast %parallel_loop3A_1863 : vector<1x1x16xf32> to vector<16xf32>
        %parallel_loop3A_1865 = arith.mulf %parallel_loop3A_1864, %parallel_loop3A_1795 : vector<16xf32>
        %parallel_loop3A_1866 = arith.index_cast %select_n3A_212 : i32 to index
        %parallel_loop3A_1867 = arith.index_cast %parallel_loop3A_1799 : i32 to index
        %parallel_loop3A_1868 = arith.constant 80 : index
        %parallel_loop3A_1869 = tpu.vector_load %arg8[%parallel_loop3A_1866, %parallel_loop3A_1867, %parallel_loop3A_1868] {strides = array<i32>} : memref<2x128x128xf32, #tpu.memory_space<vmem>>, vector<1x1x16xf32>,
        %parallel_loop3A_1870 = vector.shape_cast %parallel_loop3A_1869 : vector<1x1x16xf32> to vector<16xf32>
        %parallel_loop3A_1871 = vector.shape_cast %parallel_loop3A_1865 : vector<16xf32> to vector<1x1x16xf32>
        tpu.vector_store %arg8[%parallel_loop3A_1866, %parallel_loop3A_1867, %parallel_loop3A_1868], %parallel_loop3A_1871 {strides = array<i32>} : memref<2x128x128xf32, #tpu.memory_space<vmem>>, vector<1x1x16xf32>,
        %parallel_loop3A_1872 = arith.index_cast %select_n3A_212 : i32 to index
        %parallel_loop3A_1873 = arith.index_cast %parallel_loop3A_1799 : i32 to index
        %parallel_loop3A_1874 = arith.constant 96 : index
        %parallel_loop3A_1875 = tpu.vector_load %arg8[%parallel_loop3A_1872, %parallel_loop3A_1873, %parallel_loop3A_1874] {strides = array<i32>} : memref<2x128x128xf32, #tpu.memory_space<vmem>>, vector<1x1x16xf32>,
        %parallel_loop3A_1876 = vector.shape_cast %parallel_loop3A_1875 : vector<1x1x16xf32> to vector<16xf32>
        %parallel_loop3A_1877 = arith.mulf %parallel_loop3A_1876, %parallel_loop3A_1795 : vector<16xf32>
        %parallel_loop3A_1878 = arith.index_cast %select_n3A_212 : i32 to index
        %parallel_loop3A_1879 = arith.index_cast %parallel_loop3A_1799 : i32 to index
        %parallel_loop3A_1880 = arith.constant 96 : index
        %parallel_loop3A_1881 = tpu.vector_load %arg8[%parallel_loop3A_1878, %parallel_loop3A_1879, %parallel_loop3A_1880] {strides = array<i32>} : memref<2x128x128xf32, #tpu.memory_space<vmem>>, vector<1x1x16xf32>,
        %parallel_loop3A_1882 = vector.shape_cast %parallel_loop3A_1881 : vector<1x1x16xf32> to vector<16xf32>
        %parallel_loop3A_1883 = vector.shape_cast %parallel_loop3A_1877 : vector<16xf32> to vector<1x1x16xf32>
        tpu.vector_store %arg8[%parallel_loop3A_1878, %parallel_loop3A_1879, %parallel_loop3A_1880], %parallel_loop3A_1883 {strides = array<i32>} : memref<2x128x128xf32, #tpu.memory_space<vmem>>, vector<1x1x16xf32>,
        %parallel_loop3A_1884 = arith.index_cast %select_n3A_212 : i32 to index
        %parallel_loop3A_1885 = arith.index_cast %parallel_loop3A_1799 : i32 to index
        %parallel_loop3A_1886 = arith.constant 112 : index
        %parallel_loop3A_1887 = tpu.vector_load %arg8[%parallel_loop3A_1884, %parallel_loop3A_1885, %parallel_loop3A_1886] {strides = array<i32>} : memref<2x128x128xf32, #tpu.memory_space<vmem>>, vector<1x1x16xf32>,
        %parallel_loop3A_1888 = vector.shape_cast %parallel_loop3A_1887 : vector<1x1x16xf32> to vector<16xf32>
        %parallel_loop3A_1889 = arith.mulf %parallel_loop3A_1888, %parallel_loop3A_1795 : vector<16xf32>
        %parallel_loop3A_1890 = arith.index_cast %select_n3A_212 : i32 to index
        %parallel_loop3A_1891 = arith.index_cast %parallel_loop3A_1799 : i32 to index
        %parallel_loop3A_1892 = arith.constant 112 : index
        %parallel_loop3A_1893 = tpu.vector_load %arg8[%parallel_loop3A_1890, %parallel_loop3A_1891, %parallel_loop3A_1892] {strides = array<i32>} : memref<2x128x128xf32, #tpu.memory_space<vmem>>, vector<1x1x16xf32>,
        %parallel_loop3A_1894 = vector.shape_cast %parallel_loop3A_1893 : vector<1x1x16xf32> to vector<16xf32>
        %parallel_loop3A_1895 = vector.shape_cast %parallel_loop3A_1889 : vector<16xf32> to vector<1x1x16xf32>
        tpu.vector_store %arg8[%parallel_loop3A_1890, %parallel_loop3A_1891, %parallel_loop3A_1892], %parallel_loop3A_1895 {strides = array<i32>} : memref<2x128x128xf32, #tpu.memory_space<vmem>>, vector<1x1x16xf32>,
        %parallel_loop3A_1896 = vector.extract_strided_slice %parallel_loop3A_350 {offsets = [15], sizes = [1], strides = [1]} : vector<16xf32> to vector<1xf32>
        %parallel_loop3A_1897 = vector.extract %parallel_loop3A_1896[0] : f32 from vector<1xf32>
        %parallel_loop3A_1898 = vector.broadcast %parallel_loop3A_1897 : f32 to vector<16xf32>
        %parallel_loop3A_1899 = arith.constant 16 : i32
        %parallel_loop3A_1900 = arith.muli %parallel_loop3A_327, %parallel_loop3A_1899 : i32
        %parallel_loop3A_1901 = arith.constant 15 : i32
        %parallel_loop3A_1902 = arith.addi %parallel_loop3A_1900, %parallel_loop3A_1901 : i32
        %parallel_loop3A_1903 = arith.index_cast %select_n3A_212 : i32 to index
        %parallel_loop3A_1904 = arith.index_cast %parallel_loop3A_1902 : i32 to index
        %parallel_loop3A_1905 = arith.constant 0 : index
        %parallel_loop3A_1906 = tpu.vector_load %arg8[%parallel_loop3A_1903, %parallel_loop3A_1904, %parallel_loop3A_1905] {strides = array<i32>} : memref<2x128x128xf32, #tpu.memory_space<vmem>>, vector<1x1x16xf32>,
        %parallel_loop3A_1907 = vector.shape_cast %parallel_loop3A_1906 : vector<1x1x16xf32> to vector<16xf32>
        %parallel_loop3A_1908 = arith.mulf %parallel_loop3A_1907, %parallel_loop3A_1898 : vector<16xf32>
        %parallel_loop3A_1909 = arith.index_cast %select_n3A_212 : i32 to index
        %parallel_loop3A_1910 = arith.index_cast %parallel_loop3A_1902 : i32 to index
        %parallel_loop3A_1911 = arith.constant 0 : index
        %parallel_loop3A_1912 = tpu.vector_load %arg8[%parallel_loop3A_1909, %parallel_loop3A_1910, %parallel_loop3A_1911] {strides = array<i32>} : memref<2x128x128xf32, #tpu.memory_space<vmem>>, vector<1x1x16xf32>,
        %parallel_loop3A_1913 = vector.shape_cast %parallel_loop3A_1912 : vector<1x1x16xf32> to vector<16xf32>
        %parallel_loop3A_1914 = vector.shape_cast %parallel_loop3A_1908 : vector<16xf32> to vector<1x1x16xf32>
        tpu.vector_store %arg8[%parallel_loop3A_1909, %parallel_loop3A_1910, %parallel_loop3A_1911], %parallel_loop3A_1914 {strides = array<i32>} : memref<2x128x128xf32, #tpu.memory_space<vmem>>, vector<1x1x16xf32>,
        %parallel_loop3A_1915 = arith.index_cast %select_n3A_212 : i32 to index
        %parallel_loop3A_1916 = arith.index_cast %parallel_loop3A_1902 : i32 to index
        %parallel_loop3A_1917 = arith.constant 16 : index
        %parallel_loop3A_1918 = tpu.vector_load %arg8[%parallel_loop3A_1915, %parallel_loop3A_1916, %parallel_loop3A_1917] {strides = array<i32>} : memref<2x128x128xf32, #tpu.memory_space<vmem>>, vector<1x1x16xf32>,
        %parallel_loop3A_1919 = vector.shape_cast %parallel_loop3A_1918 : vector<1x1x16xf32> to vector<16xf32>
        %parallel_loop3A_1920 = arith.mulf %parallel_loop3A_1919, %parallel_loop3A_1898 : vector<16xf32>
        %parallel_loop3A_1921 = arith.index_cast %select_n3A_212 : i32 to index
        %parallel_loop3A_1922 = arith.index_cast %parallel_loop3A_1902 : i32 to index
        %parallel_loop3A_1923 = arith.constant 16 : index
        %parallel_loop3A_1924 = tpu.vector_load %arg8[%parallel_loop3A_1921, %parallel_loop3A_1922, %parallel_loop3A_1923] {strides = array<i32>} : memref<2x128x128xf32, #tpu.memory_space<vmem>>, vector<1x1x16xf32>,
        %parallel_loop3A_1925 = vector.shape_cast %parallel_loop3A_1924 : vector<1x1x16xf32> to vector<16xf32>
        %parallel_loop3A_1926 = vector.shape_cast %parallel_loop3A_1920 : vector<16xf32> to vector<1x1x16xf32>
        tpu.vector_store %arg8[%parallel_loop3A_1921, %parallel_loop3A_1922, %parallel_loop3A_1923], %parallel_loop3A_1926 {strides = array<i32>} : memref<2x128x128xf32, #tpu.memory_space<vmem>>, vector<1x1x16xf32>,
        %parallel_loop3A_1927 = arith.index_cast %select_n3A_212 : i32 to index
        %parallel_loop3A_1928 = arith.index_cast %parallel_loop3A_1902 : i32 to index
        %parallel_loop3A_1929 = arith.constant 32 : index
        %parallel_loop3A_1930 = tpu.vector_load %arg8[%parallel_loop3A_1927, %parallel_loop3A_1928, %parallel_loop3A_1929] {strides = array<i32>} : memref<2x128x128xf32, #tpu.memory_space<vmem>>, vector<1x1x16xf32>,
        %parallel_loop3A_1931 = vector.shape_cast %parallel_loop3A_1930 : vector<1x1x16xf32> to vector<16xf32>
        %parallel_loop3A_1932 = arith.mulf %parallel_loop3A_1931, %parallel_loop3A_1898 : vector<16xf32>
        %parallel_loop3A_1933 = arith.index_cast %select_n3A_212 : i32 to index
        %parallel_loop3A_1934 = arith.index_cast %parallel_loop3A_1902 : i32 to index
        %parallel_loop3A_1935 = arith.constant 32 : index
        %parallel_loop3A_1936 = tpu.vector_load %arg8[%parallel_loop3A_1933, %parallel_loop3A_1934, %parallel_loop3A_1935] {strides = array<i32>} : memref<2x128x128xf32, #tpu.memory_space<vmem>>, vector<1x1x16xf32>,
        %parallel_loop3A_1937 = vector.shape_cast %parallel_loop3A_1936 : vector<1x1x16xf32> to vector<16xf32>
        %parallel_loop3A_1938 = vector.shape_cast %parallel_loop3A_1932 : vector<16xf32> to vector<1x1x16xf32>
        tpu.vector_store %arg8[%parallel_loop3A_1933, %parallel_loop3A_1934, %parallel_loop3A_1935], %parallel_loop3A_1938 {strides = array<i32>} : memref<2x128x128xf32, #tpu.memory_space<vmem>>, vector<1x1x16xf32>,
        %parallel_loop3A_1939 = arith.index_cast %select_n3A_212 : i32 to index
        %parallel_loop3A_1940 = arith.index_cast %parallel_loop3A_1902 : i32 to index
        %parallel_loop3A_1941 = arith.constant 48 : index
        %parallel_loop3A_1942 = tpu.vector_load %arg8[%parallel_loop3A_1939, %parallel_loop3A_1940, %parallel_loop3A_1941] {strides = array<i32>} : memref<2x128x128xf32, #tpu.memory_space<vmem>>, vector<1x1x16xf32>,
        %parallel_loop3A_1943 = vector.shape_cast %parallel_loop3A_1942 : vector<1x1x16xf32> to vector<16xf32>
        %parallel_loop3A_1944 = arith.mulf %parallel_loop3A_1943, %parallel_loop3A_1898 : vector<16xf32>
        %parallel_loop3A_1945 = arith.index_cast %select_n3A_212 : i32 to index
        %parallel_loop3A_1946 = arith.index_cast %parallel_loop3A_1902 : i32 to index
        %parallel_loop3A_1947 = arith.constant 48 : index
        %parallel_loop3A_1948 = tpu.vector_load %arg8[%parallel_loop3A_1945, %parallel_loop3A_1946, %parallel_loop3A_1947] {strides = array<i32>} : memref<2x128x128xf32, #tpu.memory_space<vmem>>, vector<1x1x16xf32>,
        %parallel_loop3A_1949 = vector.shape_cast %parallel_loop3A_1948 : vector<1x1x16xf32> to vector<16xf32>
        %parallel_loop3A_1950 = vector.shape_cast %parallel_loop3A_1944 : vector<16xf32> to vector<1x1x16xf32>
        tpu.vector_store %arg8[%parallel_loop3A_1945, %parallel_loop3A_1946, %parallel_loop3A_1947], %parallel_loop3A_1950 {strides = array<i32>} : memref<2x128x128xf32, #tpu.memory_space<vmem>>, vector<1x1x16xf32>,
        %parallel_loop3A_1951 = arith.index_cast %select_n3A_212 : i32 to index
        %parallel_loop3A_1952 = arith.index_cast %parallel_loop3A_1902 : i32 to index
        %parallel_loop3A_1953 = arith.constant 64 : index
        %parallel_loop3A_1954 = tpu.vector_load %arg8[%parallel_loop3A_1951, %parallel_loop3A_1952, %parallel_loop3A_1953] {strides = array<i32>} : memref<2x128x128xf32, #tpu.memory_space<vmem>>, vector<1x1x16xf32>,
        %parallel_loop3A_1955 = vector.shape_cast %parallel_loop3A_1954 : vector<1x1x16xf32> to vector<16xf32>
        %parallel_loop3A_1956 = arith.mulf %parallel_loop3A_1955, %parallel_loop3A_1898 : vector<16xf32>
        %parallel_loop3A_1957 = arith.index_cast %select_n3A_212 : i32 to index
        %parallel_loop3A_1958 = arith.index_cast %parallel_loop3A_1902 : i32 to index
        %parallel_loop3A_1959 = arith.constant 64 : index
        %parallel_loop3A_1960 = tpu.vector_load %arg8[%parallel_loop3A_1957, %parallel_loop3A_1958, %parallel_loop3A_1959] {strides = array<i32>} : memref<2x128x128xf32, #tpu.memory_space<vmem>>, vector<1x1x16xf32>,
        %parallel_loop3A_1961 = vector.shape_cast %parallel_loop3A_1960 : vector<1x1x16xf32> to vector<16xf32>
        %parallel_loop3A_1962 = vector.shape_cast %parallel_loop3A_1956 : vector<16xf32> to vector<1x1x16xf32>
        tpu.vector_store %arg8[%parallel_loop3A_1957, %parallel_loop3A_1958, %parallel_loop3A_1959], %parallel_loop3A_1962 {strides = array<i32>} : memref<2x128x128xf32, #tpu.memory_space<vmem>>, vector<1x1x16xf32>,
        %parallel_loop3A_1963 = arith.index_cast %select_n3A_212 : i32 to index
        %parallel_loop3A_1964 = arith.index_cast %parallel_loop3A_1902 : i32 to index
        %parallel_loop3A_1965 = arith.constant 80 : index
        %parallel_loop3A_1966 = tpu.vector_load %arg8[%parallel_loop3A_1963, %parallel_loop3A_1964, %parallel_loop3A_1965] {strides = array<i32>} : memref<2x128x128xf32, #tpu.memory_space<vmem>>, vector<1x1x16xf32>,
        %parallel_loop3A_1967 = vector.shape_cast %parallel_loop3A_1966 : vector<1x1x16xf32> to vector<16xf32>
        %parallel_loop3A_1968 = arith.mulf %parallel_loop3A_1967, %parallel_loop3A_1898 : vector<16xf32>
        %parallel_loop3A_1969 = arith.index_cast %select_n3A_212 : i32 to index
        %parallel_loop3A_1970 = arith.index_cast %parallel_loop3A_1902 : i32 to index
        %parallel_loop3A_1971 = arith.constant 80 : index
        %parallel_loop3A_1972 = tpu.vector_load %arg8[%parallel_loop3A_1969, %parallel_loop3A_1970, %parallel_loop3A_1971] {strides = array<i32>} : memref<2x128x128xf32, #tpu.memory_space<vmem>>, vector<1x1x16xf32>,
        %parallel_loop3A_1973 = vector.shape_cast %parallel_loop3A_1972 : vector<1x1x16xf32> to vector<16xf32>
        %parallel_loop3A_1974 = vector.shape_cast %parallel_loop3A_1968 : vector<16xf32> to vector<1x1x16xf32>
        tpu.vector_store %arg8[%parallel_loop3A_1969, %parallel_loop3A_1970, %parallel_loop3A_1971], %parallel_loop3A_1974 {strides = array<i32>} : memref<2x128x128xf32, #tpu.memory_space<vmem>>, vector<1x1x16xf32>,
        %parallel_loop3A_1975 = arith.index_cast %select_n3A_212 : i32 to index
        %parallel_loop3A_1976 = arith.index_cast %parallel_loop3A_1902 : i32 to index
        %parallel_loop3A_1977 = arith.constant 96 : index
        %parallel_loop3A_1978 = tpu.vector_load %arg8[%parallel_loop3A_1975, %parallel_loop3A_1976, %parallel_loop3A_1977] {strides = array<i32>} : memref<2x128x128xf32, #tpu.memory_space<vmem>>, vector<1x1x16xf32>,
        %parallel_loop3A_1979 = vector.shape_cast %parallel_loop3A_1978 : vector<1x1x16xf32> to vector<16xf32>
        %parallel_loop3A_1980 = arith.mulf %parallel_loop3A_1979, %parallel_loop3A_1898 : vector<16xf32>
        %parallel_loop3A_1981 = arith.index_cast %select_n3A_212 : i32 to index
        %parallel_loop3A_1982 = arith.index_cast %parallel_loop3A_1902 : i32 to index
        %parallel_loop3A_1983 = arith.constant 96 : index
        %parallel_loop3A_1984 = tpu.vector_load %arg8[%parallel_loop3A_1981, %parallel_loop3A_1982, %parallel_loop3A_1983] {strides = array<i32>} : memref<2x128x128xf32, #tpu.memory_space<vmem>>, vector<1x1x16xf32>,
        %parallel_loop3A_1985 = vector.shape_cast %parallel_loop3A_1984 : vector<1x1x16xf32> to vector<16xf32>
        %parallel_loop3A_1986 = vector.shape_cast %parallel_loop3A_1980 : vector<16xf32> to vector<1x1x16xf32>
        tpu.vector_store %arg8[%parallel_loop3A_1981, %parallel_loop3A_1982, %parallel_loop3A_1983], %parallel_loop3A_1986 {strides = array<i32>} : memref<2x128x128xf32, #tpu.memory_space<vmem>>, vector<1x1x16xf32>,
        %parallel_loop3A_1987 = arith.index_cast %select_n3A_212 : i32 to index
        %parallel_loop3A_1988 = arith.index_cast %parallel_loop3A_1902 : i32 to index
        %parallel_loop3A_1989 = arith.constant 112 : index
        %parallel_loop3A_1990 = tpu.vector_load %arg8[%parallel_loop3A_1987, %parallel_loop3A_1988, %parallel_loop3A_1989] {strides = array<i32>} : memref<2x128x128xf32, #tpu.memory_space<vmem>>, vector<1x1x16xf32>,
        %parallel_loop3A_1991 = vector.shape_cast %parallel_loop3A_1990 : vector<1x1x16xf32> to vector<16xf32>
        %parallel_loop3A_1992 = arith.mulf %parallel_loop3A_1991, %parallel_loop3A_1898 : vector<16xf32>
        %parallel_loop3A_1993 = arith.index_cast %select_n3A_212 : i32 to index
        %parallel_loop3A_1994 = arith.index_cast %parallel_loop3A_1902 : i32 to index
        %parallel_loop3A_1995 = arith.constant 112 : index
        %parallel_loop3A_1996 = tpu.vector_load %arg8[%parallel_loop3A_1993, %parallel_loop3A_1994, %parallel_loop3A_1995] {strides = array<i32>} : memref<2x128x128xf32, #tpu.memory_space<vmem>>, vector<1x1x16xf32>,
        %parallel_loop3A_1997 = vector.shape_cast %parallel_loop3A_1996 : vector<1x1x16xf32> to vector<16xf32>
        %parallel_loop3A_1998 = vector.shape_cast %parallel_loop3A_1992 : vector<16xf32> to vector<1x1x16xf32>
        tpu.vector_store %arg8[%parallel_loop3A_1993, %parallel_loop3A_1994, %parallel_loop3A_1995], %parallel_loop3A_1998 {strides = array<i32>} : memref<2x128x128xf32, #tpu.memory_space<vmem>>, vector<1x1x16xf32>,
      } {sc.loop_unroll_factor = 2 : i64, sc.parallel_access}
      %jit3A_300 = arith.constant 2 : i32
      %eq3A_301 = arith.constant 0 : i32
      %eq3A_302 = arith.cmpi eq, %jit3A_300, %eq3A_301 : i32
      %jit3A_303 = arith.constant 1 : i32
      %select_n3A_304 = arith.select %eq3A_302, %jit3A_303, %jit3A_300 : i32
      %rem3A_305 = arith.remsi %select_n3A_233, %select_n3A_304 : i32
      %ne3A_306 = arith.constant 0 : i32
      %ne3A_307 = arith.cmpi ne, %rem3A_305, %ne3A_306 : i32
      %lt3A_308 = arith.constant 0 : i32
      %lt3A_309 = arith.cmpi slt, %rem3A_305, %lt3A_308 : i32
      %lt3A_310 = arith.constant 0 : i32
      %lt3A_311 = arith.cmpi slt, %select_n3A_304, %lt3A_310 : i32
      %ne3A_312 = arith.xori %lt3A_309, %lt3A_311 : i1
      %and3A_313 = arith.andi %ne3A_312, %ne3A_307 : i1
      %add3A_314 = arith.addi %rem3A_305, %select_n3A_304 : i32
      %select_n3A_315 = arith.select %and3A_313, %add3A_314, %rem3A_305 : i32
      %dma_start3A_316 = arith.constant 1 : i32
      %dma_start3A_317 = arith.constant 0 : i32
      %dma_start3A_318 = arith.constant 0 : i32
      %dma_start3A_319 = tpu.memref_slice %arg8[%select_n3A_212, %dma_start3A_317, %dma_start3A_318] : memref<2x128x128xf32, #tpu.memory_space<vmem>> -> memref<1x128x128xf32, #tpu.memory_space<vmem>>
      %dma_start3A_320 = tpu.memref_squeeze %dma_start3A_319 : memref<1x128x128xf32, #tpu.memory_space<vmem>> -> memref<128x128xf32, #tpu.memory_space<vmem>>
      %dma_start3A_321 = arith.constant 0 : i32
      %dma_start3A_322 = tpu.memref_slice %arg6[%select_n3A_315, %select_n3A_249, %dma_start3A_316, %dma_start3A_321] : memref<2x8x2x128xi32, #tpu.memory_space<vmem>> -> memref<1x1x1x128xi32, #tpu.memory_space<vmem>>
      %dma_start3A_323 = tpu.memref_squeeze %dma_start3A_322 : memref<1x1x1x128xi32, #tpu.memory_space<vmem>> -> memref<128xi32, #tpu.memory_space<vmem>>
      %dma_start3A_324 = arith.constant 0 : i32
      %dma_start3A_325 = arith.constant 0 : i32
      %dma_start3A_326 = tpu.memref_slice %arg9[%dma_start3A_324, %dma_start3A_325] : memref<10240x128xf32, #tpu.memory_space<vmem_shared>> -> memref<10240x128xf32, #tpu.memory_space<vmem_shared>>
      tpu.enqueue_indirect_dma source(%dma_start3A_320 : memref<128x128xf32, #tpu.memory_space<vmem>>) target(%dma_start3A_326 : memref<10240x128xf32, #tpu.memory_space<vmem_shared>>) offsets(%dma_start3A_323 : memref<128xi32, #tpu.memory_space<vmem>>) semaphore(%arg12 : memref<!tpu.dma_semaphore, #tpu.memory_space<semaphore_mem>>) {add = true}
    }
    %scan3A_167 = arith.constant 80 : i32
    %dma_wait3A_168 = arith.constant 0 : i32
    %dma_wait3A_169 = arith.constant 0 : i32
    %dma_wait3A_170 = arith.constant 0 : i32
    %dma_wait3A_171 = arith.constant 1 : i32
    %dma_wait3A_172 = arith.constant 0 : i32
    %dma_wait3A_173 = arith.constant 0 : i32
    %dma_wait3A_174 = tpu.memref_slice %arg8[%dma_wait3A_168, %dma_wait3A_172, %dma_wait3A_173] : memref<2x128x128xf32, #tpu.memory_space<vmem>> -> memref<1x128x128xf32, #tpu.memory_space<vmem>>
    %dma_wait3A_175 = tpu.memref_squeeze %dma_wait3A_174 : memref<1x128x128xf32, #tpu.memory_space<vmem>> -> memref<128x128xf32, #tpu.memory_space<vmem>>
    %dma_wait3A_176 = arith.constant 0 : i32
    %dma_wait3A_177 = tpu.memref_slice %arg6[%dma_wait3A_169, %dma_wait3A_170, %dma_wait3A_171, %dma_wait3A_176] : memref<2x8x2x128xi32, #tpu.memory_space<vmem>> -> memref<1x1x1x128xi32, #tpu.memory_space<vmem>>
    %dma_wait3A_178 = tpu.memref_squeeze %dma_wait3A_177 : memref<1x1x1x128xi32, #tpu.memory_space<vmem>> -> memref<128xi32, #tpu.memory_space<vmem>>
    %dma_wait3A_179 = arith.constant 0 : i32
    %dma_wait3A_180 = arith.constant 0 : i32
    %dma_wait3A_181 = tpu.memref_slice %arg9[%dma_wait3A_179, %dma_wait3A_180] : memref<10240x128xf32, #tpu.memory_space<vmem_shared>> -> memref<10240x128xf32, #tpu.memory_space<vmem_shared>>
    tpu.wait_indirect_dma semaphore(%arg12 : memref<!tpu.dma_semaphore, #tpu.memory_space<semaphore_mem>>) src(%dma_wait3A_175 : memref<128x128xf32, #tpu.memory_space<vmem>>) dst(%dma_wait3A_181 : memref<10240x128xf32, #tpu.memory_space<vmem_shared>>)
    %barrier3A_182 = arith.constant 0 : index
    tpu.barrier barrier_id(%barrier3A_182)
    %add3A_183 = arith.constant 0 : i32
    %add3A_184 = arith.addi %mul3A_7, %add3A_183 : i32
    %add3A_185 = arith.constant 0 : i32
    %add3A_186 = arith.addi %mul3A_7, %add3A_185 : i32
    "tpu.region"() ({
      %run_scoped3A_203 = tpu.sem_alloc : memref<!tpu.dma_semaphore, #tpu.memory_space<semaphore_mem>>
      %dma_start3A_204 = arith.constant 0 : i32
      %dma_start3A_205 = tpu.memref_slice %arg5[%arg0, %add3A_186, %dma_start3A_204] : memref<2x10240x128xf32, #tpu.memory_space<hbm>> -> memref<1x128x128xf32, #tpu.memory_space<hbm>>
      %dma_start3A_206 = tpu.memref_squeeze %dma_start3A_205 : memref<1x128x128xf32, #tpu.memory_space<hbm>> -> memref<128x128xf32, #tpu.memory_space<hbm>>
      %dma_start3A_207 = arith.constant 0 : i32
      %dma_start3A_208 = tpu.memref_slice %arg9[%add3A_184, %dma_start3A_207] : memref<10240x128xf32, #tpu.memory_space<vmem_shared>> -> memref<128x128xf32, #tpu.memory_space<vmem_shared>>
      tpu.enqueue_dma source(%dma_start3A_208 : memref<128x128xf32, #tpu.memory_space<vmem_shared>>) target(%dma_start3A_206 : memref<128x128xf32, #tpu.memory_space<hbm>>) target_semaphore(%run_scoped3A_203 : memref<!tpu.dma_semaphore, #tpu.memory_space<semaphore_mem>>)
      %dma_wait3A_209 = arith.constant 0 : i32
      %dma_wait3A_210 = tpu.memref_slice %arg5[%arg0, %add3A_186, %dma_wait3A_209] : memref<2x10240x128xf32, #tpu.memory_space<hbm>> -> memref<1x128x128xf32, #tpu.memory_space<hbm>>
      %dma_wait3A_211 = tpu.memref_squeeze %dma_wait3A_210 : memref<1x128x128xf32, #tpu.memory_space<hbm>> -> memref<128x128xf32, #tpu.memory_space<hbm>>
      %dma_wait3A_212 = arith.constant 0 : i32
      %dma_wait3A_213 = tpu.memref_slice %arg9[%add3A_184, %dma_wait3A_212] : memref<10240x128xf32, #tpu.memory_space<vmem_shared>> -> memref<128x128xf32, #tpu.memory_space<vmem_shared>>
      tpu.wait_dma2 semaphore(%run_scoped3A_203 : memref<!tpu.dma_semaphore, #tpu.memory_space<semaphore_mem>>) src(%dma_wait3A_213 : memref<128x128xf32, #tpu.memory_space<vmem_shared>>) dst(%dma_wait3A_211 : memref<128x128xf32, #tpu.memory_space<hbm>>)
      tpu.yield
    }) : () -> ()
    %add3A_187 = arith.constant 128 : i32
    %add3A_188 = arith.addi %mul3A_7, %add3A_187 : i32
    %add3A_189 = arith.constant 128 : i32
    %add3A_190 = arith.addi %mul3A_7, %add3A_189 : i32
    "tpu.region"() ({
      %run_scoped3A_203 = tpu.sem_alloc : memref<!tpu.dma_semaphore, #tpu.memory_space<semaphore_mem>>
      %dma_start3A_204 = arith.constant 0 : i32
      %dma_start3A_205 = tpu.memref_slice %arg5[%arg0, %add3A_190, %dma_start3A_204] : memref<2x10240x128xf32, #tpu.memory_space<hbm>> -> memref<1x128x128xf32, #tpu.memory_space<hbm>>
      %dma_start3A_206 = tpu.memref_squeeze %dma_start3A_205 : memref<1x128x128xf32, #tpu.memory_space<hbm>> -> memref<128x128xf32, #tpu.memory_space<hbm>>
      %dma_start3A_207 = arith.constant 0 : i32
      %dma_start3A_208 = tpu.memref_slice %arg9[%add3A_188, %dma_start3A_207] : memref<10240x128xf32, #tpu.memory_space<vmem_shared>> -> memref<128x128xf32, #tpu.memory_space<vmem_shared>>
      tpu.enqueue_dma source(%dma_start3A_208 : memref<128x128xf32, #tpu.memory_space<vmem_shared>>) target(%dma_start3A_206 : memref<128x128xf32, #tpu.memory_space<hbm>>) target_semaphore(%run_scoped3A_203 : memref<!tpu.dma_semaphore, #tpu.memory_space<semaphore_mem>>)
      %dma_wait3A_209 = arith.constant 0 : i32
      %dma_wait3A_210 = tpu.memref_slice %arg5[%arg0, %add3A_190, %dma_wait3A_209] : memref<2x10240x128xf32, #tpu.memory_space<hbm>> -> memref<1x128x128xf32, #tpu.memory_space<hbm>>
      %dma_wait3A_211 = tpu.memref_squeeze %dma_wait3A_210 : memref<1x128x128xf32, #tpu.memory_space<hbm>> -> memref<128x128xf32, #tpu.memory_space<hbm>>
      %dma_wait3A_212 = arith.constant 0 : i32
      %dma_wait3A_213 = tpu.memref_slice %arg9[%add3A_188, %dma_wait3A_212] : memref<10240x128xf32, #tpu.memory_space<vmem_shared>> -> memref<128x128xf32, #tpu.memory_space<vmem_shared>>
      tpu.wait_dma2 semaphore(%run_scoped3A_203 : memref<!tpu.dma_semaphore, #tpu.memory_space<semaphore_mem>>) src(%dma_wait3A_213 : memref<128x128xf32, #tpu.memory_space<vmem_shared>>) dst(%dma_wait3A_211 : memref<128x128xf32, #tpu.memory_space<hbm>>)
      tpu.yield
    }) : () -> ()
    %add3A_191 = arith.constant 256 : i32
    %add3A_192 = arith.addi %mul3A_7, %add3A_191 : i32
    %add3A_193 = arith.constant 256 : i32
    %add3A_194 = arith.addi %mul3A_7, %add3A_193 : i32
    "tpu.region"() ({
      %run_scoped3A_203 = tpu.sem_alloc : memref<!tpu.dma_semaphore, #tpu.memory_space<semaphore_mem>>
      %dma_start3A_204 = arith.constant 0 : i32
      %dma_start3A_205 = tpu.memref_slice %arg5[%arg0, %add3A_194, %dma_start3A_204] : memref<2x10240x128xf32, #tpu.memory_space<hbm>> -> memref<1x128x128xf32, #tpu.memory_space<hbm>>
      %dma_start3A_206 = tpu.memref_squeeze %dma_start3A_205 : memref<1x128x128xf32, #tpu.memory_space<hbm>> -> memref<128x128xf32, #tpu.memory_space<hbm>>
      %dma_start3A_207 = arith.constant 0 : i32
      %dma_start3A_208 = tpu.memref_slice %arg9[%add3A_192, %dma_start3A_207] : memref<10240x128xf32, #tpu.memory_space<vmem_shared>> -> memref<128x128xf32, #tpu.memory_space<vmem_shared>>
      tpu.enqueue_dma source(%dma_start3A_208 : memref<128x128xf32, #tpu.memory_space<vmem_shared>>) target(%dma_start3A_206 : memref<128x128xf32, #tpu.memory_space<hbm>>) target_semaphore(%run_scoped3A_203 : memref<!tpu.dma_semaphore, #tpu.memory_space<semaphore_mem>>)
      %dma_wait3A_209 = arith.constant 0 : i32
      %dma_wait3A_210 = tpu.memref_slice %arg5[%arg0, %add3A_194, %dma_wait3A_209] : memref<2x10240x128xf32, #tpu.memory_space<hbm>> -> memref<1x128x128xf32, #tpu.memory_space<hbm>>
      %dma_wait3A_211 = tpu.memref_squeeze %dma_wait3A_210 : memref<1x128x128xf32, #tpu.memory_space<hbm>> -> memref<128x128xf32, #tpu.memory_space<hbm>>
      %dma_wait3A_212 = arith.constant 0 : i32
      %dma_wait3A_213 = tpu.memref_slice %arg9[%add3A_192, %dma_wait3A_212] : memref<10240x128xf32, #tpu.memory_space<vmem_shared>> -> memref<128x128xf32, #tpu.memory_space<vmem_shared>>
      tpu.wait_dma2 semaphore(%run_scoped3A_203 : memref<!tpu.dma_semaphore, #tpu.memory_space<semaphore_mem>>) src(%dma_wait3A_213 : memref<128x128xf32, #tpu.memory_space<vmem_shared>>) dst(%dma_wait3A_211 : memref<128x128xf32, #tpu.memory_space<hbm>>)
      tpu.yield
    }) : () -> ()
    %add3A_195 = arith.constant 384 : i32
    %add3A_196 = arith.addi %mul3A_7, %add3A_195 : i32
    %add3A_197 = arith.constant 384 : i32
    %add3A_198 = arith.addi %mul3A_7, %add3A_197 : i32
    "tpu.region"() ({
      %run_scoped3A_203 = tpu.sem_alloc : memref<!tpu.dma_semaphore, #tpu.memory_space<semaphore_mem>>
      %dma_start3A_204 = arith.constant 0 : i32
      %dma_start3A_205 = tpu.memref_slice %arg5[%arg0, %add3A_198, %dma_start3A_204] : memref<2x10240x128xf32, #tpu.memory_space<hbm>> -> memref<1x128x128xf32, #tpu.memory_space<hbm>>
      %dma_start3A_206 = tpu.memref_squeeze %dma_start3A_205 : memref<1x128x128xf32, #tpu.memory_space<hbm>> -> memref<128x128xf32, #tpu.memory_space<hbm>>
      %dma_start3A_207 = arith.constant 0 : i32
      %dma_start3A_208 = tpu.memref_slice %arg9[%add3A_196, %dma_start3A_207] : memref<10240x128xf32, #tpu.memory_space<vmem_shared>> -> memref<128x128xf32, #tpu.memory_space<vmem_shared>>
      tpu.enqueue_dma source(%dma_start3A_208 : memref<128x128xf32, #tpu.memory_space<vmem_shared>>) target(%dma_start3A_206 : memref<128x128xf32, #tpu.memory_space<hbm>>) target_semaphore(%run_scoped3A_203 : memref<!tpu.dma_semaphore, #tpu.memory_space<semaphore_mem>>)
      %dma_wait3A_209 = arith.constant 0 : i32
      %dma_wait3A_210 = tpu.memref_slice %arg5[%arg0, %add3A_198, %dma_wait3A_209] : memref<2x10240x128xf32, #tpu.memory_space<hbm>> -> memref<1x128x128xf32, #tpu.memory_space<hbm>>
      %dma_wait3A_211 = tpu.memref_squeeze %dma_wait3A_210 : memref<1x128x128xf32, #tpu.memory_space<hbm>> -> memref<128x128xf32, #tpu.memory_space<hbm>>
      %dma_wait3A_212 = arith.constant 0 : i32
      %dma_wait3A_213 = tpu.memref_slice %arg9[%add3A_196, %dma_wait3A_212] : memref<10240x128xf32, #tpu.memory_space<vmem_shared>> -> memref<128x128xf32, #tpu.memory_space<vmem_shared>>
      tpu.wait_dma2 semaphore(%run_scoped3A_203 : memref<!tpu.dma_semaphore, #tpu.memory_space<semaphore_mem>>) src(%dma_wait3A_213 : memref<128x128xf32, #tpu.memory_space<vmem_shared>>) dst(%dma_wait3A_211 : memref<128x128xf32, #tpu.memory_space<hbm>>)
      tpu.yield
    }) : () -> ()
    %add3A_199 = arith.constant 512 : i32
    %add3A_200 = arith.addi %mul3A_7, %add3A_199 : i32
    %add3A_201 = arith.constant 512 : i32
    %add3A_202 = arith.addi %mul3A_7, %add3A_201 : i32
    "tpu.region"() ({
      %run_scoped3A_203 = tpu.sem_alloc : memref<!tpu.dma_semaphore, #tpu.memory_space<semaphore_mem>>
      %dma_start3A_204 = arith.constant 0 : i32
      %dma_start3A_205 = tpu.memref_slice %arg5[%arg0, %add3A_202, %dma_start3A_204] : memref<2x10240x128xf32, #tpu.memory_space<hbm>> -> memref<1x128x128xf32, #tpu.memory_space<hbm>>
      %dma_start3A_206 = tpu.memref_squeeze %dma_start3A_205 : memref<1x128x128xf32, #tpu.memory_space<hbm>> -> memref<128x128xf32, #tpu.memory_space<hbm>>
      %dma_start3A_207 = arith.constant 0 : i32
      %dma_start3A_208 = tpu.memref_slice %arg9[%add3A_200, %dma_start3A_207] : memref<10240x128xf32, #tpu.memory_space<vmem_shared>> -> memref<128x128xf32, #tpu.memory_space<vmem_shared>>
      tpu.enqueue_dma source(%dma_start3A_208 : memref<128x128xf32, #tpu.memory_space<vmem_shared>>) target(%dma_start3A_206 : memref<128x128xf32, #tpu.memory_space<hbm>>) target_semaphore(%run_scoped3A_203 : memref<!tpu.dma_semaphore, #tpu.memory_space<semaphore_mem>>)
      %dma_wait3A_209 = arith.constant 0 : i32
      %dma_wait3A_210 = tpu.memref_slice %arg5[%arg0, %add3A_202, %dma_wait3A_209] : memref<2x10240x128xf32, #tpu.memory_space<hbm>> -> memref<1x128x128xf32, #tpu.memory_space<hbm>>
      %dma_wait3A_211 = tpu.memref_squeeze %dma_wait3A_210 : memref<1x128x128xf32, #tpu.memory_space<hbm>> -> memref<128x128xf32, #tpu.memory_space<hbm>>
      %dma_wait3A_212 = arith.constant 0 : i32
      %dma_wait3A_213 = tpu.memref_slice %arg9[%add3A_200, %dma_wait3A_212] : memref<10240x128xf32, #tpu.memory_space<vmem_shared>> -> memref<128x128xf32, #tpu.memory_space<vmem_shared>>
      tpu.wait_dma2 semaphore(%run_scoped3A_203 : memref<!tpu.dma_semaphore, #tpu.memory_space<semaphore_mem>>) src(%dma_wait3A_213 : memref<128x128xf32, #tpu.memory_space<vmem_shared>>) dst(%dma_wait3A_211 : memref<128x128xf32, #tpu.memory_space<hbm>>)
      tpu.yield
    }) : () -> ()
    return
  }
}

module attributes {stable_mosaic.version = 14 : i64} {
  func.func @_mm_body(%arg0: i32, %arg1: memref<1000x128xf32, #tpu.memory_space<vmem>>, %arg2: memref<128x128xf32, #tpu.memory_space<vmem>>, %arg3: memref<1000x128xf32, #tpu.memory_space<vmem>>) attributes {dimension_semantics = [#tpu.dimension_semantics<arbitrary>], iteration_bounds = array<i64: 10>, scalar_prefetch = 0 : i64, scratch_operands = 0 : i64, tpu.core_type = #tpu.core_type<tc>, window_params = [{transform_indices = @transform_0, window_bounds = array<i64: 1000, 128>}, {pipeline_mode = #tpu.pipeline_mode<synchronous>, transform_indices = @transform_1, window_bounds = array<i64: 128, 128>}, {transform_indices = @transform_2, window_bounds = array<i64: 1000, 128>}]} {
    %get3A = arith.constant 0 : index
    %get3A_0 = arith.constant 0 : index
    %get3A_1 = vector.load %arg1[%get3A, %get3A_0] : memref<1000x128xf32, #tpu.memory_space<vmem>>, vector<1000x128xf32>
    %get3A_2 = arith.constant 0 : index
    %get3A_3 = arith.constant 0 : index
    %get3A_4 = vector.load %arg2[%get3A_2, %get3A_3] : memref<128x128xf32, #tpu.memory_space<vmem>>, vector<128x128xf32>
    %dot_general3A = arith.constant dense<0.000000e+00> : vector<1000x128xf32>
    %dot_general3A_5 = tpu.matmul %get3A_1, %get3A_4, %dot_general3A {dimension_numbers = #tpu.dot_dimension_numbers<[1], [0], [0], [1], [0, 0, 1, 1], [], []>, transpose_lhs_hint = false} : vector<1000x128xf32>, vector<128x128xf32>, vector<1000x128xf32> -> vector<1000x128xf32>
    %swap3A = arith.constant 0 : index
    %swap3A_6 = arith.constant 0 : index
    %swap3A_7 = vector.load %arg3[%swap3A, %swap3A_6] : memref<1000x128xf32, #tpu.memory_space<vmem>>, vector<1000x128xf32>
    tpu.vector_store %arg3[%swap3A, %swap3A_6], %dot_general3A_5 {strides = array<i32>} : memref<1000x128xf32, #tpu.memory_space<vmem>>, vector<1000x128xf32>,
    return
  }
  func.func @transform_0(%arg0: i32) -> (i32, i32) {
    %c0_i32 = arith.constant 0 : i32
    %c0_i32_0 = arith.constant 0 : i32
    return %arg0, %c0_i32 : i32, i32
  }
  func.func @transform_1(%arg0: i32) -> (i32, i32) {
    %c0_i32 = arith.constant 0 : i32
    %c0_i32_0 = arith.constant 0 : i32
    %c0_i32_1 = arith.constant 0 : i32
    return %c0_i32, %c0_i32_0 : i32, i32
  }
  func.func @transform_2(%arg0: i32) -> (i32, i32) {
    %c0_i32 = arith.constant 0 : i32
    %c0_i32_0 = arith.constant 0 : i32
    return %arg0, %c0_i32 : i32, i32
  }
}

module attributes {stable_mosaic.version = 14 : i64} {
  func.func @_post_body(%arg0: i32, %arg1: memref<2x1000x128xf32, #tpu.memory_space<vmem>>, %arg2: memref<1x128xf32, #tpu.memory_space<vmem>>, %arg3: memref<128x128xf32, #tpu.memory_space<vmem>>, %arg4: memref<1x128xf32, #tpu.memory_space<vmem>>, %arg5: memref<1000x128xf32, #tpu.memory_space<vmem>>, %arg6: memref<1000x128xf32, #tpu.memory_space<vmem>>) attributes {dimension_semantics = [#tpu.dimension_semantics<arbitrary>], iteration_bounds = array<i64: 10>, scalar_prefetch = 0 : i64, scratch_operands = 0 : i64, tpu.core_type = #tpu.core_type<tc>, window_params = [{transform_indices = @transform_0, window_bounds = array<i64: 2, 1000, 128>}, {pipeline_mode = #tpu.pipeline_mode<synchronous>, transform_indices = @transform_1, window_bounds = array<i64: 1, 128>}, {pipeline_mode = #tpu.pipeline_mode<synchronous>, transform_indices = @transform_2, window_bounds = array<i64: 128, 128>}, {pipeline_mode = #tpu.pipeline_mode<synchronous>, transform_indices = @transform_3, window_bounds = array<i64: 1, 128>}, {transform_indices = @transform_4, window_bounds = array<i64: 1000, 128>}, {transform_indices = @transform_5, window_bounds = array<i64: 1000, 128>}]} {
    %get3A = arith.constant 0 : index
    %get3A_0 = arith.constant 0 : index
    %get3A_1 = arith.constant 0 : index
    %get3A_2 = vector.load %arg1[%get3A, %get3A_0, %get3A_1] : memref<2x1000x128xf32, #tpu.memory_space<vmem>>, vector<1x1000x128xf32>
    %get3A_3 = vector.shape_cast %get3A_2 : vector<1x1000x128xf32> to vector<1000x128xf32>
    %get3A_4 = arith.constant 1 : index
    %get3A_5 = arith.constant 0 : index
    %get3A_6 = arith.constant 0 : index
    %get3A_7 = vector.load %arg1[%get3A_4, %get3A_5, %get3A_6] : memref<2x1000x128xf32, #tpu.memory_space<vmem>>, vector<1x1000x128xf32>
    %get3A_8 = vector.shape_cast %get3A_7 : vector<1x1000x128xf32> to vector<1000x128xf32>
    %add3A = arith.addf %get3A_3, %get3A_8 : vector<1000x128xf32>
    %get3A_9 = arith.constant 0 : index
    %get3A_10 = arith.constant 0 : index
    %get3A_11 = vector.load %arg2[%get3A_9, %get3A_10] : memref<1x128xf32, #tpu.memory_space<vmem>>, vector<1x128xf32>
    %add3A_12 = vector.broadcast %get3A_11 : vector<1x128xf32> to vector<1000x128xf32>
    %add3A_13 = arith.addf %add3A, %add3A_12 : vector<1000x128xf32>
    %max3A = arith.constant 0.000000e+00 : f32
    %max3A_14 = vector.broadcast %max3A : f32 to vector<1000x128xf32>
    %max3A_15 = arith.maximumf %add3A_13, %max3A_14 : vector<1000x128xf32>
    %swap3A = arith.constant 0 : index
    %swap3A_16 = arith.constant 0 : index
    %swap3A_17 = vector.load %arg5[%swap3A, %swap3A_16] : memref<1000x128xf32, #tpu.memory_space<vmem>>, vector<1000x128xf32>
    tpu.vector_store %arg5[%swap3A, %swap3A_16], %max3A_15 {strides = array<i32>} : memref<1000x128xf32, #tpu.memory_space<vmem>>, vector<1000x128xf32>,
    %get3A_18 = arith.constant 0 : index
    %get3A_19 = arith.constant 0 : index
    %get3A_20 = vector.load %arg3[%get3A_18, %get3A_19] : memref<128x128xf32, #tpu.memory_space<vmem>>, vector<128x128xf32>
    %dot_general3A = arith.constant dense<0.000000e+00> : vector<1000x128xf32>
    %dot_general3A_21 = tpu.matmul %max3A_15, %get3A_20, %dot_general3A {dimension_numbers = #tpu.dot_dimension_numbers<[1], [0], [0], [1], [0, 0, 1, 1], [], []>, transpose_lhs_hint = false} : vector<1000x128xf32>, vector<128x128xf32>, vector<1000x128xf32> -> vector<1000x128xf32>
    %get3A_22 = arith.constant 0 : index
    %get3A_23 = arith.constant 0 : index
    %get3A_24 = vector.load %arg4[%get3A_22, %get3A_23] : memref<1x128xf32, #tpu.memory_space<vmem>>, vector<1x128xf32>
    %add3A_25 = vector.broadcast %get3A_24 : vector<1x128xf32> to vector<1000x128xf32>
    %add3A_26 = arith.addf %dot_general3A_21, %add3A_25 : vector<1000x128xf32>
    %swap3A_27 = arith.constant 0 : index
    %swap3A_28 = arith.constant 0 : index
    %swap3A_29 = vector.load %arg6[%swap3A_27, %swap3A_28] : memref<1000x128xf32, #tpu.memory_space<vmem>>, vector<1000x128xf32>
    tpu.vector_store %arg6[%swap3A_27, %swap3A_28], %add3A_26 {strides = array<i32>} : memref<1000x128xf32, #tpu.memory_space<vmem>>, vector<1000x128xf32>,
    return
  }
  func.func @transform_0(%arg0: i32) -> (i32, i32, i32) {
    %c0_i32 = arith.constant 0 : i32
    %c0_i32_0 = arith.constant 0 : i32
    %c0_i32_1 = arith.constant 0 : i32
    return %c0_i32, %arg0, %c0_i32_0 : i32, i32, i32
  }
  func.func @transform_1(%arg0: i32) -> (i32, i32) {
    %c0_i32 = arith.constant 0 : i32
    %c0_i32_0 = arith.constant 0 : i32
    %c0_i32_1 = arith.constant 0 : i32
    return %c0_i32, %c0_i32_0 : i32, i32
  }
  func.func @transform_2(%arg0: i32) -> (i32, i32) {
    %c0_i32 = arith.constant 0 : i32
    %c0_i32_0 = arith.constant 0 : i32
    %c0_i32_1 = arith.constant 0 : i32
    return %c0_i32, %c0_i32_0 : i32, i32
  }
  func.func @transform_3(%arg0: i32) -> (i32, i32) {
    %c0_i32 = arith.constant 0 : i32
    %c0_i32_0 = arith.constant 0 : i32
    %c0_i32_1 = arith.constant 0 : i32
    return %c0_i32, %c0_i32_0 : i32, i32
  }
  func.func @transform_4(%arg0: i32) -> (i32, i32) {
    %c0_i32 = arith.constant 0 : i32
    %c0_i32_0 = arith.constant 0 : i32
    return %arg0, %c0_i32 : i32, i32
  }
  func.func @transform_5(%arg0: i32) -> (i32, i32) {
    %c0_i32 = arith.constant 0 : i32
    %c0_i32_0 = arith.constant 0 : i32
    return %arg0, %c0_i32 : i32, i32
  }
}

</mosaic_0001>

<sc_bundles>
// kernel: kernel.5.cloned.1.call-start
scs
__scs_entry_jumppad:
0x0: {  	(pc) =	sbr.rel $0x88, $3  }
0x1: {  	(tag) =	ssettag $0x0;
	lr =	simm.s32 $0x1  }
0x2: {  	[smem:$0x3F9A] =	sst lr;
	_ =	strace $0xD0000000  }
0x3: {  	_ = 	snop  }
0x4: {  	_ = 	snop  }
0x5: {  	_ = 	snop  }
0x6: {  	_ = 	snop  }
0x7: {  	_ = 	snop  }
__scs_overlays_trampoline_lowered:
0x8: {  	[smem:$0x3FA9] =	sst s0  }
0x9: {  	[smem:$0x3FAA] =	sst s1  }
0xa: {  	[smem:$0x3FAB] =	sst s2  }
0xb: {  	[smem:$0x3FAC] =	sst s3  }
0xc: {  	[smem:$0x3FAD] =	sst s4  }
0xd: {  	[smem:$0x3FAE] =	sst s5  }
0xe: {  	[smem:$0x3FAF] =	sst s6  }
0xf: {  	[smem:$0x3FB0] =	sst s7  }
0x10: {  	[smem:$0x3FB1] =	sst s8  }
0x11: {  	[smem:$0x3FB2] =	sst s9;
	s0 =	simm.s32 @!p0 $0x0  }
0x12: {  	s1 =	sld [smem:$0x3F98];
	s0 =	simm.s32 @p0 $0x1  }
0x13: {  	[smem:$0x3FB3] =	sst s0;
	s0 =	simm.s32 @!p1 $0x0  }
0x14: {  	s2 =	sld [smem:$0x3F97];
	s0 =	simm.s32 @p1 $0x1  }
0x15: {  	[smem:$0x3FB4] =	sst s0;
	s0 =	simm.s32 @!p2 $0x0  }
0x16: {  	s3 =	sld [smem:$0x3FDB];
	s0 =	simm.s32 @p2 $0x1  }
0x17: {  	s4 =	simm.s32 $0x1BF5;
	[smem:$0x3FB6] =	sst s0  }
0x18: {  	s0 =	sld [smem:$0x3F99];
	_ =	swait.ge [sflag:s4], $0x0  }
0x19: {  	s7 =	sld [smem:$0x3F9A]  }
0x1a: {  	s8 =	sadd.s32 $0xFFFFE003, lr  }
0x1b: {  	s9 =	sadd.s32 $0xFFFFFEF7, lr;
	s5 =	simm.s32 $0xFFFFFFFF;
	p2 =	slt.u32 s8, $0xFFFFF086  }
0x1c: {  	p1 =	slt.u32 s9, $0xF7A;
	s5 =	simm.s32 @!p2 $0x0  }
0x1d: {  	s5 =	simm.s32 @p1 $0x1;
	p0 =	seq.s32 s7, s2  }
0x1e: {  	s7 =	smul.u32 @!p0 $0xF7A, s2;
	p2 =	seq.s32 @!p0 s5, $0x0  }
0x1f: {  	s9 =	smul.u32 $0xF7A, s1;
	s8 =	simm.s32 @!p0 $0x1BF5;
	p2 =	por !p2, p0  }
0x20: {  	[sflag:s8] =	ssyncset.s32 @!p0 $0xFFFFF086;
	s6 =	sadd.s32 @!p0 s3, s7;
	s7 =	simm.s32 @!p0 $0x108  }
0x21: {  	s3 =	sadd.s32 s3, s9;
	s6 =	sadd.s32 @!p0 $0x88, s6;
	s7 =	simm.s32 @p2 $0x1082  }
0x22: {  	[simem:s7], [sflag:s8] =	dma.local @!p0 [hbm:s6], $0xF7A  }
0x23: {  	s9 =	sor.u32 $0xD0000000, s2;
	s6 =	simm.s32 $0x108;
	_ =	swait.ge @!p0 [sflag:s8], $0x0  }
0x24: {  	s3 =	sadd.s32 $0x88, s3;
	s6 =	simm.s32 @!p1 $0x1082;
	[sflag:s4] =	ssyncset.s32 $0xFFFFF086  }
0x25: {  	[simem:s6], [sflag:s4] =	dma.local [hbm:s3], $0xF7A  }
0x26: {  	[smem:$0x3F9A] =	sst s1;
	(tag) =	ssettag s2;
	_ =	strace s9  }
0x27: {  	s1 =	sld [smem:$0x3FAA]  }
0x28: {  	s2 =	sld [smem:$0x3FAB]  }
0x29: {  	s4 =	sld [smem:$0x3FAD]  }
0x2a: {  	p0 =	seq.s32 s5, $0x0;
	s5 =	sld [smem:$0x3FAE]  }
0x2b: {  	s6 =	sld [smem:$0x3FAF]  }
0x2c: {  	s7 =	sld [smem:$0x3FB0]  }
0x2d: {  	s3 =	simm.s32 $0x108;
	s8 =	sld [smem:$0x3FB1]  }
0x2e: {  	s3 =	simm.s32 @!p0 $0x1082;
	s9 =	sld [smem:$0x3FB2]  }
0x2f: {  	lr =	sadd.s32 s0, s3;
	s0 =	sld [smem:$0x3FA9]  }
0x30: {  	s3 =	sld [smem:$0x3FAC]  }
0x31: {  	[smem:$0x3FB5] =	sst s10  }
0x32: {  	s10 =	sld [smem:$0x3FB3];
	_ =	sdelay $0x3  }
0x33: {  	p0 =	seq.s32 s10, $0x1;
	s10 =	sld [smem:$0x3FB5];
	_ =	sdelay $0x3  }
0x34: {  	[smem:$0x3FB5] =	sst s10  }
0x35: {  	s10 =	sld [smem:$0x3FB4];
	_ =	sdelay $0x3  }
0x36: {  	p1 =	seq.s32 s10, $0x1;
	s10 =	sld [smem:$0x3FB5];
	_ =	sdelay $0x3  }
0x37: {  	[smem:$0x3FB5] =	sst s10  }
0x38: {  	s10 =	sld [smem:$0x3FB6]  }
0x39: {  	_ = 	snop;
	(pc) =	sbr.ind lr, $3  }
0x3a: {  	_ = 	snop  }
0x3b: {  	_ = 	snop  }
0x3c: {  	p2 =	seq.s32 s10, $0x1;
	s10 =	sld [smem:$0x3FB5]  }
0x3d: {  	_ =	shalt  }
0x3e: {  	_ =	shalt  }
0x3f: {  	_ =	shalt  }
0x40: {  	_ =	shalt  }
0x41: {  	_ =	shalt  }
0x42: {  	_ =	shalt  }
0x43: {  	_ =	shalt  }
0x44: {  	_ =	shalt  }
0x45: {  	_ =	shalt  }
0x46: {  	_ =	shalt  }
0x47: {  	_ =	shalt  }
0x48: {  	_ =	shalt  }
0x49: {  	_ =	shalt  }
0x4a: {  	_ =	shalt  }
0x4b: {  	_ =	shalt  }
0x4c: {  	_ =	shalt  }
0x4d: {  	_ =	shalt  }
0x4e: {  	_ =	shalt  }
0x4f: {  	_ =	shalt  }
0x50: {  	_ =	shalt  }
0x51: {  	_ =	shalt  }
0x52: {  	_ =	shalt  }
0x53: {  	_ =	shalt  }
0x54: {  	_ =	shalt  }
0x55: {  	_ =	shalt  }
0x56: {  	_ =	shalt  }
0x57: {  	_ =	shalt  }
0x58: {  	_ =	shalt  }
0x59: {  	_ =	shalt  }
0x5a: {  	_ =	shalt  }
0x5b: {  	_ =	shalt  }
0x5c: {  	_ =	shalt  }
0x5d: {  	_ =	shalt  }
0x5e: {  	_ =	shalt  }
0x5f: {  	_ =	shalt  }
0x60: {  	_ =	shalt  }
0x61: {  	_ =	shalt  }
0x62: {  	_ =	shalt  }
0x63: {  	_ =	shalt  }
0x64: {  	_ =	shalt  }
0x65: {  	_ =	shalt  }
0x66: {  	_ =	shalt  }
0x67: {  	_ =	shalt  }
0x68: {  	_ =	shalt  }
0x69: {  	_ =	shalt  }
0x6a: {  	_ =	shalt  }
0x6b: {  	_ =	shalt  }
0x6c: {  	_ =	shalt  }
0x6d: {  	_ =	shalt  }
0x6e: {  	_ =	shalt  }
0x6f: {  	_ =	shalt  }
0x70: {  	_ =	shalt  }
0x71: {  	_ =	shalt  }
0x72: {  	_ =	shalt  }
0x73: {  	_ =	shalt  }
0x74: {  	_ =	shalt  }
0x75: {  	_ =	shalt  }
0x76: {  	_ =	shalt  }
0x77: {  	_ =	shalt  }
0x78: {  	_ =	shalt  }
0x79: {  	_ =	shalt  }
0x7a: {  	_ =	shalt  }
0x7b: {  	_ =	shalt  }
0x7c: {  	_ =	shalt  }
0x7d: {  	_ =	shalt  }
0x7e: {  	_ =	shalt  }
0x7f: {  	_ =	shalt  }
0x80: {  	_ =	shalt  }
0x81: {  	_ =	shalt  }
0x82: {  	_ =	shalt  }
0x83: {  	_ =	shalt  }
0x84: {  	_ =	shalt  }
0x85: {  	_ =	shalt  }
0x86: {  	_ =	shalt  }
0x87: {  	_ =	shalt  }
.Lfunc_end0:
.L_simem_size_0:
called_computation_lowered:
.L_overlay_start_0:
0x88: {  	s2 =	sld [smem:$0x3FD9]  }
0x89: {  	s3 =	sld [smem:$0x3FFE];
	_ =	sdelay $0x1  }
0x8a: {  	s1 =	srdreg.scid  }
0x8b: {  	s0 =	sand.u32 $0x1, s1  }
0x8c: {  	s14 =	sshll.u32 s0, $0xA;
	s2 =	sadd.s32 s3, s2  }
0x8d: {  	s2 =	sadd.s32 s2, s14  }
0x8e: {  	[smem:$0x3FC1] =	sst s2  }
0x8f: {  	_ = 	snop  }
0x90: {  	s2 =	sld [smem:$0x3FD0];
	_ =	sdelay $0x2  }
0x91: {  	s15 =	simm.s32 $0xA;
	s4 =	simm.s32 $0x10  }
0x92: {  	[smem:s4], [sflag:s15] =	dma.local [hbm:s2], $0x1  }
0x93: {  	_ =	swait.eq [sflag:s15], $0x1  }
0x94: {  	[sflag:s15] =	ssyncset.done $0x0  }
0x95: {  	s16 =	sld [smem:$0x10];
	[sflag:s15] =	ssyncadd.s32 $0xFFFFFFFF  }
0x96: {  	s17 =	sld [smem:$0x11];
	(tm) =	ssettm $0x1  }
0x97: {  	s18 =	sld [smem:$0x3FFB];
	_ =	sdelay $0x3  }
0x98: {  	_ =	strace s18  }
0x99: {  	s4 =	sld [smem:$0x3FFC];
	_ =	sdelay $0x3  }
0x9a: {  	_ =	strace s4  }
0x9b: {  	s4 =	sld [smem:$0x3FFD];
	_ =	sdelay $0x3  }
0x9c: {  	_ =	strace s4  }
0x9d: {  	_ =	strace $0x8FFFFFFF  }
0x9e: {  	s19 =	sld [smem:$0x3FDB];
	_ =	sdelay $0x1  }
0x9f: {  	s5 =	simm.s32 $_scs_section_size  }
0xa0: {  	s6 =	simm.s32 $_size__tile_overlayer_lowered;
	s7 =	simm.s32 $_tile_overlayer_lowered  }
0xa1: {  	s22 =	simm.s32 $0x1BFF;
	s21 =	sshll.u32 s7, $0x1;
	s4 =	sadd.s32 s5, s19  }
0xa2: {  	s8 =	simm.s32 $0x0;
	s20 =	sshll.u32 s6, $0x1;
	s6 =	sadd.s32 s21, s4  }
0xa3: {  	[timem:s8], [sflag:s22] =	dma.local [hbm:s6], s20  }
0xa4: {  	_ =	swait.ge [sflag:s22], s20  }
0xa5: {  	s5 =	ssub.s32 $0x0, s20;
	[sflag:s22] =	ssyncset.done $0x0  }
0xa6: {  	[sflag:s22] =	ssyncadd.s32 s5;
	_ =	sdelay $0x1  }
0xa7: {  	s23 =	simm.s32 $0x1B8B  }
0xa8: {  	_ =	swait.ge [sflag:s23], $0x1  }
0xa9: {  	[sflag:s23] =	ssyncset.done $0x0  }
0xaa: {  	s25 =	simm.s32 $0x1B8E;
	s24 =	sld [smem:$0x3FFE];
	[sflag:s23] =	ssyncadd.s32 $0xFFFFFFFF  }
0xab: {  	s26 =	simm.s32 $execute0_lowered;
	[smem:$0x3FD2] =	sst s25  }
0xac: {  	s6 =	sshll.u32 s26, $0x1;
	_ =	strace $0x80000046;
	[dreg:$0x1] =	wrdreg $0xFFFFFFFF  }
0xad: {  	s28 =	simm.s32 $_size_execute0_lowered;
	s4 =	sadd.s32 s4, s6;
	[dreg:$0x0] =	wrdreg $0x0  }
0xae: {  	s6 =	sshll.u32 s28, $0x1;
	[dreg:$0x2] =	wrdreg s4  }
0xaf: {  	[dreg:$0x3] =	wrdreg s6  }
0xb0: {  	[dreg:$0x4] =	wrdreg $0xC0  }
0xb1: {  	_ =	task [dreg:s8], $0x5FFFF  }
0xb2: {  	[dreg:$0x1] =	wrdreg $0xFFFFFFFF  }
0xb3: {  	[dreg:$0x0] =	wrdreg $0x60  }
0xb4: {  	[dreg:$0x2] =	wrdreg s17  }
0xb5: {  	[dreg:$0x3] =	wrdreg s16  }
0xb6: {  	[dreg:$0x4] =	wrdreg s24  }
0xb7: {  	[dreg:$0x5] =	wrdreg $0x98000  }
0xb8: {  	[dreg:$0x6] =	wrdreg $0x9  }
0xb9: {  	_ =	task.clear_ibuf [dreg:s8], $0x7FFFF;
	_ =	strace $0x90000046  }
0xba: {  	s29 =	simm.s32 $0x9;
	_ =	strace $0x80000048  }
0xbb: {  	_ =	swait.ge [sflag:s29], $0x1  }
0xbc: {  	[sflag:s29] =	ssyncadd.s32 $0xFFFFFFFF  }
0xbd: {  	_ =	strace $0x90000048  }
0xbe: {  	_ =	sfence  }
0xbf: {  	s30 =	sld [smem:$0x0];
	_ =	sdelay $0x2  }
0xc0: {  	s31 =	sshll.u32 s1, $0xD;
	s1 =	sshrl.u32 s1, $0x2  }
0xc1: {  	s3 =	sand.u32 $0x4000, s31;
	s1 =	sadd.s32 s1, s30  }
0xc2: {  	s0 =	sor.u32 s3, s0;
	s1 =	sshll.u32 s1, $0x11  }
0xc3: {  	s0 =	sor.u32 s1, s0  }
0xc4: {  	s0 =	sadd.s32 $0x8F2B, s0  }
0xc5: {  	[sflag:s0] =	ssyncadd.remote.s32 $0x1  }
0xc6: {  	_ =	sfence.sel $0xFFFF  }
0xc7: {  	[dreg:$0x0] =	wrdreg $0xFFFFFFFF;
	(pc) =	sbr.abs _section_cstart, $3  }
0xc8: {  	[dreg:$0x1] =	wrdreg $0xFFFFFFFF  }
0xc9: {  	_ =	task.clear_ibuf [dreg:s8], $0x2FFFF;
	_ =	strace $0x9FFFFFFF  }
0xca: {  	(tm) =	ssettm $0x7FFFFFFF  }
0xcb: {  	_ =	shalt  }
tec
execute0_lowered:
.L_overlay_start_1:
0x0: {  	(tag) =	ssettag $0x1  }
0x1: {  	s1 =	rddreg [dreg:$0x0]  }
0x2: {  	s2 =	rddreg [dreg:$0x1]  }
0x3: {  	s0 =	rddreg [dreg:$0x2]  }
0x4: {  	s3 =	rddreg [dreg:$0x3]  }
0x5: {  	s5 =	simm.s32 $0x0;
	s4 =	srdreg.scid;
	s10 =	stileid.u32  }
0x6: {  	s30 =	simm.s32 $0x1;
	s31 =	simm.s32 $0x40;
	s28 =	simm.s32 $0x80  }
0x7: {  	s29 =	simm.s32 $0x3;
	[smem:$0x7FF] =	sst s5;
	s8 =	smul.u32 $0x50000, s10  }
0x8: {  	s4 =	sand.u32 $0x1, s4;
	s6 =	sadd.s32 $0x1400, s0;
	s16 =	smul.u32 $0x14000, s10  }
0x9: {  	s0 =	sadd.s32 $0xB400, s0;
	_ =	strace $0x80000047;
	s7 =	ssub.s32 $0x2, s4  }
0xa: {  	s24 =	sshll.u32 s4, $0x4;
	s4 =	smul.u32 $0x140000, s4;
	s9 =	sshrl.u32 s7, $0x1  }
0xb: {  	s10 =	sor.u32 s10, s24;
	s25 =	sshrl.u32 s8, $0x2;
	s18 =	sadd.s32 $0x4000, s16  }
0xc: {  	s19 =	sadd.s32 $0x8000, s16;
	s20 =	sadd.s32 $0xC000, s16;
	s21 =	sadd.s32 $0x10000, s16  }
0xd: {  	s17 =	ssub.s32 s7, s9;
	s7 =	sadd.s32 s25, s3;
	s9 =	smul.u32 $0x5000, s10  }
0xe: {  	s8 =	sadd.s32 s18, s3;
	s10 =	smul.u32 $0x2800, s10;
	s11 =	sadd.s32 s19, s3  }
0xf: {  	s12 =	sadd.s32 s20, s3;
	s13 =	sadd.s32 s21, s3;
	s16 =	sadd.s32 s16, s4  }
0x10: {  	s18 =	sadd.s32 s4, s18;
	s24 =	sadd.s32 s4, s19;
	s25 =	sadd.s32 s4, s20  }
0x11: {  	s4 =	sadd.s32 s4, s21;
	s16 =	sshrl.u32 s16, $0x3;
	s18 =	sshrl.u32 s18, $0x3  }
0x12: {  	s4 =	sshrl.u32 s4, $0x3;
	s14 =	sshrl.u32 s9, $0x3;
	s16 =	sadd.s32 s0, s16  }
0x13: {  	s15 =	sshrl.u32 s10, $0x3;
	s23 =	sadd.s32 s0, s18;
	[dreg:$0x7] =	wrdreg s16  }
0x14: {  	s14 =	sadd.s32 s2, s14;
	s15 =	sadd.s32 s6, s15;
	[dreg:$0x8] =	wrdreg s23  }
0x15: {  	s16 =	sshrl.u32 s24, $0x3;
	s23 =	smax.u32 s17, $0x1;
	s22 =	sadd.s32 $0x100, s14  }
.Ltmp0:
0x16: {  	s26 =	sadd.s32 $0x80, s15;
	[dreg:$0x5] =	wrdreg s22;
	(pc) =	sbr.rel .LBB2_1-.Ltmp0, $4  }
0x17: {  	s16 =	sadd.s32 s0, s16;
	[dreg:$0x6] =	wrdreg s26;
	s26 =	sshrl.u32 s25, $0x3  }
0x18: {  	s24 =	simm.s32 $0x1800;
	[dreg:$0x9] =	wrdreg s16;
	s16 =	sadd.s32 s0, s26  }
0x19: {  	s25 =	simm.s32 $0x4;
	s0 =	sadd.s32 s0, s4;
	[dreg:$0xa] =	wrdreg s16  }
0x1a: {  	v0 =	vimm.f32 $0.0e+00;
	s26 =	simm.s32 $0x2;
	[dreg:$0xb] =	wrdreg s0;
	s0 =	simm.s32 $0x0  }
.LBB2_15:
0x1b: {  	_ =	swait.ge [sflag:s29], $0x4000  }
0x1c: {  	[sflag:s29] =	ssyncset.done $0x0  }
0x1d: {  	s4 =	stileid.u32;
	[sflag:s29] =	ssyncadd.s32 $0xFFFFC000  }
0x1e: {  	s4 =	sshll.u32 s4, $0x6;
	[bflag:$0x0] =	sbarrier.arrive $0xFFFF  }
0x1f: {  	s16 =	sshrl.u32 s7, $0x3;
	s4 =	sor.u32 $0x1C04, s4;
	s17 =	rddreg [dreg:$0x7]  }
0x20: {  	[hbm:s17], [sflag:s4] =	dma.local [spmem:s16], $0x800  }
0x21: {  	_ =	swait.ge [sflag:s25], $0x800  }
0x22: {  	[sflag:s25] =	ssyncset.done $0x0  }
0x23: {  	s21 =	sshrl.u32 s8, $0x3;
	s22 =	rddreg [dreg:$0x8];
	[sflag:s25] =	ssyncadd.s32 $0xFFFFF800  }
0x24: {  	[hbm:s22], [sflag:s4] =	dma.local [spmem:s21], $0x800  }
0x25: {  	_ =	swait.ge [sflag:s25], $0x800  }
0x26: {  	[sflag:s25] =	ssyncset.done $0x0  }
0x27: {  	s17 =	sshrl.u32 s11, $0x3;
	s18 =	rddreg [dreg:$0x9];
	[sflag:s25] =	ssyncadd.s32 $0xFFFFF800  }
0x28: {  	[hbm:s18], [sflag:s4] =	dma.local [spmem:s17], $0x800  }
0x29: {  	_ =	swait.ge [sflag:s25], $0x800  }
0x2a: {  	[sflag:s25] =	ssyncset.done $0x0  }
0x2b: {  	s19 =	sshrl.u32 s12, $0x3;
	s20 =	rddreg [dreg:$0xa];
	[sflag:s25] =	ssyncadd.s32 $0xFFFFF800  }
0x2c: {  	[hbm:s20], [sflag:s4] =	dma.local [spmem:s19], $0x800  }
0x2d: {  	s0 =	sadd.s32 $0x1, s0;
	_ =	swait.ge [sflag:s25], $0x800  }
0x2e: {  	p0 =	sne.s32 s0, s23;
	s21 =	sshrl.u32 s13, $0x3;
	[sflag:s25] =	ssyncset.done $0x0  }
.Ltmp1:
0x2f: {  	s22 =	rddreg [dreg:$0xb];
	[sflag:s25] =	ssyncadd.s32 $0xFFFFF800;
	(pc) =	sbr.rel @!p0 .LBB2_16-.Ltmp1, $4  }
0x30: {  	[hbm:s22], [sflag:s4] =	dma.local [spmem:s21], $0x800  }
0x31: {  	_ =	swait.ge [sflag:s25], $0x800  }
0x32: {  	[sflag:s25] =	ssyncset.done $0x0  }
0x33: {  	[sflag:s25] =	ssyncadd.s32 $0xFFFFF800  }
.LBB2_1:
0x34: {  	s4 =	simm.s32 $0x0;
	s16 =	simm.s32 $0x200  }
.LBB2_2:
0x35: {  	p0 =	sne.s32 s16, $0xFE00;
	[tilespmem:s4+$0x1870] =	vst v0  }
0x36: {  	[tilespmem:s4+$0x1800] =	vst v0  }
0x37: {  	[tilespmem:s4+$0x1810] =	vst v0  }
.Ltmp2:
0x38: {  	[tilespmem:s4+$0x1820] =	vst v0;
	(pc) =	sbr.rel @p0 .LBB2_2-.Ltmp2, $4  }
0x39: {  	[tilespmem:s4+$0x1830] =	vst v0  }
0x3a: {  	[tilespmem:s4+$0x1840] =	vst v0  }
0x3b: {  	[tilespmem:s4+$0x1850] =	vst v0  }
0x3c: {  	[tilespmem:s4+$0x1860] =	vst v0;
	s4 =	sshra.s32 s16, $0x2;
	s16 =	sadd.s32 $0x200, s16  }
0x3d: {  	[tilespmem:s4+$0x1870] =	vst v0  }
0x3e: {  	[tilespmem:s4+$0x1800] =	vst v0  }
0x3f: {  	[tilespmem:s4+$0x1810] =	vst v0  }
0x40: {  	[tilespmem:s4+$0x1820] =	vst v0  }
0x41: {  	[tilespmem:s4+$0x1830] =	vst v0  }
0x42: {  	[tilespmem:s4+$0x1840] =	vst v0  }
0x43: {  	[tilespmem:s4+$0x1850] =	vst v0  }
0x44: {  	[tilespmem:s4+$0x1860] =	vst v0  }
0x45: {  	[spmem:s7] =	stream.linear.scatter [tilespmem:s24], [sflag:$0x4], $0x4000, $0x38;
	[tilespmem:$0x1D800] =	vst v63  }
0x46: {  	_ =	swait.ge [sflag:s25], $0x4000  }
0x47: {  	[sflag:s25] =	ssyncset.done $0x0  }
0x48: {  	[sflag:s25] =	ssyncadd.s32 $0xFFFFC000  }
0x49: {  	[spmem:s8] =	stream.linear.scatter [tilespmem:s24], [sflag:$0x4], $0x4000, $0x38;
	[tilespmem:$0x1D800] =	vst v63  }
0x4a: {  	_ =	swait.ge [sflag:s25], $0x4000  }
0x4b: {  	[sflag:s25] =	ssyncset.done $0x0  }
0x4c: {  	[sflag:s25] =	ssyncadd.s32 $0xFFFFC000  }
0x4d: {  	[spmem:s11] =	stream.linear.scatter [tilespmem:s24], [sflag:$0x4], $0x4000, $0x38;
	[tilespmem:$0x1D800] =	vst v63  }
0x4e: {  	_ =	swait.ge [sflag:s25], $0x4000  }
0x4f: {  	[sflag:s25] =	ssyncset.done $0x0  }
0x50: {  	[sflag:s25] =	ssyncadd.s32 $0xFFFFC000  }
0x51: {  	[spmem:s12] =	stream.linear.scatter [tilespmem:s24], [sflag:$0x4], $0x4000, $0x38;
	[tilespmem:$0x1D800] =	vst v63  }
0x52: {  	_ =	swait.ge [sflag:s25], $0x4000  }
0x53: {  	[sflag:s25] =	ssyncset.done $0x0  }
0x54: {  	[sflag:s25] =	ssyncadd.s32 $0xFFFFC000  }
0x55: {  	[spmem:s13] =	stream.linear.scatter [tilespmem:s24], [sflag:$0x4], $0x4000, $0x38;
	[tilespmem:$0x1D800] =	vst v63  }
0x56: {  	_ =	swait.ge [sflag:s25], $0x4000  }
0x57: {  	[sflag:s25] =	ssyncset.done $0x0  }
0x58: {  	[sflag:s25] =	ssyncadd.s32 $0xFFFFC000  }
0x59: {  	s4 =	simm.s32 $0x0;
	[bflag:$0x0] =	sbarrier.arrive $0xFFFF  }
0x5a: {  	[tilespmem:s4], [sflag:$0x1] =	stream.linear.gather [hbm4b:s14+s4], $0x800, $0x38;
	[tilespmem:$0x1D800] =	vst v63  }
0x5b: {  	s16 =	simm.s32 $0x1000  }
0x5c: {  	[tilespmem:s16], [sflag:$0x1] =	stream.linear.gather [hbm4b:s15+s4], $0x400, $0x38;
	[tilespmem:$0x1D800] =	vst v63  }
0x5d: {  	s17 =	simm.s32 $0x800;
	s19 =	rddreg [dreg:$0x5]  }
0x5e: {  	[tilespmem:s17], [sflag:$0x1] =	stream.linear.gather [hbm4b:s19+s4], $0x800, $0x38;
	[tilespmem:$0x1D800] =	vst v63  }
0x5f: {  	s21 =	simm.s32 $0x1400;
	s20 =	rddreg [dreg:$0x6]  }
0x60: {  	[tilespmem:s21], [sflag:$0x1] =	stream.linear.gather [hbm4b:s20+s4], $0x400, $0x38;
	[tilespmem:$0x1D800] =	vst v63  }
0x61: {  	_ =	swait.ge [sflag:s30], $0x800  }
0x62: {  	[sflag:s30] =	ssyncset.done $0x0  }
0x63: {  	[sflag:s30] =	ssyncadd.s32 $0xFFFFF800  }
0x64: {  	_ =	swait.ge [sflag:s30], $0x400  }
0x65: {  	[sflag:s30] =	ssyncset.done $0x0  }
0x66: {  	[sflag:s30] =	ssyncadd.s32 $0xFFFFFC00  }
0x67: {  	[tilespmem:s24], [sflag:$0x2] =	stream.indirect.gather [hbm4b:s1+s31], $0x80, s4, s31, $0xb8;
	[tilespmem:$0x1D800] =	vst v63  }
0x68: {  	s22 =	simm.s32 $0x3800  }
0x69: {  	[tilespmem:s22], [sflag:$0x2] =	stream.indirect.gather [hbm4b:s1+s31], $0x80, s31, s31, $0xb8;
	[tilespmem:$0x1D800] =	vst v63  }
.LBB2_4:
0x6a: {  	_ =	swait.ge [sflag:s26], $0x2000;
	p0 =	seq.s32 s4, $0x0  }
.Ltmp3:
0x6b: {  	[sflag:s26] =	ssyncset.done $0x0;
	(pc) =	sbr.rel @p0 .LBB2_5-.Ltmp3, $4  }
0x6c: {  	[sflag:s26] =	ssyncadd.s32 $0xFFFFE000  }
0x6d: {  	_ =	swait.ge [sflag:s26], $0x2000  }
0x6e: {  	s16 =	sand.u32 $0x1, s4;
	[sflag:s26] =	ssyncset.done $0x0  }
0x6f: {  	s18 =	sshrl.u32 s4, $0x3;
	s17 =	sand.u32 $0x7, s4;
	[sflag:s26] =	ssyncadd.s32 $0xFFFFE000  }
0x70: {  	p0 =	sgt.u32 s4, $0x47  }
0x71: {  	p1 =	sne.s32 @!p0 s17, $0x0  }
0x72: {  	p0 =	por p0, p1  }
.Ltmp4:
0x73: {  	_ = 	snop;
	(pc) =	sbr.rel @p0 .LBB2_10-.Ltmp4, $4  }
0x74: {  	_ = 	snop  }
0x75: {  	_ =	swait.ge [sflag:s29], $0x4000  }
0x76: {  	[sflag:s29] =	ssyncset.done $0x0  }
0x77: {  	[sflag:s29] =	ssyncadd.s32 $0xFFFFC000  }
0x78: {  	s19 =	sadd.s32 $0x1, s18  }
0x79: {  	s20 =	sshll.u32 s19, $0xB  }
0x7a: {  	s20 =	sadd.s32 s9, s20  }
0x7b: {  	s21 =	sand.u32 $0x1, s19;
	s19 =	sshll.u32 s19, $0xA;
	s20 =	sshrl.u32 s20, $0x3  }
0x7c: {  	s22 =	sshll.u32 s21, $0xB;
	s19 =	sadd.s32 s10, s19;
	s20 =	sadd.s32 s2, s20  }
0x7d: {  	[tilespmem:s22], [sflag:$0x1] =	stream.linear.gather [hbm4b:s20+s5], $0x800, $0x38;
	[tilespmem:$0x1D800] =	vst v63  }
0x7e: {  	s19 =	sshrl.u32 s19, $0x3;
	s22 =	sshll.u32 s21, $0xA  }
0x7f: {  	s19 =	sadd.s32 s6, s19;
	s20 =	sor.u32 $0x1000, s22  }
0x80: {  	[tilespmem:s20], [sflag:$0x1] =	stream.linear.gather [hbm4b:s19+s5], $0x400, $0x38;
	[tilespmem:$0x1D800] =	vst v63  }
.LBB2_8:
0x81: {  	s4 =	sadd.s32 $0x1, s4  }
0x82: {  	s19 =	sand.u32 $0x7, s4  }
0x83: {  	p0 =	sne.s32 s19, $0x0  }
0x84: {  	s19 =	simm.s32 @!p0 $0x1  }
0x85: {  	_ =	swait.ge @!p0 [sflag:s19], $0x800  }
.Ltmp5:
0x86: {  	[sflag:s19] =	ssyncset.done @!p0 $0x0;
	(pc) =	sbr.rel .LBB2_9-.Ltmp5, $4  }
0x87: {  	[sflag:s19] =	ssyncadd.s32 @!p0 $0xFFFFF800  }
0x88: {  	_ =	swait.ge @!p0 [sflag:s19], $0x400  }
0x89: {  	[sflag:s19] =	ssyncset.done @!p0 $0x0  }
0x8a: {  	[sflag:s19] =	ssyncadd.s32 @!p0 $0xFFFFFC00  }
.LBB2_5:
0x8b: {  	s4 =	simm.s32 $0x1  }
.LBB2_9:
0x8c: {  	s19 =	sshll.u32 s16, $0xE  }
0x8d: {  	s21 =	sshll.u32 s4, $0x8;
	s20 =	sxor.u32 $0x4000, s19  }
0x8e: {  	s21 =	sand.u32 $0xF00, s21;
	s20 =	sor.u32 $0x1800, s20  }
0x8f: {  	[tilespmem:s20], [sflag:$0x2] =	stream.indirect.gather [hbm4b:s1+s31], $0x80, s21, s31, $0xb8;
	[tilespmem:$0x1D800] =	vst v63  }
0x90: {  	s22 =	sxor.u32 $0x7800, s19;
	s21 =	sor.u32 $0x40, s21  }
0x91: {  	[tilespmem:s22], [sflag:$0x2] =	stream.indirect.gather [hbm4b:s1+s31], $0x80, s21, s31, $0xb8;
	[tilespmem:$0x1D800] =	vst v63  }
.LBB2_12:
0x92: {  	s20 =	sshll.u32 s18, $0xA  }
0x93: {  	s21 =	sshll.u32 s17, $0x7;
	s20 =	sand.u32 $0x400, s20  }
0x94: {  	s20 =	sor.u32 s21, s20  }
0x95: {  	s20 =	sor.u32 $0x1000, s20  }
0x96: {  	v1 =	vmov s20  }
0x97: {  	s22 =	sadd.s32 $0x1800, s19  }
0x98: {  	s19 =	simm.s32 $0x0;
	v2 =	vmov s22  }
.LBB2_13:
0x99: {  	s21 =	sshll.u32 s19, $0x4  }
0x9a: {  	s20 =	sand.u32 $0x3FFFFFF0, s21  }
0x9b: {  	s22 =	sshll.u32 s19, $0xB;
	v3 =	vld.idx.msk [tilespmem:v1+s20+$0x0 ss:$0x1], $0xffff  }
0x9c: {  	s20 =	sand.u32 $0x3FFFF800, s22  }
0x9d: {  	v4 =	vld.idx.msk [tilespmem:v2+s20+$0x0 ss:$0x1], $0xffff;
	_ =	sdelay $0x2  }
0x9e: {  	v5 =	vbroadcast v3, $0x0;
	_ =	sdelay $0x1  }
0x9f: {  	v4 =	vmul.f32 v5, v4;
	_ =	sdelay $0x1  }
0xa0: {  	[tilespmem:v2+s20+$0x0 ss:$0x1] =	vst.idx.msk $0xffff, v4  }
0xa1: {  	v4 =	vld.idx.msk [tilespmem:v2+s20+$0x10 ss:$0x1], $0xffff;
	_ =	sdelay $0x4  }
0xa2: {  	v4 =	vmul.f32 v4, v5;
	_ =	sdelay $0x1  }
0xa3: {  	[tilespmem:v2+s20+$0x10 ss:$0x1] =	vst.idx.msk $0xffff, v4  }
0xa4: {  	v4 =	vld.idx.msk [tilespmem:v2+s20+$0x20 ss:$0x1], $0xffff;
	_ =	sdelay $0x4  }
0xa5: {  	v4 =	vmul.f32 v4, v5;
	_ =	sdelay $0x1  }
0xa6: {  	[tilespmem:v2+s20+$0x20 ss:$0x1] =	vst.idx.msk $0xffff, v4  }
0xa7: {  	v4 =	vld.idx.msk [tilespmem:v2+s20+$0x30 ss:$0x1], $0xffff;
	_ =	sdelay $0x4  }
0xa8: {  	v4 =	vmul.f32 v4, v5;
	_ =	sdelay $0x1  }
0xa9: {  	[tilespmem:v2+s20+$0x30 ss:$0x1] =	vst.idx.msk $0xffff, v4  }
0xaa: {  	v4 =	vld.idx.msk [tilespmem:v2+s20+$0x40 ss:$0x1], $0xffff;
	_ =	sdelay $0x4  }
0xab: {  	v4 =	vmul.f32 v4, v5;
	_ =	sdelay $0x1  }
0xac: {  	[tilespmem:v2+s20+$0x40 ss:$0x1] =	vst.idx.msk $0xffff, v4  }
0xad: {  	v4 =	vld.idx.msk [tilespmem:v2+s20+$0x50 ss:$0x1], $0xffff;
	_ =	sdelay $0x4  }
0xae: {  	v4 =	vmul.f32 v4, v5;
	_ =	sdelay $0x1  }
0xaf: {  	[tilespmem:v2+s20+$0x50 ss:$0x1] =	vst.idx.msk $0xffff, v4  }
0xb0: {  	v4 =	vld.idx.msk [tilespmem:v2+s20+$0x60 ss:$0x1], $0xffff;
	_ =	sdelay $0x4  }
0xb1: {  	v4 =	vmul.f32 v4, v5;
	_ =	sdelay $0x1  }
0xb2: {  	s21 =	sor.u32 $0x10, s21;
	[tilespmem:v2+s20+$0x60 ss:$0x1] =	vst.idx.msk $0xffff, v4  }
0xb3: {  	v4 =	vld.idx.msk [tilespmem:v1+s21+$0x0 ss:$0x1], $0xffff;
	s21 =	sshll.u32 s21, $0x7  }
0xb4: {  	s21 =	sand.u32 $0x3FFFF800, s21  }
0xb5: {  	v6 =	vld.idx.msk [tilespmem:v2+s21+$0x0 ss:$0x1], $0xffff;
	_ =	sdelay $0x2  }
0xb6: {  	v7 =	vbroadcast v4, $0x0;
	_ =	sdelay $0x1  }
0xb7: {  	v6 =	vmul.f32 v7, v6;
	_ =	sdelay $0x1  }
0xb8: {  	[tilespmem:v2+s21+$0x0 ss:$0x1] =	vst.idx.msk $0xffff, v6  }
0xb9: {  	v6 =	vld.idx.msk [tilespmem:v2+s21+$0x10 ss:$0x1], $0xffff;
	_ =	sdelay $0x4  }
0xba: {  	v6 =	vmul.f32 v6, v7;
	_ =	sdelay $0x1  }
0xbb: {  	[tilespmem:v2+s21+$0x10 ss:$0x1] =	vst.idx.msk $0xffff, v6  }
0xbc: {  	v6 =	vld.idx.msk [tilespmem:v2+s21+$0x20 ss:$0x1], $0xffff;
	_ =	sdelay $0x4  }
0xbd: {  	v6 =	vmul.f32 v6, v7;
	_ =	sdelay $0x1  }
0xbe: {  	[tilespmem:v2+s21+$0x20 ss:$0x1] =	vst.idx.msk $0xffff, v6  }
0xbf: {  	v6 =	vld.idx.msk [tilespmem:v2+s21+$0x30 ss:$0x1], $0xffff;
	_ =	sdelay $0x4  }
0xc0: {  	v6 =	vmul.f32 v6, v7;
	_ =	sdelay $0x1  }
0xc1: {  	[tilespmem:v2+s21+$0x30 ss:$0x1] =	vst.idx.msk $0xffff, v6  }
0xc2: {  	v6 =	vld.idx.msk [tilespmem:v2+s21+$0x40 ss:$0x1], $0xffff;
	_ =	sdelay $0x4  }
0xc3: {  	v6 =	vmul.f32 v6, v7;
	_ =	sdelay $0x1  }
0xc4: {  	[tilespmem:v2+s21+$0x40 ss:$0x1] =	vst.idx.msk $0xffff, v6  }
0xc5: {  	v6 =	vld.idx.msk [tilespmem:v2+s21+$0x50 ss:$0x1], $0xffff;
	_ =	sdelay $0x4  }
0xc6: {  	v6 =	vmul.f32 v6, v7;
	_ =	sdelay $0x1  }
0xc7: {  	[tilespmem:v2+s21+$0x50 ss:$0x1] =	vst.idx.msk $0xffff, v6  }
0xc8: {  	v6 =	vld.idx.msk [tilespmem:v2+s21+$0x60 ss:$0x1], $0xffff;
	_ =	sdelay $0x4  }
0xc9: {  	v6 =	vmul.f32 v6, v7;
	_ =	sdelay $0x1  }
0xca: {  	v8 =	vld.idx.msk [tilespmem:v2+s20+$0x70 ss:$0x1], $0xffff;
	[tilespmem:v2+s21+$0x60 ss:$0x1] =	vst.idx.msk $0xffff, v6  }
0xcb: {  	v6 =	vld.idx.msk [tilespmem:v2+s21+$0x70 ss:$0x1], $0xffff;
	_ =	sdelay $0x3  }
0xcc: {  	v5 =	vmul.f32 v8, v5  }
0xcd: {  	v6 =	vmul.f32 v6, v7  }
0xce: {  	[tilespmem:v2+s20+$0x70 ss:$0x1] =	vst.idx.msk $0xffff, v5  }
0xcf: {  	v5 =	vld.idx.msk [tilespmem:v2+s20+$0x80 ss:$0x1], $0xffff;
	[tilespmem:v2+s21+$0x70 ss:$0x1] =	vst.idx.msk $0xffff, v6  }
0xd0: {  	v6 =	vld.idx.msk [tilespmem:v2+s20+$0x880 ss:$0x1], $0xffff;
	_ =	sdelay $0x1  }
0xd1: {  	v36 =	vbroadcast v3, $0x1  }
0xd2: {  	v37 =	vbroadcast v4, $0x1  }
0xd3: {  	v5 =	vmul.f32 v5, v36  }
0xd4: {  	v6 =	vmul.f32 v6, v37  }
0xd5: {  	[tilespmem:v2+s20+$0x80 ss:$0x1] =	vst.idx.msk $0xffff, v5  }
0xd6: {  	v5 =	vld.idx.msk [tilespmem:v2+s20+$0x90 ss:$0x1], $0xffff;
	[tilespmem:v2+s20+$0x880 ss:$0x1] =	vst.idx.msk $0xffff, v6  }
0xd7: {  	v6 =	vld.idx.msk [tilespmem:v2+s20+$0x890 ss:$0x1], $0xffff;
	_ =	sdelay $0x3  }
0xd8: {  	v5 =	vmul.f32 v5, v36  }
0xd9: {  	v6 =	vmul.f32 v6, v37  }
0xda: {  	[tilespmem:v2+s20+$0x90 ss:$0x1] =	vst.idx.msk $0xffff, v5  }
0xdb: {  	v5 =	vld.idx.msk [tilespmem:v2+s20+$0xA0 ss:$0x1], $0xffff;
	[tilespmem:v2+s20+$0x890 ss:$0x1] =	vst.idx.msk $0xffff, v6  }
0xdc: {  	v6 =	vld.idx.msk [tilespmem:v2+s20+$0x8A0 ss:$0x1], $0xffff;
	_ =	sdelay $0x3  }
0xdd: {  	v5 =	vmul.f32 v5, v36  }
0xde: {  	v6 =	vmul.f32 v6, v37  }
0xdf: {  	[tilespmem:v2+s20+$0xA0 ss:$0x1] =	vst.idx.msk $0xffff, v5  }
0xe0: {  	v5 =	vld.idx.msk [tilespmem:v2+s20+$0xB0 ss:$0x1], $0xffff;
	[tilespmem:v2+s20+$0x8A0 ss:$0x1] =	vst.idx.msk $0xffff, v6  }
0xe1: {  	v6 =	vld.idx.msk [tilespmem:v2+s20+$0x8B0 ss:$0x1], $0xffff;
	_ =	sdelay $0x3  }
0xe2: {  	v5 =	vmul.f32 v5, v36  }
0xe3: {  	v6 =	vmul.f32 v6, v37  }
0xe4: {  	[tilespmem:v2+s20+$0xB0 ss:$0x1] =	vst.idx.msk $0xffff, v5  }
0xe5: {  	v5 =	vld.idx.msk [tilespmem:v2+s20+$0xC0 ss:$0x1], $0xffff;
	[tilespmem:v2+s20+$0x8B0 ss:$0x1] =	vst.idx.msk $0xffff, v6  }
0xe6: {  	v6 =	vld.idx.msk [tilespmem:v2+s20+$0x8C0 ss:$0x1], $0xffff;
	_ =	sdelay $0x3  }
0xe7: {  	v5 =	vmul.f32 v5, v36  }
0xe8: {  	v6 =	vmul.f32 v6, v37  }
0xe9: {  	[tilespmem:v2+s20+$0xC0 ss:$0x1] =	vst.idx.msk $0xffff, v5  }
0xea: {  	v5 =	vld.idx.msk [tilespmem:v2+s20+$0xD0 ss:$0x1], $0xffff;
	[tilespmem:v2+s20+$0x8C0 ss:$0x1] =	vst.idx.msk $0xffff, v6  }
0xeb: {  	v6 =	vld.idx.msk [tilespmem:v2+s20+$0x8D0 ss:$0x1], $0xffff;
	_ =	sdelay $0x3  }
0xec: {  	v5 =	vmul.f32 v5, v36  }
0xed: {  	v6 =	vmul.f32 v6, v37  }
0xee: {  	[tilespmem:v2+s20+$0xD0 ss:$0x1] =	vst.idx.msk $0xffff, v5  }
0xef: {  	v5 =	vld.idx.msk [tilespmem:v2+s20+$0xE0 ss:$0x1], $0xffff;
	[tilespmem:v2+s20+$0x8D0 ss:$0x1] =	vst.idx.msk $0xffff, v6  }
0xf0: {  	v6 =	vld.idx.msk [tilespmem:v2+s20+$0x8E0 ss:$0x1], $0xffff;
	_ =	sdelay $0x3  }
0xf1: {  	v5 =	vmul.f32 v5, v36  }
0xf2: {  	v6 =	vmul.f32 v6, v37  }
0xf3: {  	[tilespmem:v2+s20+$0xE0 ss:$0x1] =	vst.idx.msk $0xffff, v5  }
0xf4: {  	v5 =	vld.idx.msk [tilespmem:v2+s20+$0xF0 ss:$0x1], $0xffff;
	[tilespmem:v2+s20+$0x8E0 ss:$0x1] =	vst.idx.msk $0xffff, v6  }
0xf5: {  	v6 =	vld.idx.msk [tilespmem:v2+s20+$0x8F0 ss:$0x1], $0xffff;
	_ =	sdelay $0x3  }
0xf6: {  	v5 =	vmul.f32 v5, v36  }
0xf7: {  	v6 =	vmul.f32 v6, v37  }
0xf8: {  	[tilespmem:v2+s20+$0xF0 ss:$0x1] =	vst.idx.msk $0xffff, v5  }
0xf9: {  	v5 =	vld.idx.msk [tilespmem:v2+s20+$0x100 ss:$0x1], $0xffff;
	[tilespmem:v2+s20+$0x8F0 ss:$0x1] =	vst.idx.msk $0xffff, v6  }
0xfa: {  	v6 =	vld.idx.msk [tilespmem:v2+s20+$0x900 ss:$0x1], $0xffff;
	_ =	sdelay $0x1  }
0xfb: {  	v38 =	vbroadcast v3, $0x2  }
0xfc: {  	v39 =	vbroadcast v4, $0x2  }
0xfd: {  	v5 =	vmul.f32 v5, v38  }
0xfe: {  	v6 =	vmul.f32 v6, v39  }
0xff: {  	[tilespmem:v2+s20+$0x100 ss:$0x1] =	vst.idx.msk $0xffff, v5  }
0x100: {  	v5 =	vld.idx.msk [tilespmem:v2+s20+$0x110 ss:$0x1], $0xffff;
	[tilespmem:v2+s20+$0x900 ss:$0x1] =	vst.idx.msk $0xffff, v6  }
0x101: {  	v6 =	vld.idx.msk [tilespmem:v2+s20+$0x910 ss:$0x1], $0xffff;
	_ =	sdelay $0x3  }
0x102: {  	v5 =	vmul.f32 v5, v38  }
0x103: {  	v6 =	vmul.f32 v6, v39  }
0x104: {  	[tilespmem:v2+s20+$0x110 ss:$0x1] =	vst.idx.msk $0xffff, v5  }
0x105: {  	v5 =	vld.idx.msk [tilespmem:v2+s20+$0x120 ss:$0x1], $0xffff;
	[tilespmem:v2+s20+$0x910 ss:$0x1] =	vst.idx.msk $0xffff, v6  }
0x106: {  	v6 =	vld.idx.msk [tilespmem:v2+s20+$0x920 ss:$0x1], $0xffff;
	_ =	sdelay $0x3  }
0x107: {  	v5 =	vmul.f32 v5, v38  }
0x108: {  	v6 =	vmul.f32 v6, v39  }
0x109: {  	[tilespmem:v2+s20+$0x120 ss:$0x1] =	vst.idx.msk $0xffff, v5  }
0x10a: {  	v5 =	vld.idx.msk [tilespmem:v2+s20+$0x130 ss:$0x1], $0xffff;
	[tilespmem:v2+s20+$0x920 ss:$0x1] =	vst.idx.msk $0xffff, v6  }
0x10b: {  	v6 =	vld.idx.msk [tilespmem:v2+s20+$0x930 ss:$0x1], $0xffff;
	_ =	sdelay $0x3  }
0x10c: {  	v5 =	vmul.f32 v5, v38  }
0x10d: {  	v6 =	vmul.f32 v6, v39  }
0x10e: {  	[tilespmem:v2+s20+$0x130 ss:$0x1] =	vst.idx.msk $0xffff, v5  }
0x10f: {  	v5 =	vld.idx.msk [tilespmem:v2+s20+$0x140 ss:$0x1], $0xffff;
	[tilespmem:v2+s20+$0x930 ss:$0x1] =	vst.idx.msk $0xffff, v6  }
0x110: {  	v6 =	vld.idx.msk [tilespmem:v2+s20+$0x940 ss:$0x1], $0xffff;
	_ =	sdelay $0x3  }
0x111: {  	v5 =	vmul.f32 v5, v38  }
0x112: {  	v6 =	vmul.f32 v6, v39  }
0x113: {  	[tilespmem:v2+s20+$0x140 ss:$0x1] =	vst.idx.msk $0xffff, v5  }
0x114: {  	v5 =	vld.idx.msk [tilespmem:v2+s20+$0x150 ss:$0x1], $0xffff;
	[tilespmem:v2+s20+$0x940 ss:$0x1] =	vst.idx.msk $0xffff, v6  }
0x115: {  	v6 =	vld.idx.msk [tilespmem:v2+s20+$0x950 ss:$0x1], $0xffff;
	_ =	sdelay $0x3  }
0x116: {  	v5 =	vmul.f32 v5, v38  }
0x117: {  	v6 =	vmul.f32 v6, v39  }
0x118: {  	[tilespmem:v2+s20+$0x150 ss:$0x1] =	vst.idx.msk $0xffff, v5  }
0x119: {  	v5 =	vld.idx.msk [tilespmem:v2+s20+$0x160 ss:$0x1], $0xffff;
	[tilespmem:v2+s20+$0x950 ss:$0x1] =	vst.idx.msk $0xffff, v6  }
0x11a: {  	v6 =	vld.idx.msk [tilespmem:v2+s20+$0x960 ss:$0x1], $0xffff;
	_ =	sdelay $0x3  }
0x11b: {  	v5 =	vmul.f32 v5, v38  }
0x11c: {  	v6 =	vmul.f32 v6, v39  }
0x11d: {  	[tilespmem:v2+s20+$0x160 ss:$0x1] =	vst.idx.msk $0xffff, v5  }
0x11e: {  	v5 =	vld.idx.msk [tilespmem:v2+s20+$0x170 ss:$0x1], $0xffff;
	[tilespmem:v2+s20+$0x960 ss:$0x1] =	vst.idx.msk $0xffff, v6  }
0x11f: {  	v6 =	vld.idx.msk [tilespmem:v2+s20+$0x970 ss:$0x1], $0xffff;
	_ =	sdelay $0x3  }
0x120: {  	v5 =	vmul.f32 v5, v38  }
0x121: {  	v6 =	vmul.f32 v6, v39  }
0x122: {  	[tilespmem:v2+s20+$0x170 ss:$0x1] =	vst.idx.msk $0xffff, v5  }
0x123: {  	v5 =	vld.idx.msk [tilespmem:v2+s20+$0x180 ss:$0x1], $0xffff;
	[tilespmem:v2+s20+$0x970 ss:$0x1] =	vst.idx.msk $0xffff, v6  }
0x124: {  	v6 =	vld.idx.msk [tilespmem:v2+s20+$0x980 ss:$0x1], $0xffff;
	_ =	sdelay $0x1  }
0x125: {  	v40 =	vbroadcast v3, $0x3  }
0x126: {  	v41 =	vbroadcast v4, $0x3  }
0x127: {  	v5 =	vmul.f32 v5, v40  }
0x128: {  	v6 =	vmul.f32 v6, v41  }
0x129: {  	[tilespmem:v2+s20+$0x180 ss:$0x1] =	vst.idx.msk $0xffff, v5  }
0x12a: {  	v5 =	vld.idx.msk [tilespmem:v2+s20+$0x190 ss:$0x1], $0xffff;
	[tilespmem:v2+s20+$0x980 ss:$0x1] =	vst.idx.msk $0xffff, v6  }
0x12b: {  	v6 =	vld.idx.msk [tilespmem:v2+s20+$0x990 ss:$0x1], $0xffff;
	_ =	sdelay $0x3  }
0x12c: {  	v5 =	vmul.f32 v5, v40  }
0x12d: {  	v6 =	vmul.f32 v6, v41  }
0x12e: {  	[tilespmem:v2+s20+$0x190 ss:$0x1] =	vst.idx.msk $0xffff, v5  }
0x12f: {  	v5 =	vld.idx.msk [tilespmem:v2+s20+$0x1A0 ss:$0x1], $0xffff;
	[tilespmem:v2+s20+$0x990 ss:$0x1] =	vst.idx.msk $0xffff, v6  }
0x130: {  	v6 =	vld.idx.msk [tilespmem:v2+s20+$0x9A0 ss:$0x1], $0xffff;
	_ =	sdelay $0x3  }
0x131: {  	v5 =	vmul.f32 v5, v40  }
0x132: {  	v6 =	vmul.f32 v6, v41  }
0x133: {  	[tilespmem:v2+s20+$0x1A0 ss:$0x1] =	vst.idx.msk $0xffff, v5  }
0x134: {  	v5 =	vld.idx.msk [tilespmem:v2+s20+$0x1B0 ss:$0x1], $0xffff;
	[tilespmem:v2+s20+$0x9A0 ss:$0x1] =	vst.idx.msk $0xffff, v6  }
0x135: {  	v6 =	vld.idx.msk [tilespmem:v2+s20+$0x9B0 ss:$0x1], $0xffff;
	_ =	sdelay $0x3  }
0x136: {  	v5 =	vmul.f32 v5, v40  }
0x137: {  	v6 =	vmul.f32 v6, v41  }
0x138: {  	[tilespmem:v2+s20+$0x1B0 ss:$0x1] =	vst.idx.msk $0xffff, v5  }
0x139: {  	v5 =	vld.idx.msk [tilespmem:v2+s20+$0x1C0 ss:$0x1], $0xffff;
	[tilespmem:v2+s20+$0x9B0 ss:$0x1] =	vst.idx.msk $0xffff, v6  }
0x13a: {  	v6 =	vld.idx.msk [tilespmem:v2+s20+$0x9C0 ss:$0x1], $0xffff;
	_ =	sdelay $0x3  }
0x13b: {  	v5 =	vmul.f32 v5, v40  }
0x13c: {  	v6 =	vmul.f32 v6, v41  }
0x13d: {  	[tilespmem:v2+s20+$0x1C0 ss:$0x1] =	vst.idx.msk $0xffff, v5  }
0x13e: {  	v5 =	vld.idx.msk [tilespmem:v2+s20+$0x1D0 ss:$0x1], $0xffff;
	[tilespmem:v2+s20+$0x9C0 ss:$0x1] =	vst.idx.msk $0xffff, v6  }
0x13f: {  	v6 =	vld.idx.msk [tilespmem:v2+s20+$0x9D0 ss:$0x1], $0xffff;
	_ =	sdelay $0x3  }
0x140: {  	v5 =	vmul.f32 v5, v40  }
0x141: {  	v6 =	vmul.f32 v6, v41  }
0x142: {  	[tilespmem:v2+s20+$0x1D0 ss:$0x1] =	vst.idx.msk $0xffff, v5  }
0x143: {  	v5 =	vld.idx.msk [tilespmem:v2+s20+$0x1E0 ss:$0x1], $0xffff;
	[tilespmem:v2+s20+$0x9D0 ss:$0x1] =	vst.idx.msk $0xffff, v6  }
0x144: {  	v6 =	vld.idx.msk [tilespmem:v2+s20+$0x9E0 ss:$0x1], $0xffff;
	_ =	sdelay $0x3  }
0x145: {  	v5 =	vmul.f32 v5, v40  }
0x146: {  	v6 =	vmul.f32 v6, v41  }
0x147: {  	[tilespmem:v2+s20+$0x1E0 ss:$0x1] =	vst.idx.msk $0xffff, v5  }
0x148: {  	v5 =	vld.idx.msk [tilespmem:v2+s20+$0x1F0 ss:$0x1], $0xffff;
	[tilespmem:v2+s20+$0x9E0 ss:$0x1] =	vst.idx.msk $0xffff, v6  }
0x149: {  	v6 =	vld.idx.msk [tilespmem:v2+s20+$0x9F0 ss:$0x1], $0xffff;
	_ =	sdelay $0x3  }
0x14a: {  	v5 =	vmul.f32 v5, v40  }
0x14b: {  	v6 =	vmul.f32 v6, v41  }
0x14c: {  	[tilespmem:v2+s20+$0x1F0 ss:$0x1] =	vst.idx.msk $0xffff, v5  }
0x14d: {  	v5 =	vld.idx.msk [tilespmem:v2+s20+$0x200 ss:$0x1], $0xffff;
	[tilespmem:v2+s20+$0x9F0 ss:$0x1] =	vst.idx.msk $0xffff, v6  }
0x14e: {  	v6 =	vld.idx.msk [tilespmem:v2+s20+$0xA00 ss:$0x1], $0xffff;
	_ =	sdelay $0x1  }
0x14f: {  	v42 =	vbroadcast v3, $0x4  }
0x150: {  	v43 =	vbroadcast v4, $0x4  }
0x151: {  	v5 =	vmul.f32 v5, v42  }
0x152: {  	v6 =	vmul.f32 v6, v43  }
0x153: {  	[tilespmem:v2+s20+$0x200 ss:$0x1] =	vst.idx.msk $0xffff, v5  }
0x154: {  	v5 =	vld.idx.msk [tilespmem:v2+s20+$0x210 ss:$0x1], $0xffff;
	[tilespmem:v2+s20+$0xA00 ss:$0x1] =	vst.idx.msk $0xffff, v6  }
0x155: {  	v6 =	vld.idx.msk [tilespmem:v2+s20+$0xA10 ss:$0x1], $0xffff;
	_ =	sdelay $0x3  }
0x156: {  	v5 =	vmul.f32 v5, v42  }
0x157: {  	v6 =	vmul.f32 v6, v43  }
0x158: {  	[tilespmem:v2+s20+$0x210 ss:$0x1] =	vst.idx.msk $0xffff, v5  }
0x159: {  	v5 =	vld.idx.msk [tilespmem:v2+s20+$0x220 ss:$0x1], $0xffff;
	[tilespmem:v2+s20+$0xA10 ss:$0x1] =	vst.idx.msk $0xffff, v6  }
0x15a: {  	v6 =	vld.idx.msk [tilespmem:v2+s20+$0xA20 ss:$0x1], $0xffff;
	_ =	sdelay $0x3  }
0x15b: {  	v5 =	vmul.f32 v5, v42  }
0x15c: {  	v6 =	vmul.f32 v6, v43  }
0x15d: {  	[tilespmem:v2+s20+$0x220 ss:$0x1] =	vst.idx.msk $0xffff, v5  }
0x15e: {  	v5 =	vld.idx.msk [tilespmem:v2+s20+$0x230 ss:$0x1], $0xffff;
	[tilespmem:v2+s20+$0xA20 ss:$0x1] =	vst.idx.msk $0xffff, v6  }
0x15f: {  	v6 =	vld.idx.msk [tilespmem:v2+s20+$0xA30 ss:$0x1], $0xffff;
	_ =	sdelay $0x3  }
0x160: {  	v5 =	vmul.f32 v5, v42  }
0x161: {  	v6 =	vmul.f32 v6, v43  }
0x162: {  	[tilespmem:v2+s20+$0x230 ss:$0x1] =	vst.idx.msk $0xffff, v5  }
0x163: {  	v5 =	vld.idx.msk [tilespmem:v2+s20+$0x240 ss:$0x1], $0xffff;
	[tilespmem:v2+s20+$0xA30 ss:$0x1] =	vst.idx.msk $0xffff, v6  }
0x164: {  	v6 =	vld.idx.msk [tilespmem:v2+s20+$0xA40 ss:$0x1], $0xffff;
	_ =	sdelay $0x3  }
0x165: {  	v5 =	vmul.f32 v5, v42  }
0x166: {  	v6 =	vmul.f32 v6, v43  }
0x167: {  	[tilespmem:v2+s20+$0x240 ss:$0x1] =	vst.idx.msk $0xffff, v5  }
0x168: {  	v5 =	vld.idx.msk [tilespmem:v2+s20+$0x250 ss:$0x1], $0xffff;
	[tilespmem:v2+s20+$0xA40 ss:$0x1] =	vst.idx.msk $0xffff, v6  }
0x169: {  	v6 =	vld.idx.msk [tilespmem:v2+s20+$0xA50 ss:$0x1], $0xffff;
	_ =	sdelay $0x3  }
0x16a: {  	v5 =	vmul.f32 v5, v42  }
0x16b: {  	v6 =	vmul.f32 v6, v43  }
0x16c: {  	[tilespmem:v2+s20+$0x250 ss:$0x1] =	vst.idx.msk $0xffff, v5  }
0x16d: {  	v5 =	vld.idx.msk [tilespmem:v2+s20+$0x260 ss:$0x1], $0xffff;
	[tilespmem:v2+s20+$0xA50 ss:$0x1] =	vst.idx.msk $0xffff, v6  }
0x16e: {  	v6 =	vld.idx.msk [tilespmem:v2+s20+$0xA60 ss:$0x1], $0xffff;
	_ =	sdelay $0x3  }
0x16f: {  	v5 =	vmul.f32 v5, v42  }
0x170: {  	v6 =	vmul.f32 v6, v43  }
0x171: {  	[tilespmem:v2+s20+$0x260 ss:$0x1] =	vst.idx.msk $0xffff, v5  }
0x172: {  	v5 =	vld.idx.msk [tilespmem:v2+s20+$0x270 ss:$0x1], $0xffff;
	[tilespmem:v2+s20+$0xA60 ss:$0x1] =	vst.idx.msk $0xffff, v6  }
0x173: {  	v6 =	vld.idx.msk [tilespmem:v2+s20+$0xA70 ss:$0x1], $0xffff;
	_ =	sdelay $0x3  }
0x174: {  	v5 =	vmul.f32 v5, v42  }
0x175: {  	v6 =	vmul.f32 v6, v43  }
0x176: {  	[tilespmem:v2+s20+$0x270 ss:$0x1] =	vst.idx.msk $0xffff, v5  }
0x177: {  	v5 =	vld.idx.msk [tilespmem:v2+s20+$0x280 ss:$0x1], $0xffff;
	[tilespmem:v2+s20+$0xA70 ss:$0x1] =	vst.idx.msk $0xffff, v6  }
0x178: {  	v6 =	vld.idx.msk [tilespmem:v2+s20+$0xA80 ss:$0x1], $0xffff;
	_ =	sdelay $0x1  }
0x179: {  	v44 =	vbroadcast v3, $0x5  }
0x17a: {  	v45 =	vbroadcast v4, $0x5  }
0x17b: {  	v5 =	vmul.f32 v5, v44  }
0x17c: {  	v6 =	vmul.f32 v6, v45  }
0x17d: {  	[tilespmem:v2+s20+$0x280 ss:$0x1] =	vst.idx.msk $0xffff, v5  }
0x17e: {  	v5 =	vld.idx.msk [tilespmem:v2+s20+$0x290 ss:$0x1], $0xffff;
	[tilespmem:v2+s20+$0xA80 ss:$0x1] =	vst.idx.msk $0xffff, v6  }
0x17f: {  	v6 =	vld.idx.msk [tilespmem:v2+s20+$0xA90 ss:$0x1], $0xffff;
	_ =	sdelay $0x3  }
0x180: {  	v5 =	vmul.f32 v5, v44  }
0x181: {  	v6 =	vmul.f32 v6, v45  }
0x182: {  	[tilespmem:v2+s20+$0x290 ss:$0x1] =	vst.idx.msk $0xffff, v5  }
0x183: {  	v5 =	vld.idx.msk [tilespmem:v2+s20+$0x2A0 ss:$0x1], $0xffff;
	[tilespmem:v2+s20+$0xA90 ss:$0x1] =	vst.idx.msk $0xffff, v6  }
0x184: {  	v6 =	vld.idx.msk [tilespmem:v2+s20+$0xAA0 ss:$0x1], $0xffff;
	_ =	sdelay $0x3  }
0x185: {  	v5 =	vmul.f32 v5, v44  }
0x186: {  	v6 =	vmul.f32 v6, v45  }
0x187: {  	[tilespmem:v2+s20+$0x2A0 ss:$0x1] =	vst.idx.msk $0xffff, v5  }
0x188: {  	v5 =	vld.idx.msk [tilespmem:v2+s20+$0x2B0 ss:$0x1], $0xffff;
	[tilespmem:v2+s20+$0xAA0 ss:$0x1] =	vst.idx.msk $0xffff, v6  }
0x189: {  	v6 =	vld.idx.msk [tilespmem:v2+s20+$0xAB0 ss:$0x1], $0xffff;
	_ =	sdelay $0x3  }
0x18a: {  	v5 =	vmul.f32 v5, v44  }
0x18b: {  	v6 =	vmul.f32 v6, v45  }
0x18c: {  	[tilespmem:v2+s20+$0x2B0 ss:$0x1] =	vst.idx.msk $0xffff, v5  }
0x18d: {  	v5 =	vld.idx.msk [tilespmem:v2+s20+$0x2C0 ss:$0x1], $0xffff;
	[tilespmem:v2+s20+$0xAB0 ss:$0x1] =	vst.idx.msk $0xffff, v6  }
0x18e: {  	v6 =	vld.idx.msk [tilespmem:v2+s20+$0xAC0 ss:$0x1], $0xffff;
	_ =	sdelay $0x3  }
0x18f: {  	v5 =	vmul.f32 v5, v44  }
0x190: {  	v6 =	vmul.f32 v6, v45  }
0x191: {  	[tilespmem:v2+s20+$0x2C0 ss:$0x1] =	vst.idx.msk $0xffff, v5  }
0x192: {  	v5 =	vld.idx.msk [tilespmem:v2+s20+$0x2D0 ss:$0x1], $0xffff;
	[tilespmem:v2+s20+$0xAC0 ss:$0x1] =	vst.idx.msk $0xffff, v6  }
0x193: {  	v6 =	vld.idx.msk [tilespmem:v2+s20+$0xAD0 ss:$0x1], $0xffff;
	_ =	sdelay $0x3  }
0x194: {  	v5 =	vmul.f32 v5, v44  }
0x195: {  	v6 =	vmul.f32 v6, v45  }
0x196: {  	[tilespmem:v2+s20+$0x2D0 ss:$0x1] =	vst.idx.msk $0xffff, v5  }
0x197: {  	v5 =	vld.idx.msk [tilespmem:v2+s20+$0x2E0 ss:$0x1], $0xffff;
	[tilespmem:v2+s20+$0xAD0 ss:$0x1] =	vst.idx.msk $0xffff, v6  }
0x198: {  	v6 =	vld.idx.msk [tilespmem:v2+s20+$0xAE0 ss:$0x1], $0xffff;
	_ =	sdelay $0x3  }
0x199: {  	v5 =	vmul.f32 v5, v44  }
0x19a: {  	v6 =	vmul.f32 v6, v45  }
0x19b: {  	[tilespmem:v2+s20+$0x2E0 ss:$0x1] =	vst.idx.msk $0xffff, v5  }
0x19c: {  	v5 =	vld.idx.msk [tilespmem:v2+s20+$0x2F0 ss:$0x1], $0xffff;
	[tilespmem:v2+s20+$0xAE0 ss:$0x1] =	vst.idx.msk $0xffff, v6  }
0x19d: {  	v6 =	vld.idx.msk [tilespmem:v2+s20+$0xAF0 ss:$0x1], $0xffff;
	_ =	sdelay $0x3  }
0x19e: {  	v5 =	vmul.f32 v5, v44  }
0x19f: {  	v6 =	vmul.f32 v6, v45  }
0x1a0: {  	[tilespmem:v2+s20+$0x2F0 ss:$0x1] =	vst.idx.msk $0xffff, v5  }
0x1a1: {  	v5 =	vld.idx.msk [tilespmem:v2+s20+$0x300 ss:$0x1], $0xffff;
	[tilespmem:v2+s20+$0xAF0 ss:$0x1] =	vst.idx.msk $0xffff, v6  }
0x1a2: {  	v6 =	vld.idx.msk [tilespmem:v2+s20+$0xB00 ss:$0x1], $0xffff;
	_ =	sdelay $0x1  }
0x1a3: {  	v46 =	vbroadcast v3, $0x6  }
0x1a4: {  	v47 =	vbroadcast v4, $0x6  }
0x1a5: {  	v5 =	vmul.f32 v5, v46  }
0x1a6: {  	v6 =	vmul.f32 v6, v47  }
0x1a7: {  	[tilespmem:v2+s20+$0x300 ss:$0x1] =	vst.idx.msk $0xffff, v5  }
0x1a8: {  	v5 =	vld.idx.msk [tilespmem:v2+s20+$0x310 ss:$0x1], $0xffff;
	[tilespmem:v2+s20+$0xB00 ss:$0x1] =	vst.idx.msk $0xffff, v6  }
0x1a9: {  	v6 =	vld.idx.msk [tilespmem:v2+s20+$0xB10 ss:$0x1], $0xffff;
	_ =	sdelay $0x3  }
0x1aa: {  	v5 =	vmul.f32 v5, v46  }
0x1ab: {  	v6 =	vmul.f32 v6, v47  }
0x1ac: {  	[tilespmem:v2+s20+$0x310 ss:$0x1] =	vst.idx.msk $0xffff, v5  }
0x1ad: {  	v5 =	vld.idx.msk [tilespmem:v2+s20+$0x320 ss:$0x1], $0xffff;
	[tilespmem:v2+s20+$0xB10 ss:$0x1] =	vst.idx.msk $0xffff, v6  }
0x1ae: {  	v6 =	vld.idx.msk [tilespmem:v2+s20+$0xB20 ss:$0x1], $0xffff;
	_ =	sdelay $0x3  }
0x1af: {  	v5 =	vmul.f32 v5, v46  }
0x1b0: {  	v6 =	vmul.f32 v6, v47  }
0x1b1: {  	[tilespmem:v2+s20+$0x320 ss:$0x1] =	vst.idx.msk $0xffff, v5  }
0x1b2: {  	v5 =	vld.idx.msk [tilespmem:v2+s20+$0x330 ss:$0x1], $0xffff;
	[tilespmem:v2+s20+$0xB20 ss:$0x1] =	vst.idx.msk $0xffff, v6  }
0x1b3: {  	v6 =	vld.idx.msk [tilespmem:v2+s20+$0xB30 ss:$0x1], $0xffff;
	_ =	sdelay $0x3  }
0x1b4: {  	v5 =	vmul.f32 v5, v46  }
0x1b5: {  	v6 =	vmul.f32 v6, v47  }
0x1b6: {  	[tilespmem:v2+s20+$0x330 ss:$0x1] =	vst.idx.msk $0xffff, v5  }
0x1b7: {  	v5 =	vld.idx.msk [tilespmem:v2+s20+$0x340 ss:$0x1], $0xffff;
	[tilespmem:v2+s20+$0xB30 ss:$0x1] =	vst.idx.msk $0xffff, v6  }
0x1b8: {  	v6 =	vld.idx.msk [tilespmem:v2+s20+$0xB40 ss:$0x1], $0xffff;
	_ =	sdelay $0x3  }
0x1b9: {  	v5 =	vmul.f32 v5, v46  }
0x1ba: {  	v6 =	vmul.f32 v6, v47  }
0x1bb: {  	[tilespmem:v2+s20+$0x340 ss:$0x1] =	vst.idx.msk $0xffff, v5  }
0x1bc: {  	v5 =	vld.idx.msk [tilespmem:v2+s20+$0x350 ss:$0x1], $0xffff;
	[tilespmem:v2+s20+$0xB40 ss:$0x1] =	vst.idx.msk $0xffff, v6  }
0x1bd: {  	v6 =	vld.idx.msk [tilespmem:v2+s20+$0xB50 ss:$0x1], $0xffff;
	_ =	sdelay $0x3  }
0x1be: {  	v5 =	vmul.f32 v5, v46  }
0x1bf: {  	v6 =	vmul.f32 v6, v47  }
0x1c0: {  	[tilespmem:v2+s20+$0x350 ss:$0x1] =	vst.idx.msk $0xffff, v5  }
0x1c1: {  	v5 =	vld.idx.msk [tilespmem:v2+s20+$0x360 ss:$0x1], $0xffff;
	[tilespmem:v2+s20+$0xB50 ss:$0x1] =	vst.idx.msk $0xffff, v6  }
0x1c2: {  	v6 =	vld.idx.msk [tilespmem:v2+s20+$0xB60 ss:$0x1], $0xffff;
	_ =	sdelay $0x3  }
0x1c3: {  	v5 =	vmul.f32 v5, v46  }
0x1c4: {  	v6 =	vmul.f32 v6, v47  }
0x1c5: {  	[tilespmem:v2+s20+$0x360 ss:$0x1] =	vst.idx.msk $0xffff, v5  }
0x1c6: {  	v5 =	vld.idx.msk [tilespmem:v2+s20+$0x370 ss:$0x1], $0xffff;
	[tilespmem:v2+s20+$0xB60 ss:$0x1] =	vst.idx.msk $0xffff, v6  }
0x1c7: {  	v6 =	vld.idx.msk [tilespmem:v2+s20+$0xB70 ss:$0x1], $0xffff;
	_ =	sdelay $0x3  }
0x1c8: {  	v5 =	vmul.f32 v5, v46  }
0x1c9: {  	v6 =	vmul.f32 v6, v47  }
0x1ca: {  	[tilespmem:v2+s20+$0x370 ss:$0x1] =	vst.idx.msk $0xffff, v5  }
0x1cb: {  	v5 =	vld.idx.msk [tilespmem:v2+s20+$0x380 ss:$0x1], $0xffff;
	[tilespmem:v2+s20+$0xB70 ss:$0x1] =	vst.idx.msk $0xffff, v6  }
0x1cc: {  	v6 =	vld.idx.msk [tilespmem:v2+s20+$0xB80 ss:$0x1], $0xffff;
	_ =	sdelay $0x1  }
0x1cd: {  	v48 =	vbroadcast v3, $0x7  }
0x1ce: {  	v49 =	vbroadcast v4, $0x7  }
0x1cf: {  	v5 =	vmul.f32 v5, v48  }
0x1d0: {  	v6 =	vmul.f32 v6, v49  }
0x1d1: {  	[tilespmem:v2+s20+$0x380 ss:$0x1] =	vst.idx.msk $0xffff, v5  }
0x1d2: {  	v5 =	vld.idx.msk [tilespmem:v2+s20+$0x390 ss:$0x1], $0xffff;
	[tilespmem:v2+s20+$0xB80 ss:$0x1] =	vst.idx.msk $0xffff, v6  }
0x1d3: {  	v6 =	vld.idx.msk [tilespmem:v2+s20+$0xB90 ss:$0x1], $0xffff;
	_ =	sdelay $0x3  }
0x1d4: {  	v5 =	vmul.f32 v5, v48  }
0x1d5: {  	v6 =	vmul.f32 v6, v49  }
0x1d6: {  	[tilespmem:v2+s20+$0x390 ss:$0x1] =	vst.idx.msk $0xffff, v5  }
0x1d7: {  	v5 =	vld.idx.msk [tilespmem:v2+s20+$0x3A0 ss:$0x1], $0xffff;
	[tilespmem:v2+s20+$0xB90 ss:$0x1] =	vst.idx.msk $0xffff, v6  }
0x1d8: {  	v6 =	vld.idx.msk [tilespmem:v2+s20+$0xBA0 ss:$0x1], $0xffff;
	_ =	sdelay $0x3  }
0x1d9: {  	v5 =	vmul.f32 v5, v48  }
0x1da: {  	v6 =	vmul.f32 v6, v49  }
0x1db: {  	[tilespmem:v2+s20+$0x3A0 ss:$0x1] =	vst.idx.msk $0xffff, v5  }
0x1dc: {  	v5 =	vld.idx.msk [tilespmem:v2+s20+$0x3B0 ss:$0x1], $0xffff;
	[tilespmem:v2+s20+$0xBA0 ss:$0x1] =	vst.idx.msk $0xffff, v6  }
0x1dd: {  	v6 =	vld.idx.msk [tilespmem:v2+s20+$0xBB0 ss:$0x1], $0xffff;
	_ =	sdelay $0x3  }
0x1de: {  	v5 =	vmul.f32 v5, v48  }
0x1df: {  	v6 =	vmul.f32 v6, v49  }
0x1e0: {  	[tilespmem:v2+s20+$0x3B0 ss:$0x1] =	vst.idx.msk $0xffff, v5  }
0x1e1: {  	v5 =	vld.idx.msk [tilespmem:v2+s20+$0x3C0 ss:$0x1], $0xffff;
	[tilespmem:v2+s20+$0xBB0 ss:$0x1] =	vst.idx.msk $0xffff, v6  }
0x1e2: {  	v6 =	vld.idx.msk [tilespmem:v2+s20+$0xBC0 ss:$0x1], $0xffff;
	_ =	sdelay $0x3  }
0x1e3: {  	v5 =	vmul.f32 v5, v48  }
0x1e4: {  	v6 =	vmul.f32 v6, v49  }
0x1e5: {  	[tilespmem:v2+s20+$0x3C0 ss:$0x1] =	vst.idx.msk $0xffff, v5  }
0x1e6: {  	v5 =	vld.idx.msk [tilespmem:v2+s20+$0x3D0 ss:$0x1], $0xffff;
	[tilespmem:v2+s20+$0xBC0 ss:$0x1] =	vst.idx.msk $0xffff, v6  }
0x1e7: {  	v6 =	vld.idx.msk [tilespmem:v2+s20+$0xBD0 ss:$0x1], $0xffff;
	_ =	sdelay $0x3  }
0x1e8: {  	v5 =	vmul.f32 v5, v48  }
0x1e9: {  	v6 =	vmul.f32 v6, v49  }
0x1ea: {  	[tilespmem:v2+s20+$0x3D0 ss:$0x1] =	vst.idx.msk $0xffff, v5  }
0x1eb: {  	v5 =	vld.idx.msk [tilespmem:v2+s20+$0x3E0 ss:$0x1], $0xffff;
	[tilespmem:v2+s20+$0xBD0 ss:$0x1] =	vst.idx.msk $0xffff, v6  }
0x1ec: {  	v6 =	vld.idx.msk [tilespmem:v2+s20+$0xBE0 ss:$0x1], $0xffff;
	_ =	sdelay $0x3  }
0x1ed: {  	v5 =	vmul.f32 v5, v48  }
0x1ee: {  	v6 =	vmul.f32 v6, v49  }
0x1ef: {  	[tilespmem:v2+s20+$0x3E0 ss:$0x1] =	vst.idx.msk $0xffff, v5  }
0x1f0: {  	v5 =	vld.idx.msk [tilespmem:v2+s20+$0x3F0 ss:$0x1], $0xffff;
	[tilespmem:v2+s20+$0xBE0 ss:$0x1] =	vst.idx.msk $0xffff, v6  }
0x1f1: {  	v6 =	vld.idx.msk [tilespmem:v2+s20+$0xBF0 ss:$0x1], $0xffff;
	_ =	sdelay $0x3  }
0x1f2: {  	v5 =	vmul.f32 v5, v48  }
0x1f3: {  	v6 =	vmul.f32 v6, v49  }
0x1f4: {  	[tilespmem:v2+s20+$0x3F0 ss:$0x1] =	vst.idx.msk $0xffff, v5  }
0x1f5: {  	v5 =	vld.idx.msk [tilespmem:v2+s20+$0x400 ss:$0x1], $0xffff;
	[tilespmem:v2+s20+$0xBF0 ss:$0x1] =	vst.idx.msk $0xffff, v6  }
0x1f6: {  	v6 =	vld.idx.msk [tilespmem:v2+s20+$0xC00 ss:$0x1], $0xffff;
	_ =	sdelay $0x1  }
0x1f7: {  	v50 =	vbroadcast v3, $0x8  }
0x1f8: {  	v51 =	vbroadcast v4, $0x8  }
0x1f9: {  	v5 =	vmul.f32 v5, v50  }
0x1fa: {  	v6 =	vmul.f32 v6, v51  }
0x1fb: {  	[tilespmem:v2+s20+$0x400 ss:$0x1] =	vst.idx.msk $0xffff, v5  }
0x1fc: {  	v5 =	vld.idx.msk [tilespmem:v2+s20+$0x410 ss:$0x1], $0xffff;
	[tilespmem:v2+s20+$0xC00 ss:$0x1] =	vst.idx.msk $0xffff, v6  }
0x1fd: {  	v6 =	vld.idx.msk [tilespmem:v2+s20+$0xC10 ss:$0x1], $0xffff;
	_ =	sdelay $0x3  }
0x1fe: {  	v5 =	vmul.f32 v5, v50  }
0x1ff: {  	v6 =	vmul.f32 v6, v51  }
0x200: {  	[tilespmem:v2+s20+$0x410 ss:$0x1] =	vst.idx.msk $0xffff, v5  }
0x201: {  	v5 =	vld.idx.msk [tilespmem:v2+s20+$0x420 ss:$0x1], $0xffff;
	[tilespmem:v2+s20+$0xC10 ss:$0x1] =	vst.idx.msk $0xffff, v6  }
0x202: {  	v6 =	vld.idx.msk [tilespmem:v2+s20+$0xC20 ss:$0x1], $0xffff;
	_ =	sdelay $0x3  }
0x203: {  	v5 =	vmul.f32 v5, v50  }
0x204: {  	v6 =	vmul.f32 v6, v51  }
0x205: {  	[tilespmem:v2+s20+$0x420 ss:$0x1] =	vst.idx.msk $0xffff, v5  }
0x206: {  	v5 =	vld.idx.msk [tilespmem:v2+s20+$0x430 ss:$0x1], $0xffff;
	[tilespmem:v2+s20+$0xC20 ss:$0x1] =	vst.idx.msk $0xffff, v6  }
0x207: {  	v6 =	vld.idx.msk [tilespmem:v2+s20+$0xC30 ss:$0x1], $0xffff;
	_ =	sdelay $0x3  }
0x208: {  	v5 =	vmul.f32 v5, v50  }
0x209: {  	v6 =	vmul.f32 v6, v51  }
0x20a: {  	[tilespmem:v2+s20+$0x430 ss:$0x1] =	vst.idx.msk $0xffff, v5  }
0x20b: {  	v5 =	vld.idx.msk [tilespmem:v2+s20+$0x440 ss:$0x1], $0xffff;
	[tilespmem:v2+s20+$0xC30 ss:$0x1] =	vst.idx.msk $0xffff, v6  }
0x20c: {  	v6 =	vld.idx.msk [tilespmem:v2+s20+$0xC40 ss:$0x1], $0xffff;
	_ =	sdelay $0x3  }
0x20d: {  	v5 =	vmul.f32 v5, v50  }
0x20e: {  	v6 =	vmul.f32 v6, v51  }
0x20f: {  	[tilespmem:v2+s20+$0x440 ss:$0x1] =	vst.idx.msk $0xffff, v5  }
0x210: {  	v5 =	vld.idx.msk [tilespmem:v2+s20+$0x450 ss:$0x1], $0xffff;
	[tilespmem:v2+s20+$0xC40 ss:$0x1] =	vst.idx.msk $0xffff, v6  }
0x211: {  	v6 =	vld.idx.msk [tilespmem:v2+s20+$0xC50 ss:$0x1], $0xffff;
	_ =	sdelay $0x3  }
0x212: {  	v5 =	vmul.f32 v5, v50  }
0x213: {  	v6 =	vmul.f32 v6, v51  }
0x214: {  	[tilespmem:v2+s20+$0x450 ss:$0x1] =	vst.idx.msk $0xffff, v5  }
0x215: {  	v5 =	vld.idx.msk [tilespmem:v2+s20+$0x460 ss:$0x1], $0xffff;
	[tilespmem:v2+s20+$0xC50 ss:$0x1] =	vst.idx.msk $0xffff, v6  }
0x216: {  	v6 =	vld.idx.msk [tilespmem:v2+s20+$0xC60 ss:$0x1], $0xffff;
	_ =	sdelay $0x3  }
0x217: {  	v5 =	vmul.f32 v5, v50  }
0x218: {  	v6 =	vmul.f32 v6, v51  }
0x219: {  	[tilespmem:v2+s20+$0x460 ss:$0x1] =	vst.idx.msk $0xffff, v5  }
0x21a: {  	v5 =	vld.idx.msk [tilespmem:v2+s20+$0x470 ss:$0x1], $0xffff;
	[tilespmem:v2+s20+$0xC60 ss:$0x1] =	vst.idx.msk $0xffff, v6  }
0x21b: {  	v6 =	vld.idx.msk [tilespmem:v2+s20+$0xC70 ss:$0x1], $0xffff;
	_ =	sdelay $0x3  }
0x21c: {  	v5 =	vmul.f32 v5, v50  }
0x21d: {  	v6 =	vmul.f32 v6, v51  }
0x21e: {  	[tilespmem:v2+s20+$0x470 ss:$0x1] =	vst.idx.msk $0xffff, v5  }
0x21f: {  	v5 =	vld.idx.msk [tilespmem:v2+s20+$0x480 ss:$0x1], $0xffff;
	[tilespmem:v2+s20+$0xC70 ss:$0x1] =	vst.idx.msk $0xffff, v6  }
0x220: {  	v6 =	vld.idx.msk [tilespmem:v2+s20+$0xC80 ss:$0x1], $0xffff;
	_ =	sdelay $0x1  }
0x221: {  	v52 =	vbroadcast v3, $0x9  }
0x222: {  	v53 =	vbroadcast v4, $0x9  }
0x223: {  	v5 =	vmul.f32 v5, v52  }
0x224: {  	v6 =	vmul.f32 v6, v53  }
0x225: {  	[tilespmem:v2+s20+$0x480 ss:$0x1] =	vst.idx.msk $0xffff, v5  }
0x226: {  	v5 =	vld.idx.msk [tilespmem:v2+s20+$0x490 ss:$0x1], $0xffff;
	[tilespmem:v2+s20+$0xC80 ss:$0x1] =	vst.idx.msk $0xffff, v6  }
0x227: {  	v6 =	vld.idx.msk [tilespmem:v2+s20+$0xC90 ss:$0x1], $0xffff;
	_ =	sdelay $0x3  }
0x228: {  	v5 =	vmul.f32 v5, v52  }
0x229: {  	v6 =	vmul.f32 v6, v53  }
0x22a: {  	[tilespmem:v2+s20+$0x490 ss:$0x1] =	vst.idx.msk $0xffff, v5  }
0x22b: {  	v5 =	vld.idx.msk [tilespmem:v2+s20+$0x4A0 ss:$0x1], $0xffff;
	[tilespmem:v2+s20+$0xC90 ss:$0x1] =	vst.idx.msk $0xffff, v6  }
0x22c: {  	v6 =	vld.idx.msk [tilespmem:v2+s20+$0xCA0 ss:$0x1], $0xffff;
	_ =	sdelay $0x3  }
0x22d: {  	v5 =	vmul.f32 v5, v52  }
0x22e: {  	v6 =	vmul.f32 v6, v53  }
0x22f: {  	[tilespmem:v2+s20+$0x4A0 ss:$0x1] =	vst.idx.msk $0xffff, v5  }
0x230: {  	v5 =	vld.idx.msk [tilespmem:v2+s20+$0x4B0 ss:$0x1], $0xffff;
	[tilespmem:v2+s20+$0xCA0 ss:$0x1] =	vst.idx.msk $0xffff, v6  }
0x231: {  	v6 =	vld.idx.msk [tilespmem:v2+s20+$0xCB0 ss:$0x1], $0xffff;
	_ =	sdelay $0x3  }
0x232: {  	v5 =	vmul.f32 v5, v52  }
0x233: {  	v6 =	vmul.f32 v6, v53  }
0x234: {  	[tilespmem:v2+s20+$0x4B0 ss:$0x1] =	vst.idx.msk $0xffff, v5  }
0x235: {  	v5 =	vld.idx.msk [tilespmem:v2+s20+$0x4C0 ss:$0x1], $0xffff;
	[tilespmem:v2+s20+$0xCB0 ss:$0x1] =	vst.idx.msk $0xffff, v6  }
0x236: {  	v6 =	vld.idx.msk [tilespmem:v2+s20+$0xCC0 ss:$0x1], $0xffff;
	_ =	sdelay $0x3  }
0x237: {  	v5 =	vmul.f32 v5, v52  }
0x238: {  	v6 =	vmul.f32 v6, v53  }
0x239: {  	[tilespmem:v2+s20+$0x4C0 ss:$0x1] =	vst.idx.msk $0xffff, v5  }
0x23a: {  	v5 =	vld.idx.msk [tilespmem:v2+s20+$0x4D0 ss:$0x1], $0xffff;
	[tilespmem:v2+s20+$0xCC0 ss:$0x1] =	vst.idx.msk $0xffff, v6  }
0x23b: {  	v6 =	vld.idx.msk [tilespmem:v2+s20+$0xCD0 ss:$0x1], $0xffff;
	_ =	sdelay $0x3  }
0x23c: {  	v5 =	vmul.f32 v5, v52  }
0x23d: {  	v6 =	vmul.f32 v6, v53  }
0x23e: {  	[tilespmem:v2+s20+$0x4D0 ss:$0x1] =	vst.idx.msk $0xffff, v5  }
0x23f: {  	v5 =	vld.idx.msk [tilespmem:v2+s20+$0x4E0 ss:$0x1], $0xffff;
	[tilespmem:v2+s20+$0xCD0 ss:$0x1] =	vst.idx.msk $0xffff, v6  }
0x240: {  	v6 =	vld.idx.msk [tilespmem:v2+s20+$0xCE0 ss:$0x1], $0xffff;
	_ =	sdelay $0x3  }
0x241: {  	v5 =	vmul.f32 v5, v52  }
0x242: {  	v6 =	vmul.f32 v6, v53  }
0x243: {  	[tilespmem:v2+s20+$0x4E0 ss:$0x1] =	vst.idx.msk $0xffff, v5  }
0x244: {  	v5 =	vld.idx.msk [tilespmem:v2+s20+$0x4F0 ss:$0x1], $0xffff;
	[tilespmem:v2+s20+$0xCE0 ss:$0x1] =	vst.idx.msk $0xffff, v6  }
0x245: {  	v6 =	vld.idx.msk [tilespmem:v2+s20+$0xCF0 ss:$0x1], $0xffff;
	_ =	sdelay $0x3  }
0x246: {  	v5 =	vmul.f32 v5, v52  }
0x247: {  	v6 =	vmul.f32 v6, v53  }
0x248: {  	[tilespmem:v2+s20+$0x4F0 ss:$0x1] =	vst.idx.msk $0xffff, v5  }
0x249: {  	v5 =	vld.idx.msk [tilespmem:v2+s20+$0x500 ss:$0x1], $0xffff;
	[tilespmem:v2+s20+$0xCF0 ss:$0x1] =	vst.idx.msk $0xffff, v6  }
0x24a: {  	v6 =	vld.idx.msk [tilespmem:v2+s20+$0xD00 ss:$0x1], $0xffff;
	_ =	sdelay $0x1  }
0x24b: {  	v54 =	vbroadcast v3, $0xA  }
0x24c: {  	v55 =	vbroadcast v4, $0xA  }
0x24d: {  	v5 =	vmul.f32 v5, v54  }
0x24e: {  	v6 =	vmul.f32 v6, v55  }
0x24f: {  	[tilespmem:v2+s20+$0x500 ss:$0x1] =	vst.idx.msk $0xffff, v5  }
0x250: {  	v5 =	vld.idx.msk [tilespmem:v2+s20+$0x510 ss:$0x1], $0xffff;
	[tilespmem:v2+s20+$0xD00 ss:$0x1] =	vst.idx.msk $0xffff, v6  }
0x251: {  	v6 =	vld.idx.msk [tilespmem:v2+s20+$0xD10 ss:$0x1], $0xffff;
	_ =	sdelay $0x3  }
0x252: {  	v5 =	vmul.f32 v5, v54  }
0x253: {  	v6 =	vmul.f32 v6, v55  }
0x254: {  	[tilespmem:v2+s20+$0x510 ss:$0x1] =	vst.idx.msk $0xffff, v5  }
0x255: {  	v5 =	vld.idx.msk [tilespmem:v2+s20+$0x520 ss:$0x1], $0xffff;
	[tilespmem:v2+s20+$0xD10 ss:$0x1] =	vst.idx.msk $0xffff, v6  }
0x256: {  	v6 =	vld.idx.msk [tilespmem:v2+s20+$0xD20 ss:$0x1], $0xffff;
	_ =	sdelay $0x3  }
0x257: {  	v5 =	vmul.f32 v5, v54  }
0x258: {  	v6 =	vmul.f32 v6, v55  }
0x259: {  	[tilespmem:v2+s20+$0x520 ss:$0x1] =	vst.idx.msk $0xffff, v5  }
0x25a: {  	v5 =	vld.idx.msk [tilespmem:v2+s20+$0x530 ss:$0x1], $0xffff;
	[tilespmem:v2+s20+$0xD20 ss:$0x1] =	vst.idx.msk $0xffff, v6  }
0x25b: {  	v6 =	vld.idx.msk [tilespmem:v2+s20+$0xD30 ss:$0x1], $0xffff;
	_ =	sdelay $0x3  }
0x25c: {  	v5 =	vmul.f32 v5, v54  }
0x25d: {  	v6 =	vmul.f32 v6, v55  }
0x25e: {  	[tilespmem:v2+s20+$0x530 ss:$0x1] =	vst.idx.msk $0xffff, v5  }
0x25f: {  	v5 =	vld.idx.msk [tilespmem:v2+s20+$0x540 ss:$0x1], $0xffff;
	[tilespmem:v2+s20+$0xD30 ss:$0x1] =	vst.idx.msk $0xffff, v6  }
0x260: {  	v6 =	vld.idx.msk [tilespmem:v2+s20+$0xD40 ss:$0x1], $0xffff;
	_ =	sdelay $0x3  }
0x261: {  	v5 =	vmul.f32 v5, v54  }
0x262: {  	v6 =	vmul.f32 v6, v55  }
0x263: {  	[tilespmem:v2+s20+$0x540 ss:$0x1] =	vst.idx.msk $0xffff, v5  }
0x264: {  	v5 =	vld.idx.msk [tilespmem:v2+s20+$0x550 ss:$0x1], $0xffff;
	[tilespmem:v2+s20+$0xD40 ss:$0x1] =	vst.idx.msk $0xffff, v6  }
0x265: {  	v6 =	vld.idx.msk [tilespmem:v2+s20+$0xD50 ss:$0x1], $0xffff;
	_ =	sdelay $0x3  }
0x266: {  	v5 =	vmul.f32 v5, v54  }
0x267: {  	v6 =	vmul.f32 v6, v55  }
0x268: {  	[tilespmem:v2+s20+$0x550 ss:$0x1] =	vst.idx.msk $0xffff, v5  }
0x269: {  	v5 =	vld.idx.msk [tilespmem:v2+s20+$0x560 ss:$0x1], $0xffff;
	[tilespmem:v2+s20+$0xD50 ss:$0x1] =	vst.idx.msk $0xffff, v6  }
0x26a: {  	v6 =	vld.idx.msk [tilespmem:v2+s20+$0xD60 ss:$0x1], $0xffff;
	_ =	sdelay $0x3  }
0x26b: {  	v5 =	vmul.f32 v5, v54  }
0x26c: {  	v6 =	vmul.f32 v6, v55  }
0x26d: {  	[tilespmem:v2+s20+$0x560 ss:$0x1] =	vst.idx.msk $0xffff, v5  }
0x26e: {  	v5 =	vld.idx.msk [tilespmem:v2+s20+$0x570 ss:$0x1], $0xffff;
	[tilespmem:v2+s20+$0xD60 ss:$0x1] =	vst.idx.msk $0xffff, v6  }
0x26f: {  	v6 =	vld.idx.msk [tilespmem:v2+s20+$0xD70 ss:$0x1], $0xffff;
	_ =	sdelay $0x3  }
0x270: {  	v5 =	vmul.f32 v5, v54  }
0x271: {  	v6 =	vmul.f32 v6, v55  }
0x272: {  	[tilespmem:v2+s20+$0x570 ss:$0x1] =	vst.idx.msk $0xffff, v5  }
0x273: {  	v5 =	vld.idx.msk [tilespmem:v2+s20+$0x580 ss:$0x1], $0xffff;
	[tilespmem:v2+s20+$0xD70 ss:$0x1] =	vst.idx.msk $0xffff, v6  }
0x274: {  	v6 =	vld.idx.msk [tilespmem:v2+s20+$0xD80 ss:$0x1], $0xffff;
	_ =	sdelay $0x1  }
0x275: {  	v56 =	vbroadcast v3, $0xB  }
0x276: {  	v57 =	vbroadcast v4, $0xB  }
0x277: {  	v5 =	vmul.f32 v5, v56  }
0x278: {  	v6 =	vmul.f32 v6, v57  }
0x279: {  	[tilespmem:v2+s20+$0x580 ss:$0x1] =	vst.idx.msk $0xffff, v5  }
0x27a: {  	v5 =	vld.idx.msk [tilespmem:v2+s20+$0x590 ss:$0x1], $0xffff;
	[tilespmem:v2+s20+$0xD80 ss:$0x1] =	vst.idx.msk $0xffff, v6  }
0x27b: {  	v6 =	vld.idx.msk [tilespmem:v2+s20+$0xD90 ss:$0x1], $0xffff;
	_ =	sdelay $0x3  }
0x27c: {  	v5 =	vmul.f32 v5, v56  }
0x27d: {  	v6 =	vmul.f32 v6, v57  }
0x27e: {  	[tilespmem:v2+s20+$0x590 ss:$0x1] =	vst.idx.msk $0xffff, v5  }
0x27f: {  	v5 =	vld.idx.msk [tilespmem:v2+s20+$0x5A0 ss:$0x1], $0xffff;
	[tilespmem:v2+s20+$0xD90 ss:$0x1] =	vst.idx.msk $0xffff, v6  }
0x280: {  	v6 =	vld.idx.msk [tilespmem:v2+s20+$0xDA0 ss:$0x1], $0xffff;
	_ =	sdelay $0x3  }
0x281: {  	v5 =	vmul.f32 v5, v56  }
0x282: {  	v6 =	vmul.f32 v6, v57  }
0x283: {  	[tilespmem:v2+s20+$0x5A0 ss:$0x1] =	vst.idx.msk $0xffff, v5  }
0x284: {  	v5 =	vld.idx.msk [tilespmem:v2+s20+$0x5B0 ss:$0x1], $0xffff;
	[tilespmem:v2+s20+$0xDA0 ss:$0x1] =	vst.idx.msk $0xffff, v6  }
0x285: {  	v6 =	vld.idx.msk [tilespmem:v2+s20+$0xDB0 ss:$0x1], $0xffff;
	_ =	sdelay $0x3  }
0x286: {  	v5 =	vmul.f32 v5, v56  }
0x287: {  	v6 =	vmul.f32 v6, v57  }
0x288: {  	[tilespmem:v2+s20+$0x5B0 ss:$0x1] =	vst.idx.msk $0xffff, v5  }
0x289: {  	v5 =	vld.idx.msk [tilespmem:v2+s20+$0x5C0 ss:$0x1], $0xffff;
	[tilespmem:v2+s20+$0xDB0 ss:$0x1] =	vst.idx.msk $0xffff, v6  }
0x28a: {  	v6 =	vld.idx.msk [tilespmem:v2+s20+$0xDC0 ss:$0x1], $0xffff;
	_ =	sdelay $0x3  }
0x28b: {  	v5 =	vmul.f32 v5, v56  }
0x28c: {  	v6 =	vmul.f32 v6, v57  }
0x28d: {  	[tilespmem:v2+s20+$0x5C0 ss:$0x1] =	vst.idx.msk $0xffff, v5  }
0x28e: {  	v5 =	vld.idx.msk [tilespmem:v2+s20+$0x5D0 ss:$0x1], $0xffff;
	[tilespmem:v2+s20+$0xDC0 ss:$0x1] =	vst.idx.msk $0xffff, v6  }
0x28f: {  	v6 =	vld.idx.msk [tilespmem:v2+s20+$0xDD0 ss:$0x1], $0xffff;
	_ =	sdelay $0x3  }
0x290: {  	v5 =	vmul.f32 v5, v56  }
0x291: {  	v6 =	vmul.f32 v6, v57  }
0x292: {  	[tilespmem:v2+s20+$0x5D0 ss:$0x1] =	vst.idx.msk $0xffff, v5  }
0x293: {  	v5 =	vld.idx.msk [tilespmem:v2+s20+$0x5E0 ss:$0x1], $0xffff;
	[tilespmem:v2+s20+$0xDD0 ss:$0x1] =	vst.idx.msk $0xffff, v6  }
0x294: {  	v6 =	vld.idx.msk [tilespmem:v2+s20+$0xDE0 ss:$0x1], $0xffff;
	_ =	sdelay $0x3  }
0x295: {  	v5 =	vmul.f32 v5, v56  }
0x296: {  	v6 =	vmul.f32 v6, v57  }
0x297: {  	[tilespmem:v2+s20+$0x5E0 ss:$0x1] =	vst.idx.msk $0xffff, v5  }
0x298: {  	v5 =	vld.idx.msk [tilespmem:v2+s20+$0x5F0 ss:$0x1], $0xffff;
	[tilespmem:v2+s20+$0xDE0 ss:$0x1] =	vst.idx.msk $0xffff, v6  }
0x299: {  	v6 =	vld.idx.msk [tilespmem:v2+s20+$0xDF0 ss:$0x1], $0xffff;
	_ =	sdelay $0x3  }
0x29a: {  	v5 =	vmul.f32 v5, v56  }
0x29b: {  	v6 =	vmul.f32 v6, v57  }
0x29c: {  	[tilespmem:v2+s20+$0x5F0 ss:$0x1] =	vst.idx.msk $0xffff, v5  }
0x29d: {  	v5 =	vld.idx.msk [tilespmem:v2+s20+$0x600 ss:$0x1], $0xffff;
	[tilespmem:v2+s20+$0xDF0 ss:$0x1] =	vst.idx.msk $0xffff, v6  }
0x29e: {  	v6 =	vld.idx.msk [tilespmem:v2+s20+$0xE00 ss:$0x1], $0xffff;
	_ =	sdelay $0x1  }
0x29f: {  	v58 =	vbroadcast v3, $0xC  }
0x2a0: {  	v59 =	vbroadcast v4, $0xC  }
0x2a1: {  	v5 =	vmul.f32 v5, v58  }
0x2a2: {  	v6 =	vmul.f32 v6, v59  }
0x2a3: {  	[tilespmem:v2+s20+$0x600 ss:$0x1] =	vst.idx.msk $0xffff, v5  }
0x2a4: {  	v5 =	vld.idx.msk [tilespmem:v2+s20+$0x610 ss:$0x1], $0xffff;
	[tilespmem:v2+s20+$0xE00 ss:$0x1] =	vst.idx.msk $0xffff, v6  }
0x2a5: {  	v6 =	vld.idx.msk [tilespmem:v2+s20+$0xE10 ss:$0x1], $0xffff;
	_ =	sdelay $0x3  }
0x2a6: {  	v5 =	vmul.f32 v5, v58  }
0x2a7: {  	v6 =	vmul.f32 v6, v59  }
0x2a8: {  	[tilespmem:v2+s20+$0x610 ss:$0x1] =	vst.idx.msk $0xffff, v5  }
0x2a9: {  	v5 =	vld.idx.msk [tilespmem:v2+s20+$0x620 ss:$0x1], $0xffff;
	[tilespmem:v2+s20+$0xE10 ss:$0x1] =	vst.idx.msk $0xffff, v6  }
0x2aa: {  	v6 =	vld.idx.msk [tilespmem:v2+s20+$0xE20 ss:$0x1], $0xffff;
	_ =	sdelay $0x3  }
0x2ab: {  	v5 =	vmul.f32 v5, v58  }
0x2ac: {  	v6 =	vmul.f32 v6, v59  }
0x2ad: {  	[tilespmem:v2+s20+$0x620 ss:$0x1] =	vst.idx.msk $0xffff, v5  }
0x2ae: {  	v5 =	vld.idx.msk [tilespmem:v2+s20+$0x630 ss:$0x1], $0xffff;
	[tilespmem:v2+s20+$0xE20 ss:$0x1] =	vst.idx.msk $0xffff, v6  }
0x2af: {  	v6 =	vld.idx.msk [tilespmem:v2+s20+$0xE30 ss:$0x1], $0xffff;
	_ =	sdelay $0x3  }
0x2b0: {  	v5 =	vmul.f32 v5, v58  }
0x2b1: {  	v6 =	vmul.f32 v6, v59  }
0x2b2: {  	[tilespmem:v2+s20+$0x630 ss:$0x1] =	vst.idx.msk $0xffff, v5  }
0x2b3: {  	v5 =	vld.idx.msk [tilespmem:v2+s20+$0x640 ss:$0x1], $0xffff;
	[tilespmem:v2+s20+$0xE30 ss:$0x1] =	vst.idx.msk $0xffff, v6  }
0x2b4: {  	v6 =	vld.idx.msk [tilespmem:v2+s20+$0xE40 ss:$0x1], $0xffff;
	_ =	sdelay $0x3  }
0x2b5: {  	v5 =	vmul.f32 v5, v58  }
0x2b6: {  	v6 =	vmul.f32 v6, v59  }
0x2b7: {  	[tilespmem:v2+s20+$0x640 ss:$0x1] =	vst.idx.msk $0xffff, v5  }
0x2b8: {  	v5 =	vld.idx.msk [tilespmem:v2+s20+$0x650 ss:$0x1], $0xffff;
	[tilespmem:v2+s20+$0xE40 ss:$0x1] =	vst.idx.msk $0xffff, v6  }
0x2b9: {  	v6 =	vld.idx.msk [tilespmem:v2+s20+$0xE50 ss:$0x1], $0xffff;
	_ =	sdelay $0x3  }
0x2ba: {  	v5 =	vmul.f32 v5, v58  }
0x2bb: {  	v6 =	vmul.f32 v6, v59  }
0x2bc: {  	[tilespmem:v2+s20+$0x650 ss:$0x1] =	vst.idx.msk $0xffff, v5  }
0x2bd: {  	v5 =	vld.idx.msk [tilespmem:v2+s20+$0x660 ss:$0x1], $0xffff;
	[tilespmem:v2+s20+$0xE50 ss:$0x1] =	vst.idx.msk $0xffff, v6  }
0x2be: {  	v6 =	vld.idx.msk [tilespmem:v2+s20+$0xE60 ss:$0x1], $0xffff;
	_ =	sdelay $0x3  }
0x2bf: {  	v5 =	vmul.f32 v5, v58  }
0x2c0: {  	v6 =	vmul.f32 v6, v59  }
0x2c1: {  	[tilespmem:v2+s20+$0x660 ss:$0x1] =	vst.idx.msk $0xffff, v5  }
0x2c2: {  	v5 =	vld.idx.msk [tilespmem:v2+s20+$0x670 ss:$0x1], $0xffff;
	[tilespmem:v2+s20+$0xE60 ss:$0x1] =	vst.idx.msk $0xffff, v6  }
0x2c3: {  	v6 =	vld.idx.msk [tilespmem:v2+s20+$0xE70 ss:$0x1], $0xffff;
	_ =	sdelay $0x3  }
0x2c4: {  	v5 =	vmul.f32 v5, v58  }
0x2c5: {  	v6 =	vmul.f32 v6, v59  }
0x2c6: {  	[tilespmem:v2+s20+$0x670 ss:$0x1] =	vst.idx.msk $0xffff, v5  }
0x2c7: {  	v5 =	vld.idx.msk [tilespmem:v2+s20+$0x680 ss:$0x1], $0xffff;
	[tilespmem:v2+s20+$0xE70 ss:$0x1] =	vst.idx.msk $0xffff, v6  }
0x2c8: {  	v6 =	vld.idx.msk [tilespmem:v2+s20+$0xE80 ss:$0x1], $0xffff;
	_ =	sdelay $0x1  }
0x2c9: {  	v60 =	vbroadcast v3, $0xD  }
0x2ca: {  	v61 =	vbroadcast v4, $0xD  }
0x2cb: {  	v5 =	vmul.f32 v5, v60  }
0x2cc: {  	v6 =	vmul.f32 v6, v61  }
0x2cd: {  	[tilespmem:v2+s20+$0x680 ss:$0x1] =	vst.idx.msk $0xffff, v5  }
0x2ce: {  	v5 =	vld.idx.msk [tilespmem:v2+s20+$0x690 ss:$0x1], $0xffff;
	[tilespmem:v2+s20+$0xE80 ss:$0x1] =	vst.idx.msk $0xffff, v6  }
0x2cf: {  	v6 =	vld.idx.msk [tilespmem:v2+s20+$0xE90 ss:$0x1], $0xffff;
	_ =	sdelay $0x3  }
0x2d0: {  	v5 =	vmul.f32 v5, v60  }
0x2d1: {  	v6 =	vmul.f32 v6, v61  }
0x2d2: {  	[tilespmem:v2+s20+$0x690 ss:$0x1] =	vst.idx.msk $0xffff, v5  }
0x2d3: {  	v5 =	vld.idx.msk [tilespmem:v2+s20+$0x6A0 ss:$0x1], $0xffff;
	[tilespmem:v2+s20+$0xE90 ss:$0x1] =	vst.idx.msk $0xffff, v6  }
0x2d4: {  	v6 =	vld.idx.msk [tilespmem:v2+s20+$0xEA0 ss:$0x1], $0xffff;
	_ =	sdelay $0x3  }
0x2d5: {  	v5 =	vmul.f32 v5, v60  }
0x2d6: {  	v6 =	vmul.f32 v6, v61  }
0x2d7: {  	[tilespmem:v2+s20+$0x6A0 ss:$0x1] =	vst.idx.msk $0xffff, v5  }
0x2d8: {  	v5 =	vld.idx.msk [tilespmem:v2+s20+$0x6B0 ss:$0x1], $0xffff;
	[tilespmem:v2+s20+$0xEA0 ss:$0x1] =	vst.idx.msk $0xffff, v6  }
0x2d9: {  	v6 =	vld.idx.msk [tilespmem:v2+s20+$0xEB0 ss:$0x1], $0xffff;
	_ =	sdelay $0x3  }
0x2da: {  	v5 =	vmul.f32 v5, v60  }
0x2db: {  	v6 =	vmul.f32 v6, v61  }
0x2dc: {  	[tilespmem:v2+s20+$0x6B0 ss:$0x1] =	vst.idx.msk $0xffff, v5  }
0x2dd: {  	v5 =	vld.idx.msk [tilespmem:v2+s20+$0x6C0 ss:$0x1], $0xffff;
	[tilespmem:v2+s20+$0xEB0 ss:$0x1] =	vst.idx.msk $0xffff, v6  }
0x2de: {  	v6 =	vld.idx.msk [tilespmem:v2+s20+$0xEC0 ss:$0x1], $0xffff;
	_ =	sdelay $0x3  }
0x2df: {  	v5 =	vmul.f32 v5, v60  }
0x2e0: {  	v6 =	vmul.f32 v6, v61  }
0x2e1: {  	[tilespmem:v2+s20+$0x6C0 ss:$0x1] =	vst.idx.msk $0xffff, v5  }
0x2e2: {  	v5 =	vld.idx.msk [tilespmem:v2+s20+$0x6D0 ss:$0x1], $0xffff;
	[tilespmem:v2+s20+$0xEC0 ss:$0x1] =	vst.idx.msk $0xffff, v6  }
0x2e3: {  	v6 =	vld.idx.msk [tilespmem:v2+s20+$0xED0 ss:$0x1], $0xffff;
	_ =	sdelay $0x3  }
0x2e4: {  	v5 =	vmul.f32 v5, v60  }
0x2e5: {  	v6 =	vmul.f32 v6, v61  }
0x2e6: {  	[tilespmem:v2+s20+$0x6D0 ss:$0x1] =	vst.idx.msk $0xffff, v5  }
0x2e7: {  	v5 =	vld.idx.msk [tilespmem:v2+s20+$0x6E0 ss:$0x1], $0xffff;
	[tilespmem:v2+s20+$0xED0 ss:$0x1] =	vst.idx.msk $0xffff, v6  }
0x2e8: {  	v6 =	vld.idx.msk [tilespmem:v2+s20+$0xEE0 ss:$0x1], $0xffff;
	_ =	sdelay $0x3  }
0x2e9: {  	v5 =	vmul.f32 v5, v60  }
0x2ea: {  	v6 =	vmul.f32 v6, v61  }
0x2eb: {  	[tilespmem:v2+s20+$0x6E0 ss:$0x1] =	vst.idx.msk $0xffff, v5  }
0x2ec: {  	v5 =	vld.idx.msk [tilespmem:v2+s20+$0x6F0 ss:$0x1], $0xffff;
	[tilespmem:v2+s20+$0xEE0 ss:$0x1] =	vst.idx.msk $0xffff, v6  }
0x2ed: {  	v6 =	vld.idx.msk [tilespmem:v2+s20+$0xEF0 ss:$0x1], $0xffff;
	_ =	sdelay $0x3  }
0x2ee: {  	v5 =	vmul.f32 v5, v60  }
0x2ef: {  	v6 =	vmul.f32 v6, v61  }
0x2f0: {  	[tilespmem:v2+s20+$0x6F0 ss:$0x1] =	vst.idx.msk $0xffff, v5  }
0x2f1: {  	v5 =	vld.idx.msk [tilespmem:v2+s20+$0x700 ss:$0x1], $0xffff;
	[tilespmem:v2+s20+$0xEF0 ss:$0x1] =	vst.idx.msk $0xffff, v6  }
0x2f2: {  	v6 =	vld.idx.msk [tilespmem:v2+s20+$0xF00 ss:$0x1], $0xffff;
	_ =	sdelay $0x1  }
0x2f3: {  	v62 =	vbroadcast v3, $0xE  }
0x2f4: {  	v63 =	vbroadcast v4, $0xE  }
0x2f5: {  	v5 =	vmul.f32 v5, v62  }
0x2f6: {  	v6 =	vmul.f32 v6, v63  }
0x2f7: {  	[tilespmem:v2+s20+$0x700 ss:$0x1] =	vst.idx.msk $0xffff, v5  }
0x2f8: {  	v5 =	vld.idx.msk [tilespmem:v2+s20+$0x710 ss:$0x1], $0xffff;
	[tilespmem:v2+s20+$0xF00 ss:$0x1] =	vst.idx.msk $0xffff, v6  }
0x2f9: {  	v6 =	vld.idx.msk [tilespmem:v2+s20+$0xF10 ss:$0x1], $0xffff;
	_ =	sdelay $0x3  }
0x2fa: {  	v5 =	vmul.f32 v5, v62  }
0x2fb: {  	v6 =	vmul.f32 v6, v63  }
0x2fc: {  	[tilespmem:v2+s20+$0x710 ss:$0x1] =	vst.idx.msk $0xffff, v5  }
0x2fd: {  	v5 =	vld.idx.msk [tilespmem:v2+s20+$0x720 ss:$0x1], $0xffff;
	[tilespmem:v2+s20+$0xF10 ss:$0x1] =	vst.idx.msk $0xffff, v6  }
0x2fe: {  	v6 =	vld.idx.msk [tilespmem:v2+s20+$0xF20 ss:$0x1], $0xffff;
	_ =	sdelay $0x3  }
0x2ff: {  	v5 =	vmul.f32 v5, v62  }
0x300: {  	v6 =	vmul.f32 v6, v63  }
0x301: {  	[tilespmem:v2+s20+$0x720 ss:$0x1] =	vst.idx.msk $0xffff, v5  }
0x302: {  	v5 =	vld.idx.msk [tilespmem:v2+s20+$0x730 ss:$0x1], $0xffff;
	[tilespmem:v2+s20+$0xF20 ss:$0x1] =	vst.idx.msk $0xffff, v6  }
0x303: {  	v6 =	vld.idx.msk [tilespmem:v2+s20+$0xF30 ss:$0x1], $0xffff;
	_ =	sdelay $0x3  }
0x304: {  	v5 =	vmul.f32 v5, v62  }
0x305: {  	v6 =	vmul.f32 v6, v63  }
0x306: {  	[tilespmem:v2+s20+$0x730 ss:$0x1] =	vst.idx.msk $0xffff, v5  }
0x307: {  	v5 =	vld.idx.msk [tilespmem:v2+s20+$0x740 ss:$0x1], $0xffff;
	[tilespmem:v2+s20+$0xF30 ss:$0x1] =	vst.idx.msk $0xffff, v6  }
0x308: {  	v6 =	vld.idx.msk [tilespmem:v2+s20+$0xF40 ss:$0x1], $0xffff;
	_ =	sdelay $0x3  }
0x309: {  	v5 =	vmul.f32 v5, v62  }
0x30a: {  	v6 =	vmul.f32 v6, v63  }
0x30b: {  	[tilespmem:v2+s20+$0x740 ss:$0x1] =	vst.idx.msk $0xffff, v5  }
0x30c: {  	v5 =	vld.idx.msk [tilespmem:v2+s20+$0x750 ss:$0x1], $0xffff;
	[tilespmem:v2+s20+$0xF40 ss:$0x1] =	vst.idx.msk $0xffff, v6  }
0x30d: {  	v6 =	vld.idx.msk [tilespmem:v2+s20+$0xF50 ss:$0x1], $0xffff;
	_ =	sdelay $0x3  }
0x30e: {  	v5 =	vmul.f32 v5, v62  }
0x30f: {  	v6 =	vmul.f32 v6, v63  }
0x310: {  	[tilespmem:v2+s20+$0x750 ss:$0x1] =	vst.idx.msk $0xffff, v5  }
0x311: {  	v5 =	vld.idx.msk [tilespmem:v2+s20+$0x760 ss:$0x1], $0xffff;
	[tilespmem:v2+s20+$0xF50 ss:$0x1] =	vst.idx.msk $0xffff, v6  }
0x312: {  	v6 =	vld.idx.msk [tilespmem:v2+s20+$0xF60 ss:$0x1], $0xffff;
	_ =	sdelay $0x3  }
0x313: {  	v5 =	vmul.f32 v5, v62  }
0x314: {  	v6 =	vmul.f32 v6, v63  }
0x315: {  	[tilespmem:v2+s20+$0x760 ss:$0x1] =	vst.idx.msk $0xffff, v5  }
0x316: {  	v5 =	vld.idx.msk [tilespmem:v2+s20+$0x770 ss:$0x1], $0xffff;
	[tilespmem:v2+s20+$0xF60 ss:$0x1] =	vst.idx.msk $0xffff, v6  }
0x317: {  	v6 =	vld.idx.msk [tilespmem:v2+s20+$0xF70 ss:$0x1], $0xffff;
	_ =	sdelay $0x3  }
0x318: {  	v5 =	vmul.f32 v5, v62  }
0x319: {  	v6 =	vmul.f32 v6, v63  }
0x31a: {  	[tilespmem:v2+s20+$0x770 ss:$0x1] =	vst.idx.msk $0xffff, v5  }
0x31b: {  	v5 =	vld.idx.msk [tilespmem:v2+s20+$0x780 ss:$0x1], $0xffff;
	[tilespmem:v2+s20+$0xF70 ss:$0x1] =	vst.idx.msk $0xffff, v6  }
0x31c: {  	v6 =	vld.idx.msk [tilespmem:v2+s20+$0xF80 ss:$0x1], $0xffff;
	_ =	sdelay $0x1  }
0x31d: {  	v3 =	vbroadcast v3, $0xF  }
0x31e: {  	v4 =	vbroadcast v4, $0xF  }
0x31f: {  	v5 =	vmul.f32 v5, v3  }
0x320: {  	v6 =	vmul.f32 v6, v4  }
0x321: {  	[tilespmem:v2+s20+$0x780 ss:$0x1] =	vst.idx.msk $0xffff, v5  }
0x322: {  	v5 =	vld.idx.msk [tilespmem:v2+s20+$0x790 ss:$0x1], $0xffff;
	[tilespmem:v2+s20+$0xF80 ss:$0x1] =	vst.idx.msk $0xffff, v6  }
0x323: {  	v6 =	vld.idx.msk [tilespmem:v2+s20+$0xF90 ss:$0x1], $0xffff;
	_ =	sdelay $0x3  }
0x324: {  	v5 =	vmul.f32 v5, v3  }
0x325: {  	v6 =	vmul.f32 v6, v4  }
0x326: {  	[tilespmem:v2+s20+$0x790 ss:$0x1] =	vst.idx.msk $0xffff, v5  }
0x327: {  	v5 =	vld.idx.msk [tilespmem:v2+s20+$0x7A0 ss:$0x1], $0xffff;
	[tilespmem:v2+s20+$0xF90 ss:$0x1] =	vst.idx.msk $0xffff, v6  }
0x328: {  	v6 =	vld.idx.msk [tilespmem:v2+s20+$0xFA0 ss:$0x1], $0xffff;
	_ =	sdelay $0x3  }
0x329: {  	v5 =	vmul.f32 v5, v3  }
0x32a: {  	v6 =	vmul.f32 v6, v4  }
0x32b: {  	[tilespmem:v2+s20+$0x7A0 ss:$0x1] =	vst.idx.msk $0xffff, v5  }
0x32c: {  	v5 =	vld.idx.msk [tilespmem:v2+s20+$0x7B0 ss:$0x1], $0xffff;
	[tilespmem:v2+s20+$0xFA0 ss:$0x1] =	vst.idx.msk $0xffff, v6  }
0x32d: {  	v6 =	vld.idx.msk [tilespmem:v2+s20+$0xFB0 ss:$0x1], $0xffff;
	_ =	sdelay $0x3  }
0x32e: {  	v5 =	vmul.f32 v5, v3  }
0x32f: {  	v6 =	vmul.f32 v6, v4  }
0x330: {  	[tilespmem:v2+s20+$0x7B0 ss:$0x1] =	vst.idx.msk $0xffff, v5  }
0x331: {  	v5 =	vld.idx.msk [tilespmem:v2+s20+$0x7C0 ss:$0x1], $0xffff;
	[tilespmem:v2+s20+$0xFB0 ss:$0x1] =	vst.idx.msk $0xffff, v6  }
0x332: {  	v6 =	vld.idx.msk [tilespmem:v2+s20+$0xFC0 ss:$0x1], $0xffff;
	_ =	sdelay $0x3  }
0x333: {  	v5 =	vmul.f32 v5, v3  }
0x334: {  	v6 =	vmul.f32 v6, v4  }
0x335: {  	[tilespmem:v2+s20+$0x7C0 ss:$0x1] =	vst.idx.msk $0xffff, v5  }
0x336: {  	v5 =	vld.idx.msk [tilespmem:v2+s20+$0x7D0 ss:$0x1], $0xffff;
	[tilespmem:v2+s20+$0xFC0 ss:$0x1] =	vst.idx.msk $0xffff, v6  }
0x337: {  	v6 =	vld.idx.msk [tilespmem:v2+s20+$0xFD0 ss:$0x1], $0xffff;
	_ =	sdelay $0x3  }
0x338: {  	v5 =	vmul.f32 v5, v3  }
0x339: {  	v6 =	vmul.f32 v6, v4  }
0x33a: {  	[tilespmem:v2+s20+$0x7D0 ss:$0x1] =	vst.idx.msk $0xffff, v5  }
0x33b: {  	v5 =	vld.idx.msk [tilespmem:v2+s20+$0x7E0 ss:$0x1], $0xffff;
	[tilespmem:v2+s20+$0xFD0 ss:$0x1] =	vst.idx.msk $0xffff, v6  }
0x33c: {  	v6 =	vld.idx.msk [tilespmem:v2+s20+$0xFE0 ss:$0x1], $0xffff;
	_ =	sdelay $0x3  }
0x33d: {  	v5 =	vmul.f32 v5, v3  }
0x33e: {  	v6 =	vmul.f32 v6, v4  }
0x33f: {  	[tilespmem:v2+s20+$0x7E0 ss:$0x1] =	vst.idx.msk $0xffff, v5  }
0x340: {  	v5 =	vld.idx.msk [tilespmem:v2+s20+$0x7F0 ss:$0x1], $0xffff;
	[tilespmem:v2+s20+$0xFE0 ss:$0x1] =	vst.idx.msk $0xffff, v6  }
0x341: {  	v6 =	vld.idx.msk [tilespmem:v2+s20+$0xFF0 ss:$0x1], $0xffff;
	_ =	sdelay $0x1  }
0x342: {  	p0 =	slt.u32 s19, $0x6  }
.Ltmp6:
0x343: {  	_ = 	snop;
	(pc) =	sbr.rel @p0 .LBB2_13-.Ltmp6, $4  }
0x344: {  	v3 =	vmul.f32 v5, v3  }
0x345: {  	v4 =	vmul.f32 v6, v4  }
0x346: {  	s22 =	sadd.s32 $0x2, s19;
	[tilespmem:v2+s20+$0x7F0 ss:$0x1] =	vst.idx.msk $0xffff, v3  }
0x347: {  	s19 =	smov.u32 s22;
	[tilespmem:v2+s20+$0xFF0 ss:$0x1] =	vst.idx.msk $0xffff, v4  }
0x348: {  	p0 =	slt.u32 s4, $0x50  }
.Ltmp7:
0x349: {  	s18 =	sshll.u32 s18, $0xB;
	(pc) =	sbr.rel @p0 .LBB2_4-.Ltmp7, $4  }
.Ltmp8:
0x34a: {  	s17 =	sshll.u32 s17, $0x8;
	s18 =	sand.u32 $0x800, s18;
	(pc) =	sbr.rel @!p0 .LBB2_15-.Ltmp8, $4  }
0x34b: {  	s16 =	sshll.u32 s16, $0xE;
	s17 =	sor.u32 s17, s18  }
0x34c: {  	s16 =	sor.u32 $0x1800, s16;
	s17 =	sor.u32 $0x80, s17  }
0x34d: {  	[spmem:s3] =	stream.indirect.scatter.add.f32 [tilespmem:s16], [sflag:$0x3], $0x80, s17, s28, $0xb8;
	[tilespmem:$0x1D800] =	vst v63  }
0x34e: {  	_ = 	snop  }
.LBB2_10:
0x34f: {  	p0 =	seq.s32 s4, $0x4F  }
.Ltmp9:
0x350: {  	_ = 	snop;
	(pc) =	sbr.rel @!p0 .LBB2_8-.Ltmp9, $1  }
0x351: {  	_ =	sdelay $0x3  }
.Ltmp10:
0x352: {  	(pc) =	sbr.rel .LBB2_12-.Ltmp10, $2  }
0x353: {  	_ =	sdelay $0x2  }
0x354: {  	s4 =	simm.s32 $0x50;
	s19 =	simm.s32 $0x4000  }
.LBB2_16:
0x355: {  	_ =	sfence.sel $0x180000  }
0x356: {  	[bflag:$0x0] =	sbarrier.arrive $0xFFFF  }
0x357: {  	_ =	strace $0x90000047  }
0x358: {  	s0 =	stileid.u32;
	[bflag:$0x2] =	sbarrier.arrive $0xFFFF  }
0x359: {  	p0 =	sne.s32 s0, $0x0;
	s0 =	rddreg [dreg:$0x4]  }
0x35a: {  	s0 =	sadd.s32 @!p0 $0x100000, s0  }
0x35b: {  	[sflag:s0] =	ssyncadd.tile.s32 @!p0 $0x1;
	_ =	shalt  }
.Lfunc_end2:
_tile_overlayer_lowered:
.L_overlay_start_2:
0x35c: {  	(tag) =	ssettag $0x2  }
0x35d: {  	s0 =	rddreg [dreg:$0x0];
	s2 =	stileid.u32  }
0x35e: {  	s1 =	rddreg [dreg:$0x1];
	p0 =	sne.s32 s2, $0x0  }
0x35f: {  	s3 =	rddreg [dreg:$0x2];
	[bflag:$0x3] =	sbarrier.arrive $0xFFFF;
	s2 =	simm.s32 @!p0 $0x1C04  }
0x360: {  	[timem:s3], [sflag:s2] =	dma.local @!p0 [hbm:s0], s1  }
0x361: {  	s0 =	simm.s32 @!p0 $0x4  }
0x362: {  	_ =	swait.ge @!p0 [sflag:s0], s1  }
0x363: {  	s1 =	ssub.s32 @!p0 $0x0, s1;
	[sflag:s0] =	ssyncset.done @!p0 $0x0  }
0x364: {  	[sflag:s0] =	ssyncadd.s32 @!p0 s1  }
0x365: {  	[bflag:$0x3] =	sbarrier.arrive $0xFFFF  }
0x366: {  	_ =	shalt  }

</sc_bundles>
